<compile_context>
chip_gen: v7x
topology: tpu7x:2x2x1
jax: 0.10.2.dev20260603
libtpu: 0.0.44.dev20260713+nightly
codegen_flags: <defaults>
</compile_context>

<pallas_src>
import jax
import jax.numpy as jnp
from jax import lax
from jax.experimental import pallas as pl
from jax.experimental.pallas import tpu as pltpu
from jax.experimental.pallas import tpu_sc as plsc

EMBED_DIM = 64
BATCH = 16384
N_ROWS = 1000001
LANES = 128

_info = plsc.get_sparse_core_info()
NC, NS, L = _info.num_cores, _info.num_subcores, _info.num_lanes
NW = NC * NS
B_PER_W = BATCH // NW
EPB = 2
SLOTS = 2


def _mf_kernel(user_hbm, item_hbm, uemb_hbm, iemb_hbm, out_hbm,
               idx_u, idx_i, buf_u, buf_i, out_v, sem):
    wid = lax.axis_index("s") * NC + lax.axis_index("c")
    base = wid * B_PER_W

    pltpu.sync_copy(user_hbm.at[pl.ds(base, B_PER_W)], idx_u)
    pltpu.sync_copy(item_hbm.at[pl.ds(base, B_PER_W)], idx_i)

    lane = lax.iota(jnp.int32, L)
    dvs = [j * L + lane for j in range(EMBED_DIM // L)]

    NSB = L // EPB
    NGROUPS = B_PER_W // L

    def window(emb, r):
        return emb.at[:, pl.ds((r // LANES) * LANES, LANES)]

    def issue(uvec, ivec, sb, slot):
        copies = []
        lanes_u = []
        lanes_i = []
        for e in range(EPB):
            ru = uvec[sb * EPB + e]
            ri = ivec[sb * EPB + e]
            copies.append(pltpu.async_copy(
                window(uemb_hbm, ru), buf_u.at[slot * EPB + e], sem))
            copies.append(pltpu.async_copy(
                window(iemb_hbm, ri), buf_i.at[slot * EPB + e], sem))
            lanes_u.append(jnp.full((L,), ru % LANES, jnp.int32))
            lanes_i.append(jnp.full((L,), ri % LANES, jnp.int32))
        return copies, lanes_u, lanes_i

    def group_body(g, carry):
        base_g = g * L
        uvec = idx_u[pl.ds(base_g, L)]
        ivec = idx_i[pl.ds(base_g, L)]
        res = jnp.zeros((L,), jnp.float32)
        pending = issue(uvec, ivec, 0, 0)
        for sb in range(NSB):
            slot = sb % SLOTS
            copies, lanes_u, lanes_i = pending
            if sb + 1 < NSB:
                pending = issue(uvec, ivec, sb + 1, (sb + 1) % SLOTS)
            for c in copies:
                c.wait()
            for e in range(EPB):
                acc = jnp.zeros((L,), jnp.float32)
                for j in range(EMBED_DIM // L):
                    gu = plsc.load_gather(
                        buf_u.at[slot * EPB + e], [dvs[j], lanes_u[e]])
                    gi = plsc.load_gather(
                        buf_i.at[slot * EPB + e], [dvs[j], lanes_i[e]])
                    acc = acc + gu * gi
                res = jnp.where(lane == sb * EPB + e, jnp.sum(acc), res)
        out_v[pl.ds(base_g, L)] = 1.0 / (1.0 + jnp.exp(-res))
        return carry

    lax.fori_loop(0, NGROUPS, group_body, 0)

    pltpu.sync_copy(out_v, out_hbm.at[pl.ds(base, B_PER_W)])


@jax.jit
def kernel(user, item, user_embed, item_embed):
    user = user.astype(jnp.int32)
    item = item.astype(jnp.int32)
    uemb_t = user_embed.T
    iemb_t = item_embed.T
    mesh = plsc.VectorSubcoreMesh(core_axis_name="c", subcore_axis_name="s")
    f = pl.kernel(
        _mf_kernel,
        mesh=mesh,
        compiler_params=pltpu.CompilerParams(needs_layout_passes=False),
        out_type=jax.ShapeDtypeStruct((BATCH,), jnp.float32),
        scratch_types=[
            pltpu.VMEM((B_PER_W,), jnp.int32),
            pltpu.VMEM((B_PER_W,), jnp.int32),
            pltpu.VMEM((SLOTS * EPB, EMBED_DIM, LANES), jnp.float32),
            pltpu.VMEM((SLOTS * EPB, EMBED_DIM, LANES), jnp.float32),
            pltpu.VMEM((B_PER_W,), jnp.float32),
            pltpu.SemaphoreType.DMA,
        ],
    )
    return f(user, item, uemb_t, iemb_t)

# --- scband reference (transcript-rebuilt; emitter-appended) ---
"""Pipeline reference for scband-mf-82927228552109 (READ-ONLY COPY).

The authoritative reference and input builder live on the scoring server;
editing this copy changes nothing except your own understanding.
"""

import jax, jax.numpy as jnp
import numpy as np

N_USERS = 1000000
N_ITEMS = 1000000
EMBED_DIM = 64
BATCH = 16384

def setup_inputs(seed: int = 0) -> dict:
    key = jax.random.key(seed)
    k1, k2, k3, k4 = jax.random.split(key, 4)
    # xavier_uniform bound for Embedding weight [fan_out, fan_in] = [vocab, dim]
    bound_u = float(np.sqrt(6.0 / (N_USERS + 1 + EMBED_DIM)))
    bound_i = float(np.sqrt(6.0 / (N_ITEMS + 1 + EMBED_DIM)))
    user_embed = jax.random.uniform(k1, (N_USERS + 1, EMBED_DIM), dtype=jnp.float32, minval=-bound_u, maxval=bound_u)
    item_embed = jax.random.uniform(k2, (N_ITEMS + 1, EMBED_DIM), dtype=jnp.float32, minval=-bound_i, maxval=bound_i)
    user = jax.random.randint(k3, (BATCH,), 0, 1000000, dtype=jnp.int64 if jax.config.jax_enable_x64 else jnp.int32)
    item = jax.random.randint(k4, (BATCH,), 0, 1000000, dtype=jnp.int64 if jax.config.jax_enable_x64 else jnp.int32)
    return {"user": user, "item": item, "user_embed": user_embed, "item_embed": item_embed}

def reference(user, item, user_embed, item_embed):
    # xu = user_embed(user).reshape(-1, 1, 64)
    xu = jnp.take(user_embed, user, axis=0).reshape(-1, 1, EMBED_DIM)
    # xi = item_embed(item).reshape(-1, 64, 1)
    xi = jnp.take(item_embed, item, axis=0).reshape(-1, EMBED_DIM, 1)
    # torch.bmm(xu, xi) -> [B, 1, 1]
    result = jnp.matmul(xu, xi)
    result = jax.nn.sigmoid(result)
    return result.reshape(-1)

if __name__ == "__main__":
    import jax
    _d = setup_inputs()
    print(jax.jit(kernel)(*tuple(_d.values())))

</pallas_src>

<mosaic_0001>
#map = affine_map<(d0, d1) -> (0)>
#map1 = affine_map<(d0, d1) -> (0, 0)>
module attributes {stable_mosaic.version = 14 : i64} {
  func.func @_mf_kernel(%arg0: i32, %arg1: i32, %arg2: memref<16384xi32, #tpu.memory_space<hbm>>, %arg3: memref<16384xi32, #tpu.memory_space<hbm>>, %arg4: memref<64x1000001xf32, #tpu.memory_space<hbm>>, %arg5: memref<64x1000001xf32, #tpu.memory_space<hbm>>, %arg6: memref<16384xf32, #tpu.memory_space<hbm>>, %arg7: memref<512xi32, #tpu.memory_space<vmem>>, %arg8: memref<512xi32, #tpu.memory_space<vmem>>, %arg9: memref<4x64x128xf32, #tpu.memory_space<vmem>>, %arg10: memref<4x64x128xf32, #tpu.memory_space<vmem>>, %arg11: memref<512xf32, #tpu.memory_space<vmem>>, %arg12: memref<!tpu.dma_semaphore, #tpu.memory_space<semaphore_mem>>) attributes {dimension_semantics = [#tpu.dimension_semantics<core_parallel>, #tpu.dimension_semantics<subcore_parallel>], iteration_bounds = array<i64: 2, 16>, scalar_prefetch = 0 : i64, scratch_operands = 6 : i64, tpu.core_type = #tpu.core_type<sc_vector_subcore>, window_params = [{transform_indices = #map}, {transform_indices = #map}, {transform_indices = #map1}, {transform_indices = #map1}, {transform_indices = #map}]} {
    %mul3A = arith.constant 2 : i32
    %mul3A_0 = arith.muli %arg1, %mul3A : i32
    %add3A = arith.addi %mul3A_0, %arg0 : i32
    %mul3A_1 = arith.constant 512 : i32
    %mul3A_2 = arith.muli %add3A, %mul3A_1 : i32
    "tpu.region"() ({
      %run_scoped3A = tpu.sem_alloc : memref<!tpu.dma_semaphore, #tpu.memory_space<semaphore_mem>>
      %dma_start3A = tpu.memref_slice %arg2[%mul3A_2] : memref<16384xi32, #tpu.memory_space<hbm>> -> memref<512xi32, #tpu.memory_space<hbm>>
      %dma_start3A_20 = tpu.memref_slice %arg2[%mul3A_2] : memref<16384xi32, #tpu.memory_space<hbm>> -> memref<512xi32, #tpu.memory_space<hbm>>
      tpu.enqueue_dma source(%dma_start3A_20 : memref<512xi32, #tpu.memory_space<hbm>>) target(%arg7 : memref<512xi32, #tpu.memory_space<vmem>>) target_semaphore(%run_scoped3A : memref<!tpu.dma_semaphore, #tpu.memory_space<semaphore_mem>>)
      %dma_wait3A = tpu.memref_slice %arg2[%mul3A_2] : memref<16384xi32, #tpu.memory_space<hbm>> -> memref<512xi32, #tpu.memory_space<hbm>>
      %dma_wait3A_21 = tpu.memref_slice %arg2[%mul3A_2] : memref<16384xi32, #tpu.memory_space<hbm>> -> memref<512xi32, #tpu.memory_space<hbm>>
      tpu.wait_dma2 semaphore(%run_scoped3A : memref<!tpu.dma_semaphore, #tpu.memory_space<semaphore_mem>>) src(%dma_wait3A_21 : memref<512xi32, #tpu.memory_space<hbm>>) dst(%arg7 : memref<512xi32, #tpu.memory_space<vmem>>)
      tpu.yield
    }) : () -> ()
    "tpu.region"() ({
      %run_scoped3A = tpu.sem_alloc : memref<!tpu.dma_semaphore, #tpu.memory_space<semaphore_mem>>
      %dma_start3A = tpu.memref_slice %arg3[%mul3A_2] : memref<16384xi32, #tpu.memory_space<hbm>> -> memref<512xi32, #tpu.memory_space<hbm>>
      %dma_start3A_20 = tpu.memref_slice %arg3[%mul3A_2] : memref<16384xi32, #tpu.memory_space<hbm>> -> memref<512xi32, #tpu.memory_space<hbm>>
      tpu.enqueue_dma source(%dma_start3A_20 : memref<512xi32, #tpu.memory_space<hbm>>) target(%arg8 : memref<512xi32, #tpu.memory_space<vmem>>) target_semaphore(%run_scoped3A : memref<!tpu.dma_semaphore, #tpu.memory_space<semaphore_mem>>)
      %dma_wait3A = tpu.memref_slice %arg3[%mul3A_2] : memref<16384xi32, #tpu.memory_space<hbm>> -> memref<512xi32, #tpu.memory_space<hbm>>
      %dma_wait3A_21 = tpu.memref_slice %arg3[%mul3A_2] : memref<16384xi32, #tpu.memory_space<hbm>> -> memref<512xi32, #tpu.memory_space<hbm>>
      tpu.wait_dma2 semaphore(%run_scoped3A : memref<!tpu.dma_semaphore, #tpu.memory_space<semaphore_mem>>) src(%dma_wait3A_21 : memref<512xi32, #tpu.memory_space<hbm>>) dst(%arg8 : memref<512xi32, #tpu.memory_space<vmem>>)
      tpu.yield
    }) : () -> ()
    %iota3A = tpu.iota {dimensions = array<i32: 0>} : vector<16xi32>
    %add3A_3 = arith.constant 0 : i32
    %add3A_4 = vector.broadcast %add3A_3 : i32 to vector<16xi32>
    %add3A_5 = arith.addi %add3A_4, %iota3A : vector<16xi32>
    %add3A_6 = arith.constant 16 : i32
    %add3A_7 = vector.broadcast %add3A_6 : i32 to vector<16xi32>
    %add3A_8 = arith.addi %add3A_7, %iota3A : vector<16xi32>
    %add3A_9 = arith.constant 32 : i32
    %add3A_10 = vector.broadcast %add3A_9 : i32 to vector<16xi32>
    %add3A_11 = arith.addi %add3A_10, %iota3A : vector<16xi32>
    %add3A_12 = arith.constant 48 : i32
    %add3A_13 = vector.broadcast %add3A_12 : i32 to vector<16xi32>
    %add3A_14 = arith.addi %add3A_13, %iota3A : vector<16xi32>
    %scan3A = arith.constant 0 : i32
    %scan3A_15 = arith.constant 0 : i32
    %scan3A_16 = arith.constant 32 : i32
    %scan3A_17 = arith.addi %scan3A_15, %scan3A_16 : i32
    %scan3A_18 = arith.constant 1 : i32
    scf.for %scan3A_20 = %scan3A_15 to %scan3A_17 step %scan3A_18  : i32 {
      %mul3A_21 = arith.constant 16 : i32
      %mul3A_22 = arith.muli %scan3A_20, %mul3A_21 : i32
      %get3A = arith.index_cast %mul3A_22 : i32 to index
      %get3A_23 = tpu.vector_load %arg7[%get3A] {strides = array<i32>} : memref<512xi32, #tpu.memory_space<vmem>>, vector<16xi32>,
      %get3A_24 = arith.index_cast %mul3A_22 : i32 to index
      %get3A_25 = tpu.vector_load %arg8[%get3A_24] {strides = array<i32>} : memref<512xi32, #tpu.memory_space<vmem>>, vector<16xi32>,
      %broadcast_in_dim3A = arith.constant 0.000000e+00 : f32
      %broadcast_in_dim3A_26 = vector.broadcast %broadcast_in_dim3A : f32 to vector<16xf32>
      %slice3A = vector.extract_strided_slice %get3A_23 {offsets = [0], sizes = [1], strides = [1]} : vector<16xi32> to vector<1xi32>
      %squeeze3A = vector.extract %slice3A[0] : i32 from vector<1xi32>
      %slice3A_27 = vector.extract_strided_slice %get3A_25 {offsets = [0], sizes = [1], strides = [1]} : vector<16xi32> to vector<1xi32>
      %squeeze3A_28 = vector.extract %slice3A_27[0] : i32 from vector<1xi32>
      %jit3A = arith.constant 128 : i32
      %div3A = arith.divsi %squeeze3A, %jit3A : i32
      %sign3A = arith.constant 0 : i32
      %sign3A_29 = arith.cmpi sgt, %squeeze3A, %sign3A : i32
      %sign3A_30 = arith.extui %sign3A_29 : i1 to i32
      %sign3A_31 = arith.constant 0 : i32
      %sign3A_32 = arith.cmpi slt, %squeeze3A, %sign3A_31 : i32
      %sign3A_33 = arith.extui %sign3A_32 : i1 to i32
      %sign3A_34 = arith.subi %sign3A_30, %sign3A_33 : i32
      %sign3A_35 = arith.constant 0 : i32
      %sign3A_36 = arith.cmpi sgt, %jit3A, %sign3A_35 : i32
      %sign3A_37 = arith.extui %sign3A_36 : i1 to i32
      %sign3A_38 = arith.constant 0 : i32
      %sign3A_39 = arith.cmpi slt, %jit3A, %sign3A_38 : i32
      %sign3A_40 = arith.extui %sign3A_39 : i1 to i32
      %sign3A_41 = arith.subi %sign3A_37, %sign3A_40 : i32
      %ne3A = arith.cmpi ne, %sign3A_34, %sign3A_41 : i32
      %rem3A = arith.remsi %squeeze3A, %jit3A : i32
      %ne3A_42 = arith.constant 0 : i32
      %ne3A_43 = arith.cmpi ne, %rem3A, %ne3A_42 : i32
      %and3A = arith.andi %ne3A, %ne3A_43 : i1
      %sub3A = arith.constant 1 : i32
      %sub3A_44 = arith.subi %div3A, %sub3A : i32
      %select_n3A = arith.select %and3A, %sub3A_44, %div3A : i32
      %mul3A_45 = arith.constant 128 : i32
      %mul3A_46 = arith.muli %select_n3A, %mul3A_45 : i32
      %dma_start3A = arith.constant 0 : i32
      %dma_start3A_47 = arith.constant 0 : i32
      %dma_start3A_48 = arith.constant 0 : i32
      %dma_start3A_49 = tpu.memref_slice %arg9[%dma_start3A, %dma_start3A_47, %dma_start3A_48] : memref<4x64x128xf32, #tpu.memory_space<vmem>> -> memref<1x64x128xf32, #tpu.memory_space<vmem>>
      %dma_start3A_50 = tpu.memref_squeeze %dma_start3A_49 : memref<1x64x128xf32, #tpu.memory_space<vmem>> -> memref<64x128xf32, #tpu.memory_space<vmem>>
      %dma_start3A_51 = arith.constant 0 : i32
      %dma_start3A_52 = tpu.memref_slice %arg4[%dma_start3A_51, %mul3A_46] : memref<64x1000001xf32, #tpu.memory_space<hbm>> -> memref<64x128xf32, #tpu.memory_space<hbm>>
      %dma_start3A_53 = arith.constant 0 : i32
      %dma_start3A_54 = arith.constant 0 : i32
      %dma_start3A_55 = tpu.memref_slice %arg9[%dma_start3A, %dma_start3A_53, %dma_start3A_54] : memref<4x64x128xf32, #tpu.memory_space<vmem>> -> memref<1x64x128xf32, #tpu.memory_space<vmem>>
      %dma_start3A_56 = tpu.memref_squeeze %dma_start3A_55 : memref<1x64x128xf32, #tpu.memory_space<vmem>> -> memref<64x128xf32, #tpu.memory_space<vmem>>
      %dma_start3A_57 = arith.constant 0 : i32
      %dma_start3A_58 = tpu.memref_slice %arg4[%dma_start3A_57, %mul3A_46] : memref<64x1000001xf32, #tpu.memory_space<hbm>> -> memref<64x128xf32, #tpu.memory_space<hbm>>
      tpu.enqueue_dma source(%dma_start3A_58 : memref<64x128xf32, #tpu.memory_space<hbm>>) target(%dma_start3A_56 : memref<64x128xf32, #tpu.memory_space<vmem>>) target_semaphore(%arg12 : memref<!tpu.dma_semaphore, #tpu.memory_space<semaphore_mem>>)
      %jit3A_59 = arith.constant 128 : i32
      %div3A_60 = arith.divsi %squeeze3A_28, %jit3A_59 : i32
      %sign3A_61 = arith.constant 0 : i32
      %sign3A_62 = arith.cmpi sgt, %squeeze3A_28, %sign3A_61 : i32
      %sign3A_63 = arith.extui %sign3A_62 : i1 to i32
      %sign3A_64 = arith.constant 0 : i32
      %sign3A_65 = arith.cmpi slt, %squeeze3A_28, %sign3A_64 : i32
      %sign3A_66 = arith.extui %sign3A_65 : i1 to i32
      %sign3A_67 = arith.subi %sign3A_63, %sign3A_66 : i32
      %sign3A_68 = arith.constant 0 : i32
      %sign3A_69 = arith.cmpi sgt, %jit3A_59, %sign3A_68 : i32
      %sign3A_70 = arith.extui %sign3A_69 : i1 to i32
      %sign3A_71 = arith.constant 0 : i32
      %sign3A_72 = arith.cmpi slt, %jit3A_59, %sign3A_71 : i32
      %sign3A_73 = arith.extui %sign3A_72 : i1 to i32
      %sign3A_74 = arith.subi %sign3A_70, %sign3A_73 : i32
      %ne3A_75 = arith.cmpi ne, %sign3A_67, %sign3A_74 : i32
      %rem3A_76 = arith.remsi %squeeze3A_28, %jit3A_59 : i32
      %ne3A_77 = arith.constant 0 : i32
      %ne3A_78 = arith.cmpi ne, %rem3A_76, %ne3A_77 : i32
      %and3A_79 = arith.andi %ne3A_75, %ne3A_78 : i1
      %sub3A_80 = arith.constant 1 : i32
      %sub3A_81 = arith.subi %div3A_60, %sub3A_80 : i32
      %select_n3A_82 = arith.select %and3A_79, %sub3A_81, %div3A_60 : i32
      %mul3A_83 = arith.constant 128 : i32
      %mul3A_84 = arith.muli %select_n3A_82, %mul3A_83 : i32
      %dma_start3A_85 = arith.constant 0 : i32
      %dma_start3A_86 = arith.constant 0 : i32
      %dma_start3A_87 = arith.constant 0 : i32
      %dma_start3A_88 = tpu.memref_slice %arg10[%dma_start3A_85, %dma_start3A_86, %dma_start3A_87] : memref<4x64x128xf32, #tpu.memory_space<vmem>> -> memref<1x64x128xf32, #tpu.memory_space<vmem>>
      %dma_start3A_89 = tpu.memref_squeeze %dma_start3A_88 : memref<1x64x128xf32, #tpu.memory_space<vmem>> -> memref<64x128xf32, #tpu.memory_space<vmem>>
      %dma_start3A_90 = arith.constant 0 : i32
      %dma_start3A_91 = tpu.memref_slice %arg5[%dma_start3A_90, %mul3A_84] : memref<64x1000001xf32, #tpu.memory_space<hbm>> -> memref<64x128xf32, #tpu.memory_space<hbm>>
      %dma_start3A_92 = arith.constant 0 : i32
      %dma_start3A_93 = arith.constant 0 : i32
      %dma_start3A_94 = tpu.memref_slice %arg10[%dma_start3A_85, %dma_start3A_92, %dma_start3A_93] : memref<4x64x128xf32, #tpu.memory_space<vmem>> -> memref<1x64x128xf32, #tpu.memory_space<vmem>>
      %dma_start3A_95 = tpu.memref_squeeze %dma_start3A_94 : memref<1x64x128xf32, #tpu.memory_space<vmem>> -> memref<64x128xf32, #tpu.memory_space<vmem>>
      %dma_start3A_96 = arith.constant 0 : i32
      %dma_start3A_97 = tpu.memref_slice %arg5[%dma_start3A_96, %mul3A_84] : memref<64x1000001xf32, #tpu.memory_space<hbm>> -> memref<64x128xf32, #tpu.memory_space<hbm>>
      tpu.enqueue_dma source(%dma_start3A_97 : memref<64x128xf32, #tpu.memory_space<hbm>>) target(%dma_start3A_95 : memref<64x128xf32, #tpu.memory_space<vmem>>) target_semaphore(%arg12 : memref<!tpu.dma_semaphore, #tpu.memory_space<semaphore_mem>>)
      %jit3A_98 = arith.constant 128 : i32
      %eq3A = arith.constant 0 : i32
      %eq3A_99 = arith.cmpi eq, %jit3A_98, %eq3A : i32
      %jit3A_100 = arith.constant 1 : i32
      %select_n3A_101 = arith.select %eq3A_99, %jit3A_100, %jit3A_98 : i32
      %rem3A_102 = arith.remsi %squeeze3A, %select_n3A_101 : i32
      %ne3A_103 = arith.constant 0 : i32
      %ne3A_104 = arith.cmpi ne, %rem3A_102, %ne3A_103 : i32
      %lt3A = arith.constant 0 : i32
      %lt3A_105 = arith.cmpi slt, %rem3A_102, %lt3A : i32
      %lt3A_106 = arith.constant 0 : i32
      %lt3A_107 = arith.cmpi slt, %select_n3A_101, %lt3A_106 : i32
      %ne3A_108 = arith.xori %lt3A_105, %lt3A_107 : i1
      %and3A_109 = arith.andi %ne3A_108, %ne3A_104 : i1
      %add3A_110 = arith.addi %rem3A_102, %select_n3A_101 : i32
      %select_n3A_111 = arith.select %and3A_109, %add3A_110, %rem3A_102 : i32
      %broadcast_in_dim3A_112 = vector.broadcast %select_n3A_111 : i32 to vector<16xi32>
      %jit3A_113 = arith.constant 128 : i32
      %eq3A_114 = arith.constant 0 : i32
      %eq3A_115 = arith.cmpi eq, %jit3A_113, %eq3A_114 : i32
      %jit3A_116 = arith.constant 1 : i32
      %select_n3A_117 = arith.select %eq3A_115, %jit3A_116, %jit3A_113 : i32
      %rem3A_118 = arith.remsi %squeeze3A_28, %select_n3A_117 : i32
      %ne3A_119 = arith.constant 0 : i32
      %ne3A_120 = arith.cmpi ne, %rem3A_118, %ne3A_119 : i32
      %lt3A_121 = arith.constant 0 : i32
      %lt3A_122 = arith.cmpi slt, %rem3A_118, %lt3A_121 : i32
      %lt3A_123 = arith.constant 0 : i32
      %lt3A_124 = arith.cmpi slt, %select_n3A_117, %lt3A_123 : i32
      %ne3A_125 = arith.xori %lt3A_122, %lt3A_124 : i1
      %and3A_126 = arith.andi %ne3A_125, %ne3A_120 : i1
      %add3A_127 = arith.addi %rem3A_118, %select_n3A_117 : i32
      %select_n3A_128 = arith.select %and3A_126, %add3A_127, %rem3A_118 : i32
      %broadcast_in_dim3A_129 = vector.broadcast %select_n3A_128 : i32 to vector<16xi32>
      %slice3A_130 = vector.extract_strided_slice %get3A_23 {offsets = [1], sizes = [1], strides = [1]} : vector<16xi32> to vector<1xi32>
      %squeeze3A_131 = vector.extract %slice3A_130[0] : i32 from vector<1xi32>
      %slice3A_132 = vector.extract_strided_slice %get3A_25 {offsets = [1], sizes = [1], strides = [1]} : vector<16xi32> to vector<1xi32>
      %squeeze3A_133 = vector.extract %slice3A_132[0] : i32 from vector<1xi32>
      %jit3A_134 = arith.constant 128 : i32
      %div3A_135 = arith.divsi %squeeze3A_131, %jit3A_134 : i32
      %sign3A_136 = arith.constant 0 : i32
      %sign3A_137 = arith.cmpi sgt, %squeeze3A_131, %sign3A_136 : i32
      %sign3A_138 = arith.extui %sign3A_137 : i1 to i32
      %sign3A_139 = arith.constant 0 : i32
      %sign3A_140 = arith.cmpi slt, %squeeze3A_131, %sign3A_139 : i32
      %sign3A_141 = arith.extui %sign3A_140 : i1 to i32
      %sign3A_142 = arith.subi %sign3A_138, %sign3A_141 : i32
      %sign3A_143 = arith.constant 0 : i32
      %sign3A_144 = arith.cmpi sgt, %jit3A_134, %sign3A_143 : i32
      %sign3A_145 = arith.extui %sign3A_144 : i1 to i32
      %sign3A_146 = arith.constant 0 : i32
      %sign3A_147 = arith.cmpi slt, %jit3A_134, %sign3A_146 : i32
      %sign3A_148 = arith.extui %sign3A_147 : i1 to i32
      %sign3A_149 = arith.subi %sign3A_145, %sign3A_148 : i32
      %ne3A_150 = arith.cmpi ne, %sign3A_142, %sign3A_149 : i32
      %rem3A_151 = arith.remsi %squeeze3A_131, %jit3A_134 : i32
      %ne3A_152 = arith.constant 0 : i32
      %ne3A_153 = arith.cmpi ne, %rem3A_151, %ne3A_152 : i32
      %and3A_154 = arith.andi %ne3A_150, %ne3A_153 : i1
      %sub3A_155 = arith.constant 1 : i32
      %sub3A_156 = arith.subi %div3A_135, %sub3A_155 : i32
      %select_n3A_157 = arith.select %and3A_154, %sub3A_156, %div3A_135 : i32
      %mul3A_158 = arith.constant 128 : i32
      %mul3A_159 = arith.muli %select_n3A_157, %mul3A_158 : i32
      %dma_start3A_160 = arith.constant 1 : i32
      %dma_start3A_161 = arith.constant 0 : i32
      %dma_start3A_162 = arith.constant 0 : i32
      %dma_start3A_163 = tpu.memref_slice %arg9[%dma_start3A_160, %dma_start3A_161, %dma_start3A_162] : memref<4x64x128xf32, #tpu.memory_space<vmem>> -> memref<1x64x128xf32, #tpu.memory_space<vmem>>
      %dma_start3A_164 = tpu.memref_squeeze %dma_start3A_163 : memref<1x64x128xf32, #tpu.memory_space<vmem>> -> memref<64x128xf32, #tpu.memory_space<vmem>>
      %dma_start3A_165 = arith.constant 0 : i32
      %dma_start3A_166 = tpu.memref_slice %arg4[%dma_start3A_165, %mul3A_159] : memref<64x1000001xf32, #tpu.memory_space<hbm>> -> memref<64x128xf32, #tpu.memory_space<hbm>>
      %dma_start3A_167 = arith.constant 0 : i32
      %dma_start3A_168 = arith.constant 0 : i32
      %dma_start3A_169 = tpu.memref_slice %arg9[%dma_start3A_160, %dma_start3A_167, %dma_start3A_168] : memref<4x64x128xf32, #tpu.memory_space<vmem>> -> memref<1x64x128xf32, #tpu.memory_space<vmem>>
      %dma_start3A_170 = tpu.memref_squeeze %dma_start3A_169 : memref<1x64x128xf32, #tpu.memory_space<vmem>> -> memref<64x128xf32, #tpu.memory_space<vmem>>
      %dma_start3A_171 = arith.constant 0 : i32
      %dma_start3A_172 = tpu.memref_slice %arg4[%dma_start3A_171, %mul3A_159] : memref<64x1000001xf32, #tpu.memory_space<hbm>> -> memref<64x128xf32, #tpu.memory_space<hbm>>
      tpu.enqueue_dma source(%dma_start3A_172 : memref<64x128xf32, #tpu.memory_space<hbm>>) target(%dma_start3A_170 : memref<64x128xf32, #tpu.memory_space<vmem>>) target_semaphore(%arg12 : memref<!tpu.dma_semaphore, #tpu.memory_space<semaphore_mem>>)
      %jit3A_173 = arith.constant 128 : i32
      %div3A_174 = arith.divsi %squeeze3A_133, %jit3A_173 : i32
      %sign3A_175 = arith.constant 0 : i32
      %sign3A_176 = arith.cmpi sgt, %squeeze3A_133, %sign3A_175 : i32
      %sign3A_177 = arith.extui %sign3A_176 : i1 to i32
      %sign3A_178 = arith.constant 0 : i32
      %sign3A_179 = arith.cmpi slt, %squeeze3A_133, %sign3A_178 : i32
      %sign3A_180 = arith.extui %sign3A_179 : i1 to i32
      %sign3A_181 = arith.subi %sign3A_177, %sign3A_180 : i32
      %sign3A_182 = arith.constant 0 : i32
      %sign3A_183 = arith.cmpi sgt, %jit3A_173, %sign3A_182 : i32
      %sign3A_184 = arith.extui %sign3A_183 : i1 to i32
      %sign3A_185 = arith.constant 0 : i32
      %sign3A_186 = arith.cmpi slt, %jit3A_173, %sign3A_185 : i32
      %sign3A_187 = arith.extui %sign3A_186 : i1 to i32
      %sign3A_188 = arith.subi %sign3A_184, %sign3A_187 : i32
      %ne3A_189 = arith.cmpi ne, %sign3A_181, %sign3A_188 : i32
      %rem3A_190 = arith.remsi %squeeze3A_133, %jit3A_173 : i32
      %ne3A_191 = arith.constant 0 : i32
      %ne3A_192 = arith.cmpi ne, %rem3A_190, %ne3A_191 : i32
      %and3A_193 = arith.andi %ne3A_189, %ne3A_192 : i1
      %sub3A_194 = arith.constant 1 : i32
      %sub3A_195 = arith.subi %div3A_174, %sub3A_194 : i32
      %select_n3A_196 = arith.select %and3A_193, %sub3A_195, %div3A_174 : i32
      %mul3A_197 = arith.constant 128 : i32
      %mul3A_198 = arith.muli %select_n3A_196, %mul3A_197 : i32
      %dma_start3A_199 = arith.constant 1 : i32
      %dma_start3A_200 = arith.constant 0 : i32
      %dma_start3A_201 = arith.constant 0 : i32
      %dma_start3A_202 = tpu.memref_slice %arg10[%dma_start3A_199, %dma_start3A_200, %dma_start3A_201] : memref<4x64x128xf32, #tpu.memory_space<vmem>> -> memref<1x64x128xf32, #tpu.memory_space<vmem>>
      %dma_start3A_203 = tpu.memref_squeeze %dma_start3A_202 : memref<1x64x128xf32, #tpu.memory_space<vmem>> -> memref<64x128xf32, #tpu.memory_space<vmem>>
      %dma_start3A_204 = arith.constant 0 : i32
      %dma_start3A_205 = tpu.memref_slice %arg5[%dma_start3A_204, %mul3A_198] : memref<64x1000001xf32, #tpu.memory_space<hbm>> -> memref<64x128xf32, #tpu.memory_space<hbm>>
      %dma_start3A_206 = arith.constant 0 : i32
      %dma_start3A_207 = arith.constant 0 : i32
      %dma_start3A_208 = tpu.memref_slice %arg10[%dma_start3A_199, %dma_start3A_206, %dma_start3A_207] : memref<4x64x128xf32, #tpu.memory_space<vmem>> -> memref<1x64x128xf32, #tpu.memory_space<vmem>>
      %dma_start3A_209 = tpu.memref_squeeze %dma_start3A_208 : memref<1x64x128xf32, #tpu.memory_space<vmem>> -> memref<64x128xf32, #tpu.memory_space<vmem>>
      %dma_start3A_210 = arith.constant 0 : i32
      %dma_start3A_211 = tpu.memref_slice %arg5[%dma_start3A_210, %mul3A_198] : memref<64x1000001xf32, #tpu.memory_space<hbm>> -> memref<64x128xf32, #tpu.memory_space<hbm>>
      tpu.enqueue_dma source(%dma_start3A_211 : memref<64x128xf32, #tpu.memory_space<hbm>>) target(%dma_start3A_209 : memref<64x128xf32, #tpu.memory_space<vmem>>) target_semaphore(%arg12 : memref<!tpu.dma_semaphore, #tpu.memory_space<semaphore_mem>>)
      %jit3A_212 = arith.constant 128 : i32
      %eq3A_213 = arith.constant 0 : i32
      %eq3A_214 = arith.cmpi eq, %jit3A_212, %eq3A_213 : i32
      %jit3A_215 = arith.constant 1 : i32
      %select_n3A_216 = arith.select %eq3A_214, %jit3A_215, %jit3A_212 : i32
      %rem3A_217 = arith.remsi %squeeze3A_131, %select_n3A_216 : i32
      %ne3A_218 = arith.constant 0 : i32
      %ne3A_219 = arith.cmpi ne, %rem3A_217, %ne3A_218 : i32
      %lt3A_220 = arith.constant 0 : i32
      %lt3A_221 = arith.cmpi slt, %rem3A_217, %lt3A_220 : i32
      %lt3A_222 = arith.constant 0 : i32
      %lt3A_223 = arith.cmpi slt, %select_n3A_216, %lt3A_222 : i32
      %ne3A_224 = arith.xori %lt3A_221, %lt3A_223 : i1
      %and3A_225 = arith.andi %ne3A_224, %ne3A_219 : i1
      %add3A_226 = arith.addi %rem3A_217, %select_n3A_216 : i32
      %select_n3A_227 = arith.select %and3A_225, %add3A_226, %rem3A_217 : i32
      %broadcast_in_dim3A_228 = vector.broadcast %select_n3A_227 : i32 to vector<16xi32>
      %jit3A_229 = arith.constant 128 : i32
      %eq3A_230 = arith.constant 0 : i32
      %eq3A_231 = arith.cmpi eq, %jit3A_229, %eq3A_230 : i32
      %jit3A_232 = arith.constant 1 : i32
      %select_n3A_233 = arith.select %eq3A_231, %jit3A_232, %jit3A_229 : i32
      %rem3A_234 = arith.remsi %squeeze3A_133, %select_n3A_233 : i32
      %ne3A_235 = arith.constant 0 : i32
      %ne3A_236 = arith.cmpi ne, %rem3A_234, %ne3A_235 : i32
      %lt3A_237 = arith.constant 0 : i32
      %lt3A_238 = arith.cmpi slt, %rem3A_234, %lt3A_237 : i32
      %lt3A_239 = arith.constant 0 : i32
      %lt3A_240 = arith.cmpi slt, %select_n3A_233, %lt3A_239 : i32
      %ne3A_241 = arith.xori %lt3A_238, %lt3A_240 : i1
      %and3A_242 = arith.andi %ne3A_241, %ne3A_236 : i1
      %add3A_243 = arith.addi %rem3A_234, %select_n3A_233 : i32
      %select_n3A_244 = arith.select %and3A_242, %add3A_243, %rem3A_234 : i32
      %broadcast_in_dim3A_245 = vector.broadcast %select_n3A_244 : i32 to vector<16xi32>
      %slice3A_246 = vector.extract_strided_slice %get3A_23 {offsets = [2], sizes = [1], strides = [1]} : vector<16xi32> to vector<1xi32>
      %squeeze3A_247 = vector.extract %slice3A_246[0] : i32 from vector<1xi32>
      %slice3A_248 = vector.extract_strided_slice %get3A_25 {offsets = [2], sizes = [1], strides = [1]} : vector<16xi32> to vector<1xi32>
      %squeeze3A_249 = vector.extract %slice3A_248[0] : i32 from vector<1xi32>
      %jit3A_250 = arith.constant 128 : i32
      %div3A_251 = arith.divsi %squeeze3A_247, %jit3A_250 : i32
      %sign3A_252 = arith.constant 0 : i32
      %sign3A_253 = arith.cmpi sgt, %squeeze3A_247, %sign3A_252 : i32
      %sign3A_254 = arith.extui %sign3A_253 : i1 to i32
      %sign3A_255 = arith.constant 0 : i32
      %sign3A_256 = arith.cmpi slt, %squeeze3A_247, %sign3A_255 : i32
      %sign3A_257 = arith.extui %sign3A_256 : i1 to i32
      %sign3A_258 = arith.subi %sign3A_254, %sign3A_257 : i32
      %sign3A_259 = arith.constant 0 : i32
      %sign3A_260 = arith.cmpi sgt, %jit3A_250, %sign3A_259 : i32
      %sign3A_261 = arith.extui %sign3A_260 : i1 to i32
      %sign3A_262 = arith.constant 0 : i32
      %sign3A_263 = arith.cmpi slt, %jit3A_250, %sign3A_262 : i32
      %sign3A_264 = arith.extui %sign3A_263 : i1 to i32
      %sign3A_265 = arith.subi %sign3A_261, %sign3A_264 : i32
      %ne3A_266 = arith.cmpi ne, %sign3A_258, %sign3A_265 : i32
      %rem3A_267 = arith.remsi %squeeze3A_247, %jit3A_250 : i32
      %ne3A_268 = arith.constant 0 : i32
      %ne3A_269 = arith.cmpi ne, %rem3A_267, %ne3A_268 : i32
      %and3A_270 = arith.andi %ne3A_266, %ne3A_269 : i1
      %sub3A_271 = arith.constant 1 : i32
      %sub3A_272 = arith.subi %div3A_251, %sub3A_271 : i32
      %select_n3A_273 = arith.select %and3A_270, %sub3A_272, %div3A_251 : i32
      %mul3A_274 = arith.constant 128 : i32
      %mul3A_275 = arith.muli %select_n3A_273, %mul3A_274 : i32
      %dma_start3A_276 = arith.constant 2 : i32
      %dma_start3A_277 = arith.constant 0 : i32
      %dma_start3A_278 = arith.constant 0 : i32
      %dma_start3A_279 = tpu.memref_slice %arg9[%dma_start3A_276, %dma_start3A_277, %dma_start3A_278] : memref<4x64x128xf32, #tpu.memory_space<vmem>> -> memref<1x64x128xf32, #tpu.memory_space<vmem>>
      %dma_start3A_280 = tpu.memref_squeeze %dma_start3A_279 : memref<1x64x128xf32, #tpu.memory_space<vmem>> -> memref<64x128xf32, #tpu.memory_space<vmem>>
      %dma_start3A_281 = arith.constant 0 : i32
      %dma_start3A_282 = tpu.memref_slice %arg4[%dma_start3A_281, %mul3A_275] : memref<64x1000001xf32, #tpu.memory_space<hbm>> -> memref<64x128xf32, #tpu.memory_space<hbm>>
      %dma_start3A_283 = arith.constant 0 : i32
      %dma_start3A_284 = arith.constant 0 : i32
      %dma_start3A_285 = tpu.memref_slice %arg9[%dma_start3A_276, %dma_start3A_283, %dma_start3A_284] : memref<4x64x128xf32, #tpu.memory_space<vmem>> -> memref<1x64x128xf32, #tpu.memory_space<vmem>>
      %dma_start3A_286 = tpu.memref_squeeze %dma_start3A_285 : memref<1x64x128xf32, #tpu.memory_space<vmem>> -> memref<64x128xf32, #tpu.memory_space<vmem>>
      %dma_start3A_287 = arith.constant 0 : i32
      %dma_start3A_288 = tpu.memref_slice %arg4[%dma_start3A_287, %mul3A_275] : memref<64x1000001xf32, #tpu.memory_space<hbm>> -> memref<64x128xf32, #tpu.memory_space<hbm>>
      tpu.enqueue_dma source(%dma_start3A_288 : memref<64x128xf32, #tpu.memory_space<hbm>>) target(%dma_start3A_286 : memref<64x128xf32, #tpu.memory_space<vmem>>) target_semaphore(%arg12 : memref<!tpu.dma_semaphore, #tpu.memory_space<semaphore_mem>>)
      %jit3A_289 = arith.constant 128 : i32
      %div3A_290 = arith.divsi %squeeze3A_249, %jit3A_289 : i32
      %sign3A_291 = arith.constant 0 : i32
      %sign3A_292 = arith.cmpi sgt, %squeeze3A_249, %sign3A_291 : i32
      %sign3A_293 = arith.extui %sign3A_292 : i1 to i32
      %sign3A_294 = arith.constant 0 : i32
      %sign3A_295 = arith.cmpi slt, %squeeze3A_249, %sign3A_294 : i32
      %sign3A_296 = arith.extui %sign3A_295 : i1 to i32
      %sign3A_297 = arith.subi %sign3A_293, %sign3A_296 : i32
      %sign3A_298 = arith.constant 0 : i32
      %sign3A_299 = arith.cmpi sgt, %jit3A_289, %sign3A_298 : i32
      %sign3A_300 = arith.extui %sign3A_299 : i1 to i32
      %sign3A_301 = arith.constant 0 : i32
      %sign3A_302 = arith.cmpi slt, %jit3A_289, %sign3A_301 : i32
      %sign3A_303 = arith.extui %sign3A_302 : i1 to i32
      %sign3A_304 = arith.subi %sign3A_300, %sign3A_303 : i32
      %ne3A_305 = arith.cmpi ne, %sign3A_297, %sign3A_304 : i32
      %rem3A_306 = arith.remsi %squeeze3A_249, %jit3A_289 : i32
      %ne3A_307 = arith.constant 0 : i32
      %ne3A_308 = arith.cmpi ne, %rem3A_306, %ne3A_307 : i32
      %and3A_309 = arith.andi %ne3A_305, %ne3A_308 : i1
      %sub3A_310 = arith.constant 1 : i32
      %sub3A_311 = arith.subi %div3A_290, %sub3A_310 : i32
      %select_n3A_312 = arith.select %and3A_309, %sub3A_311, %div3A_290 : i32
      %mul3A_313 = arith.constant 128 : i32
      %mul3A_314 = arith.muli %select_n3A_312, %mul3A_313 : i32
      %dma_start3A_315 = arith.constant 2 : i32
      %dma_start3A_316 = arith.constant 0 : i32
      %dma_start3A_317 = arith.constant 0 : i32
      %dma_start3A_318 = tpu.memref_slice %arg10[%dma_start3A_315, %dma_start3A_316, %dma_start3A_317] : memref<4x64x128xf32, #tpu.memory_space<vmem>> -> memref<1x64x128xf32, #tpu.memory_space<vmem>>
      %dma_start3A_319 = tpu.memref_squeeze %dma_start3A_318 : memref<1x64x128xf32, #tpu.memory_space<vmem>> -> memref<64x128xf32, #tpu.memory_space<vmem>>
      %dma_start3A_320 = arith.constant 0 : i32
      %dma_start3A_321 = tpu.memref_slice %arg5[%dma_start3A_320, %mul3A_314] : memref<64x1000001xf32, #tpu.memory_space<hbm>> -> memref<64x128xf32, #tpu.memory_space<hbm>>
      %dma_start3A_322 = arith.constant 0 : i32
      %dma_start3A_323 = arith.constant 0 : i32
      %dma_start3A_324 = tpu.memref_slice %arg10[%dma_start3A_315, %dma_start3A_322, %dma_start3A_323] : memref<4x64x128xf32, #tpu.memory_space<vmem>> -> memref<1x64x128xf32, #tpu.memory_space<vmem>>
      %dma_start3A_325 = tpu.memref_squeeze %dma_start3A_324 : memref<1x64x128xf32, #tpu.memory_space<vmem>> -> memref<64x128xf32, #tpu.memory_space<vmem>>
      %dma_start3A_326 = arith.constant 0 : i32
      %dma_start3A_327 = tpu.memref_slice %arg5[%dma_start3A_326, %mul3A_314] : memref<64x1000001xf32, #tpu.memory_space<hbm>> -> memref<64x128xf32, #tpu.memory_space<hbm>>
      tpu.enqueue_dma source(%dma_start3A_327 : memref<64x128xf32, #tpu.memory_space<hbm>>) target(%dma_start3A_325 : memref<64x128xf32, #tpu.memory_space<vmem>>) target_semaphore(%arg12 : memref<!tpu.dma_semaphore, #tpu.memory_space<semaphore_mem>>)
      %jit3A_328 = arith.constant 128 : i32
      %eq3A_329 = arith.constant 0 : i32
      %eq3A_330 = arith.cmpi eq, %jit3A_328, %eq3A_329 : i32
      %jit3A_331 = arith.constant 1 : i32
      %select_n3A_332 = arith.select %eq3A_330, %jit3A_331, %jit3A_328 : i32
      %rem3A_333 = arith.remsi %squeeze3A_247, %select_n3A_332 : i32
      %ne3A_334 = arith.constant 0 : i32
      %ne3A_335 = arith.cmpi ne, %rem3A_333, %ne3A_334 : i32
      %lt3A_336 = arith.constant 0 : i32
      %lt3A_337 = arith.cmpi slt, %rem3A_333, %lt3A_336 : i32
      %lt3A_338 = arith.constant 0 : i32
      %lt3A_339 = arith.cmpi slt, %select_n3A_332, %lt3A_338 : i32
      %ne3A_340 = arith.xori %lt3A_337, %lt3A_339 : i1
      %and3A_341 = arith.andi %ne3A_340, %ne3A_335 : i1
      %add3A_342 = arith.addi %rem3A_333, %select_n3A_332 : i32
      %select_n3A_343 = arith.select %and3A_341, %add3A_342, %rem3A_333 : i32
      %broadcast_in_dim3A_344 = vector.broadcast %select_n3A_343 : i32 to vector<16xi32>
      %jit3A_345 = arith.constant 128 : i32
      %eq3A_346 = arith.constant 0 : i32
      %eq3A_347 = arith.cmpi eq, %jit3A_345, %eq3A_346 : i32
      %jit3A_348 = arith.constant 1 : i32
      %select_n3A_349 = arith.select %eq3A_347, %jit3A_348, %jit3A_345 : i32
      %rem3A_350 = arith.remsi %squeeze3A_249, %select_n3A_349 : i32
      %ne3A_351 = arith.constant 0 : i32
      %ne3A_352 = arith.cmpi ne, %rem3A_350, %ne3A_351 : i32
      %lt3A_353 = arith.constant 0 : i32
      %lt3A_354 = arith.cmpi slt, %rem3A_350, %lt3A_353 : i32
      %lt3A_355 = arith.constant 0 : i32
      %lt3A_356 = arith.cmpi slt, %select_n3A_349, %lt3A_355 : i32
      %ne3A_357 = arith.xori %lt3A_354, %lt3A_356 : i1
      %and3A_358 = arith.andi %ne3A_357, %ne3A_352 : i1
      %add3A_359 = arith.addi %rem3A_350, %select_n3A_349 : i32
      %select_n3A_360 = arith.select %and3A_358, %add3A_359, %rem3A_350 : i32
      %broadcast_in_dim3A_361 = vector.broadcast %select_n3A_360 : i32 to vector<16xi32>
      %slice3A_362 = vector.extract_strided_slice %get3A_23 {offsets = [3], sizes = [1], strides = [1]} : vector<16xi32> to vector<1xi32>
      %squeeze3A_363 = vector.extract %slice3A_362[0] : i32 from vector<1xi32>
      %slice3A_364 = vector.extract_strided_slice %get3A_25 {offsets = [3], sizes = [1], strides = [1]} : vector<16xi32> to vector<1xi32>
      %squeeze3A_365 = vector.extract %slice3A_364[0] : i32 from vector<1xi32>
      %jit3A_366 = arith.constant 128 : i32
      %div3A_367 = arith.divsi %squeeze3A_363, %jit3A_366 : i32
      %sign3A_368 = arith.constant 0 : i32
      %sign3A_369 = arith.cmpi sgt, %squeeze3A_363, %sign3A_368 : i32
      %sign3A_370 = arith.extui %sign3A_369 : i1 to i32
      %sign3A_371 = arith.constant 0 : i32
      %sign3A_372 = arith.cmpi slt, %squeeze3A_363, %sign3A_371 : i32
      %sign3A_373 = arith.extui %sign3A_372 : i1 to i32
      %sign3A_374 = arith.subi %sign3A_370, %sign3A_373 : i32
      %sign3A_375 = arith.constant 0 : i32
      %sign3A_376 = arith.cmpi sgt, %jit3A_366, %sign3A_375 : i32
      %sign3A_377 = arith.extui %sign3A_376 : i1 to i32
      %sign3A_378 = arith.constant 0 : i32
      %sign3A_379 = arith.cmpi slt, %jit3A_366, %sign3A_378 : i32
      %sign3A_380 = arith.extui %sign3A_379 : i1 to i32
      %sign3A_381 = arith.subi %sign3A_377, %sign3A_380 : i32
      %ne3A_382 = arith.cmpi ne, %sign3A_374, %sign3A_381 : i32
      %rem3A_383 = arith.remsi %squeeze3A_363, %jit3A_366 : i32
      %ne3A_384 = arith.constant 0 : i32
      %ne3A_385 = arith.cmpi ne, %rem3A_383, %ne3A_384 : i32
      %and3A_386 = arith.andi %ne3A_382, %ne3A_385 : i1
      %sub3A_387 = arith.constant 1 : i32
      %sub3A_388 = arith.subi %div3A_367, %sub3A_387 : i32
      %select_n3A_389 = arith.select %and3A_386, %sub3A_388, %div3A_367 : i32
      %mul3A_390 = arith.constant 128 : i32
      %mul3A_391 = arith.muli %select_n3A_389, %mul3A_390 : i32
      %dma_start3A_392 = arith.constant 3 : i32
      %dma_start3A_393 = arith.constant 0 : i32
      %dma_start3A_394 = arith.constant 0 : i32
      %dma_start3A_395 = tpu.memref_slice %arg9[%dma_start3A_392, %dma_start3A_393, %dma_start3A_394] : memref<4x64x128xf32, #tpu.memory_space<vmem>> -> memref<1x64x128xf32, #tpu.memory_space<vmem>>
      %dma_start3A_396 = tpu.memref_squeeze %dma_start3A_395 : memref<1x64x128xf32, #tpu.memory_space<vmem>> -> memref<64x128xf32, #tpu.memory_space<vmem>>
      %dma_start3A_397 = arith.constant 0 : i32
      %dma_start3A_398 = tpu.memref_slice %arg4[%dma_start3A_397, %mul3A_391] : memref<64x1000001xf32, #tpu.memory_space<hbm>> -> memref<64x128xf32, #tpu.memory_space<hbm>>
      %dma_start3A_399 = arith.constant 0 : i32
      %dma_start3A_400 = arith.constant 0 : i32
      %dma_start3A_401 = tpu.memref_slice %arg9[%dma_start3A_392, %dma_start3A_399, %dma_start3A_400] : memref<4x64x128xf32, #tpu.memory_space<vmem>> -> memref<1x64x128xf32, #tpu.memory_space<vmem>>
      %dma_start3A_402 = tpu.memref_squeeze %dma_start3A_401 : memref<1x64x128xf32, #tpu.memory_space<vmem>> -> memref<64x128xf32, #tpu.memory_space<vmem>>
      %dma_start3A_403 = arith.constant 0 : i32
      %dma_start3A_404 = tpu.memref_slice %arg4[%dma_start3A_403, %mul3A_391] : memref<64x1000001xf32, #tpu.memory_space<hbm>> -> memref<64x128xf32, #tpu.memory_space<hbm>>
      tpu.enqueue_dma source(%dma_start3A_404 : memref<64x128xf32, #tpu.memory_space<hbm>>) target(%dma_start3A_402 : memref<64x128xf32, #tpu.memory_space<vmem>>) target_semaphore(%arg12 : memref<!tpu.dma_semaphore, #tpu.memory_space<semaphore_mem>>)
      %jit3A_405 = arith.constant 128 : i32
      %div3A_406 = arith.divsi %squeeze3A_365, %jit3A_405 : i32
      %sign3A_407 = arith.constant 0 : i32
      %sign3A_408 = arith.cmpi sgt, %squeeze3A_365, %sign3A_407 : i32
      %sign3A_409 = arith.extui %sign3A_408 : i1 to i32
      %sign3A_410 = arith.constant 0 : i32
      %sign3A_411 = arith.cmpi slt, %squeeze3A_365, %sign3A_410 : i32
      %sign3A_412 = arith.extui %sign3A_411 : i1 to i32
      %sign3A_413 = arith.subi %sign3A_409, %sign3A_412 : i32
      %sign3A_414 = arith.constant 0 : i32
      %sign3A_415 = arith.cmpi sgt, %jit3A_405, %sign3A_414 : i32
      %sign3A_416 = arith.extui %sign3A_415 : i1 to i32
      %sign3A_417 = arith.constant 0 : i32
      %sign3A_418 = arith.cmpi slt, %jit3A_405, %sign3A_417 : i32
      %sign3A_419 = arith.extui %sign3A_418 : i1 to i32
      %sign3A_420 = arith.subi %sign3A_416, %sign3A_419 : i32
      %ne3A_421 = arith.cmpi ne, %sign3A_413, %sign3A_420 : i32
      %rem3A_422 = arith.remsi %squeeze3A_365, %jit3A_405 : i32
      %ne3A_423 = arith.constant 0 : i32
      %ne3A_424 = arith.cmpi ne, %rem3A_422, %ne3A_423 : i32
      %and3A_425 = arith.andi %ne3A_421, %ne3A_424 : i1
      %sub3A_426 = arith.constant 1 : i32
      %sub3A_427 = arith.subi %div3A_406, %sub3A_426 : i32
      %select_n3A_428 = arith.select %and3A_425, %sub3A_427, %div3A_406 : i32
      %mul3A_429 = arith.constant 128 : i32
      %mul3A_430 = arith.muli %select_n3A_428, %mul3A_429 : i32
      %dma_start3A_431 = arith.constant 3 : i32
      %dma_start3A_432 = arith.constant 0 : i32
      %dma_start3A_433 = arith.constant 0 : i32
      %dma_start3A_434 = tpu.memref_slice %arg10[%dma_start3A_431, %dma_start3A_432, %dma_start3A_433] : memref<4x64x128xf32, #tpu.memory_space<vmem>> -> memref<1x64x128xf32, #tpu.memory_space<vmem>>
      %dma_start3A_435 = tpu.memref_squeeze %dma_start3A_434 : memref<1x64x128xf32, #tpu.memory_space<vmem>> -> memref<64x128xf32, #tpu.memory_space<vmem>>
      %dma_start3A_436 = arith.constant 0 : i32
      %dma_start3A_437 = tpu.memref_slice %arg5[%dma_start3A_436, %mul3A_430] : memref<64x1000001xf32, #tpu.memory_space<hbm>> -> memref<64x128xf32, #tpu.memory_space<hbm>>
      %dma_start3A_438 = arith.constant 0 : i32
      %dma_start3A_439 = arith.constant 0 : i32
      %dma_start3A_440 = tpu.memref_slice %arg10[%dma_start3A_431, %dma_start3A_438, %dma_start3A_439] : memref<4x64x128xf32, #tpu.memory_space<vmem>> -> memref<1x64x128xf32, #tpu.memory_space<vmem>>
      %dma_start3A_441 = tpu.memref_squeeze %dma_start3A_440 : memref<1x64x128xf32, #tpu.memory_space<vmem>> -> memref<64x128xf32, #tpu.memory_space<vmem>>
      %dma_start3A_442 = arith.constant 0 : i32
      %dma_start3A_443 = tpu.memref_slice %arg5[%dma_start3A_442, %mul3A_430] : memref<64x1000001xf32, #tpu.memory_space<hbm>> -> memref<64x128xf32, #tpu.memory_space<hbm>>
      tpu.enqueue_dma source(%dma_start3A_443 : memref<64x128xf32, #tpu.memory_space<hbm>>) target(%dma_start3A_441 : memref<64x128xf32, #tpu.memory_space<vmem>>) target_semaphore(%arg12 : memref<!tpu.dma_semaphore, #tpu.memory_space<semaphore_mem>>)
      %jit3A_444 = arith.constant 128 : i32
      %eq3A_445 = arith.constant 0 : i32
      %eq3A_446 = arith.cmpi eq, %jit3A_444, %eq3A_445 : i32
      %jit3A_447 = arith.constant 1 : i32
      %select_n3A_448 = arith.select %eq3A_446, %jit3A_447, %jit3A_444 : i32
      %rem3A_449 = arith.remsi %squeeze3A_363, %select_n3A_448 : i32
      %ne3A_450 = arith.constant 0 : i32
      %ne3A_451 = arith.cmpi ne, %rem3A_449, %ne3A_450 : i32
      %lt3A_452 = arith.constant 0 : i32
      %lt3A_453 = arith.cmpi slt, %rem3A_449, %lt3A_452 : i32
      %lt3A_454 = arith.constant 0 : i32
      %lt3A_455 = arith.cmpi slt, %select_n3A_448, %lt3A_454 : i32
      %ne3A_456 = arith.xori %lt3A_453, %lt3A_455 : i1
      %and3A_457 = arith.andi %ne3A_456, %ne3A_451 : i1
      %add3A_458 = arith.addi %rem3A_449, %select_n3A_448 : i32
      %select_n3A_459 = arith.select %and3A_457, %add3A_458, %rem3A_449 : i32
      %broadcast_in_dim3A_460 = vector.broadcast %select_n3A_459 : i32 to vector<16xi32>
      %jit3A_461 = arith.constant 128 : i32
      %eq3A_462 = arith.constant 0 : i32
      %eq3A_463 = arith.cmpi eq, %jit3A_461, %eq3A_462 : i32
      %jit3A_464 = arith.constant 1 : i32
      %select_n3A_465 = arith.select %eq3A_463, %jit3A_464, %jit3A_461 : i32
      %rem3A_466 = arith.remsi %squeeze3A_365, %select_n3A_465 : i32
      %ne3A_467 = arith.constant 0 : i32
      %ne3A_468 = arith.cmpi ne, %rem3A_466, %ne3A_467 : i32
      %lt3A_469 = arith.constant 0 : i32
      %lt3A_470 = arith.cmpi slt, %rem3A_466, %lt3A_469 : i32
      %lt3A_471 = arith.constant 0 : i32
      %lt3A_472 = arith.cmpi slt, %select_n3A_465, %lt3A_471 : i32
      %ne3A_473 = arith.xori %lt3A_470, %lt3A_472 : i1
      %and3A_474 = arith.andi %ne3A_473, %ne3A_468 : i1
      %add3A_475 = arith.addi %rem3A_466, %select_n3A_465 : i32
      %select_n3A_476 = arith.select %and3A_474, %add3A_475, %rem3A_466 : i32
      %broadcast_in_dim3A_477 = vector.broadcast %select_n3A_476 : i32 to vector<16xi32>
      %dma_wait3A = arith.constant 0 : i32
      %dma_wait3A_478 = arith.constant 0 : i32
      %dma_wait3A_479 = arith.constant 0 : i32
      %dma_wait3A_480 = tpu.memref_slice %arg9[%dma_wait3A, %dma_wait3A_478, %dma_wait3A_479] : memref<4x64x128xf32, #tpu.memory_space<vmem>> -> memref<1x64x128xf32, #tpu.memory_space<vmem>>
      %dma_wait3A_481 = tpu.memref_squeeze %dma_wait3A_480 : memref<1x64x128xf32, #tpu.memory_space<vmem>> -> memref<64x128xf32, #tpu.memory_space<vmem>>
      %dma_wait3A_482 = arith.constant 0 : i32
      %dma_wait3A_483 = tpu.memref_slice %arg4[%dma_wait3A_482, %mul3A_46] : memref<64x1000001xf32, #tpu.memory_space<hbm>> -> memref<64x128xf32, #tpu.memory_space<hbm>>
      %dma_wait3A_484 = arith.constant 0 : i32
      %dma_wait3A_485 = arith.constant 0 : i32
      %dma_wait3A_486 = tpu.memref_slice %arg9[%dma_wait3A, %dma_wait3A_484, %dma_wait3A_485] : memref<4x64x128xf32, #tpu.memory_space<vmem>> -> memref<1x64x128xf32, #tpu.memory_space<vmem>>
      %dma_wait3A_487 = tpu.memref_squeeze %dma_wait3A_486 : memref<1x64x128xf32, #tpu.memory_space<vmem>> -> memref<64x128xf32, #tpu.memory_space<vmem>>
      %dma_wait3A_488 = arith.constant 0 : i32
      %dma_wait3A_489 = tpu.memref_slice %arg4[%dma_wait3A_488, %mul3A_46] : memref<64x1000001xf32, #tpu.memory_space<hbm>> -> memref<64x128xf32, #tpu.memory_space<hbm>>
      tpu.wait_dma2 semaphore(%arg12 : memref<!tpu.dma_semaphore, #tpu.memory_space<semaphore_mem>>) src(%dma_wait3A_489 : memref<64x128xf32, #tpu.memory_space<hbm>>) dst(%dma_wait3A_487 : memref<64x128xf32, #tpu.memory_space<vmem>>)
      %dma_wait3A_490 = arith.constant 0 : i32
      %dma_wait3A_491 = arith.constant 0 : i32
      %dma_wait3A_492 = arith.constant 0 : i32
      %dma_wait3A_493 = tpu.memref_slice %arg10[%dma_wait3A_490, %dma_wait3A_491, %dma_wait3A_492] : memref<4x64x128xf32, #tpu.memory_space<vmem>> -> memref<1x64x128xf32, #tpu.memory_space<vmem>>
      %dma_wait3A_494 = tpu.memref_squeeze %dma_wait3A_493 : memref<1x64x128xf32, #tpu.memory_space<vmem>> -> memref<64x128xf32, #tpu.memory_space<vmem>>
      %dma_wait3A_495 = arith.constant 0 : i32
      %dma_wait3A_496 = tpu.memref_slice %arg5[%dma_wait3A_495, %mul3A_84] : memref<64x1000001xf32, #tpu.memory_space<hbm>> -> memref<64x128xf32, #tpu.memory_space<hbm>>
      %dma_wait3A_497 = arith.constant 0 : i32
      %dma_wait3A_498 = arith.constant 0 : i32
      %dma_wait3A_499 = tpu.memref_slice %arg10[%dma_wait3A_490, %dma_wait3A_497, %dma_wait3A_498] : memref<4x64x128xf32, #tpu.memory_space<vmem>> -> memref<1x64x128xf32, #tpu.memory_space<vmem>>
      %dma_wait3A_500 = tpu.memref_squeeze %dma_wait3A_499 : memref<1x64x128xf32, #tpu.memory_space<vmem>> -> memref<64x128xf32, #tpu.memory_space<vmem>>
      %dma_wait3A_501 = arith.constant 0 : i32
      %dma_wait3A_502 = tpu.memref_slice %arg5[%dma_wait3A_501, %mul3A_84] : memref<64x1000001xf32, #tpu.memory_space<hbm>> -> memref<64x128xf32, #tpu.memory_space<hbm>>
      tpu.wait_dma2 semaphore(%arg12 : memref<!tpu.dma_semaphore, #tpu.memory_space<semaphore_mem>>) src(%dma_wait3A_502 : memref<64x128xf32, #tpu.memory_space<hbm>>) dst(%dma_wait3A_500 : memref<64x128xf32, #tpu.memory_space<vmem>>)
      %dma_wait3A_503 = arith.constant 1 : i32
      %dma_wait3A_504 = arith.constant 0 : i32
      %dma_wait3A_505 = arith.constant 0 : i32
      %dma_wait3A_506 = tpu.memref_slice %arg9[%dma_wait3A_503, %dma_wait3A_504, %dma_wait3A_505] : memref<4x64x128xf32, #tpu.memory_space<vmem>> -> memref<1x64x128xf32, #tpu.memory_space<vmem>>
      %dma_wait3A_507 = tpu.memref_squeeze %dma_wait3A_506 : memref<1x64x128xf32, #tpu.memory_space<vmem>> -> memref<64x128xf32, #tpu.memory_space<vmem>>
      %dma_wait3A_508 = arith.constant 0 : i32
      %dma_wait3A_509 = tpu.memref_slice %arg4[%dma_wait3A_508, %mul3A_159] : memref<64x1000001xf32, #tpu.memory_space<hbm>> -> memref<64x128xf32, #tpu.memory_space<hbm>>
      %dma_wait3A_510 = arith.constant 0 : i32
      %dma_wait3A_511 = arith.constant 0 : i32
      %dma_wait3A_512 = tpu.memref_slice %arg9[%dma_wait3A_503, %dma_wait3A_510, %dma_wait3A_511] : memref<4x64x128xf32, #tpu.memory_space<vmem>> -> memref<1x64x128xf32, #tpu.memory_space<vmem>>
      %dma_wait3A_513 = tpu.memref_squeeze %dma_wait3A_512 : memref<1x64x128xf32, #tpu.memory_space<vmem>> -> memref<64x128xf32, #tpu.memory_space<vmem>>
      %dma_wait3A_514 = arith.constant 0 : i32
      %dma_wait3A_515 = tpu.memref_slice %arg4[%dma_wait3A_514, %mul3A_159] : memref<64x1000001xf32, #tpu.memory_space<hbm>> -> memref<64x128xf32, #tpu.memory_space<hbm>>
      tpu.wait_dma2 semaphore(%arg12 : memref<!tpu.dma_semaphore, #tpu.memory_space<semaphore_mem>>) src(%dma_wait3A_515 : memref<64x128xf32, #tpu.memory_space<hbm>>) dst(%dma_wait3A_513 : memref<64x128xf32, #tpu.memory_space<vmem>>)
      %dma_wait3A_516 = arith.constant 1 : i32
      %dma_wait3A_517 = arith.constant 0 : i32
      %dma_wait3A_518 = arith.constant 0 : i32
      %dma_wait3A_519 = tpu.memref_slice %arg10[%dma_wait3A_516, %dma_wait3A_517, %dma_wait3A_518] : memref<4x64x128xf32, #tpu.memory_space<vmem>> -> memref<1x64x128xf32, #tpu.memory_space<vmem>>
      %dma_wait3A_520 = tpu.memref_squeeze %dma_wait3A_519 : memref<1x64x128xf32, #tpu.memory_space<vmem>> -> memref<64x128xf32, #tpu.memory_space<vmem>>
      %dma_wait3A_521 = arith.constant 0 : i32
      %dma_wait3A_522 = tpu.memref_slice %arg5[%dma_wait3A_521, %mul3A_198] : memref<64x1000001xf32, #tpu.memory_space<hbm>> -> memref<64x128xf32, #tpu.memory_space<hbm>>
      %dma_wait3A_523 = arith.constant 0 : i32
      %dma_wait3A_524 = arith.constant 0 : i32
      %dma_wait3A_525 = tpu.memref_slice %arg10[%dma_wait3A_516, %dma_wait3A_523, %dma_wait3A_524] : memref<4x64x128xf32, #tpu.memory_space<vmem>> -> memref<1x64x128xf32, #tpu.memory_space<vmem>>
      %dma_wait3A_526 = tpu.memref_squeeze %dma_wait3A_525 : memref<1x64x128xf32, #tpu.memory_space<vmem>> -> memref<64x128xf32, #tpu.memory_space<vmem>>
      %dma_wait3A_527 = arith.constant 0 : i32
      %dma_wait3A_528 = tpu.memref_slice %arg5[%dma_wait3A_527, %mul3A_198] : memref<64x1000001xf32, #tpu.memory_space<hbm>> -> memref<64x128xf32, #tpu.memory_space<hbm>>
      tpu.wait_dma2 semaphore(%arg12 : memref<!tpu.dma_semaphore, #tpu.memory_space<semaphore_mem>>) src(%dma_wait3A_528 : memref<64x128xf32, #tpu.memory_space<hbm>>) dst(%dma_wait3A_526 : memref<64x128xf32, #tpu.memory_space<vmem>>)
      %broadcast_in_dim3A_529 = arith.constant 0.000000e+00 : f32
      %broadcast_in_dim3A_530 = vector.broadcast %broadcast_in_dim3A_529 : f32 to vector<16xf32>
      %gather3A = arith.constant 0 : i32
      %gather3A_531 = arith.constant 0 : i32
      %gather3A_532 = arith.constant 0 : i32
      %gather3A_533 = tpu.memref_slice %arg9[%gather3A, %gather3A_531, %gather3A_532] : memref<4x64x128xf32, #tpu.memory_space<vmem>> -> memref<1x64x128xf32, #tpu.memory_space<vmem>>
      %gather3A_534 = tpu.memref_squeeze %gather3A_533 : memref<1x64x128xf32, #tpu.memory_space<vmem>> -> memref<64x128xf32, #tpu.memory_space<vmem>>
      %gather3A_535 = tpu.vector_load_idx %gather3A_534[%add3A_5, %broadcast_in_dim3A_112] : memref<64x128xf32, #tpu.memory_space<vmem>>[vector<16xi32>, vector<16xi32>], vector<16xf32>,
      %gather3A_536 = arith.constant 0 : i32
      %gather3A_537 = arith.constant 0 : i32
      %gather3A_538 = arith.constant 0 : i32
      %gather3A_539 = tpu.memref_slice %arg10[%gather3A_536, %gather3A_537, %gather3A_538] : memref<4x64x128xf32, #tpu.memory_space<vmem>> -> memref<1x64x128xf32, #tpu.memory_space<vmem>>
      %gather3A_540 = tpu.memref_squeeze %gather3A_539 : memref<1x64x128xf32, #tpu.memory_space<vmem>> -> memref<64x128xf32, #tpu.memory_space<vmem>>
      %gather3A_541 = tpu.vector_load_idx %gather3A_540[%add3A_5, %broadcast_in_dim3A_129] : memref<64x128xf32, #tpu.memory_space<vmem>>[vector<16xi32>, vector<16xi32>], vector<16xf32>,
      %mul3A_542 = arith.mulf %gather3A_535, %gather3A_541 : vector<16xf32>
      %add3A_543 = arith.addf %broadcast_in_dim3A_530, %mul3A_542 : vector<16xf32>
      %gather3A_544 = arith.constant 0 : i32
      %gather3A_545 = arith.constant 0 : i32
      %gather3A_546 = arith.constant 0 : i32
      %gather3A_547 = tpu.memref_slice %arg9[%gather3A_544, %gather3A_545, %gather3A_546] : memref<4x64x128xf32, #tpu.memory_space<vmem>> -> memref<1x64x128xf32, #tpu.memory_space<vmem>>
      %gather3A_548 = tpu.memref_squeeze %gather3A_547 : memref<1x64x128xf32, #tpu.memory_space<vmem>> -> memref<64x128xf32, #tpu.memory_space<vmem>>
      %gather3A_549 = tpu.vector_load_idx %gather3A_548[%add3A_8, %broadcast_in_dim3A_112] : memref<64x128xf32, #tpu.memory_space<vmem>>[vector<16xi32>, vector<16xi32>], vector<16xf32>,
      %gather3A_550 = arith.constant 0 : i32
      %gather3A_551 = arith.constant 0 : i32
      %gather3A_552 = arith.constant 0 : i32
      %gather3A_553 = tpu.memref_slice %arg10[%gather3A_550, %gather3A_551, %gather3A_552] : memref<4x64x128xf32, #tpu.memory_space<vmem>> -> memref<1x64x128xf32, #tpu.memory_space<vmem>>
      %gather3A_554 = tpu.memref_squeeze %gather3A_553 : memref<1x64x128xf32, #tpu.memory_space<vmem>> -> memref<64x128xf32, #tpu.memory_space<vmem>>
      %gather3A_555 = tpu.vector_load_idx %gather3A_554[%add3A_8, %broadcast_in_dim3A_129] : memref<64x128xf32, #tpu.memory_space<vmem>>[vector<16xi32>, vector<16xi32>], vector<16xf32>,
      %mul3A_556 = arith.mulf %gather3A_549, %gather3A_555 : vector<16xf32>
      %add3A_557 = arith.addf %add3A_543, %mul3A_556 : vector<16xf32>
      %gather3A_558 = arith.constant 0 : i32
      %gather3A_559 = arith.constant 0 : i32
      %gather3A_560 = arith.constant 0 : i32
      %gather3A_561 = tpu.memref_slice %arg9[%gather3A_558, %gather3A_559, %gather3A_560] : memref<4x64x128xf32, #tpu.memory_space<vmem>> -> memref<1x64x128xf32, #tpu.memory_space<vmem>>
      %gather3A_562 = tpu.memref_squeeze %gather3A_561 : memref<1x64x128xf32, #tpu.memory_space<vmem>> -> memref<64x128xf32, #tpu.memory_space<vmem>>
      %gather3A_563 = tpu.vector_load_idx %gather3A_562[%add3A_11, %broadcast_in_dim3A_112] : memref<64x128xf32, #tpu.memory_space<vmem>>[vector<16xi32>, vector<16xi32>], vector<16xf32>,
      %gather3A_564 = arith.constant 0 : i32
      %gather3A_565 = arith.constant 0 : i32
      %gather3A_566 = arith.constant 0 : i32
      %gather3A_567 = tpu.memref_slice %arg10[%gather3A_564, %gather3A_565, %gather3A_566] : memref<4x64x128xf32, #tpu.memory_space<vmem>> -> memref<1x64x128xf32, #tpu.memory_space<vmem>>
      %gather3A_568 = tpu.memref_squeeze %gather3A_567 : memref<1x64x128xf32, #tpu.memory_space<vmem>> -> memref<64x128xf32, #tpu.memory_space<vmem>>
      %gather3A_569 = tpu.vector_load_idx %gather3A_568[%add3A_11, %broadcast_in_dim3A_129] : memref<64x128xf32, #tpu.memory_space<vmem>>[vector<16xi32>, vector<16xi32>], vector<16xf32>,
      %mul3A_570 = arith.mulf %gather3A_563, %gather3A_569 : vector<16xf32>
      %add3A_571 = arith.addf %add3A_557, %mul3A_570 : vector<16xf32>
      %gather3A_572 = arith.constant 0 : i32
      %gather3A_573 = arith.constant 0 : i32
      %gather3A_574 = arith.constant 0 : i32
      %gather3A_575 = tpu.memref_slice %arg9[%gather3A_572, %gather3A_573, %gather3A_574] : memref<4x64x128xf32, #tpu.memory_space<vmem>> -> memref<1x64x128xf32, #tpu.memory_space<vmem>>
      %gather3A_576 = tpu.memref_squeeze %gather3A_575 : memref<1x64x128xf32, #tpu.memory_space<vmem>> -> memref<64x128xf32, #tpu.memory_space<vmem>>
      %gather3A_577 = tpu.vector_load_idx %gather3A_576[%add3A_14, %broadcast_in_dim3A_112] : memref<64x128xf32, #tpu.memory_space<vmem>>[vector<16xi32>, vector<16xi32>], vector<16xf32>,
      %gather3A_578 = arith.constant 0 : i32
      %gather3A_579 = arith.constant 0 : i32
      %gather3A_580 = arith.constant 0 : i32
      %gather3A_581 = tpu.memref_slice %arg10[%gather3A_578, %gather3A_579, %gather3A_580] : memref<4x64x128xf32, #tpu.memory_space<vmem>> -> memref<1x64x128xf32, #tpu.memory_space<vmem>>
      %gather3A_582 = tpu.memref_squeeze %gather3A_581 : memref<1x64x128xf32, #tpu.memory_space<vmem>> -> memref<64x128xf32, #tpu.memory_space<vmem>>
      %gather3A_583 = tpu.vector_load_idx %gather3A_582[%add3A_14, %broadcast_in_dim3A_129] : memref<64x128xf32, #tpu.memory_space<vmem>>[vector<16xi32>, vector<16xi32>], vector<16xf32>,
      %mul3A_584 = arith.mulf %gather3A_577, %gather3A_583 : vector<16xf32>
      %add3A_585 = arith.addf %add3A_571, %mul3A_584 : vector<16xf32>
      %eq3A_586 = arith.constant 0 : i32
      %eq3A_587 = vector.broadcast %eq3A_586 : i32 to vector<16xi32>
      %eq3A_588 = arith.cmpi eq, %iota3A, %eq3A_587 : vector<16xi32>
      %reduce_sum3A = arith.constant true
      %reduce_sum3A_589 = vector.broadcast %reduce_sum3A : i1 to vector<16xi1>
      %reduce_sum3A_590 = tpu.scan <sum>, %add3A_585 masked %reduce_sum3A_589 : vector<16xf32>, vector<16xi1> -> vector<16xf32>
      %reduce_sum3A_591 = vector.extract %reduce_sum3A_590[15] : f32 from vector<16xf32>
      %broadcast_in_dim3A_592 = vector.broadcast %reduce_sum3A_591 : f32 to vector<16xf32>
      %select_n3A_593 = arith.select %eq3A_588, %broadcast_in_dim3A_592, %broadcast_in_dim3A_26 : vector<16xi1>, vector<16xf32>
      %broadcast_in_dim3A_594 = arith.constant 0.000000e+00 : f32
      %broadcast_in_dim3A_595 = vector.broadcast %broadcast_in_dim3A_594 : f32 to vector<16xf32>
      %gather3A_596 = arith.constant 1 : i32
      %gather3A_597 = arith.constant 0 : i32
      %gather3A_598 = arith.constant 0 : i32
      %gather3A_599 = tpu.memref_slice %arg9[%gather3A_596, %gather3A_597, %gather3A_598] : memref<4x64x128xf32, #tpu.memory_space<vmem>> -> memref<1x64x128xf32, #tpu.memory_space<vmem>>
      %gather3A_600 = tpu.memref_squeeze %gather3A_599 : memref<1x64x128xf32, #tpu.memory_space<vmem>> -> memref<64x128xf32, #tpu.memory_space<vmem>>
      %gather3A_601 = tpu.vector_load_idx %gather3A_600[%add3A_5, %broadcast_in_dim3A_228] : memref<64x128xf32, #tpu.memory_space<vmem>>[vector<16xi32>, vector<16xi32>], vector<16xf32>,
      %gather3A_602 = arith.constant 1 : i32
      %gather3A_603 = arith.constant 0 : i32
      %gather3A_604 = arith.constant 0 : i32
      %gather3A_605 = tpu.memref_slice %arg10[%gather3A_602, %gather3A_603, %gather3A_604] : memref<4x64x128xf32, #tpu.memory_space<vmem>> -> memref<1x64x128xf32, #tpu.memory_space<vmem>>
      %gather3A_606 = tpu.memref_squeeze %gather3A_605 : memref<1x64x128xf32, #tpu.memory_space<vmem>> -> memref<64x128xf32, #tpu.memory_space<vmem>>
      %gather3A_607 = tpu.vector_load_idx %gather3A_606[%add3A_5, %broadcast_in_dim3A_245] : memref<64x128xf32, #tpu.memory_space<vmem>>[vector<16xi32>, vector<16xi32>], vector<16xf32>,
      %mul3A_608 = arith.mulf %gather3A_601, %gather3A_607 : vector<16xf32>
      %add3A_609 = arith.addf %broadcast_in_dim3A_595, %mul3A_608 : vector<16xf32>
      %gather3A_610 = arith.constant 1 : i32
      %gather3A_611 = arith.constant 0 : i32
      %gather3A_612 = arith.constant 0 : i32
      %gather3A_613 = tpu.memref_slice %arg9[%gather3A_610, %gather3A_611, %gather3A_612] : memref<4x64x128xf32, #tpu.memory_space<vmem>> -> memref<1x64x128xf32, #tpu.memory_space<vmem>>
      %gather3A_614 = tpu.memref_squeeze %gather3A_613 : memref<1x64x128xf32, #tpu.memory_space<vmem>> -> memref<64x128xf32, #tpu.memory_space<vmem>>
      %gather3A_615 = tpu.vector_load_idx %gather3A_614[%add3A_8, %broadcast_in_dim3A_228] : memref<64x128xf32, #tpu.memory_space<vmem>>[vector<16xi32>, vector<16xi32>], vector<16xf32>,
      %gather3A_616 = arith.constant 1 : i32
      %gather3A_617 = arith.constant 0 : i32
      %gather3A_618 = arith.constant 0 : i32
      %gather3A_619 = tpu.memref_slice %arg10[%gather3A_616, %gather3A_617, %gather3A_618] : memref<4x64x128xf32, #tpu.memory_space<vmem>> -> memref<1x64x128xf32, #tpu.memory_space<vmem>>
      %gather3A_620 = tpu.memref_squeeze %gather3A_619 : memref<1x64x128xf32, #tpu.memory_space<vmem>> -> memref<64x128xf32, #tpu.memory_space<vmem>>
      %gather3A_621 = tpu.vector_load_idx %gather3A_620[%add3A_8, %broadcast_in_dim3A_245] : memref<64x128xf32, #tpu.memory_space<vmem>>[vector<16xi32>, vector<16xi32>], vector<16xf32>,
      %mul3A_622 = arith.mulf %gather3A_615, %gather3A_621 : vector<16xf32>
      %add3A_623 = arith.addf %add3A_609, %mul3A_622 : vector<16xf32>
      %gather3A_624 = arith.constant 1 : i32
      %gather3A_625 = arith.constant 0 : i32
      %gather3A_626 = arith.constant 0 : i32
      %gather3A_627 = tpu.memref_slice %arg9[%gather3A_624, %gather3A_625, %gather3A_626] : memref<4x64x128xf32, #tpu.memory_space<vmem>> -> memref<1x64x128xf32, #tpu.memory_space<vmem>>
      %gather3A_628 = tpu.memref_squeeze %gather3A_627 : memref<1x64x128xf32, #tpu.memory_space<vmem>> -> memref<64x128xf32, #tpu.memory_space<vmem>>
      %gather3A_629 = tpu.vector_load_idx %gather3A_628[%add3A_11, %broadcast_in_dim3A_228] : memref<64x128xf32, #tpu.memory_space<vmem>>[vector<16xi32>, vector<16xi32>], vector<16xf32>,
      %gather3A_630 = arith.constant 1 : i32
      %gather3A_631 = arith.constant 0 : i32
      %gather3A_632 = arith.constant 0 : i32
      %gather3A_633 = tpu.memref_slice %arg10[%gather3A_630, %gather3A_631, %gather3A_632] : memref<4x64x128xf32, #tpu.memory_space<vmem>> -> memref<1x64x128xf32, #tpu.memory_space<vmem>>
      %gather3A_634 = tpu.memref_squeeze %gather3A_633 : memref<1x64x128xf32, #tpu.memory_space<vmem>> -> memref<64x128xf32, #tpu.memory_space<vmem>>
      %gather3A_635 = tpu.vector_load_idx %gather3A_634[%add3A_11, %broadcast_in_dim3A_245] : memref<64x128xf32, #tpu.memory_space<vmem>>[vector<16xi32>, vector<16xi32>], vector<16xf32>,
      %mul3A_636 = arith.mulf %gather3A_629, %gather3A_635 : vector<16xf32>
      %add3A_637 = arith.addf %add3A_623, %mul3A_636 : vector<16xf32>
      %gather3A_638 = arith.constant 1 : i32
      %gather3A_639 = arith.constant 0 : i32
      %gather3A_640 = arith.constant 0 : i32
      %gather3A_641 = tpu.memref_slice %arg9[%gather3A_638, %gather3A_639, %gather3A_640] : memref<4x64x128xf32, #tpu.memory_space<vmem>> -> memref<1x64x128xf32, #tpu.memory_space<vmem>>
      %gather3A_642 = tpu.memref_squeeze %gather3A_641 : memref<1x64x128xf32, #tpu.memory_space<vmem>> -> memref<64x128xf32, #tpu.memory_space<vmem>>
      %gather3A_643 = tpu.vector_load_idx %gather3A_642[%add3A_14, %broadcast_in_dim3A_228] : memref<64x128xf32, #tpu.memory_space<vmem>>[vector<16xi32>, vector<16xi32>], vector<16xf32>,
      %gather3A_644 = arith.constant 1 : i32
      %gather3A_645 = arith.constant 0 : i32
      %gather3A_646 = arith.constant 0 : i32
      %gather3A_647 = tpu.memref_slice %arg10[%gather3A_644, %gather3A_645, %gather3A_646] : memref<4x64x128xf32, #tpu.memory_space<vmem>> -> memref<1x64x128xf32, #tpu.memory_space<vmem>>
      %gather3A_648 = tpu.memref_squeeze %gather3A_647 : memref<1x64x128xf32, #tpu.memory_space<vmem>> -> memref<64x128xf32, #tpu.memory_space<vmem>>
      %gather3A_649 = tpu.vector_load_idx %gather3A_648[%add3A_14, %broadcast_in_dim3A_245] : memref<64x128xf32, #tpu.memory_space<vmem>>[vector<16xi32>, vector<16xi32>], vector<16xf32>,
      %mul3A_650 = arith.mulf %gather3A_643, %gather3A_649 : vector<16xf32>
      %add3A_651 = arith.addf %add3A_637, %mul3A_650 : vector<16xf32>
      %eq3A_652 = arith.constant 1 : i32
      %eq3A_653 = vector.broadcast %eq3A_652 : i32 to vector<16xi32>
      %eq3A_654 = arith.cmpi eq, %iota3A, %eq3A_653 : vector<16xi32>
      %reduce_sum3A_655 = arith.constant true
      %reduce_sum3A_656 = vector.broadcast %reduce_sum3A_655 : i1 to vector<16xi1>
      %reduce_sum3A_657 = tpu.scan <sum>, %add3A_651 masked %reduce_sum3A_656 : vector<16xf32>, vector<16xi1> -> vector<16xf32>
      %reduce_sum3A_658 = vector.extract %reduce_sum3A_657[15] : f32 from vector<16xf32>
      %broadcast_in_dim3A_659 = vector.broadcast %reduce_sum3A_658 : f32 to vector<16xf32>
      %select_n3A_660 = arith.select %eq3A_654, %broadcast_in_dim3A_659, %select_n3A_593 : vector<16xi1>, vector<16xf32>
      %slice3A_661 = vector.extract_strided_slice %get3A_23 {offsets = [4], sizes = [1], strides = [1]} : vector<16xi32> to vector<1xi32>
      %squeeze3A_662 = vector.extract %slice3A_661[0] : i32 from vector<1xi32>
      %slice3A_663 = vector.extract_strided_slice %get3A_25 {offsets = [4], sizes = [1], strides = [1]} : vector<16xi32> to vector<1xi32>
      %squeeze3A_664 = vector.extract %slice3A_663[0] : i32 from vector<1xi32>
      %jit3A_665 = arith.constant 128 : i32
      %div3A_666 = arith.divsi %squeeze3A_662, %jit3A_665 : i32
      %sign3A_667 = arith.constant 0 : i32
      %sign3A_668 = arith.cmpi sgt, %squeeze3A_662, %sign3A_667 : i32
      %sign3A_669 = arith.extui %sign3A_668 : i1 to i32
      %sign3A_670 = arith.constant 0 : i32
      %sign3A_671 = arith.cmpi slt, %squeeze3A_662, %sign3A_670 : i32
      %sign3A_672 = arith.extui %sign3A_671 : i1 to i32
      %sign3A_673 = arith.subi %sign3A_669, %sign3A_672 : i32
      %sign3A_674 = arith.constant 0 : i32
      %sign3A_675 = arith.cmpi sgt, %jit3A_665, %sign3A_674 : i32
      %sign3A_676 = arith.extui %sign3A_675 : i1 to i32
      %sign3A_677 = arith.constant 0 : i32
      %sign3A_678 = arith.cmpi slt, %jit3A_665, %sign3A_677 : i32
      %sign3A_679 = arith.extui %sign3A_678 : i1 to i32
      %sign3A_680 = arith.subi %sign3A_676, %sign3A_679 : i32
      %ne3A_681 = arith.cmpi ne, %sign3A_673, %sign3A_680 : i32
      %rem3A_682 = arith.remsi %squeeze3A_662, %jit3A_665 : i32
      %ne3A_683 = arith.constant 0 : i32
      %ne3A_684 = arith.cmpi ne, %rem3A_682, %ne3A_683 : i32
      %and3A_685 = arith.andi %ne3A_681, %ne3A_684 : i1
      %sub3A_686 = arith.constant 1 : i32
      %sub3A_687 = arith.subi %div3A_666, %sub3A_686 : i32
      %select_n3A_688 = arith.select %and3A_685, %sub3A_687, %div3A_666 : i32
      %mul3A_689 = arith.constant 128 : i32
      %mul3A_690 = arith.muli %select_n3A_688, %mul3A_689 : i32
      %dma_start3A_691 = arith.constant 0 : i32
      %dma_start3A_692 = arith.constant 0 : i32
      %dma_start3A_693 = arith.constant 0 : i32
      %dma_start3A_694 = tpu.memref_slice %arg9[%dma_start3A_691, %dma_start3A_692, %dma_start3A_693] : memref<4x64x128xf32, #tpu.memory_space<vmem>> -> memref<1x64x128xf32, #tpu.memory_space<vmem>>
      %dma_start3A_695 = tpu.memref_squeeze %dma_start3A_694 : memref<1x64x128xf32, #tpu.memory_space<vmem>> -> memref<64x128xf32, #tpu.memory_space<vmem>>
      %dma_start3A_696 = arith.constant 0 : i32
      %dma_start3A_697 = tpu.memref_slice %arg4[%dma_start3A_696, %mul3A_690] : memref<64x1000001xf32, #tpu.memory_space<hbm>> -> memref<64x128xf32, #tpu.memory_space<hbm>>
      %dma_start3A_698 = arith.constant 0 : i32
      %dma_start3A_699 = arith.constant 0 : i32
      %dma_start3A_700 = tpu.memref_slice %arg9[%dma_start3A_691, %dma_start3A_698, %dma_start3A_699] : memref<4x64x128xf32, #tpu.memory_space<vmem>> -> memref<1x64x128xf32, #tpu.memory_space<vmem>>
      %dma_start3A_701 = tpu.memref_squeeze %dma_start3A_700 : memref<1x64x128xf32, #tpu.memory_space<vmem>> -> memref<64x128xf32, #tpu.memory_space<vmem>>
      %dma_start3A_702 = arith.constant 0 : i32
      %dma_start3A_703 = tpu.memref_slice %arg4[%dma_start3A_702, %mul3A_690] : memref<64x1000001xf32, #tpu.memory_space<hbm>> -> memref<64x128xf32, #tpu.memory_space<hbm>>
      tpu.enqueue_dma source(%dma_start3A_703 : memref<64x128xf32, #tpu.memory_space<hbm>>) target(%dma_start3A_701 : memref<64x128xf32, #tpu.memory_space<vmem>>) target_semaphore(%arg12 : memref<!tpu.dma_semaphore, #tpu.memory_space<semaphore_mem>>)
      %jit3A_704 = arith.constant 128 : i32
      %div3A_705 = arith.divsi %squeeze3A_664, %jit3A_704 : i32
      %sign3A_706 = arith.constant 0 : i32
      %sign3A_707 = arith.cmpi sgt, %squeeze3A_664, %sign3A_706 : i32
      %sign3A_708 = arith.extui %sign3A_707 : i1 to i32
      %sign3A_709 = arith.constant 0 : i32
      %sign3A_710 = arith.cmpi slt, %squeeze3A_664, %sign3A_709 : i32
      %sign3A_711 = arith.extui %sign3A_710 : i1 to i32
      %sign3A_712 = arith.subi %sign3A_708, %sign3A_711 : i32
      %sign3A_713 = arith.constant 0 : i32
      %sign3A_714 = arith.cmpi sgt, %jit3A_704, %sign3A_713 : i32
      %sign3A_715 = arith.extui %sign3A_714 : i1 to i32
      %sign3A_716 = arith.constant 0 : i32
      %sign3A_717 = arith.cmpi slt, %jit3A_704, %sign3A_716 : i32
      %sign3A_718 = arith.extui %sign3A_717 : i1 to i32
      %sign3A_719 = arith.subi %sign3A_715, %sign3A_718 : i32
      %ne3A_720 = arith.cmpi ne, %sign3A_712, %sign3A_719 : i32
      %rem3A_721 = arith.remsi %squeeze3A_664, %jit3A_704 : i32
      %ne3A_722 = arith.constant 0 : i32
      %ne3A_723 = arith.cmpi ne, %rem3A_721, %ne3A_722 : i32
      %and3A_724 = arith.andi %ne3A_720, %ne3A_723 : i1
      %sub3A_725 = arith.constant 1 : i32
      %sub3A_726 = arith.subi %div3A_705, %sub3A_725 : i32
      %select_n3A_727 = arith.select %and3A_724, %sub3A_726, %div3A_705 : i32
      %mul3A_728 = arith.constant 128 : i32
      %mul3A_729 = arith.muli %select_n3A_727, %mul3A_728 : i32
      %dma_start3A_730 = arith.constant 0 : i32
      %dma_start3A_731 = arith.constant 0 : i32
      %dma_start3A_732 = arith.constant 0 : i32
      %dma_start3A_733 = tpu.memref_slice %arg10[%dma_start3A_730, %dma_start3A_731, %dma_start3A_732] : memref<4x64x128xf32, #tpu.memory_space<vmem>> -> memref<1x64x128xf32, #tpu.memory_space<vmem>>
      %dma_start3A_734 = tpu.memref_squeeze %dma_start3A_733 : memref<1x64x128xf32, #tpu.memory_space<vmem>> -> memref<64x128xf32, #tpu.memory_space<vmem>>
      %dma_start3A_735 = arith.constant 0 : i32
      %dma_start3A_736 = tpu.memref_slice %arg5[%dma_start3A_735, %mul3A_729] : memref<64x1000001xf32, #tpu.memory_space<hbm>> -> memref<64x128xf32, #tpu.memory_space<hbm>>
      %dma_start3A_737 = arith.constant 0 : i32
      %dma_start3A_738 = arith.constant 0 : i32
      %dma_start3A_739 = tpu.memref_slice %arg10[%dma_start3A_730, %dma_start3A_737, %dma_start3A_738] : memref<4x64x128xf32, #tpu.memory_space<vmem>> -> memref<1x64x128xf32, #tpu.memory_space<vmem>>
      %dma_start3A_740 = tpu.memref_squeeze %dma_start3A_739 : memref<1x64x128xf32, #tpu.memory_space<vmem>> -> memref<64x128xf32, #tpu.memory_space<vmem>>
      %dma_start3A_741 = arith.constant 0 : i32
      %dma_start3A_742 = tpu.memref_slice %arg5[%dma_start3A_741, %mul3A_729] : memref<64x1000001xf32, #tpu.memory_space<hbm>> -> memref<64x128xf32, #tpu.memory_space<hbm>>
      tpu.enqueue_dma source(%dma_start3A_742 : memref<64x128xf32, #tpu.memory_space<hbm>>) target(%dma_start3A_740 : memref<64x128xf32, #tpu.memory_space<vmem>>) target_semaphore(%arg12 : memref<!tpu.dma_semaphore, #tpu.memory_space<semaphore_mem>>)
      %jit3A_743 = arith.constant 128 : i32
      %eq3A_744 = arith.constant 0 : i32
      %eq3A_745 = arith.cmpi eq, %jit3A_743, %eq3A_744 : i32
      %jit3A_746 = arith.constant 1 : i32
      %select_n3A_747 = arith.select %eq3A_745, %jit3A_746, %jit3A_743 : i32
      %rem3A_748 = arith.remsi %squeeze3A_662, %select_n3A_747 : i32
      %ne3A_749 = arith.constant 0 : i32
      %ne3A_750 = arith.cmpi ne, %rem3A_748, %ne3A_749 : i32
      %lt3A_751 = arith.constant 0 : i32
      %lt3A_752 = arith.cmpi slt, %rem3A_748, %lt3A_751 : i32
      %lt3A_753 = arith.constant 0 : i32
      %lt3A_754 = arith.cmpi slt, %select_n3A_747, %lt3A_753 : i32
      %ne3A_755 = arith.xori %lt3A_752, %lt3A_754 : i1
      %and3A_756 = arith.andi %ne3A_755, %ne3A_750 : i1
      %add3A_757 = arith.addi %rem3A_748, %select_n3A_747 : i32
      %select_n3A_758 = arith.select %and3A_756, %add3A_757, %rem3A_748 : i32
      %broadcast_in_dim3A_759 = vector.broadcast %select_n3A_758 : i32 to vector<16xi32>
      %jit3A_760 = arith.constant 128 : i32
      %eq3A_761 = arith.constant 0 : i32
      %eq3A_762 = arith.cmpi eq, %jit3A_760, %eq3A_761 : i32
      %jit3A_763 = arith.constant 1 : i32
      %select_n3A_764 = arith.select %eq3A_762, %jit3A_763, %jit3A_760 : i32
      %rem3A_765 = arith.remsi %squeeze3A_664, %select_n3A_764 : i32
      %ne3A_766 = arith.constant 0 : i32
      %ne3A_767 = arith.cmpi ne, %rem3A_765, %ne3A_766 : i32
      %lt3A_768 = arith.constant 0 : i32
      %lt3A_769 = arith.cmpi slt, %rem3A_765, %lt3A_768 : i32
      %lt3A_770 = arith.constant 0 : i32
      %lt3A_771 = arith.cmpi slt, %select_n3A_764, %lt3A_770 : i32
      %ne3A_772 = arith.xori %lt3A_769, %lt3A_771 : i1
      %and3A_773 = arith.andi %ne3A_772, %ne3A_767 : i1
      %add3A_774 = arith.addi %rem3A_765, %select_n3A_764 : i32
      %select_n3A_775 = arith.select %and3A_773, %add3A_774, %rem3A_765 : i32
      %broadcast_in_dim3A_776 = vector.broadcast %select_n3A_775 : i32 to vector<16xi32>
      %slice3A_777 = vector.extract_strided_slice %get3A_23 {offsets = [5], sizes = [1], strides = [1]} : vector<16xi32> to vector<1xi32>
      %squeeze3A_778 = vector.extract %slice3A_777[0] : i32 from vector<1xi32>
      %slice3A_779 = vector.extract_strided_slice %get3A_25 {offsets = [5], sizes = [1], strides = [1]} : vector<16xi32> to vector<1xi32>
      %squeeze3A_780 = vector.extract %slice3A_779[0] : i32 from vector<1xi32>
      %jit3A_781 = arith.constant 128 : i32
      %div3A_782 = arith.divsi %squeeze3A_778, %jit3A_781 : i32
      %sign3A_783 = arith.constant 0 : i32
      %sign3A_784 = arith.cmpi sgt, %squeeze3A_778, %sign3A_783 : i32
      %sign3A_785 = arith.extui %sign3A_784 : i1 to i32
      %sign3A_786 = arith.constant 0 : i32
      %sign3A_787 = arith.cmpi slt, %squeeze3A_778, %sign3A_786 : i32
      %sign3A_788 = arith.extui %sign3A_787 : i1 to i32
      %sign3A_789 = arith.subi %sign3A_785, %sign3A_788 : i32
      %sign3A_790 = arith.constant 0 : i32
      %sign3A_791 = arith.cmpi sgt, %jit3A_781, %sign3A_790 : i32
      %sign3A_792 = arith.extui %sign3A_791 : i1 to i32
      %sign3A_793 = arith.constant 0 : i32
      %sign3A_794 = arith.cmpi slt, %jit3A_781, %sign3A_793 : i32
      %sign3A_795 = arith.extui %sign3A_794 : i1 to i32
      %sign3A_796 = arith.subi %sign3A_792, %sign3A_795 : i32
      %ne3A_797 = arith.cmpi ne, %sign3A_789, %sign3A_796 : i32
      %rem3A_798 = arith.remsi %squeeze3A_778, %jit3A_781 : i32
      %ne3A_799 = arith.constant 0 : i32
      %ne3A_800 = arith.cmpi ne, %rem3A_798, %ne3A_799 : i32
      %and3A_801 = arith.andi %ne3A_797, %ne3A_800 : i1
      %sub3A_802 = arith.constant 1 : i32
      %sub3A_803 = arith.subi %div3A_782, %sub3A_802 : i32
      %select_n3A_804 = arith.select %and3A_801, %sub3A_803, %div3A_782 : i32
      %mul3A_805 = arith.constant 128 : i32
      %mul3A_806 = arith.muli %select_n3A_804, %mul3A_805 : i32
      %dma_start3A_807 = arith.constant 1 : i32
      %dma_start3A_808 = arith.constant 0 : i32
      %dma_start3A_809 = arith.constant 0 : i32
      %dma_start3A_810 = tpu.memref_slice %arg9[%dma_start3A_807, %dma_start3A_808, %dma_start3A_809] : memref<4x64x128xf32, #tpu.memory_space<vmem>> -> memref<1x64x128xf32, #tpu.memory_space<vmem>>
      %dma_start3A_811 = tpu.memref_squeeze %dma_start3A_810 : memref<1x64x128xf32, #tpu.memory_space<vmem>> -> memref<64x128xf32, #tpu.memory_space<vmem>>
      %dma_start3A_812 = arith.constant 0 : i32
      %dma_start3A_813 = tpu.memref_slice %arg4[%dma_start3A_812, %mul3A_806] : memref<64x1000001xf32, #tpu.memory_space<hbm>> -> memref<64x128xf32, #tpu.memory_space<hbm>>
      %dma_start3A_814 = arith.constant 0 : i32
      %dma_start3A_815 = arith.constant 0 : i32
      %dma_start3A_816 = tpu.memref_slice %arg9[%dma_start3A_807, %dma_start3A_814, %dma_start3A_815] : memref<4x64x128xf32, #tpu.memory_space<vmem>> -> memref<1x64x128xf32, #tpu.memory_space<vmem>>
      %dma_start3A_817 = tpu.memref_squeeze %dma_start3A_816 : memref<1x64x128xf32, #tpu.memory_space<vmem>> -> memref<64x128xf32, #tpu.memory_space<vmem>>
      %dma_start3A_818 = arith.constant 0 : i32
      %dma_start3A_819 = tpu.memref_slice %arg4[%dma_start3A_818, %mul3A_806] : memref<64x1000001xf32, #tpu.memory_space<hbm>> -> memref<64x128xf32, #tpu.memory_space<hbm>>
      tpu.enqueue_dma source(%dma_start3A_819 : memref<64x128xf32, #tpu.memory_space<hbm>>) target(%dma_start3A_817 : memref<64x128xf32, #tpu.memory_space<vmem>>) target_semaphore(%arg12 : memref<!tpu.dma_semaphore, #tpu.memory_space<semaphore_mem>>)
      %jit3A_820 = arith.constant 128 : i32
      %div3A_821 = arith.divsi %squeeze3A_780, %jit3A_820 : i32
      %sign3A_822 = arith.constant 0 : i32
      %sign3A_823 = arith.cmpi sgt, %squeeze3A_780, %sign3A_822 : i32
      %sign3A_824 = arith.extui %sign3A_823 : i1 to i32
      %sign3A_825 = arith.constant 0 : i32
      %sign3A_826 = arith.cmpi slt, %squeeze3A_780, %sign3A_825 : i32
      %sign3A_827 = arith.extui %sign3A_826 : i1 to i32
      %sign3A_828 = arith.subi %sign3A_824, %sign3A_827 : i32
      %sign3A_829 = arith.constant 0 : i32
      %sign3A_830 = arith.cmpi sgt, %jit3A_820, %sign3A_829 : i32
      %sign3A_831 = arith.extui %sign3A_830 : i1 to i32
      %sign3A_832 = arith.constant 0 : i32
      %sign3A_833 = arith.cmpi slt, %jit3A_820, %sign3A_832 : i32
      %sign3A_834 = arith.extui %sign3A_833 : i1 to i32
      %sign3A_835 = arith.subi %sign3A_831, %sign3A_834 : i32
      %ne3A_836 = arith.cmpi ne, %sign3A_828, %sign3A_835 : i32
      %rem3A_837 = arith.remsi %squeeze3A_780, %jit3A_820 : i32
      %ne3A_838 = arith.constant 0 : i32
      %ne3A_839 = arith.cmpi ne, %rem3A_837, %ne3A_838 : i32
      %and3A_840 = arith.andi %ne3A_836, %ne3A_839 : i1
      %sub3A_841 = arith.constant 1 : i32
      %sub3A_842 = arith.subi %div3A_821, %sub3A_841 : i32
      %select_n3A_843 = arith.select %and3A_840, %sub3A_842, %div3A_821 : i32
      %mul3A_844 = arith.constant 128 : i32
      %mul3A_845 = arith.muli %select_n3A_843, %mul3A_844 : i32
      %dma_start3A_846 = arith.constant 1 : i32
      %dma_start3A_847 = arith.constant 0 : i32
      %dma_start3A_848 = arith.constant 0 : i32
      %dma_start3A_849 = tpu.memref_slice %arg10[%dma_start3A_846, %dma_start3A_847, %dma_start3A_848] : memref<4x64x128xf32, #tpu.memory_space<vmem>> -> memref<1x64x128xf32, #tpu.memory_space<vmem>>
      %dma_start3A_850 = tpu.memref_squeeze %dma_start3A_849 : memref<1x64x128xf32, #tpu.memory_space<vmem>> -> memref<64x128xf32, #tpu.memory_space<vmem>>
      %dma_start3A_851 = arith.constant 0 : i32
      %dma_start3A_852 = tpu.memref_slice %arg5[%dma_start3A_851, %mul3A_845] : memref<64x1000001xf32, #tpu.memory_space<hbm>> -> memref<64x128xf32, #tpu.memory_space<hbm>>
      %dma_start3A_853 = arith.constant 0 : i32
      %dma_start3A_854 = arith.constant 0 : i32
      %dma_start3A_855 = tpu.memref_slice %arg10[%dma_start3A_846, %dma_start3A_853, %dma_start3A_854] : memref<4x64x128xf32, #tpu.memory_space<vmem>> -> memref<1x64x128xf32, #tpu.memory_space<vmem>>
      %dma_start3A_856 = tpu.memref_squeeze %dma_start3A_855 : memref<1x64x128xf32, #tpu.memory_space<vmem>> -> memref<64x128xf32, #tpu.memory_space<vmem>>
      %dma_start3A_857 = arith.constant 0 : i32
      %dma_start3A_858 = tpu.memref_slice %arg5[%dma_start3A_857, %mul3A_845] : memref<64x1000001xf32, #tpu.memory_space<hbm>> -> memref<64x128xf32, #tpu.memory_space<hbm>>
      tpu.enqueue_dma source(%dma_start3A_858 : memref<64x128xf32, #tpu.memory_space<hbm>>) target(%dma_start3A_856 : memref<64x128xf32, #tpu.memory_space<vmem>>) target_semaphore(%arg12 : memref<!tpu.dma_semaphore, #tpu.memory_space<semaphore_mem>>)
      %jit3A_859 = arith.constant 128 : i32
      %eq3A_860 = arith.constant 0 : i32
      %eq3A_861 = arith.cmpi eq, %jit3A_859, %eq3A_860 : i32
      %jit3A_862 = arith.constant 1 : i32
      %select_n3A_863 = arith.select %eq3A_861, %jit3A_862, %jit3A_859 : i32
      %rem3A_864 = arith.remsi %squeeze3A_778, %select_n3A_863 : i32
      %ne3A_865 = arith.constant 0 : i32
      %ne3A_866 = arith.cmpi ne, %rem3A_864, %ne3A_865 : i32
      %lt3A_867 = arith.constant 0 : i32
      %lt3A_868 = arith.cmpi slt, %rem3A_864, %lt3A_867 : i32
      %lt3A_869 = arith.constant 0 : i32
      %lt3A_870 = arith.cmpi slt, %select_n3A_863, %lt3A_869 : i32
      %ne3A_871 = arith.xori %lt3A_868, %lt3A_870 : i1
      %and3A_872 = arith.andi %ne3A_871, %ne3A_866 : i1
      %add3A_873 = arith.addi %rem3A_864, %select_n3A_863 : i32
      %select_n3A_874 = arith.select %and3A_872, %add3A_873, %rem3A_864 : i32
      %broadcast_in_dim3A_875 = vector.broadcast %select_n3A_874 : i32 to vector<16xi32>
      %jit3A_876 = arith.constant 128 : i32
      %eq3A_877 = arith.constant 0 : i32
      %eq3A_878 = arith.cmpi eq, %jit3A_876, %eq3A_877 : i32
      %jit3A_879 = arith.constant 1 : i32
      %select_n3A_880 = arith.select %eq3A_878, %jit3A_879, %jit3A_876 : i32
      %rem3A_881 = arith.remsi %squeeze3A_780, %select_n3A_880 : i32
      %ne3A_882 = arith.constant 0 : i32
      %ne3A_883 = arith.cmpi ne, %rem3A_881, %ne3A_882 : i32
      %lt3A_884 = arith.constant 0 : i32
      %lt3A_885 = arith.cmpi slt, %rem3A_881, %lt3A_884 : i32
      %lt3A_886 = arith.constant 0 : i32
      %lt3A_887 = arith.cmpi slt, %select_n3A_880, %lt3A_886 : i32
      %ne3A_888 = arith.xori %lt3A_885, %lt3A_887 : i1
      %and3A_889 = arith.andi %ne3A_888, %ne3A_883 : i1
      %add3A_890 = arith.addi %rem3A_881, %select_n3A_880 : i32
      %select_n3A_891 = arith.select %and3A_889, %add3A_890, %rem3A_881 : i32
      %broadcast_in_dim3A_892 = vector.broadcast %select_n3A_891 : i32 to vector<16xi32>
      %dma_wait3A_893 = arith.constant 2 : i32
      %dma_wait3A_894 = arith.constant 0 : i32
      %dma_wait3A_895 = arith.constant 0 : i32
      %dma_wait3A_896 = tpu.memref_slice %arg9[%dma_wait3A_893, %dma_wait3A_894, %dma_wait3A_895] : memref<4x64x128xf32, #tpu.memory_space<vmem>> -> memref<1x64x128xf32, #tpu.memory_space<vmem>>
      %dma_wait3A_897 = tpu.memref_squeeze %dma_wait3A_896 : memref<1x64x128xf32, #tpu.memory_space<vmem>> -> memref<64x128xf32, #tpu.memory_space<vmem>>
      %dma_wait3A_898 = arith.constant 0 : i32
      %dma_wait3A_899 = tpu.memref_slice %arg4[%dma_wait3A_898, %mul3A_275] : memref<64x1000001xf32, #tpu.memory_space<hbm>> -> memref<64x128xf32, #tpu.memory_space<hbm>>
      %dma_wait3A_900 = arith.constant 0 : i32
      %dma_wait3A_901 = arith.constant 0 : i32
      %dma_wait3A_902 = tpu.memref_slice %arg9[%dma_wait3A_893, %dma_wait3A_900, %dma_wait3A_901] : memref<4x64x128xf32, #tpu.memory_space<vmem>> -> memref<1x64x128xf32, #tpu.memory_space<vmem>>
      %dma_wait3A_903 = tpu.memref_squeeze %dma_wait3A_902 : memref<1x64x128xf32, #tpu.memory_space<vmem>> -> memref<64x128xf32, #tpu.memory_space<vmem>>
      %dma_wait3A_904 = arith.constant 0 : i32
      %dma_wait3A_905 = tpu.memref_slice %arg4[%dma_wait3A_904, %mul3A_275] : memref<64x1000001xf32, #tpu.memory_space<hbm>> -> memref<64x128xf32, #tpu.memory_space<hbm>>
      tpu.wait_dma2 semaphore(%arg12 : memref<!tpu.dma_semaphore, #tpu.memory_space<semaphore_mem>>) src(%dma_wait3A_905 : memref<64x128xf32, #tpu.memory_space<hbm>>) dst(%dma_wait3A_903 : memref<64x128xf32, #tpu.memory_space<vmem>>)
      %dma_wait3A_906 = arith.constant 2 : i32
      %dma_wait3A_907 = arith.constant 0 : i32
      %dma_wait3A_908 = arith.constant 0 : i32
      %dma_wait3A_909 = tpu.memref_slice %arg10[%dma_wait3A_906, %dma_wait3A_907, %dma_wait3A_908] : memref<4x64x128xf32, #tpu.memory_space<vmem>> -> memref<1x64x128xf32, #tpu.memory_space<vmem>>
      %dma_wait3A_910 = tpu.memref_squeeze %dma_wait3A_909 : memref<1x64x128xf32, #tpu.memory_space<vmem>> -> memref<64x128xf32, #tpu.memory_space<vmem>>
      %dma_wait3A_911 = arith.constant 0 : i32
      %dma_wait3A_912 = tpu.memref_slice %arg5[%dma_wait3A_911, %mul3A_314] : memref<64x1000001xf32, #tpu.memory_space<hbm>> -> memref<64x128xf32, #tpu.memory_space<hbm>>
      %dma_wait3A_913 = arith.constant 0 : i32
      %dma_wait3A_914 = arith.constant 0 : i32
      %dma_wait3A_915 = tpu.memref_slice %arg10[%dma_wait3A_906, %dma_wait3A_913, %dma_wait3A_914] : memref<4x64x128xf32, #tpu.memory_space<vmem>> -> memref<1x64x128xf32, #tpu.memory_space<vmem>>
      %dma_wait3A_916 = tpu.memref_squeeze %dma_wait3A_915 : memref<1x64x128xf32, #tpu.memory_space<vmem>> -> memref<64x128xf32, #tpu.memory_space<vmem>>
      %dma_wait3A_917 = arith.constant 0 : i32
      %dma_wait3A_918 = tpu.memref_slice %arg5[%dma_wait3A_917, %mul3A_314] : memref<64x1000001xf32, #tpu.memory_space<hbm>> -> memref<64x128xf32, #tpu.memory_space<hbm>>
      tpu.wait_dma2 semaphore(%arg12 : memref<!tpu.dma_semaphore, #tpu.memory_space<semaphore_mem>>) src(%dma_wait3A_918 : memref<64x128xf32, #tpu.memory_space<hbm>>) dst(%dma_wait3A_916 : memref<64x128xf32, #tpu.memory_space<vmem>>)
      %dma_wait3A_919 = arith.constant 3 : i32
      %dma_wait3A_920 = arith.constant 0 : i32
      %dma_wait3A_921 = arith.constant 0 : i32
      %dma_wait3A_922 = tpu.memref_slice %arg9[%dma_wait3A_919, %dma_wait3A_920, %dma_wait3A_921] : memref<4x64x128xf32, #tpu.memory_space<vmem>> -> memref<1x64x128xf32, #tpu.memory_space<vmem>>
      %dma_wait3A_923 = tpu.memref_squeeze %dma_wait3A_922 : memref<1x64x128xf32, #tpu.memory_space<vmem>> -> memref<64x128xf32, #tpu.memory_space<vmem>>
      %dma_wait3A_924 = arith.constant 0 : i32
      %dma_wait3A_925 = tpu.memref_slice %arg4[%dma_wait3A_924, %mul3A_391] : memref<64x1000001xf32, #tpu.memory_space<hbm>> -> memref<64x128xf32, #tpu.memory_space<hbm>>
      %dma_wait3A_926 = arith.constant 0 : i32
      %dma_wait3A_927 = arith.constant 0 : i32
      %dma_wait3A_928 = tpu.memref_slice %arg9[%dma_wait3A_919, %dma_wait3A_926, %dma_wait3A_927] : memref<4x64x128xf32, #tpu.memory_space<vmem>> -> memref<1x64x128xf32, #tpu.memory_space<vmem>>
      %dma_wait3A_929 = tpu.memref_squeeze %dma_wait3A_928 : memref<1x64x128xf32, #tpu.memory_space<vmem>> -> memref<64x128xf32, #tpu.memory_space<vmem>>
      %dma_wait3A_930 = arith.constant 0 : i32
      %dma_wait3A_931 = tpu.memref_slice %arg4[%dma_wait3A_930, %mul3A_391] : memref<64x1000001xf32, #tpu.memory_space<hbm>> -> memref<64x128xf32, #tpu.memory_space<hbm>>
      tpu.wait_dma2 semaphore(%arg12 : memref<!tpu.dma_semaphore, #tpu.memory_space<semaphore_mem>>) src(%dma_wait3A_931 : memref<64x128xf32, #tpu.memory_space<hbm>>) dst(%dma_wait3A_929 : memref<64x128xf32, #tpu.memory_space<vmem>>)
      %dma_wait3A_932 = arith.constant 3 : i32
      %dma_wait3A_933 = arith.constant 0 : i32
      %dma_wait3A_934 = arith.constant 0 : i32
      %dma_wait3A_935 = tpu.memref_slice %arg10[%dma_wait3A_932, %dma_wait3A_933, %dma_wait3A_934] : memref<4x64x128xf32, #tpu.memory_space<vmem>> -> memref<1x64x128xf32, #tpu.memory_space<vmem>>
      %dma_wait3A_936 = tpu.memref_squeeze %dma_wait3A_935 : memref<1x64x128xf32, #tpu.memory_space<vmem>> -> memref<64x128xf32, #tpu.memory_space<vmem>>
      %dma_wait3A_937 = arith.constant 0 : i32
      %dma_wait3A_938 = tpu.memref_slice %arg5[%dma_wait3A_937, %mul3A_430] : memref<64x1000001xf32, #tpu.memory_space<hbm>> -> memref<64x128xf32, #tpu.memory_space<hbm>>
      %dma_wait3A_939 = arith.constant 0 : i32
      %dma_wait3A_940 = arith.constant 0 : i32
      %dma_wait3A_941 = tpu.memref_slice %arg10[%dma_wait3A_932, %dma_wait3A_939, %dma_wait3A_940] : memref<4x64x128xf32, #tpu.memory_space<vmem>> -> memref<1x64x128xf32, #tpu.memory_space<vmem>>
      %dma_wait3A_942 = tpu.memref_squeeze %dma_wait3A_941 : memref<1x64x128xf32, #tpu.memory_space<vmem>> -> memref<64x128xf32, #tpu.memory_space<vmem>>
      %dma_wait3A_943 = arith.constant 0 : i32
      %dma_wait3A_944 = tpu.memref_slice %arg5[%dma_wait3A_943, %mul3A_430] : memref<64x1000001xf32, #tpu.memory_space<hbm>> -> memref<64x128xf32, #tpu.memory_space<hbm>>
      tpu.wait_dma2 semaphore(%arg12 : memref<!tpu.dma_semaphore, #tpu.memory_space<semaphore_mem>>) src(%dma_wait3A_944 : memref<64x128xf32, #tpu.memory_space<hbm>>) dst(%dma_wait3A_942 : memref<64x128xf32, #tpu.memory_space<vmem>>)
      %broadcast_in_dim3A_945 = arith.constant 0.000000e+00 : f32
      %broadcast_in_dim3A_946 = vector.broadcast %broadcast_in_dim3A_945 : f32 to vector<16xf32>
      %gather3A_947 = arith.constant 2 : i32
      %gather3A_948 = arith.constant 0 : i32
      %gather3A_949 = arith.constant 0 : i32
      %gather3A_950 = tpu.memref_slice %arg9[%gather3A_947, %gather3A_948, %gather3A_949] : memref<4x64x128xf32, #tpu.memory_space<vmem>> -> memref<1x64x128xf32, #tpu.memory_space<vmem>>
      %gather3A_951 = tpu.memref_squeeze %gather3A_950 : memref<1x64x128xf32, #tpu.memory_space<vmem>> -> memref<64x128xf32, #tpu.memory_space<vmem>>
      %gather3A_952 = tpu.vector_load_idx %gather3A_951[%add3A_5, %broadcast_in_dim3A_344] : memref<64x128xf32, #tpu.memory_space<vmem>>[vector<16xi32>, vector<16xi32>], vector<16xf32>,
      %gather3A_953 = arith.constant 2 : i32
      %gather3A_954 = arith.constant 0 : i32
      %gather3A_955 = arith.constant 0 : i32
      %gather3A_956 = tpu.memref_slice %arg10[%gather3A_953, %gather3A_954, %gather3A_955] : memref<4x64x128xf32, #tpu.memory_space<vmem>> -> memref<1x64x128xf32, #tpu.memory_space<vmem>>
      %gather3A_957 = tpu.memref_squeeze %gather3A_956 : memref<1x64x128xf32, #tpu.memory_space<vmem>> -> memref<64x128xf32, #tpu.memory_space<vmem>>
      %gather3A_958 = tpu.vector_load_idx %gather3A_957[%add3A_5, %broadcast_in_dim3A_361] : memref<64x128xf32, #tpu.memory_space<vmem>>[vector<16xi32>, vector<16xi32>], vector<16xf32>,
      %mul3A_959 = arith.mulf %gather3A_952, %gather3A_958 : vector<16xf32>
      %add3A_960 = arith.addf %broadcast_in_dim3A_946, %mul3A_959 : vector<16xf32>
      %gather3A_961 = arith.constant 2 : i32
      %gather3A_962 = arith.constant 0 : i32
      %gather3A_963 = arith.constant 0 : i32
      %gather3A_964 = tpu.memref_slice %arg9[%gather3A_961, %gather3A_962, %gather3A_963] : memref<4x64x128xf32, #tpu.memory_space<vmem>> -> memref<1x64x128xf32, #tpu.memory_space<vmem>>
      %gather3A_965 = tpu.memref_squeeze %gather3A_964 : memref<1x64x128xf32, #tpu.memory_space<vmem>> -> memref<64x128xf32, #tpu.memory_space<vmem>>
      %gather3A_966 = tpu.vector_load_idx %gather3A_965[%add3A_8, %broadcast_in_dim3A_344] : memref<64x128xf32, #tpu.memory_space<vmem>>[vector<16xi32>, vector<16xi32>], vector<16xf32>,
      %gather3A_967 = arith.constant 2 : i32
      %gather3A_968 = arith.constant 0 : i32
      %gather3A_969 = arith.constant 0 : i32
      %gather3A_970 = tpu.memref_slice %arg10[%gather3A_967, %gather3A_968, %gather3A_969] : memref<4x64x128xf32, #tpu.memory_space<vmem>> -> memref<1x64x128xf32, #tpu.memory_space<vmem>>
      %gather3A_971 = tpu.memref_squeeze %gather3A_970 : memref<1x64x128xf32, #tpu.memory_space<vmem>> -> memref<64x128xf32, #tpu.memory_space<vmem>>
      %gather3A_972 = tpu.vector_load_idx %gather3A_971[%add3A_8, %broadcast_in_dim3A_361] : memref<64x128xf32, #tpu.memory_space<vmem>>[vector<16xi32>, vector<16xi32>], vector<16xf32>,
      %mul3A_973 = arith.mulf %gather3A_966, %gather3A_972 : vector<16xf32>
      %add3A_974 = arith.addf %add3A_960, %mul3A_973 : vector<16xf32>
      %gather3A_975 = arith.constant 2 : i32
      %gather3A_976 = arith.constant 0 : i32
      %gather3A_977 = arith.constant 0 : i32
      %gather3A_978 = tpu.memref_slice %arg9[%gather3A_975, %gather3A_976, %gather3A_977] : memref<4x64x128xf32, #tpu.memory_space<vmem>> -> memref<1x64x128xf32, #tpu.memory_space<vmem>>
      %gather3A_979 = tpu.memref_squeeze %gather3A_978 : memref<1x64x128xf32, #tpu.memory_space<vmem>> -> memref<64x128xf32, #tpu.memory_space<vmem>>
      %gather3A_980 = tpu.vector_load_idx %gather3A_979[%add3A_11, %broadcast_in_dim3A_344] : memref<64x128xf32, #tpu.memory_space<vmem>>[vector<16xi32>, vector<16xi32>], vector<16xf32>,
      %gather3A_981 = arith.constant 2 : i32
      %gather3A_982 = arith.constant 0 : i32
      %gather3A_983 = arith.constant 0 : i32
      %gather3A_984 = tpu.memref_slice %arg10[%gather3A_981, %gather3A_982, %gather3A_983] : memref<4x64x128xf32, #tpu.memory_space<vmem>> -> memref<1x64x128xf32, #tpu.memory_space<vmem>>
      %gather3A_985 = tpu.memref_squeeze %gather3A_984 : memref<1x64x128xf32, #tpu.memory_space<vmem>> -> memref<64x128xf32, #tpu.memory_space<vmem>>
      %gather3A_986 = tpu.vector_load_idx %gather3A_985[%add3A_11, %broadcast_in_dim3A_361] : memref<64x128xf32, #tpu.memory_space<vmem>>[vector<16xi32>, vector<16xi32>], vector<16xf32>,
      %mul3A_987 = arith.mulf %gather3A_980, %gather3A_986 : vector<16xf32>
      %add3A_988 = arith.addf %add3A_974, %mul3A_987 : vector<16xf32>
      %gather3A_989 = arith.constant 2 : i32
      %gather3A_990 = arith.constant 0 : i32
      %gather3A_991 = arith.constant 0 : i32
      %gather3A_992 = tpu.memref_slice %arg9[%gather3A_989, %gather3A_990, %gather3A_991] : memref<4x64x128xf32, #tpu.memory_space<vmem>> -> memref<1x64x128xf32, #tpu.memory_space<vmem>>
      %gather3A_993 = tpu.memref_squeeze %gather3A_992 : memref<1x64x128xf32, #tpu.memory_space<vmem>> -> memref<64x128xf32, #tpu.memory_space<vmem>>
      %gather3A_994 = tpu.vector_load_idx %gather3A_993[%add3A_14, %broadcast_in_dim3A_344] : memref<64x128xf32, #tpu.memory_space<vmem>>[vector<16xi32>, vector<16xi32>], vector<16xf32>,
      %gather3A_995 = arith.constant 2 : i32
      %gather3A_996 = arith.constant 0 : i32
      %gather3A_997 = arith.constant 0 : i32
      %gather3A_998 = tpu.memref_slice %arg10[%gather3A_995, %gather3A_996, %gather3A_997] : memref<4x64x128xf32, #tpu.memory_space<vmem>> -> memref<1x64x128xf32, #tpu.memory_space<vmem>>
      %gather3A_999 = tpu.memref_squeeze %gather3A_998 : memref<1x64x128xf32, #tpu.memory_space<vmem>> -> memref<64x128xf32, #tpu.memory_space<vmem>>
      %gather3A_1000 = tpu.vector_load_idx %gather3A_999[%add3A_14, %broadcast_in_dim3A_361] : memref<64x128xf32, #tpu.memory_space<vmem>>[vector<16xi32>, vector<16xi32>], vector<16xf32>,
      %mul3A_1001 = arith.mulf %gather3A_994, %gather3A_1000 : vector<16xf32>
      %add3A_1002 = arith.addf %add3A_988, %mul3A_1001 : vector<16xf32>
      %eq3A_1003 = arith.constant 2 : i32
      %eq3A_1004 = vector.broadcast %eq3A_1003 : i32 to vector<16xi32>
      %eq3A_1005 = arith.cmpi eq, %iota3A, %eq3A_1004 : vector<16xi32>
      %reduce_sum3A_1006 = arith.constant true
      %reduce_sum3A_1007 = vector.broadcast %reduce_sum3A_1006 : i1 to vector<16xi1>
      %reduce_sum3A_1008 = tpu.scan <sum>, %add3A_1002 masked %reduce_sum3A_1007 : vector<16xf32>, vector<16xi1> -> vector<16xf32>
      %reduce_sum3A_1009 = vector.extract %reduce_sum3A_1008[15] : f32 from vector<16xf32>
      %broadcast_in_dim3A_1010 = vector.broadcast %reduce_sum3A_1009 : f32 to vector<16xf32>
      %select_n3A_1011 = arith.select %eq3A_1005, %broadcast_in_dim3A_1010, %select_n3A_660 : vector<16xi1>, vector<16xf32>
      %broadcast_in_dim3A_1012 = arith.constant 0.000000e+00 : f32
      %broadcast_in_dim3A_1013 = vector.broadcast %broadcast_in_dim3A_1012 : f32 to vector<16xf32>
      %gather3A_1014 = arith.constant 3 : i32
      %gather3A_1015 = arith.constant 0 : i32
      %gather3A_1016 = arith.constant 0 : i32
      %gather3A_1017 = tpu.memref_slice %arg9[%gather3A_1014, %gather3A_1015, %gather3A_1016] : memref<4x64x128xf32, #tpu.memory_space<vmem>> -> memref<1x64x128xf32, #tpu.memory_space<vmem>>
      %gather3A_1018 = tpu.memref_squeeze %gather3A_1017 : memref<1x64x128xf32, #tpu.memory_space<vmem>> -> memref<64x128xf32, #tpu.memory_space<vmem>>
      %gather3A_1019 = tpu.vector_load_idx %gather3A_1018[%add3A_5, %broadcast_in_dim3A_460] : memref<64x128xf32, #tpu.memory_space<vmem>>[vector<16xi32>, vector<16xi32>], vector<16xf32>,
      %gather3A_1020 = arith.constant 3 : i32
      %gather3A_1021 = arith.constant 0 : i32
      %gather3A_1022 = arith.constant 0 : i32
      %gather3A_1023 = tpu.memref_slice %arg10[%gather3A_1020, %gather3A_1021, %gather3A_1022] : memref<4x64x128xf32, #tpu.memory_space<vmem>> -> memref<1x64x128xf32, #tpu.memory_space<vmem>>
      %gather3A_1024 = tpu.memref_squeeze %gather3A_1023 : memref<1x64x128xf32, #tpu.memory_space<vmem>> -> memref<64x128xf32, #tpu.memory_space<vmem>>
      %gather3A_1025 = tpu.vector_load_idx %gather3A_1024[%add3A_5, %broadcast_in_dim3A_477] : memref<64x128xf32, #tpu.memory_space<vmem>>[vector<16xi32>, vector<16xi32>], vector<16xf32>,
      %mul3A_1026 = arith.mulf %gather3A_1019, %gather3A_1025 : vector<16xf32>
      %add3A_1027 = arith.addf %broadcast_in_dim3A_1013, %mul3A_1026 : vector<16xf32>
      %gather3A_1028 = arith.constant 3 : i32
      %gather3A_1029 = arith.constant 0 : i32
      %gather3A_1030 = arith.constant 0 : i32
      %gather3A_1031 = tpu.memref_slice %arg9[%gather3A_1028, %gather3A_1029, %gather3A_1030] : memref<4x64x128xf32, #tpu.memory_space<vmem>> -> memref<1x64x128xf32, #tpu.memory_space<vmem>>
      %gather3A_1032 = tpu.memref_squeeze %gather3A_1031 : memref<1x64x128xf32, #tpu.memory_space<vmem>> -> memref<64x128xf32, #tpu.memory_space<vmem>>
      %gather3A_1033 = tpu.vector_load_idx %gather3A_1032[%add3A_8, %broadcast_in_dim3A_460] : memref<64x128xf32, #tpu.memory_space<vmem>>[vector<16xi32>, vector<16xi32>], vector<16xf32>,
      %gather3A_1034 = arith.constant 3 : i32
      %gather3A_1035 = arith.constant 0 : i32
      %gather3A_1036 = arith.constant 0 : i32
      %gather3A_1037 = tpu.memref_slice %arg10[%gather3A_1034, %gather3A_1035, %gather3A_1036] : memref<4x64x128xf32, #tpu.memory_space<vmem>> -> memref<1x64x128xf32, #tpu.memory_space<vmem>>
      %gather3A_1038 = tpu.memref_squeeze %gather3A_1037 : memref<1x64x128xf32, #tpu.memory_space<vmem>> -> memref<64x128xf32, #tpu.memory_space<vmem>>
      %gather3A_1039 = tpu.vector_load_idx %gather3A_1038[%add3A_8, %broadcast_in_dim3A_477] : memref<64x128xf32, #tpu.memory_space<vmem>>[vector<16xi32>, vector<16xi32>], vector<16xf32>,
      %mul3A_1040 = arith.mulf %gather3A_1033, %gather3A_1039 : vector<16xf32>
      %add3A_1041 = arith.addf %add3A_1027, %mul3A_1040 : vector<16xf32>
      %gather3A_1042 = arith.constant 3 : i32
      %gather3A_1043 = arith.constant 0 : i32
      %gather3A_1044 = arith.constant 0 : i32
      %gather3A_1045 = tpu.memref_slice %arg9[%gather3A_1042, %gather3A_1043, %gather3A_1044] : memref<4x64x128xf32, #tpu.memory_space<vmem>> -> memref<1x64x128xf32, #tpu.memory_space<vmem>>
      %gather3A_1046 = tpu.memref_squeeze %gather3A_1045 : memref<1x64x128xf32, #tpu.memory_space<vmem>> -> memref<64x128xf32, #tpu.memory_space<vmem>>
      %gather3A_1047 = tpu.vector_load_idx %gather3A_1046[%add3A_11, %broadcast_in_dim3A_460] : memref<64x128xf32, #tpu.memory_space<vmem>>[vector<16xi32>, vector<16xi32>], vector<16xf32>,
      %gather3A_1048 = arith.constant 3 : i32
      %gather3A_1049 = arith.constant 0 : i32
      %gather3A_1050 = arith.constant 0 : i32
      %gather3A_1051 = tpu.memref_slice %arg10[%gather3A_1048, %gather3A_1049, %gather3A_1050] : memref<4x64x128xf32, #tpu.memory_space<vmem>> -> memref<1x64x128xf32, #tpu.memory_space<vmem>>
      %gather3A_1052 = tpu.memref_squeeze %gather3A_1051 : memref<1x64x128xf32, #tpu.memory_space<vmem>> -> memref<64x128xf32, #tpu.memory_space<vmem>>
      %gather3A_1053 = tpu.vector_load_idx %gather3A_1052[%add3A_11, %broadcast_in_dim3A_477] : memref<64x128xf32, #tpu.memory_space<vmem>>[vector<16xi32>, vector<16xi32>], vector<16xf32>,
      %mul3A_1054 = arith.mulf %gather3A_1047, %gather3A_1053 : vector<16xf32>
      %add3A_1055 = arith.addf %add3A_1041, %mul3A_1054 : vector<16xf32>
      %gather3A_1056 = arith.constant 3 : i32
      %gather3A_1057 = arith.constant 0 : i32
      %gather3A_1058 = arith.constant 0 : i32
      %gather3A_1059 = tpu.memref_slice %arg9[%gather3A_1056, %gather3A_1057, %gather3A_1058] : memref<4x64x128xf32, #tpu.memory_space<vmem>> -> memref<1x64x128xf32, #tpu.memory_space<vmem>>
      %gather3A_1060 = tpu.memref_squeeze %gather3A_1059 : memref<1x64x128xf32, #tpu.memory_space<vmem>> -> memref<64x128xf32, #tpu.memory_space<vmem>>
      %gather3A_1061 = tpu.vector_load_idx %gather3A_1060[%add3A_14, %broadcast_in_dim3A_460] : memref<64x128xf32, #tpu.memory_space<vmem>>[vector<16xi32>, vector<16xi32>], vector<16xf32>,
      %gather3A_1062 = arith.constant 3 : i32
      %gather3A_1063 = arith.constant 0 : i32
      %gather3A_1064 = arith.constant 0 : i32
      %gather3A_1065 = tpu.memref_slice %arg10[%gather3A_1062, %gather3A_1063, %gather3A_1064] : memref<4x64x128xf32, #tpu.memory_space<vmem>> -> memref<1x64x128xf32, #tpu.memory_space<vmem>>
      %gather3A_1066 = tpu.memref_squeeze %gather3A_1065 : memref<1x64x128xf32, #tpu.memory_space<vmem>> -> memref<64x128xf32, #tpu.memory_space<vmem>>
      %gather3A_1067 = tpu.vector_load_idx %gather3A_1066[%add3A_14, %broadcast_in_dim3A_477] : memref<64x128xf32, #tpu.memory_space<vmem>>[vector<16xi32>, vector<16xi32>], vector<16xf32>,
      %mul3A_1068 = arith.mulf %gather3A_1061, %gather3A_1067 : vector<16xf32>
      %add3A_1069 = arith.addf %add3A_1055, %mul3A_1068 : vector<16xf32>
      %eq3A_1070 = arith.constant 3 : i32
      %eq3A_1071 = vector.broadcast %eq3A_1070 : i32 to vector<16xi32>
      %eq3A_1072 = arith.cmpi eq, %iota3A, %eq3A_1071 : vector<16xi32>
      %reduce_sum3A_1073 = arith.constant true
      %reduce_sum3A_1074 = vector.broadcast %reduce_sum3A_1073 : i1 to vector<16xi1>
      %reduce_sum3A_1075 = tpu.scan <sum>, %add3A_1069 masked %reduce_sum3A_1074 : vector<16xf32>, vector<16xi1> -> vector<16xf32>
      %reduce_sum3A_1076 = vector.extract %reduce_sum3A_1075[15] : f32 from vector<16xf32>
      %broadcast_in_dim3A_1077 = vector.broadcast %reduce_sum3A_1076 : f32 to vector<16xf32>
      %select_n3A_1078 = arith.select %eq3A_1072, %broadcast_in_dim3A_1077, %select_n3A_1011 : vector<16xi1>, vector<16xf32>
      %slice3A_1079 = vector.extract_strided_slice %get3A_23 {offsets = [6], sizes = [1], strides = [1]} : vector<16xi32> to vector<1xi32>
      %squeeze3A_1080 = vector.extract %slice3A_1079[0] : i32 from vector<1xi32>
      %slice3A_1081 = vector.extract_strided_slice %get3A_25 {offsets = [6], sizes = [1], strides = [1]} : vector<16xi32> to vector<1xi32>
      %squeeze3A_1082 = vector.extract %slice3A_1081[0] : i32 from vector<1xi32>
      %jit3A_1083 = arith.constant 128 : i32
      %div3A_1084 = arith.divsi %squeeze3A_1080, %jit3A_1083 : i32
      %sign3A_1085 = arith.constant 0 : i32
      %sign3A_1086 = arith.cmpi sgt, %squeeze3A_1080, %sign3A_1085 : i32
      %sign3A_1087 = arith.extui %sign3A_1086 : i1 to i32
      %sign3A_1088 = arith.constant 0 : i32
      %sign3A_1089 = arith.cmpi slt, %squeeze3A_1080, %sign3A_1088 : i32
      %sign3A_1090 = arith.extui %sign3A_1089 : i1 to i32
      %sign3A_1091 = arith.subi %sign3A_1087, %sign3A_1090 : i32
      %sign3A_1092 = arith.constant 0 : i32
      %sign3A_1093 = arith.cmpi sgt, %jit3A_1083, %sign3A_1092 : i32
      %sign3A_1094 = arith.extui %sign3A_1093 : i1 to i32
      %sign3A_1095 = arith.constant 0 : i32
      %sign3A_1096 = arith.cmpi slt, %jit3A_1083, %sign3A_1095 : i32
      %sign3A_1097 = arith.extui %sign3A_1096 : i1 to i32
      %sign3A_1098 = arith.subi %sign3A_1094, %sign3A_1097 : i32
      %ne3A_1099 = arith.cmpi ne, %sign3A_1091, %sign3A_1098 : i32
      %rem3A_1100 = arith.remsi %squeeze3A_1080, %jit3A_1083 : i32
      %ne3A_1101 = arith.constant 0 : i32
      %ne3A_1102 = arith.cmpi ne, %rem3A_1100, %ne3A_1101 : i32
      %and3A_1103 = arith.andi %ne3A_1099, %ne3A_1102 : i1
      %sub3A_1104 = arith.constant 1 : i32
      %sub3A_1105 = arith.subi %div3A_1084, %sub3A_1104 : i32
      %select_n3A_1106 = arith.select %and3A_1103, %sub3A_1105, %div3A_1084 : i32
      %mul3A_1107 = arith.constant 128 : i32
      %mul3A_1108 = arith.muli %select_n3A_1106, %mul3A_1107 : i32
      %dma_start3A_1109 = arith.constant 2 : i32
      %dma_start3A_1110 = arith.constant 0 : i32
      %dma_start3A_1111 = arith.constant 0 : i32
      %dma_start3A_1112 = tpu.memref_slice %arg9[%dma_start3A_1109, %dma_start3A_1110, %dma_start3A_1111] : memref<4x64x128xf32, #tpu.memory_space<vmem>> -> memref<1x64x128xf32, #tpu.memory_space<vmem>>
      %dma_start3A_1113 = tpu.memref_squeeze %dma_start3A_1112 : memref<1x64x128xf32, #tpu.memory_space<vmem>> -> memref<64x128xf32, #tpu.memory_space<vmem>>
      %dma_start3A_1114 = arith.constant 0 : i32
      %dma_start3A_1115 = tpu.memref_slice %arg4[%dma_start3A_1114, %mul3A_1108] : memref<64x1000001xf32, #tpu.memory_space<hbm>> -> memref<64x128xf32, #tpu.memory_space<hbm>>
      %dma_start3A_1116 = arith.constant 0 : i32
      %dma_start3A_1117 = arith.constant 0 : i32
      %dma_start3A_1118 = tpu.memref_slice %arg9[%dma_start3A_1109, %dma_start3A_1116, %dma_start3A_1117] : memref<4x64x128xf32, #tpu.memory_space<vmem>> -> memref<1x64x128xf32, #tpu.memory_space<vmem>>
      %dma_start3A_1119 = tpu.memref_squeeze %dma_start3A_1118 : memref<1x64x128xf32, #tpu.memory_space<vmem>> -> memref<64x128xf32, #tpu.memory_space<vmem>>
      %dma_start3A_1120 = arith.constant 0 : i32
      %dma_start3A_1121 = tpu.memref_slice %arg4[%dma_start3A_1120, %mul3A_1108] : memref<64x1000001xf32, #tpu.memory_space<hbm>> -> memref<64x128xf32, #tpu.memory_space<hbm>>
      tpu.enqueue_dma source(%dma_start3A_1121 : memref<64x128xf32, #tpu.memory_space<hbm>>) target(%dma_start3A_1119 : memref<64x128xf32, #tpu.memory_space<vmem>>) target_semaphore(%arg12 : memref<!tpu.dma_semaphore, #tpu.memory_space<semaphore_mem>>)
      %jit3A_1122 = arith.constant 128 : i32
      %div3A_1123 = arith.divsi %squeeze3A_1082, %jit3A_1122 : i32
      %sign3A_1124 = arith.constant 0 : i32
      %sign3A_1125 = arith.cmpi sgt, %squeeze3A_1082, %sign3A_1124 : i32
      %sign3A_1126 = arith.extui %sign3A_1125 : i1 to i32
      %sign3A_1127 = arith.constant 0 : i32
      %sign3A_1128 = arith.cmpi slt, %squeeze3A_1082, %sign3A_1127 : i32
      %sign3A_1129 = arith.extui %sign3A_1128 : i1 to i32
      %sign3A_1130 = arith.subi %sign3A_1126, %sign3A_1129 : i32
      %sign3A_1131 = arith.constant 0 : i32
      %sign3A_1132 = arith.cmpi sgt, %jit3A_1122, %sign3A_1131 : i32
      %sign3A_1133 = arith.extui %sign3A_1132 : i1 to i32
      %sign3A_1134 = arith.constant 0 : i32
      %sign3A_1135 = arith.cmpi slt, %jit3A_1122, %sign3A_1134 : i32
      %sign3A_1136 = arith.extui %sign3A_1135 : i1 to i32
      %sign3A_1137 = arith.subi %sign3A_1133, %sign3A_1136 : i32
      %ne3A_1138 = arith.cmpi ne, %sign3A_1130, %sign3A_1137 : i32
      %rem3A_1139 = arith.remsi %squeeze3A_1082, %jit3A_1122 : i32
      %ne3A_1140 = arith.constant 0 : i32
      %ne3A_1141 = arith.cmpi ne, %rem3A_1139, %ne3A_1140 : i32
      %and3A_1142 = arith.andi %ne3A_1138, %ne3A_1141 : i1
      %sub3A_1143 = arith.constant 1 : i32
      %sub3A_1144 = arith.subi %div3A_1123, %sub3A_1143 : i32
      %select_n3A_1145 = arith.select %and3A_1142, %sub3A_1144, %div3A_1123 : i32
      %mul3A_1146 = arith.constant 128 : i32
      %mul3A_1147 = arith.muli %select_n3A_1145, %mul3A_1146 : i32
      %dma_start3A_1148 = arith.constant 2 : i32
      %dma_start3A_1149 = arith.constant 0 : i32
      %dma_start3A_1150 = arith.constant 0 : i32
      %dma_start3A_1151 = tpu.memref_slice %arg10[%dma_start3A_1148, %dma_start3A_1149, %dma_start3A_1150] : memref<4x64x128xf32, #tpu.memory_space<vmem>> -> memref<1x64x128xf32, #tpu.memory_space<vmem>>
      %dma_start3A_1152 = tpu.memref_squeeze %dma_start3A_1151 : memref<1x64x128xf32, #tpu.memory_space<vmem>> -> memref<64x128xf32, #tpu.memory_space<vmem>>
      %dma_start3A_1153 = arith.constant 0 : i32
      %dma_start3A_1154 = tpu.memref_slice %arg5[%dma_start3A_1153, %mul3A_1147] : memref<64x1000001xf32, #tpu.memory_space<hbm>> -> memref<64x128xf32, #tpu.memory_space<hbm>>
      %dma_start3A_1155 = arith.constant 0 : i32
      %dma_start3A_1156 = arith.constant 0 : i32
      %dma_start3A_1157 = tpu.memref_slice %arg10[%dma_start3A_1148, %dma_start3A_1155, %dma_start3A_1156] : memref<4x64x128xf32, #tpu.memory_space<vmem>> -> memref<1x64x128xf32, #tpu.memory_space<vmem>>
      %dma_start3A_1158 = tpu.memref_squeeze %dma_start3A_1157 : memref<1x64x128xf32, #tpu.memory_space<vmem>> -> memref<64x128xf32, #tpu.memory_space<vmem>>
      %dma_start3A_1159 = arith.constant 0 : i32
      %dma_start3A_1160 = tpu.memref_slice %arg5[%dma_start3A_1159, %mul3A_1147] : memref<64x1000001xf32, #tpu.memory_space<hbm>> -> memref<64x128xf32, #tpu.memory_space<hbm>>
      tpu.enqueue_dma source(%dma_start3A_1160 : memref<64x128xf32, #tpu.memory_space<hbm>>) target(%dma_start3A_1158 : memref<64x128xf32, #tpu.memory_space<vmem>>) target_semaphore(%arg12 : memref<!tpu.dma_semaphore, #tpu.memory_space<semaphore_mem>>)
      %jit3A_1161 = arith.constant 128 : i32
      %eq3A_1162 = arith.constant 0 : i32
      %eq3A_1163 = arith.cmpi eq, %jit3A_1161, %eq3A_1162 : i32
      %jit3A_1164 = arith.constant 1 : i32
      %select_n3A_1165 = arith.select %eq3A_1163, %jit3A_1164, %jit3A_1161 : i32
      %rem3A_1166 = arith.remsi %squeeze3A_1080, %select_n3A_1165 : i32
      %ne3A_1167 = arith.constant 0 : i32
      %ne3A_1168 = arith.cmpi ne, %rem3A_1166, %ne3A_1167 : i32
      %lt3A_1169 = arith.constant 0 : i32
      %lt3A_1170 = arith.cmpi slt, %rem3A_1166, %lt3A_1169 : i32
      %lt3A_1171 = arith.constant 0 : i32
      %lt3A_1172 = arith.cmpi slt, %select_n3A_1165, %lt3A_1171 : i32
      %ne3A_1173 = arith.xori %lt3A_1170, %lt3A_1172 : i1
      %and3A_1174 = arith.andi %ne3A_1173, %ne3A_1168 : i1
      %add3A_1175 = arith.addi %rem3A_1166, %select_n3A_1165 : i32
      %select_n3A_1176 = arith.select %and3A_1174, %add3A_1175, %rem3A_1166 : i32
      %broadcast_in_dim3A_1177 = vector.broadcast %select_n3A_1176 : i32 to vector<16xi32>
      %jit3A_1178 = arith.constant 128 : i32
      %eq3A_1179 = arith.constant 0 : i32
      %eq3A_1180 = arith.cmpi eq, %jit3A_1178, %eq3A_1179 : i32
      %jit3A_1181 = arith.constant 1 : i32
      %select_n3A_1182 = arith.select %eq3A_1180, %jit3A_1181, %jit3A_1178 : i32
      %rem3A_1183 = arith.remsi %squeeze3A_1082, %select_n3A_1182 : i32
      %ne3A_1184 = arith.constant 0 : i32
      %ne3A_1185 = arith.cmpi ne, %rem3A_1183, %ne3A_1184 : i32
      %lt3A_1186 = arith.constant 0 : i32
      %lt3A_1187 = arith.cmpi slt, %rem3A_1183, %lt3A_1186 : i32
      %lt3A_1188 = arith.constant 0 : i32
      %lt3A_1189 = arith.cmpi slt, %select_n3A_1182, %lt3A_1188 : i32
      %ne3A_1190 = arith.xori %lt3A_1187, %lt3A_1189 : i1
      %and3A_1191 = arith.andi %ne3A_1190, %ne3A_1185 : i1
      %add3A_1192 = arith.addi %rem3A_1183, %select_n3A_1182 : i32
      %select_n3A_1193 = arith.select %and3A_1191, %add3A_1192, %rem3A_1183 : i32
      %broadcast_in_dim3A_1194 = vector.broadcast %select_n3A_1193 : i32 to vector<16xi32>
      %slice3A_1195 = vector.extract_strided_slice %get3A_23 {offsets = [7], sizes = [1], strides = [1]} : vector<16xi32> to vector<1xi32>
      %squeeze3A_1196 = vector.extract %slice3A_1195[0] : i32 from vector<1xi32>
      %slice3A_1197 = vector.extract_strided_slice %get3A_25 {offsets = [7], sizes = [1], strides = [1]} : vector<16xi32> to vector<1xi32>
      %squeeze3A_1198 = vector.extract %slice3A_1197[0] : i32 from vector<1xi32>
      %jit3A_1199 = arith.constant 128 : i32
      %div3A_1200 = arith.divsi %squeeze3A_1196, %jit3A_1199 : i32
      %sign3A_1201 = arith.constant 0 : i32
      %sign3A_1202 = arith.cmpi sgt, %squeeze3A_1196, %sign3A_1201 : i32
      %sign3A_1203 = arith.extui %sign3A_1202 : i1 to i32
      %sign3A_1204 = arith.constant 0 : i32
      %sign3A_1205 = arith.cmpi slt, %squeeze3A_1196, %sign3A_1204 : i32
      %sign3A_1206 = arith.extui %sign3A_1205 : i1 to i32
      %sign3A_1207 = arith.subi %sign3A_1203, %sign3A_1206 : i32
      %sign3A_1208 = arith.constant 0 : i32
      %sign3A_1209 = arith.cmpi sgt, %jit3A_1199, %sign3A_1208 : i32
      %sign3A_1210 = arith.extui %sign3A_1209 : i1 to i32
      %sign3A_1211 = arith.constant 0 : i32
      %sign3A_1212 = arith.cmpi slt, %jit3A_1199, %sign3A_1211 : i32
      %sign3A_1213 = arith.extui %sign3A_1212 : i1 to i32
      %sign3A_1214 = arith.subi %sign3A_1210, %sign3A_1213 : i32
      %ne3A_1215 = arith.cmpi ne, %sign3A_1207, %sign3A_1214 : i32
      %rem3A_1216 = arith.remsi %squeeze3A_1196, %jit3A_1199 : i32
      %ne3A_1217 = arith.constant 0 : i32
      %ne3A_1218 = arith.cmpi ne, %rem3A_1216, %ne3A_1217 : i32
      %and3A_1219 = arith.andi %ne3A_1215, %ne3A_1218 : i1
      %sub3A_1220 = arith.constant 1 : i32
      %sub3A_1221 = arith.subi %div3A_1200, %sub3A_1220 : i32
      %select_n3A_1222 = arith.select %and3A_1219, %sub3A_1221, %div3A_1200 : i32
      %mul3A_1223 = arith.constant 128 : i32
      %mul3A_1224 = arith.muli %select_n3A_1222, %mul3A_1223 : i32
      %dma_start3A_1225 = arith.constant 3 : i32
      %dma_start3A_1226 = arith.constant 0 : i32
      %dma_start3A_1227 = arith.constant 0 : i32
      %dma_start3A_1228 = tpu.memref_slice %arg9[%dma_start3A_1225, %dma_start3A_1226, %dma_start3A_1227] : memref<4x64x128xf32, #tpu.memory_space<vmem>> -> memref<1x64x128xf32, #tpu.memory_space<vmem>>
      %dma_start3A_1229 = tpu.memref_squeeze %dma_start3A_1228 : memref<1x64x128xf32, #tpu.memory_space<vmem>> -> memref<64x128xf32, #tpu.memory_space<vmem>>
      %dma_start3A_1230 = arith.constant 0 : i32
      %dma_start3A_1231 = tpu.memref_slice %arg4[%dma_start3A_1230, %mul3A_1224] : memref<64x1000001xf32, #tpu.memory_space<hbm>> -> memref<64x128xf32, #tpu.memory_space<hbm>>
      %dma_start3A_1232 = arith.constant 0 : i32
      %dma_start3A_1233 = arith.constant 0 : i32
      %dma_start3A_1234 = tpu.memref_slice %arg9[%dma_start3A_1225, %dma_start3A_1232, %dma_start3A_1233] : memref<4x64x128xf32, #tpu.memory_space<vmem>> -> memref<1x64x128xf32, #tpu.memory_space<vmem>>
      %dma_start3A_1235 = tpu.memref_squeeze %dma_start3A_1234 : memref<1x64x128xf32, #tpu.memory_space<vmem>> -> memref<64x128xf32, #tpu.memory_space<vmem>>
      %dma_start3A_1236 = arith.constant 0 : i32
      %dma_start3A_1237 = tpu.memref_slice %arg4[%dma_start3A_1236, %mul3A_1224] : memref<64x1000001xf32, #tpu.memory_space<hbm>> -> memref<64x128xf32, #tpu.memory_space<hbm>>
      tpu.enqueue_dma source(%dma_start3A_1237 : memref<64x128xf32, #tpu.memory_space<hbm>>) target(%dma_start3A_1235 : memref<64x128xf32, #tpu.memory_space<vmem>>) target_semaphore(%arg12 : memref<!tpu.dma_semaphore, #tpu.memory_space<semaphore_mem>>)
      %jit3A_1238 = arith.constant 128 : i32
      %div3A_1239 = arith.divsi %squeeze3A_1198, %jit3A_1238 : i32
      %sign3A_1240 = arith.constant 0 : i32
      %sign3A_1241 = arith.cmpi sgt, %squeeze3A_1198, %sign3A_1240 : i32
      %sign3A_1242 = arith.extui %sign3A_1241 : i1 to i32
      %sign3A_1243 = arith.constant 0 : i32
      %sign3A_1244 = arith.cmpi slt, %squeeze3A_1198, %sign3A_1243 : i32
      %sign3A_1245 = arith.extui %sign3A_1244 : i1 to i32
      %sign3A_1246 = arith.subi %sign3A_1242, %sign3A_1245 : i32
      %sign3A_1247 = arith.constant 0 : i32
      %sign3A_1248 = arith.cmpi sgt, %jit3A_1238, %sign3A_1247 : i32
      %sign3A_1249 = arith.extui %sign3A_1248 : i1 to i32
      %sign3A_1250 = arith.constant 0 : i32
      %sign3A_1251 = arith.cmpi slt, %jit3A_1238, %sign3A_1250 : i32
      %sign3A_1252 = arith.extui %sign3A_1251 : i1 to i32
      %sign3A_1253 = arith.subi %sign3A_1249, %sign3A_1252 : i32
      %ne3A_1254 = arith.cmpi ne, %sign3A_1246, %sign3A_1253 : i32
      %rem3A_1255 = arith.remsi %squeeze3A_1198, %jit3A_1238 : i32
      %ne3A_1256 = arith.constant 0 : i32
      %ne3A_1257 = arith.cmpi ne, %rem3A_1255, %ne3A_1256 : i32
      %and3A_1258 = arith.andi %ne3A_1254, %ne3A_1257 : i1
      %sub3A_1259 = arith.constant 1 : i32
      %sub3A_1260 = arith.subi %div3A_1239, %sub3A_1259 : i32
      %select_n3A_1261 = arith.select %and3A_1258, %sub3A_1260, %div3A_1239 : i32
      %mul3A_1262 = arith.constant 128 : i32
      %mul3A_1263 = arith.muli %select_n3A_1261, %mul3A_1262 : i32
      %dma_start3A_1264 = arith.constant 3 : i32
      %dma_start3A_1265 = arith.constant 0 : i32
      %dma_start3A_1266 = arith.constant 0 : i32
      %dma_start3A_1267 = tpu.memref_slice %arg10[%dma_start3A_1264, %dma_start3A_1265, %dma_start3A_1266] : memref<4x64x128xf32, #tpu.memory_space<vmem>> -> memref<1x64x128xf32, #tpu.memory_space<vmem>>
      %dma_start3A_1268 = tpu.memref_squeeze %dma_start3A_1267 : memref<1x64x128xf32, #tpu.memory_space<vmem>> -> memref<64x128xf32, #tpu.memory_space<vmem>>
      %dma_start3A_1269 = arith.constant 0 : i32
      %dma_start3A_1270 = tpu.memref_slice %arg5[%dma_start3A_1269, %mul3A_1263] : memref<64x1000001xf32, #tpu.memory_space<hbm>> -> memref<64x128xf32, #tpu.memory_space<hbm>>
      %dma_start3A_1271 = arith.constant 0 : i32
      %dma_start3A_1272 = arith.constant 0 : i32
      %dma_start3A_1273 = tpu.memref_slice %arg10[%dma_start3A_1264, %dma_start3A_1271, %dma_start3A_1272] : memref<4x64x128xf32, #tpu.memory_space<vmem>> -> memref<1x64x128xf32, #tpu.memory_space<vmem>>
      %dma_start3A_1274 = tpu.memref_squeeze %dma_start3A_1273 : memref<1x64x128xf32, #tpu.memory_space<vmem>> -> memref<64x128xf32, #tpu.memory_space<vmem>>
      %dma_start3A_1275 = arith.constant 0 : i32
      %dma_start3A_1276 = tpu.memref_slice %arg5[%dma_start3A_1275, %mul3A_1263] : memref<64x1000001xf32, #tpu.memory_space<hbm>> -> memref<64x128xf32, #tpu.memory_space<hbm>>
      tpu.enqueue_dma source(%dma_start3A_1276 : memref<64x128xf32, #tpu.memory_space<hbm>>) target(%dma_start3A_1274 : memref<64x128xf32, #tpu.memory_space<vmem>>) target_semaphore(%arg12 : memref<!tpu.dma_semaphore, #tpu.memory_space<semaphore_mem>>)
      %jit3A_1277 = arith.constant 128 : i32
      %eq3A_1278 = arith.constant 0 : i32
      %eq3A_1279 = arith.cmpi eq, %jit3A_1277, %eq3A_1278 : i32
      %jit3A_1280 = arith.constant 1 : i32
      %select_n3A_1281 = arith.select %eq3A_1279, %jit3A_1280, %jit3A_1277 : i32
      %rem3A_1282 = arith.remsi %squeeze3A_1196, %select_n3A_1281 : i32
      %ne3A_1283 = arith.constant 0 : i32
      %ne3A_1284 = arith.cmpi ne, %rem3A_1282, %ne3A_1283 : i32
      %lt3A_1285 = arith.constant 0 : i32
      %lt3A_1286 = arith.cmpi slt, %rem3A_1282, %lt3A_1285 : i32
      %lt3A_1287 = arith.constant 0 : i32
      %lt3A_1288 = arith.cmpi slt, %select_n3A_1281, %lt3A_1287 : i32
      %ne3A_1289 = arith.xori %lt3A_1286, %lt3A_1288 : i1
      %and3A_1290 = arith.andi %ne3A_1289, %ne3A_1284 : i1
      %add3A_1291 = arith.addi %rem3A_1282, %select_n3A_1281 : i32
      %select_n3A_1292 = arith.select %and3A_1290, %add3A_1291, %rem3A_1282 : i32
      %broadcast_in_dim3A_1293 = vector.broadcast %select_n3A_1292 : i32 to vector<16xi32>
      %jit3A_1294 = arith.constant 128 : i32
      %eq3A_1295 = arith.constant 0 : i32
      %eq3A_1296 = arith.cmpi eq, %jit3A_1294, %eq3A_1295 : i32
      %jit3A_1297 = arith.constant 1 : i32
      %select_n3A_1298 = arith.select %eq3A_1296, %jit3A_1297, %jit3A_1294 : i32
      %rem3A_1299 = arith.remsi %squeeze3A_1198, %select_n3A_1298 : i32
      %ne3A_1300 = arith.constant 0 : i32
      %ne3A_1301 = arith.cmpi ne, %rem3A_1299, %ne3A_1300 : i32
      %lt3A_1302 = arith.constant 0 : i32
      %lt3A_1303 = arith.cmpi slt, %rem3A_1299, %lt3A_1302 : i32
      %lt3A_1304 = arith.constant 0 : i32
      %lt3A_1305 = arith.cmpi slt, %select_n3A_1298, %lt3A_1304 : i32
      %ne3A_1306 = arith.xori %lt3A_1303, %lt3A_1305 : i1
      %and3A_1307 = arith.andi %ne3A_1306, %ne3A_1301 : i1
      %add3A_1308 = arith.addi %rem3A_1299, %select_n3A_1298 : i32
      %select_n3A_1309 = arith.select %and3A_1307, %add3A_1308, %rem3A_1299 : i32
      %broadcast_in_dim3A_1310 = vector.broadcast %select_n3A_1309 : i32 to vector<16xi32>
      %dma_wait3A_1311 = arith.constant 0 : i32
      %dma_wait3A_1312 = arith.constant 0 : i32
      %dma_wait3A_1313 = arith.constant 0 : i32
      %dma_wait3A_1314 = tpu.memref_slice %arg9[%dma_wait3A_1311, %dma_wait3A_1312, %dma_wait3A_1313] : memref<4x64x128xf32, #tpu.memory_space<vmem>> -> memref<1x64x128xf32, #tpu.memory_space<vmem>>
      %dma_wait3A_1315 = tpu.memref_squeeze %dma_wait3A_1314 : memref<1x64x128xf32, #tpu.memory_space<vmem>> -> memref<64x128xf32, #tpu.memory_space<vmem>>
      %dma_wait3A_1316 = arith.constant 0 : i32
      %dma_wait3A_1317 = tpu.memref_slice %arg4[%dma_wait3A_1316, %mul3A_690] : memref<64x1000001xf32, #tpu.memory_space<hbm>> -> memref<64x128xf32, #tpu.memory_space<hbm>>
      %dma_wait3A_1318 = arith.constant 0 : i32
      %dma_wait3A_1319 = arith.constant 0 : i32
      %dma_wait3A_1320 = tpu.memref_slice %arg9[%dma_wait3A_1311, %dma_wait3A_1318, %dma_wait3A_1319] : memref<4x64x128xf32, #tpu.memory_space<vmem>> -> memref<1x64x128xf32, #tpu.memory_space<vmem>>
      %dma_wait3A_1321 = tpu.memref_squeeze %dma_wait3A_1320 : memref<1x64x128xf32, #tpu.memory_space<vmem>> -> memref<64x128xf32, #tpu.memory_space<vmem>>
      %dma_wait3A_1322 = arith.constant 0 : i32
      %dma_wait3A_1323 = tpu.memref_slice %arg4[%dma_wait3A_1322, %mul3A_690] : memref<64x1000001xf32, #tpu.memory_space<hbm>> -> memref<64x128xf32, #tpu.memory_space<hbm>>
      tpu.wait_dma2 semaphore(%arg12 : memref<!tpu.dma_semaphore, #tpu.memory_space<semaphore_mem>>) src(%dma_wait3A_1323 : memref<64x128xf32, #tpu.memory_space<hbm>>) dst(%dma_wait3A_1321 : memref<64x128xf32, #tpu.memory_space<vmem>>)
      %dma_wait3A_1324 = arith.constant 0 : i32
      %dma_wait3A_1325 = arith.constant 0 : i32
      %dma_wait3A_1326 = arith.constant 0 : i32
      %dma_wait3A_1327 = tpu.memref_slice %arg10[%dma_wait3A_1324, %dma_wait3A_1325, %dma_wait3A_1326] : memref<4x64x128xf32, #tpu.memory_space<vmem>> -> memref<1x64x128xf32, #tpu.memory_space<vmem>>
      %dma_wait3A_1328 = tpu.memref_squeeze %dma_wait3A_1327 : memref<1x64x128xf32, #tpu.memory_space<vmem>> -> memref<64x128xf32, #tpu.memory_space<vmem>>
      %dma_wait3A_1329 = arith.constant 0 : i32
      %dma_wait3A_1330 = tpu.memref_slice %arg5[%dma_wait3A_1329, %mul3A_729] : memref<64x1000001xf32, #tpu.memory_space<hbm>> -> memref<64x128xf32, #tpu.memory_space<hbm>>
      %dma_wait3A_1331 = arith.constant 0 : i32
      %dma_wait3A_1332 = arith.constant 0 : i32
      %dma_wait3A_1333 = tpu.memref_slice %arg10[%dma_wait3A_1324, %dma_wait3A_1331, %dma_wait3A_1332] : memref<4x64x128xf32, #tpu.memory_space<vmem>> -> memref<1x64x128xf32, #tpu.memory_space<vmem>>
      %dma_wait3A_1334 = tpu.memref_squeeze %dma_wait3A_1333 : memref<1x64x128xf32, #tpu.memory_space<vmem>> -> memref<64x128xf32, #tpu.memory_space<vmem>>
      %dma_wait3A_1335 = arith.constant 0 : i32
      %dma_wait3A_1336 = tpu.memref_slice %arg5[%dma_wait3A_1335, %mul3A_729] : memref<64x1000001xf32, #tpu.memory_space<hbm>> -> memref<64x128xf32, #tpu.memory_space<hbm>>
      tpu.wait_dma2 semaphore(%arg12 : memref<!tpu.dma_semaphore, #tpu.memory_space<semaphore_mem>>) src(%dma_wait3A_1336 : memref<64x128xf32, #tpu.memory_space<hbm>>) dst(%dma_wait3A_1334 : memref<64x128xf32, #tpu.memory_space<vmem>>)
      %dma_wait3A_1337 = arith.constant 1 : i32
      %dma_wait3A_1338 = arith.constant 0 : i32
      %dma_wait3A_1339 = arith.constant 0 : i32
      %dma_wait3A_1340 = tpu.memref_slice %arg9[%dma_wait3A_1337, %dma_wait3A_1338, %dma_wait3A_1339] : memref<4x64x128xf32, #tpu.memory_space<vmem>> -> memref<1x64x128xf32, #tpu.memory_space<vmem>>
      %dma_wait3A_1341 = tpu.memref_squeeze %dma_wait3A_1340 : memref<1x64x128xf32, #tpu.memory_space<vmem>> -> memref<64x128xf32, #tpu.memory_space<vmem>>
      %dma_wait3A_1342 = arith.constant 0 : i32
      %dma_wait3A_1343 = tpu.memref_slice %arg4[%dma_wait3A_1342, %mul3A_806] : memref<64x1000001xf32, #tpu.memory_space<hbm>> -> memref<64x128xf32, #tpu.memory_space<hbm>>
      %dma_wait3A_1344 = arith.constant 0 : i32
      %dma_wait3A_1345 = arith.constant 0 : i32
      %dma_wait3A_1346 = tpu.memref_slice %arg9[%dma_wait3A_1337, %dma_wait3A_1344, %dma_wait3A_1345] : memref<4x64x128xf32, #tpu.memory_space<vmem>> -> memref<1x64x128xf32, #tpu.memory_space<vmem>>
      %dma_wait3A_1347 = tpu.memref_squeeze %dma_wait3A_1346 : memref<1x64x128xf32, #tpu.memory_space<vmem>> -> memref<64x128xf32, #tpu.memory_space<vmem>>
      %dma_wait3A_1348 = arith.constant 0 : i32
      %dma_wait3A_1349 = tpu.memref_slice %arg4[%dma_wait3A_1348, %mul3A_806] : memref<64x1000001xf32, #tpu.memory_space<hbm>> -> memref<64x128xf32, #tpu.memory_space<hbm>>
      tpu.wait_dma2 semaphore(%arg12 : memref<!tpu.dma_semaphore, #tpu.memory_space<semaphore_mem>>) src(%dma_wait3A_1349 : memref<64x128xf32, #tpu.memory_space<hbm>>) dst(%dma_wait3A_1347 : memref<64x128xf32, #tpu.memory_space<vmem>>)
      %dma_wait3A_1350 = arith.constant 1 : i32
      %dma_wait3A_1351 = arith.constant 0 : i32
      %dma_wait3A_1352 = arith.constant 0 : i32
      %dma_wait3A_1353 = tpu.memref_slice %arg10[%dma_wait3A_1350, %dma_wait3A_1351, %dma_wait3A_1352] : memref<4x64x128xf32, #tpu.memory_space<vmem>> -> memref<1x64x128xf32, #tpu.memory_space<vmem>>
      %dma_wait3A_1354 = tpu.memref_squeeze %dma_wait3A_1353 : memref<1x64x128xf32, #tpu.memory_space<vmem>> -> memref<64x128xf32, #tpu.memory_space<vmem>>
      %dma_wait3A_1355 = arith.constant 0 : i32
      %dma_wait3A_1356 = tpu.memref_slice %arg5[%dma_wait3A_1355, %mul3A_845] : memref<64x1000001xf32, #tpu.memory_space<hbm>> -> memref<64x128xf32, #tpu.memory_space<hbm>>
      %dma_wait3A_1357 = arith.constant 0 : i32
      %dma_wait3A_1358 = arith.constant 0 : i32
      %dma_wait3A_1359 = tpu.memref_slice %arg10[%dma_wait3A_1350, %dma_wait3A_1357, %dma_wait3A_1358] : memref<4x64x128xf32, #tpu.memory_space<vmem>> -> memref<1x64x128xf32, #tpu.memory_space<vmem>>
      %dma_wait3A_1360 = tpu.memref_squeeze %dma_wait3A_1359 : memref<1x64x128xf32, #tpu.memory_space<vmem>> -> memref<64x128xf32, #tpu.memory_space<vmem>>
      %dma_wait3A_1361 = arith.constant 0 : i32
      %dma_wait3A_1362 = tpu.memref_slice %arg5[%dma_wait3A_1361, %mul3A_845] : memref<64x1000001xf32, #tpu.memory_space<hbm>> -> memref<64x128xf32, #tpu.memory_space<hbm>>
      tpu.wait_dma2 semaphore(%arg12 : memref<!tpu.dma_semaphore, #tpu.memory_space<semaphore_mem>>) src(%dma_wait3A_1362 : memref<64x128xf32, #tpu.memory_space<hbm>>) dst(%dma_wait3A_1360 : memref<64x128xf32, #tpu.memory_space<vmem>>)
      %broadcast_in_dim3A_1363 = arith.constant 0.000000e+00 : f32
      %broadcast_in_dim3A_1364 = vector.broadcast %broadcast_in_dim3A_1363 : f32 to vector<16xf32>
      %gather3A_1365 = arith.constant 0 : i32
      %gather3A_1366 = arith.constant 0 : i32
      %gather3A_1367 = arith.constant 0 : i32
      %gather3A_1368 = tpu.memref_slice %arg9[%gather3A_1365, %gather3A_1366, %gather3A_1367] : memref<4x64x128xf32, #tpu.memory_space<vmem>> -> memref<1x64x128xf32, #tpu.memory_space<vmem>>
      %gather3A_1369 = tpu.memref_squeeze %gather3A_1368 : memref<1x64x128xf32, #tpu.memory_space<vmem>> -> memref<64x128xf32, #tpu.memory_space<vmem>>
      %gather3A_1370 = tpu.vector_load_idx %gather3A_1369[%add3A_5, %broadcast_in_dim3A_759] : memref<64x128xf32, #tpu.memory_space<vmem>>[vector<16xi32>, vector<16xi32>], vector<16xf32>,
      %gather3A_1371 = arith.constant 0 : i32
      %gather3A_1372 = arith.constant 0 : i32
      %gather3A_1373 = arith.constant 0 : i32
      %gather3A_1374 = tpu.memref_slice %arg10[%gather3A_1371, %gather3A_1372, %gather3A_1373] : memref<4x64x128xf32, #tpu.memory_space<vmem>> -> memref<1x64x128xf32, #tpu.memory_space<vmem>>
      %gather3A_1375 = tpu.memref_squeeze %gather3A_1374 : memref<1x64x128xf32, #tpu.memory_space<vmem>> -> memref<64x128xf32, #tpu.memory_space<vmem>>
      %gather3A_1376 = tpu.vector_load_idx %gather3A_1375[%add3A_5, %broadcast_in_dim3A_776] : memref<64x128xf32, #tpu.memory_space<vmem>>[vector<16xi32>, vector<16xi32>], vector<16xf32>,
      %mul3A_1377 = arith.mulf %gather3A_1370, %gather3A_1376 : vector<16xf32>
      %add3A_1378 = arith.addf %broadcast_in_dim3A_1364, %mul3A_1377 : vector<16xf32>
      %gather3A_1379 = arith.constant 0 : i32
      %gather3A_1380 = arith.constant 0 : i32
      %gather3A_1381 = arith.constant 0 : i32
      %gather3A_1382 = tpu.memref_slice %arg9[%gather3A_1379, %gather3A_1380, %gather3A_1381] : memref<4x64x128xf32, #tpu.memory_space<vmem>> -> memref<1x64x128xf32, #tpu.memory_space<vmem>>
      %gather3A_1383 = tpu.memref_squeeze %gather3A_1382 : memref<1x64x128xf32, #tpu.memory_space<vmem>> -> memref<64x128xf32, #tpu.memory_space<vmem>>
      %gather3A_1384 = tpu.vector_load_idx %gather3A_1383[%add3A_8, %broadcast_in_dim3A_759] : memref<64x128xf32, #tpu.memory_space<vmem>>[vector<16xi32>, vector<16xi32>], vector<16xf32>,
      %gather3A_1385 = arith.constant 0 : i32
      %gather3A_1386 = arith.constant 0 : i32
      %gather3A_1387 = arith.constant 0 : i32
      %gather3A_1388 = tpu.memref_slice %arg10[%gather3A_1385, %gather3A_1386, %gather3A_1387] : memref<4x64x128xf32, #tpu.memory_space<vmem>> -> memref<1x64x128xf32, #tpu.memory_space<vmem>>
      %gather3A_1389 = tpu.memref_squeeze %gather3A_1388 : memref<1x64x128xf32, #tpu.memory_space<vmem>> -> memref<64x128xf32, #tpu.memory_space<vmem>>
      %gather3A_1390 = tpu.vector_load_idx %gather3A_1389[%add3A_8, %broadcast_in_dim3A_776] : memref<64x128xf32, #tpu.memory_space<vmem>>[vector<16xi32>, vector<16xi32>], vector<16xf32>,
      %mul3A_1391 = arith.mulf %gather3A_1384, %gather3A_1390 : vector<16xf32>
      %add3A_1392 = arith.addf %add3A_1378, %mul3A_1391 : vector<16xf32>
      %gather3A_1393 = arith.constant 0 : i32
      %gather3A_1394 = arith.constant 0 : i32
      %gather3A_1395 = arith.constant 0 : i32
      %gather3A_1396 = tpu.memref_slice %arg9[%gather3A_1393, %gather3A_1394, %gather3A_1395] : memref<4x64x128xf32, #tpu.memory_space<vmem>> -> memref<1x64x128xf32, #tpu.memory_space<vmem>>
      %gather3A_1397 = tpu.memref_squeeze %gather3A_1396 : memref<1x64x128xf32, #tpu.memory_space<vmem>> -> memref<64x128xf32, #tpu.memory_space<vmem>>
      %gather3A_1398 = tpu.vector_load_idx %gather3A_1397[%add3A_11, %broadcast_in_dim3A_759] : memref<64x128xf32, #tpu.memory_space<vmem>>[vector<16xi32>, vector<16xi32>], vector<16xf32>,
      %gather3A_1399 = arith.constant 0 : i32
      %gather3A_1400 = arith.constant 0 : i32
      %gather3A_1401 = arith.constant 0 : i32
      %gather3A_1402 = tpu.memref_slice %arg10[%gather3A_1399, %gather3A_1400, %gather3A_1401] : memref<4x64x128xf32, #tpu.memory_space<vmem>> -> memref<1x64x128xf32, #tpu.memory_space<vmem>>
      %gather3A_1403 = tpu.memref_squeeze %gather3A_1402 : memref<1x64x128xf32, #tpu.memory_space<vmem>> -> memref<64x128xf32, #tpu.memory_space<vmem>>
      %gather3A_1404 = tpu.vector_load_idx %gather3A_1403[%add3A_11, %broadcast_in_dim3A_776] : memref<64x128xf32, #tpu.memory_space<vmem>>[vector<16xi32>, vector<16xi32>], vector<16xf32>,
      %mul3A_1405 = arith.mulf %gather3A_1398, %gather3A_1404 : vector<16xf32>
      %add3A_1406 = arith.addf %add3A_1392, %mul3A_1405 : vector<16xf32>
      %gather3A_1407 = arith.constant 0 : i32
      %gather3A_1408 = arith.constant 0 : i32
      %gather3A_1409 = arith.constant 0 : i32
      %gather3A_1410 = tpu.memref_slice %arg9[%gather3A_1407, %gather3A_1408, %gather3A_1409] : memref<4x64x128xf32, #tpu.memory_space<vmem>> -> memref<1x64x128xf32, #tpu.memory_space<vmem>>
      %gather3A_1411 = tpu.memref_squeeze %gather3A_1410 : memref<1x64x128xf32, #tpu.memory_space<vmem>> -> memref<64x128xf32, #tpu.memory_space<vmem>>
      %gather3A_1412 = tpu.vector_load_idx %gather3A_1411[%add3A_14, %broadcast_in_dim3A_759] : memref<64x128xf32, #tpu.memory_space<vmem>>[vector<16xi32>, vector<16xi32>], vector<16xf32>,
      %gather3A_1413 = arith.constant 0 : i32
      %gather3A_1414 = arith.constant 0 : i32
      %gather3A_1415 = arith.constant 0 : i32
      %gather3A_1416 = tpu.memref_slice %arg10[%gather3A_1413, %gather3A_1414, %gather3A_1415] : memref<4x64x128xf32, #tpu.memory_space<vmem>> -> memref<1x64x128xf32, #tpu.memory_space<vmem>>
      %gather3A_1417 = tpu.memref_squeeze %gather3A_1416 : memref<1x64x128xf32, #tpu.memory_space<vmem>> -> memref<64x128xf32, #tpu.memory_space<vmem>>
      %gather3A_1418 = tpu.vector_load_idx %gather3A_1417[%add3A_14, %broadcast_in_dim3A_776] : memref<64x128xf32, #tpu.memory_space<vmem>>[vector<16xi32>, vector<16xi32>], vector<16xf32>,
      %mul3A_1419 = arith.mulf %gather3A_1412, %gather3A_1418 : vector<16xf32>
      %add3A_1420 = arith.addf %add3A_1406, %mul3A_1419 : vector<16xf32>
      %eq3A_1421 = arith.constant 4 : i32
      %eq3A_1422 = vector.broadcast %eq3A_1421 : i32 to vector<16xi32>
      %eq3A_1423 = arith.cmpi eq, %iota3A, %eq3A_1422 : vector<16xi32>
      %reduce_sum3A_1424 = arith.constant true
      %reduce_sum3A_1425 = vector.broadcast %reduce_sum3A_1424 : i1 to vector<16xi1>
      %reduce_sum3A_1426 = tpu.scan <sum>, %add3A_1420 masked %reduce_sum3A_1425 : vector<16xf32>, vector<16xi1> -> vector<16xf32>
      %reduce_sum3A_1427 = vector.extract %reduce_sum3A_1426[15] : f32 from vector<16xf32>
      %broadcast_in_dim3A_1428 = vector.broadcast %reduce_sum3A_1427 : f32 to vector<16xf32>
      %select_n3A_1429 = arith.select %eq3A_1423, %broadcast_in_dim3A_1428, %select_n3A_1078 : vector<16xi1>, vector<16xf32>
      %broadcast_in_dim3A_1430 = arith.constant 0.000000e+00 : f32
      %broadcast_in_dim3A_1431 = vector.broadcast %broadcast_in_dim3A_1430 : f32 to vector<16xf32>
      %gather3A_1432 = arith.constant 1 : i32
      %gather3A_1433 = arith.constant 0 : i32
      %gather3A_1434 = arith.constant 0 : i32
      %gather3A_1435 = tpu.memref_slice %arg9[%gather3A_1432, %gather3A_1433, %gather3A_1434] : memref<4x64x128xf32, #tpu.memory_space<vmem>> -> memref<1x64x128xf32, #tpu.memory_space<vmem>>
      %gather3A_1436 = tpu.memref_squeeze %gather3A_1435 : memref<1x64x128xf32, #tpu.memory_space<vmem>> -> memref<64x128xf32, #tpu.memory_space<vmem>>
      %gather3A_1437 = tpu.vector_load_idx %gather3A_1436[%add3A_5, %broadcast_in_dim3A_875] : memref<64x128xf32, #tpu.memory_space<vmem>>[vector<16xi32>, vector<16xi32>], vector<16xf32>,
      %gather3A_1438 = arith.constant 1 : i32
      %gather3A_1439 = arith.constant 0 : i32
      %gather3A_1440 = arith.constant 0 : i32
      %gather3A_1441 = tpu.memref_slice %arg10[%gather3A_1438, %gather3A_1439, %gather3A_1440] : memref<4x64x128xf32, #tpu.memory_space<vmem>> -> memref<1x64x128xf32, #tpu.memory_space<vmem>>
      %gather3A_1442 = tpu.memref_squeeze %gather3A_1441 : memref<1x64x128xf32, #tpu.memory_space<vmem>> -> memref<64x128xf32, #tpu.memory_space<vmem>>
      %gather3A_1443 = tpu.vector_load_idx %gather3A_1442[%add3A_5, %broadcast_in_dim3A_892] : memref<64x128xf32, #tpu.memory_space<vmem>>[vector<16xi32>, vector<16xi32>], vector<16xf32>,
      %mul3A_1444 = arith.mulf %gather3A_1437, %gather3A_1443 : vector<16xf32>
      %add3A_1445 = arith.addf %broadcast_in_dim3A_1431, %mul3A_1444 : vector<16xf32>
      %gather3A_1446 = arith.constant 1 : i32
      %gather3A_1447 = arith.constant 0 : i32
      %gather3A_1448 = arith.constant 0 : i32
      %gather3A_1449 = tpu.memref_slice %arg9[%gather3A_1446, %gather3A_1447, %gather3A_1448] : memref<4x64x128xf32, #tpu.memory_space<vmem>> -> memref<1x64x128xf32, #tpu.memory_space<vmem>>
      %gather3A_1450 = tpu.memref_squeeze %gather3A_1449 : memref<1x64x128xf32, #tpu.memory_space<vmem>> -> memref<64x128xf32, #tpu.memory_space<vmem>>
      %gather3A_1451 = tpu.vector_load_idx %gather3A_1450[%add3A_8, %broadcast_in_dim3A_875] : memref<64x128xf32, #tpu.memory_space<vmem>>[vector<16xi32>, vector<16xi32>], vector<16xf32>,
      %gather3A_1452 = arith.constant 1 : i32
      %gather3A_1453 = arith.constant 0 : i32
      %gather3A_1454 = arith.constant 0 : i32
      %gather3A_1455 = tpu.memref_slice %arg10[%gather3A_1452, %gather3A_1453, %gather3A_1454] : memref<4x64x128xf32, #tpu.memory_space<vmem>> -> memref<1x64x128xf32, #tpu.memory_space<vmem>>
      %gather3A_1456 = tpu.memref_squeeze %gather3A_1455 : memref<1x64x128xf32, #tpu.memory_space<vmem>> -> memref<64x128xf32, #tpu.memory_space<vmem>>
      %gather3A_1457 = tpu.vector_load_idx %gather3A_1456[%add3A_8, %broadcast_in_dim3A_892] : memref<64x128xf32, #tpu.memory_space<vmem>>[vector<16xi32>, vector<16xi32>], vector<16xf32>,
      %mul3A_1458 = arith.mulf %gather3A_1451, %gather3A_1457 : vector<16xf32>
      %add3A_1459 = arith.addf %add3A_1445, %mul3A_1458 : vector<16xf32>
      %gather3A_1460 = arith.constant 1 : i32
      %gather3A_1461 = arith.constant 0 : i32
      %gather3A_1462 = arith.constant 0 : i32
      %gather3A_1463 = tpu.memref_slice %arg9[%gather3A_1460, %gather3A_1461, %gather3A_1462] : memref<4x64x128xf32, #tpu.memory_space<vmem>> -> memref<1x64x128xf32, #tpu.memory_space<vmem>>
      %gather3A_1464 = tpu.memref_squeeze %gather3A_1463 : memref<1x64x128xf32, #tpu.memory_space<vmem>> -> memref<64x128xf32, #tpu.memory_space<vmem>>
      %gather3A_1465 = tpu.vector_load_idx %gather3A_1464[%add3A_11, %broadcast_in_dim3A_875] : memref<64x128xf32, #tpu.memory_space<vmem>>[vector<16xi32>, vector<16xi32>], vector<16xf32>,
      %gather3A_1466 = arith.constant 1 : i32
      %gather3A_1467 = arith.constant 0 : i32
      %gather3A_1468 = arith.constant 0 : i32
      %gather3A_1469 = tpu.memref_slice %arg10[%gather3A_1466, %gather3A_1467, %gather3A_1468] : memref<4x64x128xf32, #tpu.memory_space<vmem>> -> memref<1x64x128xf32, #tpu.memory_space<vmem>>
      %gather3A_1470 = tpu.memref_squeeze %gather3A_1469 : memref<1x64x128xf32, #tpu.memory_space<vmem>> -> memref<64x128xf32, #tpu.memory_space<vmem>>
      %gather3A_1471 = tpu.vector_load_idx %gather3A_1470[%add3A_11, %broadcast_in_dim3A_892] : memref<64x128xf32, #tpu.memory_space<vmem>>[vector<16xi32>, vector<16xi32>], vector<16xf32>,
      %mul3A_1472 = arith.mulf %gather3A_1465, %gather3A_1471 : vector<16xf32>
      %add3A_1473 = arith.addf %add3A_1459, %mul3A_1472 : vector<16xf32>
      %gather3A_1474 = arith.constant 1 : i32
      %gather3A_1475 = arith.constant 0 : i32
      %gather3A_1476 = arith.constant 0 : i32
      %gather3A_1477 = tpu.memref_slice %arg9[%gather3A_1474, %gather3A_1475, %gather3A_1476] : memref<4x64x128xf32, #tpu.memory_space<vmem>> -> memref<1x64x128xf32, #tpu.memory_space<vmem>>
      %gather3A_1478 = tpu.memref_squeeze %gather3A_1477 : memref<1x64x128xf32, #tpu.memory_space<vmem>> -> memref<64x128xf32, #tpu.memory_space<vmem>>
      %gather3A_1479 = tpu.vector_load_idx %gather3A_1478[%add3A_14, %broadcast_in_dim3A_875] : memref<64x128xf32, #tpu.memory_space<vmem>>[vector<16xi32>, vector<16xi32>], vector<16xf32>,
      %gather3A_1480 = arith.constant 1 : i32
      %gather3A_1481 = arith.constant 0 : i32
      %gather3A_1482 = arith.constant 0 : i32
      %gather3A_1483 = tpu.memref_slice %arg10[%gather3A_1480, %gather3A_1481, %gather3A_1482] : memref<4x64x128xf32, #tpu.memory_space<vmem>> -> memref<1x64x128xf32, #tpu.memory_space<vmem>>
      %gather3A_1484 = tpu.memref_squeeze %gather3A_1483 : memref<1x64x128xf32, #tpu.memory_space<vmem>> -> memref<64x128xf32, #tpu.memory_space<vmem>>
      %gather3A_1485 = tpu.vector_load_idx %gather3A_1484[%add3A_14, %broadcast_in_dim3A_892] : memref<64x128xf32, #tpu.memory_space<vmem>>[vector<16xi32>, vector<16xi32>], vector<16xf32>,
      %mul3A_1486 = arith.mulf %gather3A_1479, %gather3A_1485 : vector<16xf32>
      %add3A_1487 = arith.addf %add3A_1473, %mul3A_1486 : vector<16xf32>
      %eq3A_1488 = arith.constant 5 : i32
      %eq3A_1489 = vector.broadcast %eq3A_1488 : i32 to vector<16xi32>
      %eq3A_1490 = arith.cmpi eq, %iota3A, %eq3A_1489 : vector<16xi32>
      %reduce_sum3A_1491 = arith.constant true
      %reduce_sum3A_1492 = vector.broadcast %reduce_sum3A_1491 : i1 to vector<16xi1>
      %reduce_sum3A_1493 = tpu.scan <sum>, %add3A_1487 masked %reduce_sum3A_1492 : vector<16xf32>, vector<16xi1> -> vector<16xf32>
      %reduce_sum3A_1494 = vector.extract %reduce_sum3A_1493[15] : f32 from vector<16xf32>
      %broadcast_in_dim3A_1495 = vector.broadcast %reduce_sum3A_1494 : f32 to vector<16xf32>
      %select_n3A_1496 = arith.select %eq3A_1490, %broadcast_in_dim3A_1495, %select_n3A_1429 : vector<16xi1>, vector<16xf32>
      %slice3A_1497 = vector.extract_strided_slice %get3A_23 {offsets = [8], sizes = [1], strides = [1]} : vector<16xi32> to vector<1xi32>
      %squeeze3A_1498 = vector.extract %slice3A_1497[0] : i32 from vector<1xi32>
      %slice3A_1499 = vector.extract_strided_slice %get3A_25 {offsets = [8], sizes = [1], strides = [1]} : vector<16xi32> to vector<1xi32>
      %squeeze3A_1500 = vector.extract %slice3A_1499[0] : i32 from vector<1xi32>
      %jit3A_1501 = arith.constant 128 : i32
      %div3A_1502 = arith.divsi %squeeze3A_1498, %jit3A_1501 : i32
      %sign3A_1503 = arith.constant 0 : i32
      %sign3A_1504 = arith.cmpi sgt, %squeeze3A_1498, %sign3A_1503 : i32
      %sign3A_1505 = arith.extui %sign3A_1504 : i1 to i32
      %sign3A_1506 = arith.constant 0 : i32
      %sign3A_1507 = arith.cmpi slt, %squeeze3A_1498, %sign3A_1506 : i32
      %sign3A_1508 = arith.extui %sign3A_1507 : i1 to i32
      %sign3A_1509 = arith.subi %sign3A_1505, %sign3A_1508 : i32
      %sign3A_1510 = arith.constant 0 : i32
      %sign3A_1511 = arith.cmpi sgt, %jit3A_1501, %sign3A_1510 : i32
      %sign3A_1512 = arith.extui %sign3A_1511 : i1 to i32
      %sign3A_1513 = arith.constant 0 : i32
      %sign3A_1514 = arith.cmpi slt, %jit3A_1501, %sign3A_1513 : i32
      %sign3A_1515 = arith.extui %sign3A_1514 : i1 to i32
      %sign3A_1516 = arith.subi %sign3A_1512, %sign3A_1515 : i32
      %ne3A_1517 = arith.cmpi ne, %sign3A_1509, %sign3A_1516 : i32
      %rem3A_1518 = arith.remsi %squeeze3A_1498, %jit3A_1501 : i32
      %ne3A_1519 = arith.constant 0 : i32
      %ne3A_1520 = arith.cmpi ne, %rem3A_1518, %ne3A_1519 : i32
      %and3A_1521 = arith.andi %ne3A_1517, %ne3A_1520 : i1
      %sub3A_1522 = arith.constant 1 : i32
      %sub3A_1523 = arith.subi %div3A_1502, %sub3A_1522 : i32
      %select_n3A_1524 = arith.select %and3A_1521, %sub3A_1523, %div3A_1502 : i32
      %mul3A_1525 = arith.constant 128 : i32
      %mul3A_1526 = arith.muli %select_n3A_1524, %mul3A_1525 : i32
      %dma_start3A_1527 = arith.constant 0 : i32
      %dma_start3A_1528 = arith.constant 0 : i32
      %dma_start3A_1529 = arith.constant 0 : i32
      %dma_start3A_1530 = tpu.memref_slice %arg9[%dma_start3A_1527, %dma_start3A_1528, %dma_start3A_1529] : memref<4x64x128xf32, #tpu.memory_space<vmem>> -> memref<1x64x128xf32, #tpu.memory_space<vmem>>
      %dma_start3A_1531 = tpu.memref_squeeze %dma_start3A_1530 : memref<1x64x128xf32, #tpu.memory_space<vmem>> -> memref<64x128xf32, #tpu.memory_space<vmem>>
      %dma_start3A_1532 = arith.constant 0 : i32
      %dma_start3A_1533 = tpu.memref_slice %arg4[%dma_start3A_1532, %mul3A_1526] : memref<64x1000001xf32, #tpu.memory_space<hbm>> -> memref<64x128xf32, #tpu.memory_space<hbm>>
      %dma_start3A_1534 = arith.constant 0 : i32
      %dma_start3A_1535 = arith.constant 0 : i32
      %dma_start3A_1536 = tpu.memref_slice %arg9[%dma_start3A_1527, %dma_start3A_1534, %dma_start3A_1535] : memref<4x64x128xf32, #tpu.memory_space<vmem>> -> memref<1x64x128xf32, #tpu.memory_space<vmem>>
      %dma_start3A_1537 = tpu.memref_squeeze %dma_start3A_1536 : memref<1x64x128xf32, #tpu.memory_space<vmem>> -> memref<64x128xf32, #tpu.memory_space<vmem>>
      %dma_start3A_1538 = arith.constant 0 : i32
      %dma_start3A_1539 = tpu.memref_slice %arg4[%dma_start3A_1538, %mul3A_1526] : memref<64x1000001xf32, #tpu.memory_space<hbm>> -> memref<64x128xf32, #tpu.memory_space<hbm>>
      tpu.enqueue_dma source(%dma_start3A_1539 : memref<64x128xf32, #tpu.memory_space<hbm>>) target(%dma_start3A_1537 : memref<64x128xf32, #tpu.memory_space<vmem>>) target_semaphore(%arg12 : memref<!tpu.dma_semaphore, #tpu.memory_space<semaphore_mem>>)
      %jit3A_1540 = arith.constant 128 : i32
      %div3A_1541 = arith.divsi %squeeze3A_1500, %jit3A_1540 : i32
      %sign3A_1542 = arith.constant 0 : i32
      %sign3A_1543 = arith.cmpi sgt, %squeeze3A_1500, %sign3A_1542 : i32
      %sign3A_1544 = arith.extui %sign3A_1543 : i1 to i32
      %sign3A_1545 = arith.constant 0 : i32
      %sign3A_1546 = arith.cmpi slt, %squeeze3A_1500, %sign3A_1545 : i32
      %sign3A_1547 = arith.extui %sign3A_1546 : i1 to i32
      %sign3A_1548 = arith.subi %sign3A_1544, %sign3A_1547 : i32
      %sign3A_1549 = arith.constant 0 : i32
      %sign3A_1550 = arith.cmpi sgt, %jit3A_1540, %sign3A_1549 : i32
      %sign3A_1551 = arith.extui %sign3A_1550 : i1 to i32
      %sign3A_1552 = arith.constant 0 : i32
      %sign3A_1553 = arith.cmpi slt, %jit3A_1540, %sign3A_1552 : i32
      %sign3A_1554 = arith.extui %sign3A_1553 : i1 to i32
      %sign3A_1555 = arith.subi %sign3A_1551, %sign3A_1554 : i32
      %ne3A_1556 = arith.cmpi ne, %sign3A_1548, %sign3A_1555 : i32
      %rem3A_1557 = arith.remsi %squeeze3A_1500, %jit3A_1540 : i32
      %ne3A_1558 = arith.constant 0 : i32
      %ne3A_1559 = arith.cmpi ne, %rem3A_1557, %ne3A_1558 : i32
      %and3A_1560 = arith.andi %ne3A_1556, %ne3A_1559 : i1
      %sub3A_1561 = arith.constant 1 : i32
      %sub3A_1562 = arith.subi %div3A_1541, %sub3A_1561 : i32
      %select_n3A_1563 = arith.select %and3A_1560, %sub3A_1562, %div3A_1541 : i32
      %mul3A_1564 = arith.constant 128 : i32
      %mul3A_1565 = arith.muli %select_n3A_1563, %mul3A_1564 : i32
      %dma_start3A_1566 = arith.constant 0 : i32
      %dma_start3A_1567 = arith.constant 0 : i32
      %dma_start3A_1568 = arith.constant 0 : i32
      %dma_start3A_1569 = tpu.memref_slice %arg10[%dma_start3A_1566, %dma_start3A_1567, %dma_start3A_1568] : memref<4x64x128xf32, #tpu.memory_space<vmem>> -> memref<1x64x128xf32, #tpu.memory_space<vmem>>
      %dma_start3A_1570 = tpu.memref_squeeze %dma_start3A_1569 : memref<1x64x128xf32, #tpu.memory_space<vmem>> -> memref<64x128xf32, #tpu.memory_space<vmem>>
      %dma_start3A_1571 = arith.constant 0 : i32
      %dma_start3A_1572 = tpu.memref_slice %arg5[%dma_start3A_1571, %mul3A_1565] : memref<64x1000001xf32, #tpu.memory_space<hbm>> -> memref<64x128xf32, #tpu.memory_space<hbm>>
      %dma_start3A_1573 = arith.constant 0 : i32
      %dma_start3A_1574 = arith.constant 0 : i32
      %dma_start3A_1575 = tpu.memref_slice %arg10[%dma_start3A_1566, %dma_start3A_1573, %dma_start3A_1574] : memref<4x64x128xf32, #tpu.memory_space<vmem>> -> memref<1x64x128xf32, #tpu.memory_space<vmem>>
      %dma_start3A_1576 = tpu.memref_squeeze %dma_start3A_1575 : memref<1x64x128xf32, #tpu.memory_space<vmem>> -> memref<64x128xf32, #tpu.memory_space<vmem>>
      %dma_start3A_1577 = arith.constant 0 : i32
      %dma_start3A_1578 = tpu.memref_slice %arg5[%dma_start3A_1577, %mul3A_1565] : memref<64x1000001xf32, #tpu.memory_space<hbm>> -> memref<64x128xf32, #tpu.memory_space<hbm>>
      tpu.enqueue_dma source(%dma_start3A_1578 : memref<64x128xf32, #tpu.memory_space<hbm>>) target(%dma_start3A_1576 : memref<64x128xf32, #tpu.memory_space<vmem>>) target_semaphore(%arg12 : memref<!tpu.dma_semaphore, #tpu.memory_space<semaphore_mem>>)
      %jit3A_1579 = arith.constant 128 : i32
      %eq3A_1580 = arith.constant 0 : i32
      %eq3A_1581 = arith.cmpi eq, %jit3A_1579, %eq3A_1580 : i32
      %jit3A_1582 = arith.constant 1 : i32
      %select_n3A_1583 = arith.select %eq3A_1581, %jit3A_1582, %jit3A_1579 : i32
      %rem3A_1584 = arith.remsi %squeeze3A_1498, %select_n3A_1583 : i32
      %ne3A_1585 = arith.constant 0 : i32
      %ne3A_1586 = arith.cmpi ne, %rem3A_1584, %ne3A_1585 : i32
      %lt3A_1587 = arith.constant 0 : i32
      %lt3A_1588 = arith.cmpi slt, %rem3A_1584, %lt3A_1587 : i32
      %lt3A_1589 = arith.constant 0 : i32
      %lt3A_1590 = arith.cmpi slt, %select_n3A_1583, %lt3A_1589 : i32
      %ne3A_1591 = arith.xori %lt3A_1588, %lt3A_1590 : i1
      %and3A_1592 = arith.andi %ne3A_1591, %ne3A_1586 : i1
      %add3A_1593 = arith.addi %rem3A_1584, %select_n3A_1583 : i32
      %select_n3A_1594 = arith.select %and3A_1592, %add3A_1593, %rem3A_1584 : i32
      %broadcast_in_dim3A_1595 = vector.broadcast %select_n3A_1594 : i32 to vector<16xi32>
      %jit3A_1596 = arith.constant 128 : i32
      %eq3A_1597 = arith.constant 0 : i32
      %eq3A_1598 = arith.cmpi eq, %jit3A_1596, %eq3A_1597 : i32
      %jit3A_1599 = arith.constant 1 : i32
      %select_n3A_1600 = arith.select %eq3A_1598, %jit3A_1599, %jit3A_1596 : i32
      %rem3A_1601 = arith.remsi %squeeze3A_1500, %select_n3A_1600 : i32
      %ne3A_1602 = arith.constant 0 : i32
      %ne3A_1603 = arith.cmpi ne, %rem3A_1601, %ne3A_1602 : i32
      %lt3A_1604 = arith.constant 0 : i32
      %lt3A_1605 = arith.cmpi slt, %rem3A_1601, %lt3A_1604 : i32
      %lt3A_1606 = arith.constant 0 : i32
      %lt3A_1607 = arith.cmpi slt, %select_n3A_1600, %lt3A_1606 : i32
      %ne3A_1608 = arith.xori %lt3A_1605, %lt3A_1607 : i1
      %and3A_1609 = arith.andi %ne3A_1608, %ne3A_1603 : i1
      %add3A_1610 = arith.addi %rem3A_1601, %select_n3A_1600 : i32
      %select_n3A_1611 = arith.select %and3A_1609, %add3A_1610, %rem3A_1601 : i32
      %broadcast_in_dim3A_1612 = vector.broadcast %select_n3A_1611 : i32 to vector<16xi32>
      %slice3A_1613 = vector.extract_strided_slice %get3A_23 {offsets = [9], sizes = [1], strides = [1]} : vector<16xi32> to vector<1xi32>
      %squeeze3A_1614 = vector.extract %slice3A_1613[0] : i32 from vector<1xi32>
      %slice3A_1615 = vector.extract_strided_slice %get3A_25 {offsets = [9], sizes = [1], strides = [1]} : vector<16xi32> to vector<1xi32>
      %squeeze3A_1616 = vector.extract %slice3A_1615[0] : i32 from vector<1xi32>
      %jit3A_1617 = arith.constant 128 : i32
      %div3A_1618 = arith.divsi %squeeze3A_1614, %jit3A_1617 : i32
      %sign3A_1619 = arith.constant 0 : i32
      %sign3A_1620 = arith.cmpi sgt, %squeeze3A_1614, %sign3A_1619 : i32
      %sign3A_1621 = arith.extui %sign3A_1620 : i1 to i32
      %sign3A_1622 = arith.constant 0 : i32
      %sign3A_1623 = arith.cmpi slt, %squeeze3A_1614, %sign3A_1622 : i32
      %sign3A_1624 = arith.extui %sign3A_1623 : i1 to i32
      %sign3A_1625 = arith.subi %sign3A_1621, %sign3A_1624 : i32
      %sign3A_1626 = arith.constant 0 : i32
      %sign3A_1627 = arith.cmpi sgt, %jit3A_1617, %sign3A_1626 : i32
      %sign3A_1628 = arith.extui %sign3A_1627 : i1 to i32
      %sign3A_1629 = arith.constant 0 : i32
      %sign3A_1630 = arith.cmpi slt, %jit3A_1617, %sign3A_1629 : i32
      %sign3A_1631 = arith.extui %sign3A_1630 : i1 to i32
      %sign3A_1632 = arith.subi %sign3A_1628, %sign3A_1631 : i32
      %ne3A_1633 = arith.cmpi ne, %sign3A_1625, %sign3A_1632 : i32
      %rem3A_1634 = arith.remsi %squeeze3A_1614, %jit3A_1617 : i32
      %ne3A_1635 = arith.constant 0 : i32
      %ne3A_1636 = arith.cmpi ne, %rem3A_1634, %ne3A_1635 : i32
      %and3A_1637 = arith.andi %ne3A_1633, %ne3A_1636 : i1
      %sub3A_1638 = arith.constant 1 : i32
      %sub3A_1639 = arith.subi %div3A_1618, %sub3A_1638 : i32
      %select_n3A_1640 = arith.select %and3A_1637, %sub3A_1639, %div3A_1618 : i32
      %mul3A_1641 = arith.constant 128 : i32
      %mul3A_1642 = arith.muli %select_n3A_1640, %mul3A_1641 : i32
      %dma_start3A_1643 = arith.constant 1 : i32
      %dma_start3A_1644 = arith.constant 0 : i32
      %dma_start3A_1645 = arith.constant 0 : i32
      %dma_start3A_1646 = tpu.memref_slice %arg9[%dma_start3A_1643, %dma_start3A_1644, %dma_start3A_1645] : memref<4x64x128xf32, #tpu.memory_space<vmem>> -> memref<1x64x128xf32, #tpu.memory_space<vmem>>
      %dma_start3A_1647 = tpu.memref_squeeze %dma_start3A_1646 : memref<1x64x128xf32, #tpu.memory_space<vmem>> -> memref<64x128xf32, #tpu.memory_space<vmem>>
      %dma_start3A_1648 = arith.constant 0 : i32
      %dma_start3A_1649 = tpu.memref_slice %arg4[%dma_start3A_1648, %mul3A_1642] : memref<64x1000001xf32, #tpu.memory_space<hbm>> -> memref<64x128xf32, #tpu.memory_space<hbm>>
      %dma_start3A_1650 = arith.constant 0 : i32
      %dma_start3A_1651 = arith.constant 0 : i32
      %dma_start3A_1652 = tpu.memref_slice %arg9[%dma_start3A_1643, %dma_start3A_1650, %dma_start3A_1651] : memref<4x64x128xf32, #tpu.memory_space<vmem>> -> memref<1x64x128xf32, #tpu.memory_space<vmem>>
      %dma_start3A_1653 = tpu.memref_squeeze %dma_start3A_1652 : memref<1x64x128xf32, #tpu.memory_space<vmem>> -> memref<64x128xf32, #tpu.memory_space<vmem>>
      %dma_start3A_1654 = arith.constant 0 : i32
      %dma_start3A_1655 = tpu.memref_slice %arg4[%dma_start3A_1654, %mul3A_1642] : memref<64x1000001xf32, #tpu.memory_space<hbm>> -> memref<64x128xf32, #tpu.memory_space<hbm>>
      tpu.enqueue_dma source(%dma_start3A_1655 : memref<64x128xf32, #tpu.memory_space<hbm>>) target(%dma_start3A_1653 : memref<64x128xf32, #tpu.memory_space<vmem>>) target_semaphore(%arg12 : memref<!tpu.dma_semaphore, #tpu.memory_space<semaphore_mem>>)
      %jit3A_1656 = arith.constant 128 : i32
      %div3A_1657 = arith.divsi %squeeze3A_1616, %jit3A_1656 : i32
      %sign3A_1658 = arith.constant 0 : i32
      %sign3A_1659 = arith.cmpi sgt, %squeeze3A_1616, %sign3A_1658 : i32
      %sign3A_1660 = arith.extui %sign3A_1659 : i1 to i32
      %sign3A_1661 = arith.constant 0 : i32
      %sign3A_1662 = arith.cmpi slt, %squeeze3A_1616, %sign3A_1661 : i32
      %sign3A_1663 = arith.extui %sign3A_1662 : i1 to i32
      %sign3A_1664 = arith.subi %sign3A_1660, %sign3A_1663 : i32
      %sign3A_1665 = arith.constant 0 : i32
      %sign3A_1666 = arith.cmpi sgt, %jit3A_1656, %sign3A_1665 : i32
      %sign3A_1667 = arith.extui %sign3A_1666 : i1 to i32
      %sign3A_1668 = arith.constant 0 : i32
      %sign3A_1669 = arith.cmpi slt, %jit3A_1656, %sign3A_1668 : i32
      %sign3A_1670 = arith.extui %sign3A_1669 : i1 to i32
      %sign3A_1671 = arith.subi %sign3A_1667, %sign3A_1670 : i32
      %ne3A_1672 = arith.cmpi ne, %sign3A_1664, %sign3A_1671 : i32
      %rem3A_1673 = arith.remsi %squeeze3A_1616, %jit3A_1656 : i32
      %ne3A_1674 = arith.constant 0 : i32
      %ne3A_1675 = arith.cmpi ne, %rem3A_1673, %ne3A_1674 : i32
      %and3A_1676 = arith.andi %ne3A_1672, %ne3A_1675 : i1
      %sub3A_1677 = arith.constant 1 : i32
      %sub3A_1678 = arith.subi %div3A_1657, %sub3A_1677 : i32
      %select_n3A_1679 = arith.select %and3A_1676, %sub3A_1678, %div3A_1657 : i32
      %mul3A_1680 = arith.constant 128 : i32
      %mul3A_1681 = arith.muli %select_n3A_1679, %mul3A_1680 : i32
      %dma_start3A_1682 = arith.constant 1 : i32
      %dma_start3A_1683 = arith.constant 0 : i32
      %dma_start3A_1684 = arith.constant 0 : i32
      %dma_start3A_1685 = tpu.memref_slice %arg10[%dma_start3A_1682, %dma_start3A_1683, %dma_start3A_1684] : memref<4x64x128xf32, #tpu.memory_space<vmem>> -> memref<1x64x128xf32, #tpu.memory_space<vmem>>
      %dma_start3A_1686 = tpu.memref_squeeze %dma_start3A_1685 : memref<1x64x128xf32, #tpu.memory_space<vmem>> -> memref<64x128xf32, #tpu.memory_space<vmem>>
      %dma_start3A_1687 = arith.constant 0 : i32
      %dma_start3A_1688 = tpu.memref_slice %arg5[%dma_start3A_1687, %mul3A_1681] : memref<64x1000001xf32, #tpu.memory_space<hbm>> -> memref<64x128xf32, #tpu.memory_space<hbm>>
      %dma_start3A_1689 = arith.constant 0 : i32
      %dma_start3A_1690 = arith.constant 0 : i32
      %dma_start3A_1691 = tpu.memref_slice %arg10[%dma_start3A_1682, %dma_start3A_1689, %dma_start3A_1690] : memref<4x64x128xf32, #tpu.memory_space<vmem>> -> memref<1x64x128xf32, #tpu.memory_space<vmem>>
      %dma_start3A_1692 = tpu.memref_squeeze %dma_start3A_1691 : memref<1x64x128xf32, #tpu.memory_space<vmem>> -> memref<64x128xf32, #tpu.memory_space<vmem>>
      %dma_start3A_1693 = arith.constant 0 : i32
      %dma_start3A_1694 = tpu.memref_slice %arg5[%dma_start3A_1693, %mul3A_1681] : memref<64x1000001xf32, #tpu.memory_space<hbm>> -> memref<64x128xf32, #tpu.memory_space<hbm>>
      tpu.enqueue_dma source(%dma_start3A_1694 : memref<64x128xf32, #tpu.memory_space<hbm>>) target(%dma_start3A_1692 : memref<64x128xf32, #tpu.memory_space<vmem>>) target_semaphore(%arg12 : memref<!tpu.dma_semaphore, #tpu.memory_space<semaphore_mem>>)
      %jit3A_1695 = arith.constant 128 : i32
      %eq3A_1696 = arith.constant 0 : i32
      %eq3A_1697 = arith.cmpi eq, %jit3A_1695, %eq3A_1696 : i32
      %jit3A_1698 = arith.constant 1 : i32
      %select_n3A_1699 = arith.select %eq3A_1697, %jit3A_1698, %jit3A_1695 : i32
      %rem3A_1700 = arith.remsi %squeeze3A_1614, %select_n3A_1699 : i32
      %ne3A_1701 = arith.constant 0 : i32
      %ne3A_1702 = arith.cmpi ne, %rem3A_1700, %ne3A_1701 : i32
      %lt3A_1703 = arith.constant 0 : i32
      %lt3A_1704 = arith.cmpi slt, %rem3A_1700, %lt3A_1703 : i32
      %lt3A_1705 = arith.constant 0 : i32
      %lt3A_1706 = arith.cmpi slt, %select_n3A_1699, %lt3A_1705 : i32
      %ne3A_1707 = arith.xori %lt3A_1704, %lt3A_1706 : i1
      %and3A_1708 = arith.andi %ne3A_1707, %ne3A_1702 : i1
      %add3A_1709 = arith.addi %rem3A_1700, %select_n3A_1699 : i32
      %select_n3A_1710 = arith.select %and3A_1708, %add3A_1709, %rem3A_1700 : i32
      %broadcast_in_dim3A_1711 = vector.broadcast %select_n3A_1710 : i32 to vector<16xi32>
      %jit3A_1712 = arith.constant 128 : i32
      %eq3A_1713 = arith.constant 0 : i32
      %eq3A_1714 = arith.cmpi eq, %jit3A_1712, %eq3A_1713 : i32
      %jit3A_1715 = arith.constant 1 : i32
      %select_n3A_1716 = arith.select %eq3A_1714, %jit3A_1715, %jit3A_1712 : i32
      %rem3A_1717 = arith.remsi %squeeze3A_1616, %select_n3A_1716 : i32
      %ne3A_1718 = arith.constant 0 : i32
      %ne3A_1719 = arith.cmpi ne, %rem3A_1717, %ne3A_1718 : i32
      %lt3A_1720 = arith.constant 0 : i32
      %lt3A_1721 = arith.cmpi slt, %rem3A_1717, %lt3A_1720 : i32
      %lt3A_1722 = arith.constant 0 : i32
      %lt3A_1723 = arith.cmpi slt, %select_n3A_1716, %lt3A_1722 : i32
      %ne3A_1724 = arith.xori %lt3A_1721, %lt3A_1723 : i1
      %and3A_1725 = arith.andi %ne3A_1724, %ne3A_1719 : i1
      %add3A_1726 = arith.addi %rem3A_1717, %select_n3A_1716 : i32
      %select_n3A_1727 = arith.select %and3A_1725, %add3A_1726, %rem3A_1717 : i32
      %broadcast_in_dim3A_1728 = vector.broadcast %select_n3A_1727 : i32 to vector<16xi32>
      %dma_wait3A_1729 = arith.constant 2 : i32
      %dma_wait3A_1730 = arith.constant 0 : i32
      %dma_wait3A_1731 = arith.constant 0 : i32
      %dma_wait3A_1732 = tpu.memref_slice %arg9[%dma_wait3A_1729, %dma_wait3A_1730, %dma_wait3A_1731] : memref<4x64x128xf32, #tpu.memory_space<vmem>> -> memref<1x64x128xf32, #tpu.memory_space<vmem>>
      %dma_wait3A_1733 = tpu.memref_squeeze %dma_wait3A_1732 : memref<1x64x128xf32, #tpu.memory_space<vmem>> -> memref<64x128xf32, #tpu.memory_space<vmem>>
      %dma_wait3A_1734 = arith.constant 0 : i32
      %dma_wait3A_1735 = tpu.memref_slice %arg4[%dma_wait3A_1734, %mul3A_1108] : memref<64x1000001xf32, #tpu.memory_space<hbm>> -> memref<64x128xf32, #tpu.memory_space<hbm>>
      %dma_wait3A_1736 = arith.constant 0 : i32
      %dma_wait3A_1737 = arith.constant 0 : i32
      %dma_wait3A_1738 = tpu.memref_slice %arg9[%dma_wait3A_1729, %dma_wait3A_1736, %dma_wait3A_1737] : memref<4x64x128xf32, #tpu.memory_space<vmem>> -> memref<1x64x128xf32, #tpu.memory_space<vmem>>
      %dma_wait3A_1739 = tpu.memref_squeeze %dma_wait3A_1738 : memref<1x64x128xf32, #tpu.memory_space<vmem>> -> memref<64x128xf32, #tpu.memory_space<vmem>>
      %dma_wait3A_1740 = arith.constant 0 : i32
      %dma_wait3A_1741 = tpu.memref_slice %arg4[%dma_wait3A_1740, %mul3A_1108] : memref<64x1000001xf32, #tpu.memory_space<hbm>> -> memref<64x128xf32, #tpu.memory_space<hbm>>
      tpu.wait_dma2 semaphore(%arg12 : memref<!tpu.dma_semaphore, #tpu.memory_space<semaphore_mem>>) src(%dma_wait3A_1741 : memref<64x128xf32, #tpu.memory_space<hbm>>) dst(%dma_wait3A_1739 : memref<64x128xf32, #tpu.memory_space<vmem>>)
      %dma_wait3A_1742 = arith.constant 2 : i32
      %dma_wait3A_1743 = arith.constant 0 : i32
      %dma_wait3A_1744 = arith.constant 0 : i32
      %dma_wait3A_1745 = tpu.memref_slice %arg10[%dma_wait3A_1742, %dma_wait3A_1743, %dma_wait3A_1744] : memref<4x64x128xf32, #tpu.memory_space<vmem>> -> memref<1x64x128xf32, #tpu.memory_space<vmem>>
      %dma_wait3A_1746 = tpu.memref_squeeze %dma_wait3A_1745 : memref<1x64x128xf32, #tpu.memory_space<vmem>> -> memref<64x128xf32, #tpu.memory_space<vmem>>
      %dma_wait3A_1747 = arith.constant 0 : i32
      %dma_wait3A_1748 = tpu.memref_slice %arg5[%dma_wait3A_1747, %mul3A_1147] : memref<64x1000001xf32, #tpu.memory_space<hbm>> -> memref<64x128xf32, #tpu.memory_space<hbm>>
      %dma_wait3A_1749 = arith.constant 0 : i32
      %dma_wait3A_1750 = arith.constant 0 : i32
      %dma_wait3A_1751 = tpu.memref_slice %arg10[%dma_wait3A_1742, %dma_wait3A_1749, %dma_wait3A_1750] : memref<4x64x128xf32, #tpu.memory_space<vmem>> -> memref<1x64x128xf32, #tpu.memory_space<vmem>>
      %dma_wait3A_1752 = tpu.memref_squeeze %dma_wait3A_1751 : memref<1x64x128xf32, #tpu.memory_space<vmem>> -> memref<64x128xf32, #tpu.memory_space<vmem>>
      %dma_wait3A_1753 = arith.constant 0 : i32
      %dma_wait3A_1754 = tpu.memref_slice %arg5[%dma_wait3A_1753, %mul3A_1147] : memref<64x1000001xf32, #tpu.memory_space<hbm>> -> memref<64x128xf32, #tpu.memory_space<hbm>>
      tpu.wait_dma2 semaphore(%arg12 : memref<!tpu.dma_semaphore, #tpu.memory_space<semaphore_mem>>) src(%dma_wait3A_1754 : memref<64x128xf32, #tpu.memory_space<hbm>>) dst(%dma_wait3A_1752 : memref<64x128xf32, #tpu.memory_space<vmem>>)
      %dma_wait3A_1755 = arith.constant 3 : i32
      %dma_wait3A_1756 = arith.constant 0 : i32
      %dma_wait3A_1757 = arith.constant 0 : i32
      %dma_wait3A_1758 = tpu.memref_slice %arg9[%dma_wait3A_1755, %dma_wait3A_1756, %dma_wait3A_1757] : memref<4x64x128xf32, #tpu.memory_space<vmem>> -> memref<1x64x128xf32, #tpu.memory_space<vmem>>
      %dma_wait3A_1759 = tpu.memref_squeeze %dma_wait3A_1758 : memref<1x64x128xf32, #tpu.memory_space<vmem>> -> memref<64x128xf32, #tpu.memory_space<vmem>>
      %dma_wait3A_1760 = arith.constant 0 : i32
      %dma_wait3A_1761 = tpu.memref_slice %arg4[%dma_wait3A_1760, %mul3A_1224] : memref<64x1000001xf32, #tpu.memory_space<hbm>> -> memref<64x128xf32, #tpu.memory_space<hbm>>
      %dma_wait3A_1762 = arith.constant 0 : i32
      %dma_wait3A_1763 = arith.constant 0 : i32
      %dma_wait3A_1764 = tpu.memref_slice %arg9[%dma_wait3A_1755, %dma_wait3A_1762, %dma_wait3A_1763] : memref<4x64x128xf32, #tpu.memory_space<vmem>> -> memref<1x64x128xf32, #tpu.memory_space<vmem>>
      %dma_wait3A_1765 = tpu.memref_squeeze %dma_wait3A_1764 : memref<1x64x128xf32, #tpu.memory_space<vmem>> -> memref<64x128xf32, #tpu.memory_space<vmem>>
      %dma_wait3A_1766 = arith.constant 0 : i32
      %dma_wait3A_1767 = tpu.memref_slice %arg4[%dma_wait3A_1766, %mul3A_1224] : memref<64x1000001xf32, #tpu.memory_space<hbm>> -> memref<64x128xf32, #tpu.memory_space<hbm>>
      tpu.wait_dma2 semaphore(%arg12 : memref<!tpu.dma_semaphore, #tpu.memory_space<semaphore_mem>>) src(%dma_wait3A_1767 : memref<64x128xf32, #tpu.memory_space<hbm>>) dst(%dma_wait3A_1765 : memref<64x128xf32, #tpu.memory_space<vmem>>)
      %dma_wait3A_1768 = arith.constant 3 : i32
      %dma_wait3A_1769 = arith.constant 0 : i32
      %dma_wait3A_1770 = arith.constant 0 : i32
      %dma_wait3A_1771 = tpu.memref_slice %arg10[%dma_wait3A_1768, %dma_wait3A_1769, %dma_wait3A_1770] : memref<4x64x128xf32, #tpu.memory_space<vmem>> -> memref<1x64x128xf32, #tpu.memory_space<vmem>>
      %dma_wait3A_1772 = tpu.memref_squeeze %dma_wait3A_1771 : memref<1x64x128xf32, #tpu.memory_space<vmem>> -> memref<64x128xf32, #tpu.memory_space<vmem>>
      %dma_wait3A_1773 = arith.constant 0 : i32
      %dma_wait3A_1774 = tpu.memref_slice %arg5[%dma_wait3A_1773, %mul3A_1263] : memref<64x1000001xf32, #tpu.memory_space<hbm>> -> memref<64x128xf32, #tpu.memory_space<hbm>>
      %dma_wait3A_1775 = arith.constant 0 : i32
      %dma_wait3A_1776 = arith.constant 0 : i32
      %dma_wait3A_1777 = tpu.memref_slice %arg10[%dma_wait3A_1768, %dma_wait3A_1775, %dma_wait3A_1776] : memref<4x64x128xf32, #tpu.memory_space<vmem>> -> memref<1x64x128xf32, #tpu.memory_space<vmem>>
      %dma_wait3A_1778 = tpu.memref_squeeze %dma_wait3A_1777 : memref<1x64x128xf32, #tpu.memory_space<vmem>> -> memref<64x128xf32, #tpu.memory_space<vmem>>
      %dma_wait3A_1779 = arith.constant 0 : i32
      %dma_wait3A_1780 = tpu.memref_slice %arg5[%dma_wait3A_1779, %mul3A_1263] : memref<64x1000001xf32, #tpu.memory_space<hbm>> -> memref<64x128xf32, #tpu.memory_space<hbm>>
      tpu.wait_dma2 semaphore(%arg12 : memref<!tpu.dma_semaphore, #tpu.memory_space<semaphore_mem>>) src(%dma_wait3A_1780 : memref<64x128xf32, #tpu.memory_space<hbm>>) dst(%dma_wait3A_1778 : memref<64x128xf32, #tpu.memory_space<vmem>>)
      %broadcast_in_dim3A_1781 = arith.constant 0.000000e+00 : f32
      %broadcast_in_dim3A_1782 = vector.broadcast %broadcast_in_dim3A_1781 : f32 to vector<16xf32>
      %gather3A_1783 = arith.constant 2 : i32
      %gather3A_1784 = arith.constant 0 : i32
      %gather3A_1785 = arith.constant 0 : i32
      %gather3A_1786 = tpu.memref_slice %arg9[%gather3A_1783, %gather3A_1784, %gather3A_1785] : memref<4x64x128xf32, #tpu.memory_space<vmem>> -> memref<1x64x128xf32, #tpu.memory_space<vmem>>
      %gather3A_1787 = tpu.memref_squeeze %gather3A_1786 : memref<1x64x128xf32, #tpu.memory_space<vmem>> -> memref<64x128xf32, #tpu.memory_space<vmem>>
      %gather3A_1788 = tpu.vector_load_idx %gather3A_1787[%add3A_5, %broadcast_in_dim3A_1177] : memref<64x128xf32, #tpu.memory_space<vmem>>[vector<16xi32>, vector<16xi32>], vector<16xf32>,
      %gather3A_1789 = arith.constant 2 : i32
      %gather3A_1790 = arith.constant 0 : i32
      %gather3A_1791 = arith.constant 0 : i32
      %gather3A_1792 = tpu.memref_slice %arg10[%gather3A_1789, %gather3A_1790, %gather3A_1791] : memref<4x64x128xf32, #tpu.memory_space<vmem>> -> memref<1x64x128xf32, #tpu.memory_space<vmem>>
      %gather3A_1793 = tpu.memref_squeeze %gather3A_1792 : memref<1x64x128xf32, #tpu.memory_space<vmem>> -> memref<64x128xf32, #tpu.memory_space<vmem>>
      %gather3A_1794 = tpu.vector_load_idx %gather3A_1793[%add3A_5, %broadcast_in_dim3A_1194] : memref<64x128xf32, #tpu.memory_space<vmem>>[vector<16xi32>, vector<16xi32>], vector<16xf32>,
      %mul3A_1795 = arith.mulf %gather3A_1788, %gather3A_1794 : vector<16xf32>
      %add3A_1796 = arith.addf %broadcast_in_dim3A_1782, %mul3A_1795 : vector<16xf32>
      %gather3A_1797 = arith.constant 2 : i32
      %gather3A_1798 = arith.constant 0 : i32
      %gather3A_1799 = arith.constant 0 : i32
      %gather3A_1800 = tpu.memref_slice %arg9[%gather3A_1797, %gather3A_1798, %gather3A_1799] : memref<4x64x128xf32, #tpu.memory_space<vmem>> -> memref<1x64x128xf32, #tpu.memory_space<vmem>>
      %gather3A_1801 = tpu.memref_squeeze %gather3A_1800 : memref<1x64x128xf32, #tpu.memory_space<vmem>> -> memref<64x128xf32, #tpu.memory_space<vmem>>
      %gather3A_1802 = tpu.vector_load_idx %gather3A_1801[%add3A_8, %broadcast_in_dim3A_1177] : memref<64x128xf32, #tpu.memory_space<vmem>>[vector<16xi32>, vector<16xi32>], vector<16xf32>,
      %gather3A_1803 = arith.constant 2 : i32
      %gather3A_1804 = arith.constant 0 : i32
      %gather3A_1805 = arith.constant 0 : i32
      %gather3A_1806 = tpu.memref_slice %arg10[%gather3A_1803, %gather3A_1804, %gather3A_1805] : memref<4x64x128xf32, #tpu.memory_space<vmem>> -> memref<1x64x128xf32, #tpu.memory_space<vmem>>
      %gather3A_1807 = tpu.memref_squeeze %gather3A_1806 : memref<1x64x128xf32, #tpu.memory_space<vmem>> -> memref<64x128xf32, #tpu.memory_space<vmem>>
      %gather3A_1808 = tpu.vector_load_idx %gather3A_1807[%add3A_8, %broadcast_in_dim3A_1194] : memref<64x128xf32, #tpu.memory_space<vmem>>[vector<16xi32>, vector<16xi32>], vector<16xf32>,
      %mul3A_1809 = arith.mulf %gather3A_1802, %gather3A_1808 : vector<16xf32>
      %add3A_1810 = arith.addf %add3A_1796, %mul3A_1809 : vector<16xf32>
      %gather3A_1811 = arith.constant 2 : i32
      %gather3A_1812 = arith.constant 0 : i32
      %gather3A_1813 = arith.constant 0 : i32
      %gather3A_1814 = tpu.memref_slice %arg9[%gather3A_1811, %gather3A_1812, %gather3A_1813] : memref<4x64x128xf32, #tpu.memory_space<vmem>> -> memref<1x64x128xf32, #tpu.memory_space<vmem>>
      %gather3A_1815 = tpu.memref_squeeze %gather3A_1814 : memref<1x64x128xf32, #tpu.memory_space<vmem>> -> memref<64x128xf32, #tpu.memory_space<vmem>>
      %gather3A_1816 = tpu.vector_load_idx %gather3A_1815[%add3A_11, %broadcast_in_dim3A_1177] : memref<64x128xf32, #tpu.memory_space<vmem>>[vector<16xi32>, vector<16xi32>], vector<16xf32>,
      %gather3A_1817 = arith.constant 2 : i32
      %gather3A_1818 = arith.constant 0 : i32
      %gather3A_1819 = arith.constant 0 : i32
      %gather3A_1820 = tpu.memref_slice %arg10[%gather3A_1817, %gather3A_1818, %gather3A_1819] : memref<4x64x128xf32, #tpu.memory_space<vmem>> -> memref<1x64x128xf32, #tpu.memory_space<vmem>>
      %gather3A_1821 = tpu.memref_squeeze %gather3A_1820 : memref<1x64x128xf32, #tpu.memory_space<vmem>> -> memref<64x128xf32, #tpu.memory_space<vmem>>
      %gather3A_1822 = tpu.vector_load_idx %gather3A_1821[%add3A_11, %broadcast_in_dim3A_1194] : memref<64x128xf32, #tpu.memory_space<vmem>>[vector<16xi32>, vector<16xi32>], vector<16xf32>,
      %mul3A_1823 = arith.mulf %gather3A_1816, %gather3A_1822 : vector<16xf32>
      %add3A_1824 = arith.addf %add3A_1810, %mul3A_1823 : vector<16xf32>
      %gather3A_1825 = arith.constant 2 : i32
      %gather3A_1826 = arith.constant 0 : i32
      %gather3A_1827 = arith.constant 0 : i32
      %gather3A_1828 = tpu.memref_slice %arg9[%gather3A_1825, %gather3A_1826, %gather3A_1827] : memref<4x64x128xf32, #tpu.memory_space<vmem>> -> memref<1x64x128xf32, #tpu.memory_space<vmem>>
      %gather3A_1829 = tpu.memref_squeeze %gather3A_1828 : memref<1x64x128xf32, #tpu.memory_space<vmem>> -> memref<64x128xf32, #tpu.memory_space<vmem>>
      %gather3A_1830 = tpu.vector_load_idx %gather3A_1829[%add3A_14, %broadcast_in_dim3A_1177] : memref<64x128xf32, #tpu.memory_space<vmem>>[vector<16xi32>, vector<16xi32>], vector<16xf32>,
      %gather3A_1831 = arith.constant 2 : i32
      %gather3A_1832 = arith.constant 0 : i32
      %gather3A_1833 = arith.constant 0 : i32
      %gather3A_1834 = tpu.memref_slice %arg10[%gather3A_1831, %gather3A_1832, %gather3A_1833] : memref<4x64x128xf32, #tpu.memory_space<vmem>> -> memref<1x64x128xf32, #tpu.memory_space<vmem>>
      %gather3A_1835 = tpu.memref_squeeze %gather3A_1834 : memref<1x64x128xf32, #tpu.memory_space<vmem>> -> memref<64x128xf32, #tpu.memory_space<vmem>>
      %gather3A_1836 = tpu.vector_load_idx %gather3A_1835[%add3A_14, %broadcast_in_dim3A_1194] : memref<64x128xf32, #tpu.memory_space<vmem>>[vector<16xi32>, vector<16xi32>], vector<16xf32>,
      %mul3A_1837 = arith.mulf %gather3A_1830, %gather3A_1836 : vector<16xf32>
      %add3A_1838 = arith.addf %add3A_1824, %mul3A_1837 : vector<16xf32>
      %eq3A_1839 = arith.constant 6 : i32
      %eq3A_1840 = vector.broadcast %eq3A_1839 : i32 to vector<16xi32>
      %eq3A_1841 = arith.cmpi eq, %iota3A, %eq3A_1840 : vector<16xi32>
      %reduce_sum3A_1842 = arith.constant true
      %reduce_sum3A_1843 = vector.broadcast %reduce_sum3A_1842 : i1 to vector<16xi1>
      %reduce_sum3A_1844 = tpu.scan <sum>, %add3A_1838 masked %reduce_sum3A_1843 : vector<16xf32>, vector<16xi1> -> vector<16xf32>
      %reduce_sum3A_1845 = vector.extract %reduce_sum3A_1844[15] : f32 from vector<16xf32>
      %broadcast_in_dim3A_1846 = vector.broadcast %reduce_sum3A_1845 : f32 to vector<16xf32>
      %select_n3A_1847 = arith.select %eq3A_1841, %broadcast_in_dim3A_1846, %select_n3A_1496 : vector<16xi1>, vector<16xf32>
      %broadcast_in_dim3A_1848 = arith.constant 0.000000e+00 : f32
      %broadcast_in_dim3A_1849 = vector.broadcast %broadcast_in_dim3A_1848 : f32 to vector<16xf32>
      %gather3A_1850 = arith.constant 3 : i32
      %gather3A_1851 = arith.constant 0 : i32
      %gather3A_1852 = arith.constant 0 : i32
      %gather3A_1853 = tpu.memref_slice %arg9[%gather3A_1850, %gather3A_1851, %gather3A_1852] : memref<4x64x128xf32, #tpu.memory_space<vmem>> -> memref<1x64x128xf32, #tpu.memory_space<vmem>>
      %gather3A_1854 = tpu.memref_squeeze %gather3A_1853 : memref<1x64x128xf32, #tpu.memory_space<vmem>> -> memref<64x128xf32, #tpu.memory_space<vmem>>
      %gather3A_1855 = tpu.vector_load_idx %gather3A_1854[%add3A_5, %broadcast_in_dim3A_1293] : memref<64x128xf32, #tpu.memory_space<vmem>>[vector<16xi32>, vector<16xi32>], vector<16xf32>,
      %gather3A_1856 = arith.constant 3 : i32
      %gather3A_1857 = arith.constant 0 : i32
      %gather3A_1858 = arith.constant 0 : i32
      %gather3A_1859 = tpu.memref_slice %arg10[%gather3A_1856, %gather3A_1857, %gather3A_1858] : memref<4x64x128xf32, #tpu.memory_space<vmem>> -> memref<1x64x128xf32, #tpu.memory_space<vmem>>
      %gather3A_1860 = tpu.memref_squeeze %gather3A_1859 : memref<1x64x128xf32, #tpu.memory_space<vmem>> -> memref<64x128xf32, #tpu.memory_space<vmem>>
      %gather3A_1861 = tpu.vector_load_idx %gather3A_1860[%add3A_5, %broadcast_in_dim3A_1310] : memref<64x128xf32, #tpu.memory_space<vmem>>[vector<16xi32>, vector<16xi32>], vector<16xf32>,
      %mul3A_1862 = arith.mulf %gather3A_1855, %gather3A_1861 : vector<16xf32>
      %add3A_1863 = arith.addf %broadcast_in_dim3A_1849, %mul3A_1862 : vector<16xf32>
      %gather3A_1864 = arith.constant 3 : i32
      %gather3A_1865 = arith.constant 0 : i32
      %gather3A_1866 = arith.constant 0 : i32
      %gather3A_1867 = tpu.memref_slice %arg9[%gather3A_1864, %gather3A_1865, %gather3A_1866] : memref<4x64x128xf32, #tpu.memory_space<vmem>> -> memref<1x64x128xf32, #tpu.memory_space<vmem>>
      %gather3A_1868 = tpu.memref_squeeze %gather3A_1867 : memref<1x64x128xf32, #tpu.memory_space<vmem>> -> memref<64x128xf32, #tpu.memory_space<vmem>>
      %gather3A_1869 = tpu.vector_load_idx %gather3A_1868[%add3A_8, %broadcast_in_dim3A_1293] : memref<64x128xf32, #tpu.memory_space<vmem>>[vector<16xi32>, vector<16xi32>], vector<16xf32>,
      %gather3A_1870 = arith.constant 3 : i32
      %gather3A_1871 = arith.constant 0 : i32
      %gather3A_1872 = arith.constant 0 : i32
      %gather3A_1873 = tpu.memref_slice %arg10[%gather3A_1870, %gather3A_1871, %gather3A_1872] : memref<4x64x128xf32, #tpu.memory_space<vmem>> -> memref<1x64x128xf32, #tpu.memory_space<vmem>>
      %gather3A_1874 = tpu.memref_squeeze %gather3A_1873 : memref<1x64x128xf32, #tpu.memory_space<vmem>> -> memref<64x128xf32, #tpu.memory_space<vmem>>
      %gather3A_1875 = tpu.vector_load_idx %gather3A_1874[%add3A_8, %broadcast_in_dim3A_1310] : memref<64x128xf32, #tpu.memory_space<vmem>>[vector<16xi32>, vector<16xi32>], vector<16xf32>,
      %mul3A_1876 = arith.mulf %gather3A_1869, %gather3A_1875 : vector<16xf32>
      %add3A_1877 = arith.addf %add3A_1863, %mul3A_1876 : vector<16xf32>
      %gather3A_1878 = arith.constant 3 : i32
      %gather3A_1879 = arith.constant 0 : i32
      %gather3A_1880 = arith.constant 0 : i32
      %gather3A_1881 = tpu.memref_slice %arg9[%gather3A_1878, %gather3A_1879, %gather3A_1880] : memref<4x64x128xf32, #tpu.memory_space<vmem>> -> memref<1x64x128xf32, #tpu.memory_space<vmem>>
      %gather3A_1882 = tpu.memref_squeeze %gather3A_1881 : memref<1x64x128xf32, #tpu.memory_space<vmem>> -> memref<64x128xf32, #tpu.memory_space<vmem>>
      %gather3A_1883 = tpu.vector_load_idx %gather3A_1882[%add3A_11, %broadcast_in_dim3A_1293] : memref<64x128xf32, #tpu.memory_space<vmem>>[vector<16xi32>, vector<16xi32>], vector<16xf32>,
      %gather3A_1884 = arith.constant 3 : i32
      %gather3A_1885 = arith.constant 0 : i32
      %gather3A_1886 = arith.constant 0 : i32
      %gather3A_1887 = tpu.memref_slice %arg10[%gather3A_1884, %gather3A_1885, %gather3A_1886] : memref<4x64x128xf32, #tpu.memory_space<vmem>> -> memref<1x64x128xf32, #tpu.memory_space<vmem>>
      %gather3A_1888 = tpu.memref_squeeze %gather3A_1887 : memref<1x64x128xf32, #tpu.memory_space<vmem>> -> memref<64x128xf32, #tpu.memory_space<vmem>>
      %gather3A_1889 = tpu.vector_load_idx %gather3A_1888[%add3A_11, %broadcast_in_dim3A_1310] : memref<64x128xf32, #tpu.memory_space<vmem>>[vector<16xi32>, vector<16xi32>], vector<16xf32>,
      %mul3A_1890 = arith.mulf %gather3A_1883, %gather3A_1889 : vector<16xf32>
      %add3A_1891 = arith.addf %add3A_1877, %mul3A_1890 : vector<16xf32>
      %gather3A_1892 = arith.constant 3 : i32
      %gather3A_1893 = arith.constant 0 : i32
      %gather3A_1894 = arith.constant 0 : i32
      %gather3A_1895 = tpu.memref_slice %arg9[%gather3A_1892, %gather3A_1893, %gather3A_1894] : memref<4x64x128xf32, #tpu.memory_space<vmem>> -> memref<1x64x128xf32, #tpu.memory_space<vmem>>
      %gather3A_1896 = tpu.memref_squeeze %gather3A_1895 : memref<1x64x128xf32, #tpu.memory_space<vmem>> -> memref<64x128xf32, #tpu.memory_space<vmem>>
      %gather3A_1897 = tpu.vector_load_idx %gather3A_1896[%add3A_14, %broadcast_in_dim3A_1293] : memref<64x128xf32, #tpu.memory_space<vmem>>[vector<16xi32>, vector<16xi32>], vector<16xf32>,
      %gather3A_1898 = arith.constant 3 : i32
      %gather3A_1899 = arith.constant 0 : i32
      %gather3A_1900 = arith.constant 0 : i32
      %gather3A_1901 = tpu.memref_slice %arg10[%gather3A_1898, %gather3A_1899, %gather3A_1900] : memref<4x64x128xf32, #tpu.memory_space<vmem>> -> memref<1x64x128xf32, #tpu.memory_space<vmem>>
      %gather3A_1902 = tpu.memref_squeeze %gather3A_1901 : memref<1x64x128xf32, #tpu.memory_space<vmem>> -> memref<64x128xf32, #tpu.memory_space<vmem>>
      %gather3A_1903 = tpu.vector_load_idx %gather3A_1902[%add3A_14, %broadcast_in_dim3A_1310] : memref<64x128xf32, #tpu.memory_space<vmem>>[vector<16xi32>, vector<16xi32>], vector<16xf32>,
      %mul3A_1904 = arith.mulf %gather3A_1897, %gather3A_1903 : vector<16xf32>
      %add3A_1905 = arith.addf %add3A_1891, %mul3A_1904 : vector<16xf32>
      %eq3A_1906 = arith.constant 7 : i32
      %eq3A_1907 = vector.broadcast %eq3A_1906 : i32 to vector<16xi32>
      %eq3A_1908 = arith.cmpi eq, %iota3A, %eq3A_1907 : vector<16xi32>
      %reduce_sum3A_1909 = arith.constant true
      %reduce_sum3A_1910 = vector.broadcast %reduce_sum3A_1909 : i1 to vector<16xi1>
      %reduce_sum3A_1911 = tpu.scan <sum>, %add3A_1905 masked %reduce_sum3A_1910 : vector<16xf32>, vector<16xi1> -> vector<16xf32>
      %reduce_sum3A_1912 = vector.extract %reduce_sum3A_1911[15] : f32 from vector<16xf32>
      %broadcast_in_dim3A_1913 = vector.broadcast %reduce_sum3A_1912 : f32 to vector<16xf32>
      %select_n3A_1914 = arith.select %eq3A_1908, %broadcast_in_dim3A_1913, %select_n3A_1847 : vector<16xi1>, vector<16xf32>
      %slice3A_1915 = vector.extract_strided_slice %get3A_23 {offsets = [10], sizes = [1], strides = [1]} : vector<16xi32> to vector<1xi32>
      %squeeze3A_1916 = vector.extract %slice3A_1915[0] : i32 from vector<1xi32>
      %slice3A_1917 = vector.extract_strided_slice %get3A_25 {offsets = [10], sizes = [1], strides = [1]} : vector<16xi32> to vector<1xi32>
      %squeeze3A_1918 = vector.extract %slice3A_1917[0] : i32 from vector<1xi32>
      %jit3A_1919 = arith.constant 128 : i32
      %div3A_1920 = arith.divsi %squeeze3A_1916, %jit3A_1919 : i32
      %sign3A_1921 = arith.constant 0 : i32
      %sign3A_1922 = arith.cmpi sgt, %squeeze3A_1916, %sign3A_1921 : i32
      %sign3A_1923 = arith.extui %sign3A_1922 : i1 to i32
      %sign3A_1924 = arith.constant 0 : i32
      %sign3A_1925 = arith.cmpi slt, %squeeze3A_1916, %sign3A_1924 : i32
      %sign3A_1926 = arith.extui %sign3A_1925 : i1 to i32
      %sign3A_1927 = arith.subi %sign3A_1923, %sign3A_1926 : i32
      %sign3A_1928 = arith.constant 0 : i32
      %sign3A_1929 = arith.cmpi sgt, %jit3A_1919, %sign3A_1928 : i32
      %sign3A_1930 = arith.extui %sign3A_1929 : i1 to i32
      %sign3A_1931 = arith.constant 0 : i32
      %sign3A_1932 = arith.cmpi slt, %jit3A_1919, %sign3A_1931 : i32
      %sign3A_1933 = arith.extui %sign3A_1932 : i1 to i32
      %sign3A_1934 = arith.subi %sign3A_1930, %sign3A_1933 : i32
      %ne3A_1935 = arith.cmpi ne, %sign3A_1927, %sign3A_1934 : i32
      %rem3A_1936 = arith.remsi %squeeze3A_1916, %jit3A_1919 : i32
      %ne3A_1937 = arith.constant 0 : i32
      %ne3A_1938 = arith.cmpi ne, %rem3A_1936, %ne3A_1937 : i32
      %and3A_1939 = arith.andi %ne3A_1935, %ne3A_1938 : i1
      %sub3A_1940 = arith.constant 1 : i32
      %sub3A_1941 = arith.subi %div3A_1920, %sub3A_1940 : i32
      %select_n3A_1942 = arith.select %and3A_1939, %sub3A_1941, %div3A_1920 : i32
      %mul3A_1943 = arith.constant 128 : i32
      %mul3A_1944 = arith.muli %select_n3A_1942, %mul3A_1943 : i32
      %dma_start3A_1945 = arith.constant 2 : i32
      %dma_start3A_1946 = arith.constant 0 : i32
      %dma_start3A_1947 = arith.constant 0 : i32
      %dma_start3A_1948 = tpu.memref_slice %arg9[%dma_start3A_1945, %dma_start3A_1946, %dma_start3A_1947] : memref<4x64x128xf32, #tpu.memory_space<vmem>> -> memref<1x64x128xf32, #tpu.memory_space<vmem>>
      %dma_start3A_1949 = tpu.memref_squeeze %dma_start3A_1948 : memref<1x64x128xf32, #tpu.memory_space<vmem>> -> memref<64x128xf32, #tpu.memory_space<vmem>>
      %dma_start3A_1950 = arith.constant 0 : i32
      %dma_start3A_1951 = tpu.memref_slice %arg4[%dma_start3A_1950, %mul3A_1944] : memref<64x1000001xf32, #tpu.memory_space<hbm>> -> memref<64x128xf32, #tpu.memory_space<hbm>>
      %dma_start3A_1952 = arith.constant 0 : i32
      %dma_start3A_1953 = arith.constant 0 : i32
      %dma_start3A_1954 = tpu.memref_slice %arg9[%dma_start3A_1945, %dma_start3A_1952, %dma_start3A_1953] : memref<4x64x128xf32, #tpu.memory_space<vmem>> -> memref<1x64x128xf32, #tpu.memory_space<vmem>>
      %dma_start3A_1955 = tpu.memref_squeeze %dma_start3A_1954 : memref<1x64x128xf32, #tpu.memory_space<vmem>> -> memref<64x128xf32, #tpu.memory_space<vmem>>
      %dma_start3A_1956 = arith.constant 0 : i32
      %dma_start3A_1957 = tpu.memref_slice %arg4[%dma_start3A_1956, %mul3A_1944] : memref<64x1000001xf32, #tpu.memory_space<hbm>> -> memref<64x128xf32, #tpu.memory_space<hbm>>
      tpu.enqueue_dma source(%dma_start3A_1957 : memref<64x128xf32, #tpu.memory_space<hbm>>) target(%dma_start3A_1955 : memref<64x128xf32, #tpu.memory_space<vmem>>) target_semaphore(%arg12 : memref<!tpu.dma_semaphore, #tpu.memory_space<semaphore_mem>>)
      %jit3A_1958 = arith.constant 128 : i32
      %div3A_1959 = arith.divsi %squeeze3A_1918, %jit3A_1958 : i32
      %sign3A_1960 = arith.constant 0 : i32
      %sign3A_1961 = arith.cmpi sgt, %squeeze3A_1918, %sign3A_1960 : i32
      %sign3A_1962 = arith.extui %sign3A_1961 : i1 to i32
      %sign3A_1963 = arith.constant 0 : i32
      %sign3A_1964 = arith.cmpi slt, %squeeze3A_1918, %sign3A_1963 : i32
      %sign3A_1965 = arith.extui %sign3A_1964 : i1 to i32
      %sign3A_1966 = arith.subi %sign3A_1962, %sign3A_1965 : i32
      %sign3A_1967 = arith.constant 0 : i32
      %sign3A_1968 = arith.cmpi sgt, %jit3A_1958, %sign3A_1967 : i32
      %sign3A_1969 = arith.extui %sign3A_1968 : i1 to i32
      %sign3A_1970 = arith.constant 0 : i32
      %sign3A_1971 = arith.cmpi slt, %jit3A_1958, %sign3A_1970 : i32
      %sign3A_1972 = arith.extui %sign3A_1971 : i1 to i32
      %sign3A_1973 = arith.subi %sign3A_1969, %sign3A_1972 : i32
      %ne3A_1974 = arith.cmpi ne, %sign3A_1966, %sign3A_1973 : i32
      %rem3A_1975 = arith.remsi %squeeze3A_1918, %jit3A_1958 : i32
      %ne3A_1976 = arith.constant 0 : i32
      %ne3A_1977 = arith.cmpi ne, %rem3A_1975, %ne3A_1976 : i32
      %and3A_1978 = arith.andi %ne3A_1974, %ne3A_1977 : i1
      %sub3A_1979 = arith.constant 1 : i32
      %sub3A_1980 = arith.subi %div3A_1959, %sub3A_1979 : i32
      %select_n3A_1981 = arith.select %and3A_1978, %sub3A_1980, %div3A_1959 : i32
      %mul3A_1982 = arith.constant 128 : i32
      %mul3A_1983 = arith.muli %select_n3A_1981, %mul3A_1982 : i32
      %dma_start3A_1984 = arith.constant 2 : i32
      %dma_start3A_1985 = arith.constant 0 : i32
      %dma_start3A_1986 = arith.constant 0 : i32
      %dma_start3A_1987 = tpu.memref_slice %arg10[%dma_start3A_1984, %dma_start3A_1985, %dma_start3A_1986] : memref<4x64x128xf32, #tpu.memory_space<vmem>> -> memref<1x64x128xf32, #tpu.memory_space<vmem>>
      %dma_start3A_1988 = tpu.memref_squeeze %dma_start3A_1987 : memref<1x64x128xf32, #tpu.memory_space<vmem>> -> memref<64x128xf32, #tpu.memory_space<vmem>>
      %dma_start3A_1989 = arith.constant 0 : i32
      %dma_start3A_1990 = tpu.memref_slice %arg5[%dma_start3A_1989, %mul3A_1983] : memref<64x1000001xf32, #tpu.memory_space<hbm>> -> memref<64x128xf32, #tpu.memory_space<hbm>>
      %dma_start3A_1991 = arith.constant 0 : i32
      %dma_start3A_1992 = arith.constant 0 : i32
      %dma_start3A_1993 = tpu.memref_slice %arg10[%dma_start3A_1984, %dma_start3A_1991, %dma_start3A_1992] : memref<4x64x128xf32, #tpu.memory_space<vmem>> -> memref<1x64x128xf32, #tpu.memory_space<vmem>>
      %dma_start3A_1994 = tpu.memref_squeeze %dma_start3A_1993 : memref<1x64x128xf32, #tpu.memory_space<vmem>> -> memref<64x128xf32, #tpu.memory_space<vmem>>
      %dma_start3A_1995 = arith.constant 0 : i32
      %dma_start3A_1996 = tpu.memref_slice %arg5[%dma_start3A_1995, %mul3A_1983] : memref<64x1000001xf32, #tpu.memory_space<hbm>> -> memref<64x128xf32, #tpu.memory_space<hbm>>
      tpu.enqueue_dma source(%dma_start3A_1996 : memref<64x128xf32, #tpu.memory_space<hbm>>) target(%dma_start3A_1994 : memref<64x128xf32, #tpu.memory_space<vmem>>) target_semaphore(%arg12 : memref<!tpu.dma_semaphore, #tpu.memory_space<semaphore_mem>>)
      %jit3A_1997 = arith.constant 128 : i32
      %eq3A_1998 = arith.constant 0 : i32
      %eq3A_1999 = arith.cmpi eq, %jit3A_1997, %eq3A_1998 : i32
      %jit3A_2000 = arith.constant 1 : i32
      %select_n3A_2001 = arith.select %eq3A_1999, %jit3A_2000, %jit3A_1997 : i32
      %rem3A_2002 = arith.remsi %squeeze3A_1916, %select_n3A_2001 : i32
      %ne3A_2003 = arith.constant 0 : i32
      %ne3A_2004 = arith.cmpi ne, %rem3A_2002, %ne3A_2003 : i32
      %lt3A_2005 = arith.constant 0 : i32
      %lt3A_2006 = arith.cmpi slt, %rem3A_2002, %lt3A_2005 : i32
      %lt3A_2007 = arith.constant 0 : i32
      %lt3A_2008 = arith.cmpi slt, %select_n3A_2001, %lt3A_2007 : i32
      %ne3A_2009 = arith.xori %lt3A_2006, %lt3A_2008 : i1
      %and3A_2010 = arith.andi %ne3A_2009, %ne3A_2004 : i1
      %add3A_2011 = arith.addi %rem3A_2002, %select_n3A_2001 : i32
      %select_n3A_2012 = arith.select %and3A_2010, %add3A_2011, %rem3A_2002 : i32
      %broadcast_in_dim3A_2013 = vector.broadcast %select_n3A_2012 : i32 to vector<16xi32>
      %jit3A_2014 = arith.constant 128 : i32
      %eq3A_2015 = arith.constant 0 : i32
      %eq3A_2016 = arith.cmpi eq, %jit3A_2014, %eq3A_2015 : i32
      %jit3A_2017 = arith.constant 1 : i32
      %select_n3A_2018 = arith.select %eq3A_2016, %jit3A_2017, %jit3A_2014 : i32
      %rem3A_2019 = arith.remsi %squeeze3A_1918, %select_n3A_2018 : i32
      %ne3A_2020 = arith.constant 0 : i32
      %ne3A_2021 = arith.cmpi ne, %rem3A_2019, %ne3A_2020 : i32
      %lt3A_2022 = arith.constant 0 : i32
      %lt3A_2023 = arith.cmpi slt, %rem3A_2019, %lt3A_2022 : i32
      %lt3A_2024 = arith.constant 0 : i32
      %lt3A_2025 = arith.cmpi slt, %select_n3A_2018, %lt3A_2024 : i32
      %ne3A_2026 = arith.xori %lt3A_2023, %lt3A_2025 : i1
      %and3A_2027 = arith.andi %ne3A_2026, %ne3A_2021 : i1
      %add3A_2028 = arith.addi %rem3A_2019, %select_n3A_2018 : i32
      %select_n3A_2029 = arith.select %and3A_2027, %add3A_2028, %rem3A_2019 : i32
      %broadcast_in_dim3A_2030 = vector.broadcast %select_n3A_2029 : i32 to vector<16xi32>
      %slice3A_2031 = vector.extract_strided_slice %get3A_23 {offsets = [11], sizes = [1], strides = [1]} : vector<16xi32> to vector<1xi32>
      %squeeze3A_2032 = vector.extract %slice3A_2031[0] : i32 from vector<1xi32>
      %slice3A_2033 = vector.extract_strided_slice %get3A_25 {offsets = [11], sizes = [1], strides = [1]} : vector<16xi32> to vector<1xi32>
      %squeeze3A_2034 = vector.extract %slice3A_2033[0] : i32 from vector<1xi32>
      %jit3A_2035 = arith.constant 128 : i32
      %div3A_2036 = arith.divsi %squeeze3A_2032, %jit3A_2035 : i32
      %sign3A_2037 = arith.constant 0 : i32
      %sign3A_2038 = arith.cmpi sgt, %squeeze3A_2032, %sign3A_2037 : i32
      %sign3A_2039 = arith.extui %sign3A_2038 : i1 to i32
      %sign3A_2040 = arith.constant 0 : i32
      %sign3A_2041 = arith.cmpi slt, %squeeze3A_2032, %sign3A_2040 : i32
      %sign3A_2042 = arith.extui %sign3A_2041 : i1 to i32
      %sign3A_2043 = arith.subi %sign3A_2039, %sign3A_2042 : i32
      %sign3A_2044 = arith.constant 0 : i32
      %sign3A_2045 = arith.cmpi sgt, %jit3A_2035, %sign3A_2044 : i32
      %sign3A_2046 = arith.extui %sign3A_2045 : i1 to i32
      %sign3A_2047 = arith.constant 0 : i32
      %sign3A_2048 = arith.cmpi slt, %jit3A_2035, %sign3A_2047 : i32
      %sign3A_2049 = arith.extui %sign3A_2048 : i1 to i32
      %sign3A_2050 = arith.subi %sign3A_2046, %sign3A_2049 : i32
      %ne3A_2051 = arith.cmpi ne, %sign3A_2043, %sign3A_2050 : i32
      %rem3A_2052 = arith.remsi %squeeze3A_2032, %jit3A_2035 : i32
      %ne3A_2053 = arith.constant 0 : i32
      %ne3A_2054 = arith.cmpi ne, %rem3A_2052, %ne3A_2053 : i32
      %and3A_2055 = arith.andi %ne3A_2051, %ne3A_2054 : i1
      %sub3A_2056 = arith.constant 1 : i32
      %sub3A_2057 = arith.subi %div3A_2036, %sub3A_2056 : i32
      %select_n3A_2058 = arith.select %and3A_2055, %sub3A_2057, %div3A_2036 : i32
      %mul3A_2059 = arith.constant 128 : i32
      %mul3A_2060 = arith.muli %select_n3A_2058, %mul3A_2059 : i32
      %dma_start3A_2061 = arith.constant 3 : i32
      %dma_start3A_2062 = arith.constant 0 : i32
      %dma_start3A_2063 = arith.constant 0 : i32
      %dma_start3A_2064 = tpu.memref_slice %arg9[%dma_start3A_2061, %dma_start3A_2062, %dma_start3A_2063] : memref<4x64x128xf32, #tpu.memory_space<vmem>> -> memref<1x64x128xf32, #tpu.memory_space<vmem>>
      %dma_start3A_2065 = tpu.memref_squeeze %dma_start3A_2064 : memref<1x64x128xf32, #tpu.memory_space<vmem>> -> memref<64x128xf32, #tpu.memory_space<vmem>>
      %dma_start3A_2066 = arith.constant 0 : i32
      %dma_start3A_2067 = tpu.memref_slice %arg4[%dma_start3A_2066, %mul3A_2060] : memref<64x1000001xf32, #tpu.memory_space<hbm>> -> memref<64x128xf32, #tpu.memory_space<hbm>>
      %dma_start3A_2068 = arith.constant 0 : i32
      %dma_start3A_2069 = arith.constant 0 : i32
      %dma_start3A_2070 = tpu.memref_slice %arg9[%dma_start3A_2061, %dma_start3A_2068, %dma_start3A_2069] : memref<4x64x128xf32, #tpu.memory_space<vmem>> -> memref<1x64x128xf32, #tpu.memory_space<vmem>>
      %dma_start3A_2071 = tpu.memref_squeeze %dma_start3A_2070 : memref<1x64x128xf32, #tpu.memory_space<vmem>> -> memref<64x128xf32, #tpu.memory_space<vmem>>
      %dma_start3A_2072 = arith.constant 0 : i32
      %dma_start3A_2073 = tpu.memref_slice %arg4[%dma_start3A_2072, %mul3A_2060] : memref<64x1000001xf32, #tpu.memory_space<hbm>> -> memref<64x128xf32, #tpu.memory_space<hbm>>
      tpu.enqueue_dma source(%dma_start3A_2073 : memref<64x128xf32, #tpu.memory_space<hbm>>) target(%dma_start3A_2071 : memref<64x128xf32, #tpu.memory_space<vmem>>) target_semaphore(%arg12 : memref<!tpu.dma_semaphore, #tpu.memory_space<semaphore_mem>>)
      %jit3A_2074 = arith.constant 128 : i32
      %div3A_2075 = arith.divsi %squeeze3A_2034, %jit3A_2074 : i32
      %sign3A_2076 = arith.constant 0 : i32
      %sign3A_2077 = arith.cmpi sgt, %squeeze3A_2034, %sign3A_2076 : i32
      %sign3A_2078 = arith.extui %sign3A_2077 : i1 to i32
      %sign3A_2079 = arith.constant 0 : i32
      %sign3A_2080 = arith.cmpi slt, %squeeze3A_2034, %sign3A_2079 : i32
      %sign3A_2081 = arith.extui %sign3A_2080 : i1 to i32
      %sign3A_2082 = arith.subi %sign3A_2078, %sign3A_2081 : i32
      %sign3A_2083 = arith.constant 0 : i32
      %sign3A_2084 = arith.cmpi sgt, %jit3A_2074, %sign3A_2083 : i32
      %sign3A_2085 = arith.extui %sign3A_2084 : i1 to i32
      %sign3A_2086 = arith.constant 0 : i32
      %sign3A_2087 = arith.cmpi slt, %jit3A_2074, %sign3A_2086 : i32
      %sign3A_2088 = arith.extui %sign3A_2087 : i1 to i32
      %sign3A_2089 = arith.subi %sign3A_2085, %sign3A_2088 : i32
      %ne3A_2090 = arith.cmpi ne, %sign3A_2082, %sign3A_2089 : i32
      %rem3A_2091 = arith.remsi %squeeze3A_2034, %jit3A_2074 : i32
      %ne3A_2092 = arith.constant 0 : i32
      %ne3A_2093 = arith.cmpi ne, %rem3A_2091, %ne3A_2092 : i32
      %and3A_2094 = arith.andi %ne3A_2090, %ne3A_2093 : i1
      %sub3A_2095 = arith.constant 1 : i32
      %sub3A_2096 = arith.subi %div3A_2075, %sub3A_2095 : i32
      %select_n3A_2097 = arith.select %and3A_2094, %sub3A_2096, %div3A_2075 : i32
      %mul3A_2098 = arith.constant 128 : i32
      %mul3A_2099 = arith.muli %select_n3A_2097, %mul3A_2098 : i32
      %dma_start3A_2100 = arith.constant 3 : i32
      %dma_start3A_2101 = arith.constant 0 : i32
      %dma_start3A_2102 = arith.constant 0 : i32
      %dma_start3A_2103 = tpu.memref_slice %arg10[%dma_start3A_2100, %dma_start3A_2101, %dma_start3A_2102] : memref<4x64x128xf32, #tpu.memory_space<vmem>> -> memref<1x64x128xf32, #tpu.memory_space<vmem>>
      %dma_start3A_2104 = tpu.memref_squeeze %dma_start3A_2103 : memref<1x64x128xf32, #tpu.memory_space<vmem>> -> memref<64x128xf32, #tpu.memory_space<vmem>>
      %dma_start3A_2105 = arith.constant 0 : i32
      %dma_start3A_2106 = tpu.memref_slice %arg5[%dma_start3A_2105, %mul3A_2099] : memref<64x1000001xf32, #tpu.memory_space<hbm>> -> memref<64x128xf32, #tpu.memory_space<hbm>>
      %dma_start3A_2107 = arith.constant 0 : i32
      %dma_start3A_2108 = arith.constant 0 : i32
      %dma_start3A_2109 = tpu.memref_slice %arg10[%dma_start3A_2100, %dma_start3A_2107, %dma_start3A_2108] : memref<4x64x128xf32, #tpu.memory_space<vmem>> -> memref<1x64x128xf32, #tpu.memory_space<vmem>>
      %dma_start3A_2110 = tpu.memref_squeeze %dma_start3A_2109 : memref<1x64x128xf32, #tpu.memory_space<vmem>> -> memref<64x128xf32, #tpu.memory_space<vmem>>
      %dma_start3A_2111 = arith.constant 0 : i32
      %dma_start3A_2112 = tpu.memref_slice %arg5[%dma_start3A_2111, %mul3A_2099] : memref<64x1000001xf32, #tpu.memory_space<hbm>> -> memref<64x128xf32, #tpu.memory_space<hbm>>
      tpu.enqueue_dma source(%dma_start3A_2112 : memref<64x128xf32, #tpu.memory_space<hbm>>) target(%dma_start3A_2110 : memref<64x128xf32, #tpu.memory_space<vmem>>) target_semaphore(%arg12 : memref<!tpu.dma_semaphore, #tpu.memory_space<semaphore_mem>>)
      %jit3A_2113 = arith.constant 128 : i32
      %eq3A_2114 = arith.constant 0 : i32
      %eq3A_2115 = arith.cmpi eq, %jit3A_2113, %eq3A_2114 : i32
      %jit3A_2116 = arith.constant 1 : i32
      %select_n3A_2117 = arith.select %eq3A_2115, %jit3A_2116, %jit3A_2113 : i32
      %rem3A_2118 = arith.remsi %squeeze3A_2032, %select_n3A_2117 : i32
      %ne3A_2119 = arith.constant 0 : i32
      %ne3A_2120 = arith.cmpi ne, %rem3A_2118, %ne3A_2119 : i32
      %lt3A_2121 = arith.constant 0 : i32
      %lt3A_2122 = arith.cmpi slt, %rem3A_2118, %lt3A_2121 : i32
      %lt3A_2123 = arith.constant 0 : i32
      %lt3A_2124 = arith.cmpi slt, %select_n3A_2117, %lt3A_2123 : i32
      %ne3A_2125 = arith.xori %lt3A_2122, %lt3A_2124 : i1
      %and3A_2126 = arith.andi %ne3A_2125, %ne3A_2120 : i1
      %add3A_2127 = arith.addi %rem3A_2118, %select_n3A_2117 : i32
      %select_n3A_2128 = arith.select %and3A_2126, %add3A_2127, %rem3A_2118 : i32
      %broadcast_in_dim3A_2129 = vector.broadcast %select_n3A_2128 : i32 to vector<16xi32>
      %jit3A_2130 = arith.constant 128 : i32
      %eq3A_2131 = arith.constant 0 : i32
      %eq3A_2132 = arith.cmpi eq, %jit3A_2130, %eq3A_2131 : i32
      %jit3A_2133 = arith.constant 1 : i32
      %select_n3A_2134 = arith.select %eq3A_2132, %jit3A_2133, %jit3A_2130 : i32
      %rem3A_2135 = arith.remsi %squeeze3A_2034, %select_n3A_2134 : i32
      %ne3A_2136 = arith.constant 0 : i32
      %ne3A_2137 = arith.cmpi ne, %rem3A_2135, %ne3A_2136 : i32
      %lt3A_2138 = arith.constant 0 : i32
      %lt3A_2139 = arith.cmpi slt, %rem3A_2135, %lt3A_2138 : i32
      %lt3A_2140 = arith.constant 0 : i32
      %lt3A_2141 = arith.cmpi slt, %select_n3A_2134, %lt3A_2140 : i32
      %ne3A_2142 = arith.xori %lt3A_2139, %lt3A_2141 : i1
      %and3A_2143 = arith.andi %ne3A_2142, %ne3A_2137 : i1
      %add3A_2144 = arith.addi %rem3A_2135, %select_n3A_2134 : i32
      %select_n3A_2145 = arith.select %and3A_2143, %add3A_2144, %rem3A_2135 : i32
      %broadcast_in_dim3A_2146 = vector.broadcast %select_n3A_2145 : i32 to vector<16xi32>
      %dma_wait3A_2147 = arith.constant 0 : i32
      %dma_wait3A_2148 = arith.constant 0 : i32
      %dma_wait3A_2149 = arith.constant 0 : i32
      %dma_wait3A_2150 = tpu.memref_slice %arg9[%dma_wait3A_2147, %dma_wait3A_2148, %dma_wait3A_2149] : memref<4x64x128xf32, #tpu.memory_space<vmem>> -> memref<1x64x128xf32, #tpu.memory_space<vmem>>
      %dma_wait3A_2151 = tpu.memref_squeeze %dma_wait3A_2150 : memref<1x64x128xf32, #tpu.memory_space<vmem>> -> memref<64x128xf32, #tpu.memory_space<vmem>>
      %dma_wait3A_2152 = arith.constant 0 : i32
      %dma_wait3A_2153 = tpu.memref_slice %arg4[%dma_wait3A_2152, %mul3A_1526] : memref<64x1000001xf32, #tpu.memory_space<hbm>> -> memref<64x128xf32, #tpu.memory_space<hbm>>
      %dma_wait3A_2154 = arith.constant 0 : i32
      %dma_wait3A_2155 = arith.constant 0 : i32
      %dma_wait3A_2156 = tpu.memref_slice %arg9[%dma_wait3A_2147, %dma_wait3A_2154, %dma_wait3A_2155] : memref<4x64x128xf32, #tpu.memory_space<vmem>> -> memref<1x64x128xf32, #tpu.memory_space<vmem>>
      %dma_wait3A_2157 = tpu.memref_squeeze %dma_wait3A_2156 : memref<1x64x128xf32, #tpu.memory_space<vmem>> -> memref<64x128xf32, #tpu.memory_space<vmem>>
      %dma_wait3A_2158 = arith.constant 0 : i32
      %dma_wait3A_2159 = tpu.memref_slice %arg4[%dma_wait3A_2158, %mul3A_1526] : memref<64x1000001xf32, #tpu.memory_space<hbm>> -> memref<64x128xf32, #tpu.memory_space<hbm>>
      tpu.wait_dma2 semaphore(%arg12 : memref<!tpu.dma_semaphore, #tpu.memory_space<semaphore_mem>>) src(%dma_wait3A_2159 : memref<64x128xf32, #tpu.memory_space<hbm>>) dst(%dma_wait3A_2157 : memref<64x128xf32, #tpu.memory_space<vmem>>)
      %dma_wait3A_2160 = arith.constant 0 : i32
      %dma_wait3A_2161 = arith.constant 0 : i32
      %dma_wait3A_2162 = arith.constant 0 : i32
      %dma_wait3A_2163 = tpu.memref_slice %arg10[%dma_wait3A_2160, %dma_wait3A_2161, %dma_wait3A_2162] : memref<4x64x128xf32, #tpu.memory_space<vmem>> -> memref<1x64x128xf32, #tpu.memory_space<vmem>>
      %dma_wait3A_2164 = tpu.memref_squeeze %dma_wait3A_2163 : memref<1x64x128xf32, #tpu.memory_space<vmem>> -> memref<64x128xf32, #tpu.memory_space<vmem>>
      %dma_wait3A_2165 = arith.constant 0 : i32
      %dma_wait3A_2166 = tpu.memref_slice %arg5[%dma_wait3A_2165, %mul3A_1565] : memref<64x1000001xf32, #tpu.memory_space<hbm>> -> memref<64x128xf32, #tpu.memory_space<hbm>>
      %dma_wait3A_2167 = arith.constant 0 : i32
      %dma_wait3A_2168 = arith.constant 0 : i32
      %dma_wait3A_2169 = tpu.memref_slice %arg10[%dma_wait3A_2160, %dma_wait3A_2167, %dma_wait3A_2168] : memref<4x64x128xf32, #tpu.memory_space<vmem>> -> memref<1x64x128xf32, #tpu.memory_space<vmem>>
      %dma_wait3A_2170 = tpu.memref_squeeze %dma_wait3A_2169 : memref<1x64x128xf32, #tpu.memory_space<vmem>> -> memref<64x128xf32, #tpu.memory_space<vmem>>
      %dma_wait3A_2171 = arith.constant 0 : i32
      %dma_wait3A_2172 = tpu.memref_slice %arg5[%dma_wait3A_2171, %mul3A_1565] : memref<64x1000001xf32, #tpu.memory_space<hbm>> -> memref<64x128xf32, #tpu.memory_space<hbm>>
      tpu.wait_dma2 semaphore(%arg12 : memref<!tpu.dma_semaphore, #tpu.memory_space<semaphore_mem>>) src(%dma_wait3A_2172 : memref<64x128xf32, #tpu.memory_space<hbm>>) dst(%dma_wait3A_2170 : memref<64x128xf32, #tpu.memory_space<vmem>>)
      %dma_wait3A_2173 = arith.constant 1 : i32
      %dma_wait3A_2174 = arith.constant 0 : i32
      %dma_wait3A_2175 = arith.constant 0 : i32
      %dma_wait3A_2176 = tpu.memref_slice %arg9[%dma_wait3A_2173, %dma_wait3A_2174, %dma_wait3A_2175] : memref<4x64x128xf32, #tpu.memory_space<vmem>> -> memref<1x64x128xf32, #tpu.memory_space<vmem>>
      %dma_wait3A_2177 = tpu.memref_squeeze %dma_wait3A_2176 : memref<1x64x128xf32, #tpu.memory_space<vmem>> -> memref<64x128xf32, #tpu.memory_space<vmem>>
      %dma_wait3A_2178 = arith.constant 0 : i32
      %dma_wait3A_2179 = tpu.memref_slice %arg4[%dma_wait3A_2178, %mul3A_1642] : memref<64x1000001xf32, #tpu.memory_space<hbm>> -> memref<64x128xf32, #tpu.memory_space<hbm>>
      %dma_wait3A_2180 = arith.constant 0 : i32
      %dma_wait3A_2181 = arith.constant 0 : i32
      %dma_wait3A_2182 = tpu.memref_slice %arg9[%dma_wait3A_2173, %dma_wait3A_2180, %dma_wait3A_2181] : memref<4x64x128xf32, #tpu.memory_space<vmem>> -> memref<1x64x128xf32, #tpu.memory_space<vmem>>
      %dma_wait3A_2183 = tpu.memref_squeeze %dma_wait3A_2182 : memref<1x64x128xf32, #tpu.memory_space<vmem>> -> memref<64x128xf32, #tpu.memory_space<vmem>>
      %dma_wait3A_2184 = arith.constant 0 : i32
      %dma_wait3A_2185 = tpu.memref_slice %arg4[%dma_wait3A_2184, %mul3A_1642] : memref<64x1000001xf32, #tpu.memory_space<hbm>> -> memref<64x128xf32, #tpu.memory_space<hbm>>
      tpu.wait_dma2 semaphore(%arg12 : memref<!tpu.dma_semaphore, #tpu.memory_space<semaphore_mem>>) src(%dma_wait3A_2185 : memref<64x128xf32, #tpu.memory_space<hbm>>) dst(%dma_wait3A_2183 : memref<64x128xf32, #tpu.memory_space<vmem>>)
      %dma_wait3A_2186 = arith.constant 1 : i32
      %dma_wait3A_2187 = arith.constant 0 : i32
      %dma_wait3A_2188 = arith.constant 0 : i32
      %dma_wait3A_2189 = tpu.memref_slice %arg10[%dma_wait3A_2186, %dma_wait3A_2187, %dma_wait3A_2188] : memref<4x64x128xf32, #tpu.memory_space<vmem>> -> memref<1x64x128xf32, #tpu.memory_space<vmem>>
      %dma_wait3A_2190 = tpu.memref_squeeze %dma_wait3A_2189 : memref<1x64x128xf32, #tpu.memory_space<vmem>> -> memref<64x128xf32, #tpu.memory_space<vmem>>
      %dma_wait3A_2191 = arith.constant 0 : i32
      %dma_wait3A_2192 = tpu.memref_slice %arg5[%dma_wait3A_2191, %mul3A_1681] : memref<64x1000001xf32, #tpu.memory_space<hbm>> -> memref<64x128xf32, #tpu.memory_space<hbm>>
      %dma_wait3A_2193 = arith.constant 0 : i32
      %dma_wait3A_2194 = arith.constant 0 : i32
      %dma_wait3A_2195 = tpu.memref_slice %arg10[%dma_wait3A_2186, %dma_wait3A_2193, %dma_wait3A_2194] : memref<4x64x128xf32, #tpu.memory_space<vmem>> -> memref<1x64x128xf32, #tpu.memory_space<vmem>>
      %dma_wait3A_2196 = tpu.memref_squeeze %dma_wait3A_2195 : memref<1x64x128xf32, #tpu.memory_space<vmem>> -> memref<64x128xf32, #tpu.memory_space<vmem>>
      %dma_wait3A_2197 = arith.constant 0 : i32
      %dma_wait3A_2198 = tpu.memref_slice %arg5[%dma_wait3A_2197, %mul3A_1681] : memref<64x1000001xf32, #tpu.memory_space<hbm>> -> memref<64x128xf32, #tpu.memory_space<hbm>>
      tpu.wait_dma2 semaphore(%arg12 : memref<!tpu.dma_semaphore, #tpu.memory_space<semaphore_mem>>) src(%dma_wait3A_2198 : memref<64x128xf32, #tpu.memory_space<hbm>>) dst(%dma_wait3A_2196 : memref<64x128xf32, #tpu.memory_space<vmem>>)
      %broadcast_in_dim3A_2199 = arith.constant 0.000000e+00 : f32
      %broadcast_in_dim3A_2200 = vector.broadcast %broadcast_in_dim3A_2199 : f32 to vector<16xf32>
      %gather3A_2201 = arith.constant 0 : i32
      %gather3A_2202 = arith.constant 0 : i32
      %gather3A_2203 = arith.constant 0 : i32
      %gather3A_2204 = tpu.memref_slice %arg9[%gather3A_2201, %gather3A_2202, %gather3A_2203] : memref<4x64x128xf32, #tpu.memory_space<vmem>> -> memref<1x64x128xf32, #tpu.memory_space<vmem>>
      %gather3A_2205 = tpu.memref_squeeze %gather3A_2204 : memref<1x64x128xf32, #tpu.memory_space<vmem>> -> memref<64x128xf32, #tpu.memory_space<vmem>>
      %gather3A_2206 = tpu.vector_load_idx %gather3A_2205[%add3A_5, %broadcast_in_dim3A_1595] : memref<64x128xf32, #tpu.memory_space<vmem>>[vector<16xi32>, vector<16xi32>], vector<16xf32>,
      %gather3A_2207 = arith.constant 0 : i32
      %gather3A_2208 = arith.constant 0 : i32
      %gather3A_2209 = arith.constant 0 : i32
      %gather3A_2210 = tpu.memref_slice %arg10[%gather3A_2207, %gather3A_2208, %gather3A_2209] : memref<4x64x128xf32, #tpu.memory_space<vmem>> -> memref<1x64x128xf32, #tpu.memory_space<vmem>>
      %gather3A_2211 = tpu.memref_squeeze %gather3A_2210 : memref<1x64x128xf32, #tpu.memory_space<vmem>> -> memref<64x128xf32, #tpu.memory_space<vmem>>
      %gather3A_2212 = tpu.vector_load_idx %gather3A_2211[%add3A_5, %broadcast_in_dim3A_1612] : memref<64x128xf32, #tpu.memory_space<vmem>>[vector<16xi32>, vector<16xi32>], vector<16xf32>,
      %mul3A_2213 = arith.mulf %gather3A_2206, %gather3A_2212 : vector<16xf32>
      %add3A_2214 = arith.addf %broadcast_in_dim3A_2200, %mul3A_2213 : vector<16xf32>
      %gather3A_2215 = arith.constant 0 : i32
      %gather3A_2216 = arith.constant 0 : i32
      %gather3A_2217 = arith.constant 0 : i32
      %gather3A_2218 = tpu.memref_slice %arg9[%gather3A_2215, %gather3A_2216, %gather3A_2217] : memref<4x64x128xf32, #tpu.memory_space<vmem>> -> memref<1x64x128xf32, #tpu.memory_space<vmem>>
      %gather3A_2219 = tpu.memref_squeeze %gather3A_2218 : memref<1x64x128xf32, #tpu.memory_space<vmem>> -> memref<64x128xf32, #tpu.memory_space<vmem>>
      %gather3A_2220 = tpu.vector_load_idx %gather3A_2219[%add3A_8, %broadcast_in_dim3A_1595] : memref<64x128xf32, #tpu.memory_space<vmem>>[vector<16xi32>, vector<16xi32>], vector<16xf32>,
      %gather3A_2221 = arith.constant 0 : i32
      %gather3A_2222 = arith.constant 0 : i32
      %gather3A_2223 = arith.constant 0 : i32
      %gather3A_2224 = tpu.memref_slice %arg10[%gather3A_2221, %gather3A_2222, %gather3A_2223] : memref<4x64x128xf32, #tpu.memory_space<vmem>> -> memref<1x64x128xf32, #tpu.memory_space<vmem>>
      %gather3A_2225 = tpu.memref_squeeze %gather3A_2224 : memref<1x64x128xf32, #tpu.memory_space<vmem>> -> memref<64x128xf32, #tpu.memory_space<vmem>>
      %gather3A_2226 = tpu.vector_load_idx %gather3A_2225[%add3A_8, %broadcast_in_dim3A_1612] : memref<64x128xf32, #tpu.memory_space<vmem>>[vector<16xi32>, vector<16xi32>], vector<16xf32>,
      %mul3A_2227 = arith.mulf %gather3A_2220, %gather3A_2226 : vector<16xf32>
      %add3A_2228 = arith.addf %add3A_2214, %mul3A_2227 : vector<16xf32>
      %gather3A_2229 = arith.constant 0 : i32
      %gather3A_2230 = arith.constant 0 : i32
      %gather3A_2231 = arith.constant 0 : i32
      %gather3A_2232 = tpu.memref_slice %arg9[%gather3A_2229, %gather3A_2230, %gather3A_2231] : memref<4x64x128xf32, #tpu.memory_space<vmem>> -> memref<1x64x128xf32, #tpu.memory_space<vmem>>
      %gather3A_2233 = tpu.memref_squeeze %gather3A_2232 : memref<1x64x128xf32, #tpu.memory_space<vmem>> -> memref<64x128xf32, #tpu.memory_space<vmem>>
      %gather3A_2234 = tpu.vector_load_idx %gather3A_2233[%add3A_11, %broadcast_in_dim3A_1595] : memref<64x128xf32, #tpu.memory_space<vmem>>[vector<16xi32>, vector<16xi32>], vector<16xf32>,
      %gather3A_2235 = arith.constant 0 : i32
      %gather3A_2236 = arith.constant 0 : i32
      %gather3A_2237 = arith.constant 0 : i32
      %gather3A_2238 = tpu.memref_slice %arg10[%gather3A_2235, %gather3A_2236, %gather3A_2237] : memref<4x64x128xf32, #tpu.memory_space<vmem>> -> memref<1x64x128xf32, #tpu.memory_space<vmem>>
      %gather3A_2239 = tpu.memref_squeeze %gather3A_2238 : memref<1x64x128xf32, #tpu.memory_space<vmem>> -> memref<64x128xf32, #tpu.memory_space<vmem>>
      %gather3A_2240 = tpu.vector_load_idx %gather3A_2239[%add3A_11, %broadcast_in_dim3A_1612] : memref<64x128xf32, #tpu.memory_space<vmem>>[vector<16xi32>, vector<16xi32>], vector<16xf32>,
      %mul3A_2241 = arith.mulf %gather3A_2234, %gather3A_2240 : vector<16xf32>
      %add3A_2242 = arith.addf %add3A_2228, %mul3A_2241 : vector<16xf32>
      %gather3A_2243 = arith.constant 0 : i32
      %gather3A_2244 = arith.constant 0 : i32
      %gather3A_2245 = arith.constant 0 : i32
      %gather3A_2246 = tpu.memref_slice %arg9[%gather3A_2243, %gather3A_2244, %gather3A_2245] : memref<4x64x128xf32, #tpu.memory_space<vmem>> -> memref<1x64x128xf32, #tpu.memory_space<vmem>>
      %gather3A_2247 = tpu.memref_squeeze %gather3A_2246 : memref<1x64x128xf32, #tpu.memory_space<vmem>> -> memref<64x128xf32, #tpu.memory_space<vmem>>
      %gather3A_2248 = tpu.vector_load_idx %gather3A_2247[%add3A_14, %broadcast_in_dim3A_1595] : memref<64x128xf32, #tpu.memory_space<vmem>>[vector<16xi32>, vector<16xi32>], vector<16xf32>,
      %gather3A_2249 = arith.constant 0 : i32
      %gather3A_2250 = arith.constant 0 : i32
      %gather3A_2251 = arith.constant 0 : i32
      %gather3A_2252 = tpu.memref_slice %arg10[%gather3A_2249, %gather3A_2250, %gather3A_2251] : memref<4x64x128xf32, #tpu.memory_space<vmem>> -> memref<1x64x128xf32, #tpu.memory_space<vmem>>
      %gather3A_2253 = tpu.memref_squeeze %gather3A_2252 : memref<1x64x128xf32, #tpu.memory_space<vmem>> -> memref<64x128xf32, #tpu.memory_space<vmem>>
      %gather3A_2254 = tpu.vector_load_idx %gather3A_2253[%add3A_14, %broadcast_in_dim3A_1612] : memref<64x128xf32, #tpu.memory_space<vmem>>[vector<16xi32>, vector<16xi32>], vector<16xf32>,
      %mul3A_2255 = arith.mulf %gather3A_2248, %gather3A_2254 : vector<16xf32>
      %add3A_2256 = arith.addf %add3A_2242, %mul3A_2255 : vector<16xf32>
      %eq3A_2257 = arith.constant 8 : i32
      %eq3A_2258 = vector.broadcast %eq3A_2257 : i32 to vector<16xi32>
      %eq3A_2259 = arith.cmpi eq, %iota3A, %eq3A_2258 : vector<16xi32>
      %reduce_sum3A_2260 = arith.constant true
      %reduce_sum3A_2261 = vector.broadcast %reduce_sum3A_2260 : i1 to vector<16xi1>
      %reduce_sum3A_2262 = tpu.scan <sum>, %add3A_2256 masked %reduce_sum3A_2261 : vector<16xf32>, vector<16xi1> -> vector<16xf32>
      %reduce_sum3A_2263 = vector.extract %reduce_sum3A_2262[15] : f32 from vector<16xf32>
      %broadcast_in_dim3A_2264 = vector.broadcast %reduce_sum3A_2263 : f32 to vector<16xf32>
      %select_n3A_2265 = arith.select %eq3A_2259, %broadcast_in_dim3A_2264, %select_n3A_1914 : vector<16xi1>, vector<16xf32>
      %broadcast_in_dim3A_2266 = arith.constant 0.000000e+00 : f32
      %broadcast_in_dim3A_2267 = vector.broadcast %broadcast_in_dim3A_2266 : f32 to vector<16xf32>
      %gather3A_2268 = arith.constant 1 : i32
      %gather3A_2269 = arith.constant 0 : i32
      %gather3A_2270 = arith.constant 0 : i32
      %gather3A_2271 = tpu.memref_slice %arg9[%gather3A_2268, %gather3A_2269, %gather3A_2270] : memref<4x64x128xf32, #tpu.memory_space<vmem>> -> memref<1x64x128xf32, #tpu.memory_space<vmem>>
      %gather3A_2272 = tpu.memref_squeeze %gather3A_2271 : memref<1x64x128xf32, #tpu.memory_space<vmem>> -> memref<64x128xf32, #tpu.memory_space<vmem>>
      %gather3A_2273 = tpu.vector_load_idx %gather3A_2272[%add3A_5, %broadcast_in_dim3A_1711] : memref<64x128xf32, #tpu.memory_space<vmem>>[vector<16xi32>, vector<16xi32>], vector<16xf32>,
      %gather3A_2274 = arith.constant 1 : i32
      %gather3A_2275 = arith.constant 0 : i32
      %gather3A_2276 = arith.constant 0 : i32
      %gather3A_2277 = tpu.memref_slice %arg10[%gather3A_2274, %gather3A_2275, %gather3A_2276] : memref<4x64x128xf32, #tpu.memory_space<vmem>> -> memref<1x64x128xf32, #tpu.memory_space<vmem>>
      %gather3A_2278 = tpu.memref_squeeze %gather3A_2277 : memref<1x64x128xf32, #tpu.memory_space<vmem>> -> memref<64x128xf32, #tpu.memory_space<vmem>>
      %gather3A_2279 = tpu.vector_load_idx %gather3A_2278[%add3A_5, %broadcast_in_dim3A_1728] : memref<64x128xf32, #tpu.memory_space<vmem>>[vector<16xi32>, vector<16xi32>], vector<16xf32>,
      %mul3A_2280 = arith.mulf %gather3A_2273, %gather3A_2279 : vector<16xf32>
      %add3A_2281 = arith.addf %broadcast_in_dim3A_2267, %mul3A_2280 : vector<16xf32>
      %gather3A_2282 = arith.constant 1 : i32
      %gather3A_2283 = arith.constant 0 : i32
      %gather3A_2284 = arith.constant 0 : i32
      %gather3A_2285 = tpu.memref_slice %arg9[%gather3A_2282, %gather3A_2283, %gather3A_2284] : memref<4x64x128xf32, #tpu.memory_space<vmem>> -> memref<1x64x128xf32, #tpu.memory_space<vmem>>
      %gather3A_2286 = tpu.memref_squeeze %gather3A_2285 : memref<1x64x128xf32, #tpu.memory_space<vmem>> -> memref<64x128xf32, #tpu.memory_space<vmem>>
      %gather3A_2287 = tpu.vector_load_idx %gather3A_2286[%add3A_8, %broadcast_in_dim3A_1711] : memref<64x128xf32, #tpu.memory_space<vmem>>[vector<16xi32>, vector<16xi32>], vector<16xf32>,
      %gather3A_2288 = arith.constant 1 : i32
      %gather3A_2289 = arith.constant 0 : i32
      %gather3A_2290 = arith.constant 0 : i32
      %gather3A_2291 = tpu.memref_slice %arg10[%gather3A_2288, %gather3A_2289, %gather3A_2290] : memref<4x64x128xf32, #tpu.memory_space<vmem>> -> memref<1x64x128xf32, #tpu.memory_space<vmem>>
      %gather3A_2292 = tpu.memref_squeeze %gather3A_2291 : memref<1x64x128xf32, #tpu.memory_space<vmem>> -> memref<64x128xf32, #tpu.memory_space<vmem>>
      %gather3A_2293 = tpu.vector_load_idx %gather3A_2292[%add3A_8, %broadcast_in_dim3A_1728] : memref<64x128xf32, #tpu.memory_space<vmem>>[vector<16xi32>, vector<16xi32>], vector<16xf32>,
      %mul3A_2294 = arith.mulf %gather3A_2287, %gather3A_2293 : vector<16xf32>
      %add3A_2295 = arith.addf %add3A_2281, %mul3A_2294 : vector<16xf32>
      %gather3A_2296 = arith.constant 1 : i32
      %gather3A_2297 = arith.constant 0 : i32
      %gather3A_2298 = arith.constant 0 : i32
      %gather3A_2299 = tpu.memref_slice %arg9[%gather3A_2296, %gather3A_2297, %gather3A_2298] : memref<4x64x128xf32, #tpu.memory_space<vmem>> -> memref<1x64x128xf32, #tpu.memory_space<vmem>>
      %gather3A_2300 = tpu.memref_squeeze %gather3A_2299 : memref<1x64x128xf32, #tpu.memory_space<vmem>> -> memref<64x128xf32, #tpu.memory_space<vmem>>
      %gather3A_2301 = tpu.vector_load_idx %gather3A_2300[%add3A_11, %broadcast_in_dim3A_1711] : memref<64x128xf32, #tpu.memory_space<vmem>>[vector<16xi32>, vector<16xi32>], vector<16xf32>,
      %gather3A_2302 = arith.constant 1 : i32
      %gather3A_2303 = arith.constant 0 : i32
      %gather3A_2304 = arith.constant 0 : i32
      %gather3A_2305 = tpu.memref_slice %arg10[%gather3A_2302, %gather3A_2303, %gather3A_2304] : memref<4x64x128xf32, #tpu.memory_space<vmem>> -> memref<1x64x128xf32, #tpu.memory_space<vmem>>
      %gather3A_2306 = tpu.memref_squeeze %gather3A_2305 : memref<1x64x128xf32, #tpu.memory_space<vmem>> -> memref<64x128xf32, #tpu.memory_space<vmem>>
      %gather3A_2307 = tpu.vector_load_idx %gather3A_2306[%add3A_11, %broadcast_in_dim3A_1728] : memref<64x128xf32, #tpu.memory_space<vmem>>[vector<16xi32>, vector<16xi32>], vector<16xf32>,
      %mul3A_2308 = arith.mulf %gather3A_2301, %gather3A_2307 : vector<16xf32>
      %add3A_2309 = arith.addf %add3A_2295, %mul3A_2308 : vector<16xf32>
      %gather3A_2310 = arith.constant 1 : i32
      %gather3A_2311 = arith.constant 0 : i32
      %gather3A_2312 = arith.constant 0 : i32
      %gather3A_2313 = tpu.memref_slice %arg9[%gather3A_2310, %gather3A_2311, %gather3A_2312] : memref<4x64x128xf32, #tpu.memory_space<vmem>> -> memref<1x64x128xf32, #tpu.memory_space<vmem>>
      %gather3A_2314 = tpu.memref_squeeze %gather3A_2313 : memref<1x64x128xf32, #tpu.memory_space<vmem>> -> memref<64x128xf32, #tpu.memory_space<vmem>>
      %gather3A_2315 = tpu.vector_load_idx %gather3A_2314[%add3A_14, %broadcast_in_dim3A_1711] : memref<64x128xf32, #tpu.memory_space<vmem>>[vector<16xi32>, vector<16xi32>], vector<16xf32>,
      %gather3A_2316 = arith.constant 1 : i32
      %gather3A_2317 = arith.constant 0 : i32
      %gather3A_2318 = arith.constant 0 : i32
      %gather3A_2319 = tpu.memref_slice %arg10[%gather3A_2316, %gather3A_2317, %gather3A_2318] : memref<4x64x128xf32, #tpu.memory_space<vmem>> -> memref<1x64x128xf32, #tpu.memory_space<vmem>>
      %gather3A_2320 = tpu.memref_squeeze %gather3A_2319 : memref<1x64x128xf32, #tpu.memory_space<vmem>> -> memref<64x128xf32, #tpu.memory_space<vmem>>
      %gather3A_2321 = tpu.vector_load_idx %gather3A_2320[%add3A_14, %broadcast_in_dim3A_1728] : memref<64x128xf32, #tpu.memory_space<vmem>>[vector<16xi32>, vector<16xi32>], vector<16xf32>,
      %mul3A_2322 = arith.mulf %gather3A_2315, %gather3A_2321 : vector<16xf32>
      %add3A_2323 = arith.addf %add3A_2309, %mul3A_2322 : vector<16xf32>
      %eq3A_2324 = arith.constant 9 : i32
      %eq3A_2325 = vector.broadcast %eq3A_2324 : i32 to vector<16xi32>
      %eq3A_2326 = arith.cmpi eq, %iota3A, %eq3A_2325 : vector<16xi32>
      %reduce_sum3A_2327 = arith.constant true
      %reduce_sum3A_2328 = vector.broadcast %reduce_sum3A_2327 : i1 to vector<16xi1>
      %reduce_sum3A_2329 = tpu.scan <sum>, %add3A_2323 masked %reduce_sum3A_2328 : vector<16xf32>, vector<16xi1> -> vector<16xf32>
      %reduce_sum3A_2330 = vector.extract %reduce_sum3A_2329[15] : f32 from vector<16xf32>
      %broadcast_in_dim3A_2331 = vector.broadcast %reduce_sum3A_2330 : f32 to vector<16xf32>
      %select_n3A_2332 = arith.select %eq3A_2326, %broadcast_in_dim3A_2331, %select_n3A_2265 : vector<16xi1>, vector<16xf32>
      %slice3A_2333 = vector.extract_strided_slice %get3A_23 {offsets = [12], sizes = [1], strides = [1]} : vector<16xi32> to vector<1xi32>
      %squeeze3A_2334 = vector.extract %slice3A_2333[0] : i32 from vector<1xi32>
      %slice3A_2335 = vector.extract_strided_slice %get3A_25 {offsets = [12], sizes = [1], strides = [1]} : vector<16xi32> to vector<1xi32>
      %squeeze3A_2336 = vector.extract %slice3A_2335[0] : i32 from vector<1xi32>
      %jit3A_2337 = arith.constant 128 : i32
      %div3A_2338 = arith.divsi %squeeze3A_2334, %jit3A_2337 : i32
      %sign3A_2339 = arith.constant 0 : i32
      %sign3A_2340 = arith.cmpi sgt, %squeeze3A_2334, %sign3A_2339 : i32
      %sign3A_2341 = arith.extui %sign3A_2340 : i1 to i32
      %sign3A_2342 = arith.constant 0 : i32
      %sign3A_2343 = arith.cmpi slt, %squeeze3A_2334, %sign3A_2342 : i32
      %sign3A_2344 = arith.extui %sign3A_2343 : i1 to i32
      %sign3A_2345 = arith.subi %sign3A_2341, %sign3A_2344 : i32
      %sign3A_2346 = arith.constant 0 : i32
      %sign3A_2347 = arith.cmpi sgt, %jit3A_2337, %sign3A_2346 : i32
      %sign3A_2348 = arith.extui %sign3A_2347 : i1 to i32
      %sign3A_2349 = arith.constant 0 : i32
      %sign3A_2350 = arith.cmpi slt, %jit3A_2337, %sign3A_2349 : i32
      %sign3A_2351 = arith.extui %sign3A_2350 : i1 to i32
      %sign3A_2352 = arith.subi %sign3A_2348, %sign3A_2351 : i32
      %ne3A_2353 = arith.cmpi ne, %sign3A_2345, %sign3A_2352 : i32
      %rem3A_2354 = arith.remsi %squeeze3A_2334, %jit3A_2337 : i32
      %ne3A_2355 = arith.constant 0 : i32
      %ne3A_2356 = arith.cmpi ne, %rem3A_2354, %ne3A_2355 : i32
      %and3A_2357 = arith.andi %ne3A_2353, %ne3A_2356 : i1
      %sub3A_2358 = arith.constant 1 : i32
      %sub3A_2359 = arith.subi %div3A_2338, %sub3A_2358 : i32
      %select_n3A_2360 = arith.select %and3A_2357, %sub3A_2359, %div3A_2338 : i32
      %mul3A_2361 = arith.constant 128 : i32
      %mul3A_2362 = arith.muli %select_n3A_2360, %mul3A_2361 : i32
      %dma_start3A_2363 = arith.constant 0 : i32
      %dma_start3A_2364 = arith.constant 0 : i32
      %dma_start3A_2365 = arith.constant 0 : i32
      %dma_start3A_2366 = tpu.memref_slice %arg9[%dma_start3A_2363, %dma_start3A_2364, %dma_start3A_2365] : memref<4x64x128xf32, #tpu.memory_space<vmem>> -> memref<1x64x128xf32, #tpu.memory_space<vmem>>
      %dma_start3A_2367 = tpu.memref_squeeze %dma_start3A_2366 : memref<1x64x128xf32, #tpu.memory_space<vmem>> -> memref<64x128xf32, #tpu.memory_space<vmem>>
      %dma_start3A_2368 = arith.constant 0 : i32
      %dma_start3A_2369 = tpu.memref_slice %arg4[%dma_start3A_2368, %mul3A_2362] : memref<64x1000001xf32, #tpu.memory_space<hbm>> -> memref<64x128xf32, #tpu.memory_space<hbm>>
      %dma_start3A_2370 = arith.constant 0 : i32
      %dma_start3A_2371 = arith.constant 0 : i32
      %dma_start3A_2372 = tpu.memref_slice %arg9[%dma_start3A_2363, %dma_start3A_2370, %dma_start3A_2371] : memref<4x64x128xf32, #tpu.memory_space<vmem>> -> memref<1x64x128xf32, #tpu.memory_space<vmem>>
      %dma_start3A_2373 = tpu.memref_squeeze %dma_start3A_2372 : memref<1x64x128xf32, #tpu.memory_space<vmem>> -> memref<64x128xf32, #tpu.memory_space<vmem>>
      %dma_start3A_2374 = arith.constant 0 : i32
      %dma_start3A_2375 = tpu.memref_slice %arg4[%dma_start3A_2374, %mul3A_2362] : memref<64x1000001xf32, #tpu.memory_space<hbm>> -> memref<64x128xf32, #tpu.memory_space<hbm>>
      tpu.enqueue_dma source(%dma_start3A_2375 : memref<64x128xf32, #tpu.memory_space<hbm>>) target(%dma_start3A_2373 : memref<64x128xf32, #tpu.memory_space<vmem>>) target_semaphore(%arg12 : memref<!tpu.dma_semaphore, #tpu.memory_space<semaphore_mem>>)
      %jit3A_2376 = arith.constant 128 : i32
      %div3A_2377 = arith.divsi %squeeze3A_2336, %jit3A_2376 : i32
      %sign3A_2378 = arith.constant 0 : i32
      %sign3A_2379 = arith.cmpi sgt, %squeeze3A_2336, %sign3A_2378 : i32
      %sign3A_2380 = arith.extui %sign3A_2379 : i1 to i32
      %sign3A_2381 = arith.constant 0 : i32
      %sign3A_2382 = arith.cmpi slt, %squeeze3A_2336, %sign3A_2381 : i32
      %sign3A_2383 = arith.extui %sign3A_2382 : i1 to i32
      %sign3A_2384 = arith.subi %sign3A_2380, %sign3A_2383 : i32
      %sign3A_2385 = arith.constant 0 : i32
      %sign3A_2386 = arith.cmpi sgt, %jit3A_2376, %sign3A_2385 : i32
      %sign3A_2387 = arith.extui %sign3A_2386 : i1 to i32
      %sign3A_2388 = arith.constant 0 : i32
      %sign3A_2389 = arith.cmpi slt, %jit3A_2376, %sign3A_2388 : i32
      %sign3A_2390 = arith.extui %sign3A_2389 : i1 to i32
      %sign3A_2391 = arith.subi %sign3A_2387, %sign3A_2390 : i32
      %ne3A_2392 = arith.cmpi ne, %sign3A_2384, %sign3A_2391 : i32
      %rem3A_2393 = arith.remsi %squeeze3A_2336, %jit3A_2376 : i32
      %ne3A_2394 = arith.constant 0 : i32
      %ne3A_2395 = arith.cmpi ne, %rem3A_2393, %ne3A_2394 : i32
      %and3A_2396 = arith.andi %ne3A_2392, %ne3A_2395 : i1
      %sub3A_2397 = arith.constant 1 : i32
      %sub3A_2398 = arith.subi %div3A_2377, %sub3A_2397 : i32
      %select_n3A_2399 = arith.select %and3A_2396, %sub3A_2398, %div3A_2377 : i32
      %mul3A_2400 = arith.constant 128 : i32
      %mul3A_2401 = arith.muli %select_n3A_2399, %mul3A_2400 : i32
      %dma_start3A_2402 = arith.constant 0 : i32
      %dma_start3A_2403 = arith.constant 0 : i32
      %dma_start3A_2404 = arith.constant 0 : i32
      %dma_start3A_2405 = tpu.memref_slice %arg10[%dma_start3A_2402, %dma_start3A_2403, %dma_start3A_2404] : memref<4x64x128xf32, #tpu.memory_space<vmem>> -> memref<1x64x128xf32, #tpu.memory_space<vmem>>
      %dma_start3A_2406 = tpu.memref_squeeze %dma_start3A_2405 : memref<1x64x128xf32, #tpu.memory_space<vmem>> -> memref<64x128xf32, #tpu.memory_space<vmem>>
      %dma_start3A_2407 = arith.constant 0 : i32
      %dma_start3A_2408 = tpu.memref_slice %arg5[%dma_start3A_2407, %mul3A_2401] : memref<64x1000001xf32, #tpu.memory_space<hbm>> -> memref<64x128xf32, #tpu.memory_space<hbm>>
      %dma_start3A_2409 = arith.constant 0 : i32
      %dma_start3A_2410 = arith.constant 0 : i32
      %dma_start3A_2411 = tpu.memref_slice %arg10[%dma_start3A_2402, %dma_start3A_2409, %dma_start3A_2410] : memref<4x64x128xf32, #tpu.memory_space<vmem>> -> memref<1x64x128xf32, #tpu.memory_space<vmem>>
      %dma_start3A_2412 = tpu.memref_squeeze %dma_start3A_2411 : memref<1x64x128xf32, #tpu.memory_space<vmem>> -> memref<64x128xf32, #tpu.memory_space<vmem>>
      %dma_start3A_2413 = arith.constant 0 : i32
      %dma_start3A_2414 = tpu.memref_slice %arg5[%dma_start3A_2413, %mul3A_2401] : memref<64x1000001xf32, #tpu.memory_space<hbm>> -> memref<64x128xf32, #tpu.memory_space<hbm>>
      tpu.enqueue_dma source(%dma_start3A_2414 : memref<64x128xf32, #tpu.memory_space<hbm>>) target(%dma_start3A_2412 : memref<64x128xf32, #tpu.memory_space<vmem>>) target_semaphore(%arg12 : memref<!tpu.dma_semaphore, #tpu.memory_space<semaphore_mem>>)
      %jit3A_2415 = arith.constant 128 : i32
      %eq3A_2416 = arith.constant 0 : i32
      %eq3A_2417 = arith.cmpi eq, %jit3A_2415, %eq3A_2416 : i32
      %jit3A_2418 = arith.constant 1 : i32
      %select_n3A_2419 = arith.select %eq3A_2417, %jit3A_2418, %jit3A_2415 : i32
      %rem3A_2420 = arith.remsi %squeeze3A_2334, %select_n3A_2419 : i32
      %ne3A_2421 = arith.constant 0 : i32
      %ne3A_2422 = arith.cmpi ne, %rem3A_2420, %ne3A_2421 : i32
      %lt3A_2423 = arith.constant 0 : i32
      %lt3A_2424 = arith.cmpi slt, %rem3A_2420, %lt3A_2423 : i32
      %lt3A_2425 = arith.constant 0 : i32
      %lt3A_2426 = arith.cmpi slt, %select_n3A_2419, %lt3A_2425 : i32
      %ne3A_2427 = arith.xori %lt3A_2424, %lt3A_2426 : i1
      %and3A_2428 = arith.andi %ne3A_2427, %ne3A_2422 : i1
      %add3A_2429 = arith.addi %rem3A_2420, %select_n3A_2419 : i32
      %select_n3A_2430 = arith.select %and3A_2428, %add3A_2429, %rem3A_2420 : i32
      %broadcast_in_dim3A_2431 = vector.broadcast %select_n3A_2430 : i32 to vector<16xi32>
      %jit3A_2432 = arith.constant 128 : i32
      %eq3A_2433 = arith.constant 0 : i32
      %eq3A_2434 = arith.cmpi eq, %jit3A_2432, %eq3A_2433 : i32
      %jit3A_2435 = arith.constant 1 : i32
      %select_n3A_2436 = arith.select %eq3A_2434, %jit3A_2435, %jit3A_2432 : i32
      %rem3A_2437 = arith.remsi %squeeze3A_2336, %select_n3A_2436 : i32
      %ne3A_2438 = arith.constant 0 : i32
      %ne3A_2439 = arith.cmpi ne, %rem3A_2437, %ne3A_2438 : i32
      %lt3A_2440 = arith.constant 0 : i32
      %lt3A_2441 = arith.cmpi slt, %rem3A_2437, %lt3A_2440 : i32
      %lt3A_2442 = arith.constant 0 : i32
      %lt3A_2443 = arith.cmpi slt, %select_n3A_2436, %lt3A_2442 : i32
      %ne3A_2444 = arith.xori %lt3A_2441, %lt3A_2443 : i1
      %and3A_2445 = arith.andi %ne3A_2444, %ne3A_2439 : i1
      %add3A_2446 = arith.addi %rem3A_2437, %select_n3A_2436 : i32
      %select_n3A_2447 = arith.select %and3A_2445, %add3A_2446, %rem3A_2437 : i32
      %broadcast_in_dim3A_2448 = vector.broadcast %select_n3A_2447 : i32 to vector<16xi32>
      %slice3A_2449 = vector.extract_strided_slice %get3A_23 {offsets = [13], sizes = [1], strides = [1]} : vector<16xi32> to vector<1xi32>
      %squeeze3A_2450 = vector.extract %slice3A_2449[0] : i32 from vector<1xi32>
      %slice3A_2451 = vector.extract_strided_slice %get3A_25 {offsets = [13], sizes = [1], strides = [1]} : vector<16xi32> to vector<1xi32>
      %squeeze3A_2452 = vector.extract %slice3A_2451[0] : i32 from vector<1xi32>
      %jit3A_2453 = arith.constant 128 : i32
      %div3A_2454 = arith.divsi %squeeze3A_2450, %jit3A_2453 : i32
      %sign3A_2455 = arith.constant 0 : i32
      %sign3A_2456 = arith.cmpi sgt, %squeeze3A_2450, %sign3A_2455 : i32
      %sign3A_2457 = arith.extui %sign3A_2456 : i1 to i32
      %sign3A_2458 = arith.constant 0 : i32
      %sign3A_2459 = arith.cmpi slt, %squeeze3A_2450, %sign3A_2458 : i32
      %sign3A_2460 = arith.extui %sign3A_2459 : i1 to i32
      %sign3A_2461 = arith.subi %sign3A_2457, %sign3A_2460 : i32
      %sign3A_2462 = arith.constant 0 : i32
      %sign3A_2463 = arith.cmpi sgt, %jit3A_2453, %sign3A_2462 : i32
      %sign3A_2464 = arith.extui %sign3A_2463 : i1 to i32
      %sign3A_2465 = arith.constant 0 : i32
      %sign3A_2466 = arith.cmpi slt, %jit3A_2453, %sign3A_2465 : i32
      %sign3A_2467 = arith.extui %sign3A_2466 : i1 to i32
      %sign3A_2468 = arith.subi %sign3A_2464, %sign3A_2467 : i32
      %ne3A_2469 = arith.cmpi ne, %sign3A_2461, %sign3A_2468 : i32
      %rem3A_2470 = arith.remsi %squeeze3A_2450, %jit3A_2453 : i32
      %ne3A_2471 = arith.constant 0 : i32
      %ne3A_2472 = arith.cmpi ne, %rem3A_2470, %ne3A_2471 : i32
      %and3A_2473 = arith.andi %ne3A_2469, %ne3A_2472 : i1
      %sub3A_2474 = arith.constant 1 : i32
      %sub3A_2475 = arith.subi %div3A_2454, %sub3A_2474 : i32
      %select_n3A_2476 = arith.select %and3A_2473, %sub3A_2475, %div3A_2454 : i32
      %mul3A_2477 = arith.constant 128 : i32
      %mul3A_2478 = arith.muli %select_n3A_2476, %mul3A_2477 : i32
      %dma_start3A_2479 = arith.constant 1 : i32
      %dma_start3A_2480 = arith.constant 0 : i32
      %dma_start3A_2481 = arith.constant 0 : i32
      %dma_start3A_2482 = tpu.memref_slice %arg9[%dma_start3A_2479, %dma_start3A_2480, %dma_start3A_2481] : memref<4x64x128xf32, #tpu.memory_space<vmem>> -> memref<1x64x128xf32, #tpu.memory_space<vmem>>
      %dma_start3A_2483 = tpu.memref_squeeze %dma_start3A_2482 : memref<1x64x128xf32, #tpu.memory_space<vmem>> -> memref<64x128xf32, #tpu.memory_space<vmem>>
      %dma_start3A_2484 = arith.constant 0 : i32
      %dma_start3A_2485 = tpu.memref_slice %arg4[%dma_start3A_2484, %mul3A_2478] : memref<64x1000001xf32, #tpu.memory_space<hbm>> -> memref<64x128xf32, #tpu.memory_space<hbm>>
      %dma_start3A_2486 = arith.constant 0 : i32
      %dma_start3A_2487 = arith.constant 0 : i32
      %dma_start3A_2488 = tpu.memref_slice %arg9[%dma_start3A_2479, %dma_start3A_2486, %dma_start3A_2487] : memref<4x64x128xf32, #tpu.memory_space<vmem>> -> memref<1x64x128xf32, #tpu.memory_space<vmem>>
      %dma_start3A_2489 = tpu.memref_squeeze %dma_start3A_2488 : memref<1x64x128xf32, #tpu.memory_space<vmem>> -> memref<64x128xf32, #tpu.memory_space<vmem>>
      %dma_start3A_2490 = arith.constant 0 : i32
      %dma_start3A_2491 = tpu.memref_slice %arg4[%dma_start3A_2490, %mul3A_2478] : memref<64x1000001xf32, #tpu.memory_space<hbm>> -> memref<64x128xf32, #tpu.memory_space<hbm>>
      tpu.enqueue_dma source(%dma_start3A_2491 : memref<64x128xf32, #tpu.memory_space<hbm>>) target(%dma_start3A_2489 : memref<64x128xf32, #tpu.memory_space<vmem>>) target_semaphore(%arg12 : memref<!tpu.dma_semaphore, #tpu.memory_space<semaphore_mem>>)
      %jit3A_2492 = arith.constant 128 : i32
      %div3A_2493 = arith.divsi %squeeze3A_2452, %jit3A_2492 : i32
      %sign3A_2494 = arith.constant 0 : i32
      %sign3A_2495 = arith.cmpi sgt, %squeeze3A_2452, %sign3A_2494 : i32
      %sign3A_2496 = arith.extui %sign3A_2495 : i1 to i32
      %sign3A_2497 = arith.constant 0 : i32
      %sign3A_2498 = arith.cmpi slt, %squeeze3A_2452, %sign3A_2497 : i32
      %sign3A_2499 = arith.extui %sign3A_2498 : i1 to i32
      %sign3A_2500 = arith.subi %sign3A_2496, %sign3A_2499 : i32
      %sign3A_2501 = arith.constant 0 : i32
      %sign3A_2502 = arith.cmpi sgt, %jit3A_2492, %sign3A_2501 : i32
      %sign3A_2503 = arith.extui %sign3A_2502 : i1 to i32
      %sign3A_2504 = arith.constant 0 : i32
      %sign3A_2505 = arith.cmpi slt, %jit3A_2492, %sign3A_2504 : i32
      %sign3A_2506 = arith.extui %sign3A_2505 : i1 to i32
      %sign3A_2507 = arith.subi %sign3A_2503, %sign3A_2506 : i32
      %ne3A_2508 = arith.cmpi ne, %sign3A_2500, %sign3A_2507 : i32
      %rem3A_2509 = arith.remsi %squeeze3A_2452, %jit3A_2492 : i32
      %ne3A_2510 = arith.constant 0 : i32
      %ne3A_2511 = arith.cmpi ne, %rem3A_2509, %ne3A_2510 : i32
      %and3A_2512 = arith.andi %ne3A_2508, %ne3A_2511 : i1
      %sub3A_2513 = arith.constant 1 : i32
      %sub3A_2514 = arith.subi %div3A_2493, %sub3A_2513 : i32
      %select_n3A_2515 = arith.select %and3A_2512, %sub3A_2514, %div3A_2493 : i32
      %mul3A_2516 = arith.constant 128 : i32
      %mul3A_2517 = arith.muli %select_n3A_2515, %mul3A_2516 : i32
      %dma_start3A_2518 = arith.constant 1 : i32
      %dma_start3A_2519 = arith.constant 0 : i32
      %dma_start3A_2520 = arith.constant 0 : i32
      %dma_start3A_2521 = tpu.memref_slice %arg10[%dma_start3A_2518, %dma_start3A_2519, %dma_start3A_2520] : memref<4x64x128xf32, #tpu.memory_space<vmem>> -> memref<1x64x128xf32, #tpu.memory_space<vmem>>
      %dma_start3A_2522 = tpu.memref_squeeze %dma_start3A_2521 : memref<1x64x128xf32, #tpu.memory_space<vmem>> -> memref<64x128xf32, #tpu.memory_space<vmem>>
      %dma_start3A_2523 = arith.constant 0 : i32
      %dma_start3A_2524 = tpu.memref_slice %arg5[%dma_start3A_2523, %mul3A_2517] : memref<64x1000001xf32, #tpu.memory_space<hbm>> -> memref<64x128xf32, #tpu.memory_space<hbm>>
      %dma_start3A_2525 = arith.constant 0 : i32
      %dma_start3A_2526 = arith.constant 0 : i32
      %dma_start3A_2527 = tpu.memref_slice %arg10[%dma_start3A_2518, %dma_start3A_2525, %dma_start3A_2526] : memref<4x64x128xf32, #tpu.memory_space<vmem>> -> memref<1x64x128xf32, #tpu.memory_space<vmem>>
      %dma_start3A_2528 = tpu.memref_squeeze %dma_start3A_2527 : memref<1x64x128xf32, #tpu.memory_space<vmem>> -> memref<64x128xf32, #tpu.memory_space<vmem>>
      %dma_start3A_2529 = arith.constant 0 : i32
      %dma_start3A_2530 = tpu.memref_slice %arg5[%dma_start3A_2529, %mul3A_2517] : memref<64x1000001xf32, #tpu.memory_space<hbm>> -> memref<64x128xf32, #tpu.memory_space<hbm>>
      tpu.enqueue_dma source(%dma_start3A_2530 : memref<64x128xf32, #tpu.memory_space<hbm>>) target(%dma_start3A_2528 : memref<64x128xf32, #tpu.memory_space<vmem>>) target_semaphore(%arg12 : memref<!tpu.dma_semaphore, #tpu.memory_space<semaphore_mem>>)
      %jit3A_2531 = arith.constant 128 : i32
      %eq3A_2532 = arith.constant 0 : i32
      %eq3A_2533 = arith.cmpi eq, %jit3A_2531, %eq3A_2532 : i32
      %jit3A_2534 = arith.constant 1 : i32
      %select_n3A_2535 = arith.select %eq3A_2533, %jit3A_2534, %jit3A_2531 : i32
      %rem3A_2536 = arith.remsi %squeeze3A_2450, %select_n3A_2535 : i32
      %ne3A_2537 = arith.constant 0 : i32
      %ne3A_2538 = arith.cmpi ne, %rem3A_2536, %ne3A_2537 : i32
      %lt3A_2539 = arith.constant 0 : i32
      %lt3A_2540 = arith.cmpi slt, %rem3A_2536, %lt3A_2539 : i32
      %lt3A_2541 = arith.constant 0 : i32
      %lt3A_2542 = arith.cmpi slt, %select_n3A_2535, %lt3A_2541 : i32
      %ne3A_2543 = arith.xori %lt3A_2540, %lt3A_2542 : i1
      %and3A_2544 = arith.andi %ne3A_2543, %ne3A_2538 : i1
      %add3A_2545 = arith.addi %rem3A_2536, %select_n3A_2535 : i32
      %select_n3A_2546 = arith.select %and3A_2544, %add3A_2545, %rem3A_2536 : i32
      %broadcast_in_dim3A_2547 = vector.broadcast %select_n3A_2546 : i32 to vector<16xi32>
      %jit3A_2548 = arith.constant 128 : i32
      %eq3A_2549 = arith.constant 0 : i32
      %eq3A_2550 = arith.cmpi eq, %jit3A_2548, %eq3A_2549 : i32
      %jit3A_2551 = arith.constant 1 : i32
      %select_n3A_2552 = arith.select %eq3A_2550, %jit3A_2551, %jit3A_2548 : i32
      %rem3A_2553 = arith.remsi %squeeze3A_2452, %select_n3A_2552 : i32
      %ne3A_2554 = arith.constant 0 : i32
      %ne3A_2555 = arith.cmpi ne, %rem3A_2553, %ne3A_2554 : i32
      %lt3A_2556 = arith.constant 0 : i32
      %lt3A_2557 = arith.cmpi slt, %rem3A_2553, %lt3A_2556 : i32
      %lt3A_2558 = arith.constant 0 : i32
      %lt3A_2559 = arith.cmpi slt, %select_n3A_2552, %lt3A_2558 : i32
      %ne3A_2560 = arith.xori %lt3A_2557, %lt3A_2559 : i1
      %and3A_2561 = arith.andi %ne3A_2560, %ne3A_2555 : i1
      %add3A_2562 = arith.addi %rem3A_2553, %select_n3A_2552 : i32
      %select_n3A_2563 = arith.select %and3A_2561, %add3A_2562, %rem3A_2553 : i32
      %broadcast_in_dim3A_2564 = vector.broadcast %select_n3A_2563 : i32 to vector<16xi32>
      %dma_wait3A_2565 = arith.constant 2 : i32
      %dma_wait3A_2566 = arith.constant 0 : i32
      %dma_wait3A_2567 = arith.constant 0 : i32
      %dma_wait3A_2568 = tpu.memref_slice %arg9[%dma_wait3A_2565, %dma_wait3A_2566, %dma_wait3A_2567] : memref<4x64x128xf32, #tpu.memory_space<vmem>> -> memref<1x64x128xf32, #tpu.memory_space<vmem>>
      %dma_wait3A_2569 = tpu.memref_squeeze %dma_wait3A_2568 : memref<1x64x128xf32, #tpu.memory_space<vmem>> -> memref<64x128xf32, #tpu.memory_space<vmem>>
      %dma_wait3A_2570 = arith.constant 0 : i32
      %dma_wait3A_2571 = tpu.memref_slice %arg4[%dma_wait3A_2570, %mul3A_1944] : memref<64x1000001xf32, #tpu.memory_space<hbm>> -> memref<64x128xf32, #tpu.memory_space<hbm>>
      %dma_wait3A_2572 = arith.constant 0 : i32
      %dma_wait3A_2573 = arith.constant 0 : i32
      %dma_wait3A_2574 = tpu.memref_slice %arg9[%dma_wait3A_2565, %dma_wait3A_2572, %dma_wait3A_2573] : memref<4x64x128xf32, #tpu.memory_space<vmem>> -> memref<1x64x128xf32, #tpu.memory_space<vmem>>
      %dma_wait3A_2575 = tpu.memref_squeeze %dma_wait3A_2574 : memref<1x64x128xf32, #tpu.memory_space<vmem>> -> memref<64x128xf32, #tpu.memory_space<vmem>>
      %dma_wait3A_2576 = arith.constant 0 : i32
      %dma_wait3A_2577 = tpu.memref_slice %arg4[%dma_wait3A_2576, %mul3A_1944] : memref<64x1000001xf32, #tpu.memory_space<hbm>> -> memref<64x128xf32, #tpu.memory_space<hbm>>
      tpu.wait_dma2 semaphore(%arg12 : memref<!tpu.dma_semaphore, #tpu.memory_space<semaphore_mem>>) src(%dma_wait3A_2577 : memref<64x128xf32, #tpu.memory_space<hbm>>) dst(%dma_wait3A_2575 : memref<64x128xf32, #tpu.memory_space<vmem>>)
      %dma_wait3A_2578 = arith.constant 2 : i32
      %dma_wait3A_2579 = arith.constant 0 : i32
      %dma_wait3A_2580 = arith.constant 0 : i32
      %dma_wait3A_2581 = tpu.memref_slice %arg10[%dma_wait3A_2578, %dma_wait3A_2579, %dma_wait3A_2580] : memref<4x64x128xf32, #tpu.memory_space<vmem>> -> memref<1x64x128xf32, #tpu.memory_space<vmem>>
      %dma_wait3A_2582 = tpu.memref_squeeze %dma_wait3A_2581 : memref<1x64x128xf32, #tpu.memory_space<vmem>> -> memref<64x128xf32, #tpu.memory_space<vmem>>
      %dma_wait3A_2583 = arith.constant 0 : i32
      %dma_wait3A_2584 = tpu.memref_slice %arg5[%dma_wait3A_2583, %mul3A_1983] : memref<64x1000001xf32, #tpu.memory_space<hbm>> -> memref<64x128xf32, #tpu.memory_space<hbm>>
      %dma_wait3A_2585 = arith.constant 0 : i32
      %dma_wait3A_2586 = arith.constant 0 : i32
      %dma_wait3A_2587 = tpu.memref_slice %arg10[%dma_wait3A_2578, %dma_wait3A_2585, %dma_wait3A_2586] : memref<4x64x128xf32, #tpu.memory_space<vmem>> -> memref<1x64x128xf32, #tpu.memory_space<vmem>>
      %dma_wait3A_2588 = tpu.memref_squeeze %dma_wait3A_2587 : memref<1x64x128xf32, #tpu.memory_space<vmem>> -> memref<64x128xf32, #tpu.memory_space<vmem>>
      %dma_wait3A_2589 = arith.constant 0 : i32
      %dma_wait3A_2590 = tpu.memref_slice %arg5[%dma_wait3A_2589, %mul3A_1983] : memref<64x1000001xf32, #tpu.memory_space<hbm>> -> memref<64x128xf32, #tpu.memory_space<hbm>>
      tpu.wait_dma2 semaphore(%arg12 : memref<!tpu.dma_semaphore, #tpu.memory_space<semaphore_mem>>) src(%dma_wait3A_2590 : memref<64x128xf32, #tpu.memory_space<hbm>>) dst(%dma_wait3A_2588 : memref<64x128xf32, #tpu.memory_space<vmem>>)
      %dma_wait3A_2591 = arith.constant 3 : i32
      %dma_wait3A_2592 = arith.constant 0 : i32
      %dma_wait3A_2593 = arith.constant 0 : i32
      %dma_wait3A_2594 = tpu.memref_slice %arg9[%dma_wait3A_2591, %dma_wait3A_2592, %dma_wait3A_2593] : memref<4x64x128xf32, #tpu.memory_space<vmem>> -> memref<1x64x128xf32, #tpu.memory_space<vmem>>
      %dma_wait3A_2595 = tpu.memref_squeeze %dma_wait3A_2594 : memref<1x64x128xf32, #tpu.memory_space<vmem>> -> memref<64x128xf32, #tpu.memory_space<vmem>>
      %dma_wait3A_2596 = arith.constant 0 : i32
      %dma_wait3A_2597 = tpu.memref_slice %arg4[%dma_wait3A_2596, %mul3A_2060] : memref<64x1000001xf32, #tpu.memory_space<hbm>> -> memref<64x128xf32, #tpu.memory_space<hbm>>
      %dma_wait3A_2598 = arith.constant 0 : i32
      %dma_wait3A_2599 = arith.constant 0 : i32
      %dma_wait3A_2600 = tpu.memref_slice %arg9[%dma_wait3A_2591, %dma_wait3A_2598, %dma_wait3A_2599] : memref<4x64x128xf32, #tpu.memory_space<vmem>> -> memref<1x64x128xf32, #tpu.memory_space<vmem>>
      %dma_wait3A_2601 = tpu.memref_squeeze %dma_wait3A_2600 : memref<1x64x128xf32, #tpu.memory_space<vmem>> -> memref<64x128xf32, #tpu.memory_space<vmem>>
      %dma_wait3A_2602 = arith.constant 0 : i32
      %dma_wait3A_2603 = tpu.memref_slice %arg4[%dma_wait3A_2602, %mul3A_2060] : memref<64x1000001xf32, #tpu.memory_space<hbm>> -> memref<64x128xf32, #tpu.memory_space<hbm>>
      tpu.wait_dma2 semaphore(%arg12 : memref<!tpu.dma_semaphore, #tpu.memory_space<semaphore_mem>>) src(%dma_wait3A_2603 : memref<64x128xf32, #tpu.memory_space<hbm>>) dst(%dma_wait3A_2601 : memref<64x128xf32, #tpu.memory_space<vmem>>)
      %dma_wait3A_2604 = arith.constant 3 : i32
      %dma_wait3A_2605 = arith.constant 0 : i32
      %dma_wait3A_2606 = arith.constant 0 : i32
      %dma_wait3A_2607 = tpu.memref_slice %arg10[%dma_wait3A_2604, %dma_wait3A_2605, %dma_wait3A_2606] : memref<4x64x128xf32, #tpu.memory_space<vmem>> -> memref<1x64x128xf32, #tpu.memory_space<vmem>>
      %dma_wait3A_2608 = tpu.memref_squeeze %dma_wait3A_2607 : memref<1x64x128xf32, #tpu.memory_space<vmem>> -> memref<64x128xf32, #tpu.memory_space<vmem>>
      %dma_wait3A_2609 = arith.constant 0 : i32
      %dma_wait3A_2610 = tpu.memref_slice %arg5[%dma_wait3A_2609, %mul3A_2099] : memref<64x1000001xf32, #tpu.memory_space<hbm>> -> memref<64x128xf32, #tpu.memory_space<hbm>>
      %dma_wait3A_2611 = arith.constant 0 : i32
      %dma_wait3A_2612 = arith.constant 0 : i32
      %dma_wait3A_2613 = tpu.memref_slice %arg10[%dma_wait3A_2604, %dma_wait3A_2611, %dma_wait3A_2612] : memref<4x64x128xf32, #tpu.memory_space<vmem>> -> memref<1x64x128xf32, #tpu.memory_space<vmem>>
      %dma_wait3A_2614 = tpu.memref_squeeze %dma_wait3A_2613 : memref<1x64x128xf32, #tpu.memory_space<vmem>> -> memref<64x128xf32, #tpu.memory_space<vmem>>
      %dma_wait3A_2615 = arith.constant 0 : i32
      %dma_wait3A_2616 = tpu.memref_slice %arg5[%dma_wait3A_2615, %mul3A_2099] : memref<64x1000001xf32, #tpu.memory_space<hbm>> -> memref<64x128xf32, #tpu.memory_space<hbm>>
      tpu.wait_dma2 semaphore(%arg12 : memref<!tpu.dma_semaphore, #tpu.memory_space<semaphore_mem>>) src(%dma_wait3A_2616 : memref<64x128xf32, #tpu.memory_space<hbm>>) dst(%dma_wait3A_2614 : memref<64x128xf32, #tpu.memory_space<vmem>>)
      %broadcast_in_dim3A_2617 = arith.constant 0.000000e+00 : f32
      %broadcast_in_dim3A_2618 = vector.broadcast %broadcast_in_dim3A_2617 : f32 to vector<16xf32>
      %gather3A_2619 = arith.constant 2 : i32
      %gather3A_2620 = arith.constant 0 : i32
      %gather3A_2621 = arith.constant 0 : i32
      %gather3A_2622 = tpu.memref_slice %arg9[%gather3A_2619, %gather3A_2620, %gather3A_2621] : memref<4x64x128xf32, #tpu.memory_space<vmem>> -> memref<1x64x128xf32, #tpu.memory_space<vmem>>
      %gather3A_2623 = tpu.memref_squeeze %gather3A_2622 : memref<1x64x128xf32, #tpu.memory_space<vmem>> -> memref<64x128xf32, #tpu.memory_space<vmem>>
      %gather3A_2624 = tpu.vector_load_idx %gather3A_2623[%add3A_5, %broadcast_in_dim3A_2013] : memref<64x128xf32, #tpu.memory_space<vmem>>[vector<16xi32>, vector<16xi32>], vector<16xf32>,
      %gather3A_2625 = arith.constant 2 : i32
      %gather3A_2626 = arith.constant 0 : i32
      %gather3A_2627 = arith.constant 0 : i32
      %gather3A_2628 = tpu.memref_slice %arg10[%gather3A_2625, %gather3A_2626, %gather3A_2627] : memref<4x64x128xf32, #tpu.memory_space<vmem>> -> memref<1x64x128xf32, #tpu.memory_space<vmem>>
      %gather3A_2629 = tpu.memref_squeeze %gather3A_2628 : memref<1x64x128xf32, #tpu.memory_space<vmem>> -> memref<64x128xf32, #tpu.memory_space<vmem>>
      %gather3A_2630 = tpu.vector_load_idx %gather3A_2629[%add3A_5, %broadcast_in_dim3A_2030] : memref<64x128xf32, #tpu.memory_space<vmem>>[vector<16xi32>, vector<16xi32>], vector<16xf32>,
      %mul3A_2631 = arith.mulf %gather3A_2624, %gather3A_2630 : vector<16xf32>
      %add3A_2632 = arith.addf %broadcast_in_dim3A_2618, %mul3A_2631 : vector<16xf32>
      %gather3A_2633 = arith.constant 2 : i32
      %gather3A_2634 = arith.constant 0 : i32
      %gather3A_2635 = arith.constant 0 : i32
      %gather3A_2636 = tpu.memref_slice %arg9[%gather3A_2633, %gather3A_2634, %gather3A_2635] : memref<4x64x128xf32, #tpu.memory_space<vmem>> -> memref<1x64x128xf32, #tpu.memory_space<vmem>>
      %gather3A_2637 = tpu.memref_squeeze %gather3A_2636 : memref<1x64x128xf32, #tpu.memory_space<vmem>> -> memref<64x128xf32, #tpu.memory_space<vmem>>
      %gather3A_2638 = tpu.vector_load_idx %gather3A_2637[%add3A_8, %broadcast_in_dim3A_2013] : memref<64x128xf32, #tpu.memory_space<vmem>>[vector<16xi32>, vector<16xi32>], vector<16xf32>,
      %gather3A_2639 = arith.constant 2 : i32
      %gather3A_2640 = arith.constant 0 : i32
      %gather3A_2641 = arith.constant 0 : i32
      %gather3A_2642 = tpu.memref_slice %arg10[%gather3A_2639, %gather3A_2640, %gather3A_2641] : memref<4x64x128xf32, #tpu.memory_space<vmem>> -> memref<1x64x128xf32, #tpu.memory_space<vmem>>
      %gather3A_2643 = tpu.memref_squeeze %gather3A_2642 : memref<1x64x128xf32, #tpu.memory_space<vmem>> -> memref<64x128xf32, #tpu.memory_space<vmem>>
      %gather3A_2644 = tpu.vector_load_idx %gather3A_2643[%add3A_8, %broadcast_in_dim3A_2030] : memref<64x128xf32, #tpu.memory_space<vmem>>[vector<16xi32>, vector<16xi32>], vector<16xf32>,
      %mul3A_2645 = arith.mulf %gather3A_2638, %gather3A_2644 : vector<16xf32>
      %add3A_2646 = arith.addf %add3A_2632, %mul3A_2645 : vector<16xf32>
      %gather3A_2647 = arith.constant 2 : i32
      %gather3A_2648 = arith.constant 0 : i32
      %gather3A_2649 = arith.constant 0 : i32
      %gather3A_2650 = tpu.memref_slice %arg9[%gather3A_2647, %gather3A_2648, %gather3A_2649] : memref<4x64x128xf32, #tpu.memory_space<vmem>> -> memref<1x64x128xf32, #tpu.memory_space<vmem>>
      %gather3A_2651 = tpu.memref_squeeze %gather3A_2650 : memref<1x64x128xf32, #tpu.memory_space<vmem>> -> memref<64x128xf32, #tpu.memory_space<vmem>>
      %gather3A_2652 = tpu.vector_load_idx %gather3A_2651[%add3A_11, %broadcast_in_dim3A_2013] : memref<64x128xf32, #tpu.memory_space<vmem>>[vector<16xi32>, vector<16xi32>], vector<16xf32>,
      %gather3A_2653 = arith.constant 2 : i32
      %gather3A_2654 = arith.constant 0 : i32
      %gather3A_2655 = arith.constant 0 : i32
      %gather3A_2656 = tpu.memref_slice %arg10[%gather3A_2653, %gather3A_2654, %gather3A_2655] : memref<4x64x128xf32, #tpu.memory_space<vmem>> -> memref<1x64x128xf32, #tpu.memory_space<vmem>>
      %gather3A_2657 = tpu.memref_squeeze %gather3A_2656 : memref<1x64x128xf32, #tpu.memory_space<vmem>> -> memref<64x128xf32, #tpu.memory_space<vmem>>
      %gather3A_2658 = tpu.vector_load_idx %gather3A_2657[%add3A_11, %broadcast_in_dim3A_2030] : memref<64x128xf32, #tpu.memory_space<vmem>>[vector<16xi32>, vector<16xi32>], vector<16xf32>,
      %mul3A_2659 = arith.mulf %gather3A_2652, %gather3A_2658 : vector<16xf32>
      %add3A_2660 = arith.addf %add3A_2646, %mul3A_2659 : vector<16xf32>
      %gather3A_2661 = arith.constant 2 : i32
      %gather3A_2662 = arith.constant 0 : i32
      %gather3A_2663 = arith.constant 0 : i32
      %gather3A_2664 = tpu.memref_slice %arg9[%gather3A_2661, %gather3A_2662, %gather3A_2663] : memref<4x64x128xf32, #tpu.memory_space<vmem>> -> memref<1x64x128xf32, #tpu.memory_space<vmem>>
      %gather3A_2665 = tpu.memref_squeeze %gather3A_2664 : memref<1x64x128xf32, #tpu.memory_space<vmem>> -> memref<64x128xf32, #tpu.memory_space<vmem>>
      %gather3A_2666 = tpu.vector_load_idx %gather3A_2665[%add3A_14, %broadcast_in_dim3A_2013] : memref<64x128xf32, #tpu.memory_space<vmem>>[vector<16xi32>, vector<16xi32>], vector<16xf32>,
      %gather3A_2667 = arith.constant 2 : i32
      %gather3A_2668 = arith.constant 0 : i32
      %gather3A_2669 = arith.constant 0 : i32
      %gather3A_2670 = tpu.memref_slice %arg10[%gather3A_2667, %gather3A_2668, %gather3A_2669] : memref<4x64x128xf32, #tpu.memory_space<vmem>> -> memref<1x64x128xf32, #tpu.memory_space<vmem>>
      %gather3A_2671 = tpu.memref_squeeze %gather3A_2670 : memref<1x64x128xf32, #tpu.memory_space<vmem>> -> memref<64x128xf32, #tpu.memory_space<vmem>>
      %gather3A_2672 = tpu.vector_load_idx %gather3A_2671[%add3A_14, %broadcast_in_dim3A_2030] : memref<64x128xf32, #tpu.memory_space<vmem>>[vector<16xi32>, vector<16xi32>], vector<16xf32>,
      %mul3A_2673 = arith.mulf %gather3A_2666, %gather3A_2672 : vector<16xf32>
      %add3A_2674 = arith.addf %add3A_2660, %mul3A_2673 : vector<16xf32>
      %eq3A_2675 = arith.constant 10 : i32
      %eq3A_2676 = vector.broadcast %eq3A_2675 : i32 to vector<16xi32>
      %eq3A_2677 = arith.cmpi eq, %iota3A, %eq3A_2676 : vector<16xi32>
      %reduce_sum3A_2678 = arith.constant true
      %reduce_sum3A_2679 = vector.broadcast %reduce_sum3A_2678 : i1 to vector<16xi1>
      %reduce_sum3A_2680 = tpu.scan <sum>, %add3A_2674 masked %reduce_sum3A_2679 : vector<16xf32>, vector<16xi1> -> vector<16xf32>
      %reduce_sum3A_2681 = vector.extract %reduce_sum3A_2680[15] : f32 from vector<16xf32>
      %broadcast_in_dim3A_2682 = vector.broadcast %reduce_sum3A_2681 : f32 to vector<16xf32>
      %select_n3A_2683 = arith.select %eq3A_2677, %broadcast_in_dim3A_2682, %select_n3A_2332 : vector<16xi1>, vector<16xf32>
      %broadcast_in_dim3A_2684 = arith.constant 0.000000e+00 : f32
      %broadcast_in_dim3A_2685 = vector.broadcast %broadcast_in_dim3A_2684 : f32 to vector<16xf32>
      %gather3A_2686 = arith.constant 3 : i32
      %gather3A_2687 = arith.constant 0 : i32
      %gather3A_2688 = arith.constant 0 : i32
      %gather3A_2689 = tpu.memref_slice %arg9[%gather3A_2686, %gather3A_2687, %gather3A_2688] : memref<4x64x128xf32, #tpu.memory_space<vmem>> -> memref<1x64x128xf32, #tpu.memory_space<vmem>>
      %gather3A_2690 = tpu.memref_squeeze %gather3A_2689 : memref<1x64x128xf32, #tpu.memory_space<vmem>> -> memref<64x128xf32, #tpu.memory_space<vmem>>
      %gather3A_2691 = tpu.vector_load_idx %gather3A_2690[%add3A_5, %broadcast_in_dim3A_2129] : memref<64x128xf32, #tpu.memory_space<vmem>>[vector<16xi32>, vector<16xi32>], vector<16xf32>,
      %gather3A_2692 = arith.constant 3 : i32
      %gather3A_2693 = arith.constant 0 : i32
      %gather3A_2694 = arith.constant 0 : i32
      %gather3A_2695 = tpu.memref_slice %arg10[%gather3A_2692, %gather3A_2693, %gather3A_2694] : memref<4x64x128xf32, #tpu.memory_space<vmem>> -> memref<1x64x128xf32, #tpu.memory_space<vmem>>
      %gather3A_2696 = tpu.memref_squeeze %gather3A_2695 : memref<1x64x128xf32, #tpu.memory_space<vmem>> -> memref<64x128xf32, #tpu.memory_space<vmem>>
      %gather3A_2697 = tpu.vector_load_idx %gather3A_2696[%add3A_5, %broadcast_in_dim3A_2146] : memref<64x128xf32, #tpu.memory_space<vmem>>[vector<16xi32>, vector<16xi32>], vector<16xf32>,
      %mul3A_2698 = arith.mulf %gather3A_2691, %gather3A_2697 : vector<16xf32>
      %add3A_2699 = arith.addf %broadcast_in_dim3A_2685, %mul3A_2698 : vector<16xf32>
      %gather3A_2700 = arith.constant 3 : i32
      %gather3A_2701 = arith.constant 0 : i32
      %gather3A_2702 = arith.constant 0 : i32
      %gather3A_2703 = tpu.memref_slice %arg9[%gather3A_2700, %gather3A_2701, %gather3A_2702] : memref<4x64x128xf32, #tpu.memory_space<vmem>> -> memref<1x64x128xf32, #tpu.memory_space<vmem>>
      %gather3A_2704 = tpu.memref_squeeze %gather3A_2703 : memref<1x64x128xf32, #tpu.memory_space<vmem>> -> memref<64x128xf32, #tpu.memory_space<vmem>>
      %gather3A_2705 = tpu.vector_load_idx %gather3A_2704[%add3A_8, %broadcast_in_dim3A_2129] : memref<64x128xf32, #tpu.memory_space<vmem>>[vector<16xi32>, vector<16xi32>], vector<16xf32>,
      %gather3A_2706 = arith.constant 3 : i32
      %gather3A_2707 = arith.constant 0 : i32
      %gather3A_2708 = arith.constant 0 : i32
      %gather3A_2709 = tpu.memref_slice %arg10[%gather3A_2706, %gather3A_2707, %gather3A_2708] : memref<4x64x128xf32, #tpu.memory_space<vmem>> -> memref<1x64x128xf32, #tpu.memory_space<vmem>>
      %gather3A_2710 = tpu.memref_squeeze %gather3A_2709 : memref<1x64x128xf32, #tpu.memory_space<vmem>> -> memref<64x128xf32, #tpu.memory_space<vmem>>
      %gather3A_2711 = tpu.vector_load_idx %gather3A_2710[%add3A_8, %broadcast_in_dim3A_2146] : memref<64x128xf32, #tpu.memory_space<vmem>>[vector<16xi32>, vector<16xi32>], vector<16xf32>,
      %mul3A_2712 = arith.mulf %gather3A_2705, %gather3A_2711 : vector<16xf32>
      %add3A_2713 = arith.addf %add3A_2699, %mul3A_2712 : vector<16xf32>
      %gather3A_2714 = arith.constant 3 : i32
      %gather3A_2715 = arith.constant 0 : i32
      %gather3A_2716 = arith.constant 0 : i32
      %gather3A_2717 = tpu.memref_slice %arg9[%gather3A_2714, %gather3A_2715, %gather3A_2716] : memref<4x64x128xf32, #tpu.memory_space<vmem>> -> memref<1x64x128xf32, #tpu.memory_space<vmem>>
      %gather3A_2718 = tpu.memref_squeeze %gather3A_2717 : memref<1x64x128xf32, #tpu.memory_space<vmem>> -> memref<64x128xf32, #tpu.memory_space<vmem>>
      %gather3A_2719 = tpu.vector_load_idx %gather3A_2718[%add3A_11, %broadcast_in_dim3A_2129] : memref<64x128xf32, #tpu.memory_space<vmem>>[vector<16xi32>, vector<16xi32>], vector<16xf32>,
      %gather3A_2720 = arith.constant 3 : i32
      %gather3A_2721 = arith.constant 0 : i32
      %gather3A_2722 = arith.constant 0 : i32
      %gather3A_2723 = tpu.memref_slice %arg10[%gather3A_2720, %gather3A_2721, %gather3A_2722] : memref<4x64x128xf32, #tpu.memory_space<vmem>> -> memref<1x64x128xf32, #tpu.memory_space<vmem>>
      %gather3A_2724 = tpu.memref_squeeze %gather3A_2723 : memref<1x64x128xf32, #tpu.memory_space<vmem>> -> memref<64x128xf32, #tpu.memory_space<vmem>>
      %gather3A_2725 = tpu.vector_load_idx %gather3A_2724[%add3A_11, %broadcast_in_dim3A_2146] : memref<64x128xf32, #tpu.memory_space<vmem>>[vector<16xi32>, vector<16xi32>], vector<16xf32>,
      %mul3A_2726 = arith.mulf %gather3A_2719, %gather3A_2725 : vector<16xf32>
      %add3A_2727 = arith.addf %add3A_2713, %mul3A_2726 : vector<16xf32>
      %gather3A_2728 = arith.constant 3 : i32
      %gather3A_2729 = arith.constant 0 : i32
      %gather3A_2730 = arith.constant 0 : i32
      %gather3A_2731 = tpu.memref_slice %arg9[%gather3A_2728, %gather3A_2729, %gather3A_2730] : memref<4x64x128xf32, #tpu.memory_space<vmem>> -> memref<1x64x128xf32, #tpu.memory_space<vmem>>
      %gather3A_2732 = tpu.memref_squeeze %gather3A_2731 : memref<1x64x128xf32, #tpu.memory_space<vmem>> -> memref<64x128xf32, #tpu.memory_space<vmem>>
      %gather3A_2733 = tpu.vector_load_idx %gather3A_2732[%add3A_14, %broadcast_in_dim3A_2129] : memref<64x128xf32, #tpu.memory_space<vmem>>[vector<16xi32>, vector<16xi32>], vector<16xf32>,
      %gather3A_2734 = arith.constant 3 : i32
      %gather3A_2735 = arith.constant 0 : i32
      %gather3A_2736 = arith.constant 0 : i32
      %gather3A_2737 = tpu.memref_slice %arg10[%gather3A_2734, %gather3A_2735, %gather3A_2736] : memref<4x64x128xf32, #tpu.memory_space<vmem>> -> memref<1x64x128xf32, #tpu.memory_space<vmem>>
      %gather3A_2738 = tpu.memref_squeeze %gather3A_2737 : memref<1x64x128xf32, #tpu.memory_space<vmem>> -> memref<64x128xf32, #tpu.memory_space<vmem>>
      %gather3A_2739 = tpu.vector_load_idx %gather3A_2738[%add3A_14, %broadcast_in_dim3A_2146] : memref<64x128xf32, #tpu.memory_space<vmem>>[vector<16xi32>, vector<16xi32>], vector<16xf32>,
      %mul3A_2740 = arith.mulf %gather3A_2733, %gather3A_2739 : vector<16xf32>
      %add3A_2741 = arith.addf %add3A_2727, %mul3A_2740 : vector<16xf32>
      %eq3A_2742 = arith.constant 11 : i32
      %eq3A_2743 = vector.broadcast %eq3A_2742 : i32 to vector<16xi32>
      %eq3A_2744 = arith.cmpi eq, %iota3A, %eq3A_2743 : vector<16xi32>
      %reduce_sum3A_2745 = arith.constant true
      %reduce_sum3A_2746 = vector.broadcast %reduce_sum3A_2745 : i1 to vector<16xi1>
      %reduce_sum3A_2747 = tpu.scan <sum>, %add3A_2741 masked %reduce_sum3A_2746 : vector<16xf32>, vector<16xi1> -> vector<16xf32>
      %reduce_sum3A_2748 = vector.extract %reduce_sum3A_2747[15] : f32 from vector<16xf32>
      %broadcast_in_dim3A_2749 = vector.broadcast %reduce_sum3A_2748 : f32 to vector<16xf32>
      %select_n3A_2750 = arith.select %eq3A_2744, %broadcast_in_dim3A_2749, %select_n3A_2683 : vector<16xi1>, vector<16xf32>
      %slice3A_2751 = vector.extract_strided_slice %get3A_23 {offsets = [14], sizes = [1], strides = [1]} : vector<16xi32> to vector<1xi32>
      %squeeze3A_2752 = vector.extract %slice3A_2751[0] : i32 from vector<1xi32>
      %slice3A_2753 = vector.extract_strided_slice %get3A_25 {offsets = [14], sizes = [1], strides = [1]} : vector<16xi32> to vector<1xi32>
      %squeeze3A_2754 = vector.extract %slice3A_2753[0] : i32 from vector<1xi32>
      %jit3A_2755 = arith.constant 128 : i32
      %div3A_2756 = arith.divsi %squeeze3A_2752, %jit3A_2755 : i32
      %sign3A_2757 = arith.constant 0 : i32
      %sign3A_2758 = arith.cmpi sgt, %squeeze3A_2752, %sign3A_2757 : i32
      %sign3A_2759 = arith.extui %sign3A_2758 : i1 to i32
      %sign3A_2760 = arith.constant 0 : i32
      %sign3A_2761 = arith.cmpi slt, %squeeze3A_2752, %sign3A_2760 : i32
      %sign3A_2762 = arith.extui %sign3A_2761 : i1 to i32
      %sign3A_2763 = arith.subi %sign3A_2759, %sign3A_2762 : i32
      %sign3A_2764 = arith.constant 0 : i32
      %sign3A_2765 = arith.cmpi sgt, %jit3A_2755, %sign3A_2764 : i32
      %sign3A_2766 = arith.extui %sign3A_2765 : i1 to i32
      %sign3A_2767 = arith.constant 0 : i32
      %sign3A_2768 = arith.cmpi slt, %jit3A_2755, %sign3A_2767 : i32
      %sign3A_2769 = arith.extui %sign3A_2768 : i1 to i32
      %sign3A_2770 = arith.subi %sign3A_2766, %sign3A_2769 : i32
      %ne3A_2771 = arith.cmpi ne, %sign3A_2763, %sign3A_2770 : i32
      %rem3A_2772 = arith.remsi %squeeze3A_2752, %jit3A_2755 : i32
      %ne3A_2773 = arith.constant 0 : i32
      %ne3A_2774 = arith.cmpi ne, %rem3A_2772, %ne3A_2773 : i32
      %and3A_2775 = arith.andi %ne3A_2771, %ne3A_2774 : i1
      %sub3A_2776 = arith.constant 1 : i32
      %sub3A_2777 = arith.subi %div3A_2756, %sub3A_2776 : i32
      %select_n3A_2778 = arith.select %and3A_2775, %sub3A_2777, %div3A_2756 : i32
      %mul3A_2779 = arith.constant 128 : i32
      %mul3A_2780 = arith.muli %select_n3A_2778, %mul3A_2779 : i32
      %dma_start3A_2781 = arith.constant 2 : i32
      %dma_start3A_2782 = arith.constant 0 : i32
      %dma_start3A_2783 = arith.constant 0 : i32
      %dma_start3A_2784 = tpu.memref_slice %arg9[%dma_start3A_2781, %dma_start3A_2782, %dma_start3A_2783] : memref<4x64x128xf32, #tpu.memory_space<vmem>> -> memref<1x64x128xf32, #tpu.memory_space<vmem>>
      %dma_start3A_2785 = tpu.memref_squeeze %dma_start3A_2784 : memref<1x64x128xf32, #tpu.memory_space<vmem>> -> memref<64x128xf32, #tpu.memory_space<vmem>>
      %dma_start3A_2786 = arith.constant 0 : i32
      %dma_start3A_2787 = tpu.memref_slice %arg4[%dma_start3A_2786, %mul3A_2780] : memref<64x1000001xf32, #tpu.memory_space<hbm>> -> memref<64x128xf32, #tpu.memory_space<hbm>>
      %dma_start3A_2788 = arith.constant 0 : i32
      %dma_start3A_2789 = arith.constant 0 : i32
      %dma_start3A_2790 = tpu.memref_slice %arg9[%dma_start3A_2781, %dma_start3A_2788, %dma_start3A_2789] : memref<4x64x128xf32, #tpu.memory_space<vmem>> -> memref<1x64x128xf32, #tpu.memory_space<vmem>>
      %dma_start3A_2791 = tpu.memref_squeeze %dma_start3A_2790 : memref<1x64x128xf32, #tpu.memory_space<vmem>> -> memref<64x128xf32, #tpu.memory_space<vmem>>
      %dma_start3A_2792 = arith.constant 0 : i32
      %dma_start3A_2793 = tpu.memref_slice %arg4[%dma_start3A_2792, %mul3A_2780] : memref<64x1000001xf32, #tpu.memory_space<hbm>> -> memref<64x128xf32, #tpu.memory_space<hbm>>
      tpu.enqueue_dma source(%dma_start3A_2793 : memref<64x128xf32, #tpu.memory_space<hbm>>) target(%dma_start3A_2791 : memref<64x128xf32, #tpu.memory_space<vmem>>) target_semaphore(%arg12 : memref<!tpu.dma_semaphore, #tpu.memory_space<semaphore_mem>>)
      %jit3A_2794 = arith.constant 128 : i32
      %div3A_2795 = arith.divsi %squeeze3A_2754, %jit3A_2794 : i32
      %sign3A_2796 = arith.constant 0 : i32
      %sign3A_2797 = arith.cmpi sgt, %squeeze3A_2754, %sign3A_2796 : i32
      %sign3A_2798 = arith.extui %sign3A_2797 : i1 to i32
      %sign3A_2799 = arith.constant 0 : i32
      %sign3A_2800 = arith.cmpi slt, %squeeze3A_2754, %sign3A_2799 : i32
      %sign3A_2801 = arith.extui %sign3A_2800 : i1 to i32
      %sign3A_2802 = arith.subi %sign3A_2798, %sign3A_2801 : i32
      %sign3A_2803 = arith.constant 0 : i32
      %sign3A_2804 = arith.cmpi sgt, %jit3A_2794, %sign3A_2803 : i32
      %sign3A_2805 = arith.extui %sign3A_2804 : i1 to i32
      %sign3A_2806 = arith.constant 0 : i32
      %sign3A_2807 = arith.cmpi slt, %jit3A_2794, %sign3A_2806 : i32
      %sign3A_2808 = arith.extui %sign3A_2807 : i1 to i32
      %sign3A_2809 = arith.subi %sign3A_2805, %sign3A_2808 : i32
      %ne3A_2810 = arith.cmpi ne, %sign3A_2802, %sign3A_2809 : i32
      %rem3A_2811 = arith.remsi %squeeze3A_2754, %jit3A_2794 : i32
      %ne3A_2812 = arith.constant 0 : i32
      %ne3A_2813 = arith.cmpi ne, %rem3A_2811, %ne3A_2812 : i32
      %and3A_2814 = arith.andi %ne3A_2810, %ne3A_2813 : i1
      %sub3A_2815 = arith.constant 1 : i32
      %sub3A_2816 = arith.subi %div3A_2795, %sub3A_2815 : i32
      %select_n3A_2817 = arith.select %and3A_2814, %sub3A_2816, %div3A_2795 : i32
      %mul3A_2818 = arith.constant 128 : i32
      %mul3A_2819 = arith.muli %select_n3A_2817, %mul3A_2818 : i32
      %dma_start3A_2820 = arith.constant 2 : i32
      %dma_start3A_2821 = arith.constant 0 : i32
      %dma_start3A_2822 = arith.constant 0 : i32
      %dma_start3A_2823 = tpu.memref_slice %arg10[%dma_start3A_2820, %dma_start3A_2821, %dma_start3A_2822] : memref<4x64x128xf32, #tpu.memory_space<vmem>> -> memref<1x64x128xf32, #tpu.memory_space<vmem>>
      %dma_start3A_2824 = tpu.memref_squeeze %dma_start3A_2823 : memref<1x64x128xf32, #tpu.memory_space<vmem>> -> memref<64x128xf32, #tpu.memory_space<vmem>>
      %dma_start3A_2825 = arith.constant 0 : i32
      %dma_start3A_2826 = tpu.memref_slice %arg5[%dma_start3A_2825, %mul3A_2819] : memref<64x1000001xf32, #tpu.memory_space<hbm>> -> memref<64x128xf32, #tpu.memory_space<hbm>>
      %dma_start3A_2827 = arith.constant 0 : i32
      %dma_start3A_2828 = arith.constant 0 : i32
      %dma_start3A_2829 = tpu.memref_slice %arg10[%dma_start3A_2820, %dma_start3A_2827, %dma_start3A_2828] : memref<4x64x128xf32, #tpu.memory_space<vmem>> -> memref<1x64x128xf32, #tpu.memory_space<vmem>>
      %dma_start3A_2830 = tpu.memref_squeeze %dma_start3A_2829 : memref<1x64x128xf32, #tpu.memory_space<vmem>> -> memref<64x128xf32, #tpu.memory_space<vmem>>
      %dma_start3A_2831 = arith.constant 0 : i32
      %dma_start3A_2832 = tpu.memref_slice %arg5[%dma_start3A_2831, %mul3A_2819] : memref<64x1000001xf32, #tpu.memory_space<hbm>> -> memref<64x128xf32, #tpu.memory_space<hbm>>
      tpu.enqueue_dma source(%dma_start3A_2832 : memref<64x128xf32, #tpu.memory_space<hbm>>) target(%dma_start3A_2830 : memref<64x128xf32, #tpu.memory_space<vmem>>) target_semaphore(%arg12 : memref<!tpu.dma_semaphore, #tpu.memory_space<semaphore_mem>>)
      %jit3A_2833 = arith.constant 128 : i32
      %eq3A_2834 = arith.constant 0 : i32
      %eq3A_2835 = arith.cmpi eq, %jit3A_2833, %eq3A_2834 : i32
      %jit3A_2836 = arith.constant 1 : i32
      %select_n3A_2837 = arith.select %eq3A_2835, %jit3A_2836, %jit3A_2833 : i32
      %rem3A_2838 = arith.remsi %squeeze3A_2752, %select_n3A_2837 : i32
      %ne3A_2839 = arith.constant 0 : i32
      %ne3A_2840 = arith.cmpi ne, %rem3A_2838, %ne3A_2839 : i32
      %lt3A_2841 = arith.constant 0 : i32
      %lt3A_2842 = arith.cmpi slt, %rem3A_2838, %lt3A_2841 : i32
      %lt3A_2843 = arith.constant 0 : i32
      %lt3A_2844 = arith.cmpi slt, %select_n3A_2837, %lt3A_2843 : i32
      %ne3A_2845 = arith.xori %lt3A_2842, %lt3A_2844 : i1
      %and3A_2846 = arith.andi %ne3A_2845, %ne3A_2840 : i1
      %add3A_2847 = arith.addi %rem3A_2838, %select_n3A_2837 : i32
      %select_n3A_2848 = arith.select %and3A_2846, %add3A_2847, %rem3A_2838 : i32
      %broadcast_in_dim3A_2849 = vector.broadcast %select_n3A_2848 : i32 to vector<16xi32>
      %jit3A_2850 = arith.constant 128 : i32
      %eq3A_2851 = arith.constant 0 : i32
      %eq3A_2852 = arith.cmpi eq, %jit3A_2850, %eq3A_2851 : i32
      %jit3A_2853 = arith.constant 1 : i32
      %select_n3A_2854 = arith.select %eq3A_2852, %jit3A_2853, %jit3A_2850 : i32
      %rem3A_2855 = arith.remsi %squeeze3A_2754, %select_n3A_2854 : i32
      %ne3A_2856 = arith.constant 0 : i32
      %ne3A_2857 = arith.cmpi ne, %rem3A_2855, %ne3A_2856 : i32
      %lt3A_2858 = arith.constant 0 : i32
      %lt3A_2859 = arith.cmpi slt, %rem3A_2855, %lt3A_2858 : i32
      %lt3A_2860 = arith.constant 0 : i32
      %lt3A_2861 = arith.cmpi slt, %select_n3A_2854, %lt3A_2860 : i32
      %ne3A_2862 = arith.xori %lt3A_2859, %lt3A_2861 : i1
      %and3A_2863 = arith.andi %ne3A_2862, %ne3A_2857 : i1
      %add3A_2864 = arith.addi %rem3A_2855, %select_n3A_2854 : i32
      %select_n3A_2865 = arith.select %and3A_2863, %add3A_2864, %rem3A_2855 : i32
      %broadcast_in_dim3A_2866 = vector.broadcast %select_n3A_2865 : i32 to vector<16xi32>
      %slice3A_2867 = vector.extract_strided_slice %get3A_23 {offsets = [15], sizes = [1], strides = [1]} : vector<16xi32> to vector<1xi32>
      %squeeze3A_2868 = vector.extract %slice3A_2867[0] : i32 from vector<1xi32>
      %slice3A_2869 = vector.extract_strided_slice %get3A_25 {offsets = [15], sizes = [1], strides = [1]} : vector<16xi32> to vector<1xi32>
      %squeeze3A_2870 = vector.extract %slice3A_2869[0] : i32 from vector<1xi32>
      %jit3A_2871 = arith.constant 128 : i32
      %div3A_2872 = arith.divsi %squeeze3A_2868, %jit3A_2871 : i32
      %sign3A_2873 = arith.constant 0 : i32
      %sign3A_2874 = arith.cmpi sgt, %squeeze3A_2868, %sign3A_2873 : i32
      %sign3A_2875 = arith.extui %sign3A_2874 : i1 to i32
      %sign3A_2876 = arith.constant 0 : i32
      %sign3A_2877 = arith.cmpi slt, %squeeze3A_2868, %sign3A_2876 : i32
      %sign3A_2878 = arith.extui %sign3A_2877 : i1 to i32
      %sign3A_2879 = arith.subi %sign3A_2875, %sign3A_2878 : i32
      %sign3A_2880 = arith.constant 0 : i32
      %sign3A_2881 = arith.cmpi sgt, %jit3A_2871, %sign3A_2880 : i32
      %sign3A_2882 = arith.extui %sign3A_2881 : i1 to i32
      %sign3A_2883 = arith.constant 0 : i32
      %sign3A_2884 = arith.cmpi slt, %jit3A_2871, %sign3A_2883 : i32
      %sign3A_2885 = arith.extui %sign3A_2884 : i1 to i32
      %sign3A_2886 = arith.subi %sign3A_2882, %sign3A_2885 : i32
      %ne3A_2887 = arith.cmpi ne, %sign3A_2879, %sign3A_2886 : i32
      %rem3A_2888 = arith.remsi %squeeze3A_2868, %jit3A_2871 : i32
      %ne3A_2889 = arith.constant 0 : i32
      %ne3A_2890 = arith.cmpi ne, %rem3A_2888, %ne3A_2889 : i32
      %and3A_2891 = arith.andi %ne3A_2887, %ne3A_2890 : i1
      %sub3A_2892 = arith.constant 1 : i32
      %sub3A_2893 = arith.subi %div3A_2872, %sub3A_2892 : i32
      %select_n3A_2894 = arith.select %and3A_2891, %sub3A_2893, %div3A_2872 : i32
      %mul3A_2895 = arith.constant 128 : i32
      %mul3A_2896 = arith.muli %select_n3A_2894, %mul3A_2895 : i32
      %dma_start3A_2897 = arith.constant 3 : i32
      %dma_start3A_2898 = arith.constant 0 : i32
      %dma_start3A_2899 = arith.constant 0 : i32
      %dma_start3A_2900 = tpu.memref_slice %arg9[%dma_start3A_2897, %dma_start3A_2898, %dma_start3A_2899] : memref<4x64x128xf32, #tpu.memory_space<vmem>> -> memref<1x64x128xf32, #tpu.memory_space<vmem>>
      %dma_start3A_2901 = tpu.memref_squeeze %dma_start3A_2900 : memref<1x64x128xf32, #tpu.memory_space<vmem>> -> memref<64x128xf32, #tpu.memory_space<vmem>>
      %dma_start3A_2902 = arith.constant 0 : i32
      %dma_start3A_2903 = tpu.memref_slice %arg4[%dma_start3A_2902, %mul3A_2896] : memref<64x1000001xf32, #tpu.memory_space<hbm>> -> memref<64x128xf32, #tpu.memory_space<hbm>>
      %dma_start3A_2904 = arith.constant 0 : i32
      %dma_start3A_2905 = arith.constant 0 : i32
      %dma_start3A_2906 = tpu.memref_slice %arg9[%dma_start3A_2897, %dma_start3A_2904, %dma_start3A_2905] : memref<4x64x128xf32, #tpu.memory_space<vmem>> -> memref<1x64x128xf32, #tpu.memory_space<vmem>>
      %dma_start3A_2907 = tpu.memref_squeeze %dma_start3A_2906 : memref<1x64x128xf32, #tpu.memory_space<vmem>> -> memref<64x128xf32, #tpu.memory_space<vmem>>
      %dma_start3A_2908 = arith.constant 0 : i32
      %dma_start3A_2909 = tpu.memref_slice %arg4[%dma_start3A_2908, %mul3A_2896] : memref<64x1000001xf32, #tpu.memory_space<hbm>> -> memref<64x128xf32, #tpu.memory_space<hbm>>
      tpu.enqueue_dma source(%dma_start3A_2909 : memref<64x128xf32, #tpu.memory_space<hbm>>) target(%dma_start3A_2907 : memref<64x128xf32, #tpu.memory_space<vmem>>) target_semaphore(%arg12 : memref<!tpu.dma_semaphore, #tpu.memory_space<semaphore_mem>>)
      %jit3A_2910 = arith.constant 128 : i32
      %div3A_2911 = arith.divsi %squeeze3A_2870, %jit3A_2910 : i32
      %sign3A_2912 = arith.constant 0 : i32
      %sign3A_2913 = arith.cmpi sgt, %squeeze3A_2870, %sign3A_2912 : i32
      %sign3A_2914 = arith.extui %sign3A_2913 : i1 to i32
      %sign3A_2915 = arith.constant 0 : i32
      %sign3A_2916 = arith.cmpi slt, %squeeze3A_2870, %sign3A_2915 : i32
      %sign3A_2917 = arith.extui %sign3A_2916 : i1 to i32
      %sign3A_2918 = arith.subi %sign3A_2914, %sign3A_2917 : i32
      %sign3A_2919 = arith.constant 0 : i32
      %sign3A_2920 = arith.cmpi sgt, %jit3A_2910, %sign3A_2919 : i32
      %sign3A_2921 = arith.extui %sign3A_2920 : i1 to i32
      %sign3A_2922 = arith.constant 0 : i32
      %sign3A_2923 = arith.cmpi slt, %jit3A_2910, %sign3A_2922 : i32
      %sign3A_2924 = arith.extui %sign3A_2923 : i1 to i32
      %sign3A_2925 = arith.subi %sign3A_2921, %sign3A_2924 : i32
      %ne3A_2926 = arith.cmpi ne, %sign3A_2918, %sign3A_2925 : i32
      %rem3A_2927 = arith.remsi %squeeze3A_2870, %jit3A_2910 : i32
      %ne3A_2928 = arith.constant 0 : i32
      %ne3A_2929 = arith.cmpi ne, %rem3A_2927, %ne3A_2928 : i32
      %and3A_2930 = arith.andi %ne3A_2926, %ne3A_2929 : i1
      %sub3A_2931 = arith.constant 1 : i32
      %sub3A_2932 = arith.subi %div3A_2911, %sub3A_2931 : i32
      %select_n3A_2933 = arith.select %and3A_2930, %sub3A_2932, %div3A_2911 : i32
      %mul3A_2934 = arith.constant 128 : i32
      %mul3A_2935 = arith.muli %select_n3A_2933, %mul3A_2934 : i32
      %dma_start3A_2936 = arith.constant 3 : i32
      %dma_start3A_2937 = arith.constant 0 : i32
      %dma_start3A_2938 = arith.constant 0 : i32
      %dma_start3A_2939 = tpu.memref_slice %arg10[%dma_start3A_2936, %dma_start3A_2937, %dma_start3A_2938] : memref<4x64x128xf32, #tpu.memory_space<vmem>> -> memref<1x64x128xf32, #tpu.memory_space<vmem>>
      %dma_start3A_2940 = tpu.memref_squeeze %dma_start3A_2939 : memref<1x64x128xf32, #tpu.memory_space<vmem>> -> memref<64x128xf32, #tpu.memory_space<vmem>>
      %dma_start3A_2941 = arith.constant 0 : i32
      %dma_start3A_2942 = tpu.memref_slice %arg5[%dma_start3A_2941, %mul3A_2935] : memref<64x1000001xf32, #tpu.memory_space<hbm>> -> memref<64x128xf32, #tpu.memory_space<hbm>>
      %dma_start3A_2943 = arith.constant 0 : i32
      %dma_start3A_2944 = arith.constant 0 : i32
      %dma_start3A_2945 = tpu.memref_slice %arg10[%dma_start3A_2936, %dma_start3A_2943, %dma_start3A_2944] : memref<4x64x128xf32, #tpu.memory_space<vmem>> -> memref<1x64x128xf32, #tpu.memory_space<vmem>>
      %dma_start3A_2946 = tpu.memref_squeeze %dma_start3A_2945 : memref<1x64x128xf32, #tpu.memory_space<vmem>> -> memref<64x128xf32, #tpu.memory_space<vmem>>
      %dma_start3A_2947 = arith.constant 0 : i32
      %dma_start3A_2948 = tpu.memref_slice %arg5[%dma_start3A_2947, %mul3A_2935] : memref<64x1000001xf32, #tpu.memory_space<hbm>> -> memref<64x128xf32, #tpu.memory_space<hbm>>
      tpu.enqueue_dma source(%dma_start3A_2948 : memref<64x128xf32, #tpu.memory_space<hbm>>) target(%dma_start3A_2946 : memref<64x128xf32, #tpu.memory_space<vmem>>) target_semaphore(%arg12 : memref<!tpu.dma_semaphore, #tpu.memory_space<semaphore_mem>>)
      %jit3A_2949 = arith.constant 128 : i32
      %eq3A_2950 = arith.constant 0 : i32
      %eq3A_2951 = arith.cmpi eq, %jit3A_2949, %eq3A_2950 : i32
      %jit3A_2952 = arith.constant 1 : i32
      %select_n3A_2953 = arith.select %eq3A_2951, %jit3A_2952, %jit3A_2949 : i32
      %rem3A_2954 = arith.remsi %squeeze3A_2868, %select_n3A_2953 : i32
      %ne3A_2955 = arith.constant 0 : i32
      %ne3A_2956 = arith.cmpi ne, %rem3A_2954, %ne3A_2955 : i32
      %lt3A_2957 = arith.constant 0 : i32
      %lt3A_2958 = arith.cmpi slt, %rem3A_2954, %lt3A_2957 : i32
      %lt3A_2959 = arith.constant 0 : i32
      %lt3A_2960 = arith.cmpi slt, %select_n3A_2953, %lt3A_2959 : i32
      %ne3A_2961 = arith.xori %lt3A_2958, %lt3A_2960 : i1
      %and3A_2962 = arith.andi %ne3A_2961, %ne3A_2956 : i1
      %add3A_2963 = arith.addi %rem3A_2954, %select_n3A_2953 : i32
      %select_n3A_2964 = arith.select %and3A_2962, %add3A_2963, %rem3A_2954 : i32
      %broadcast_in_dim3A_2965 = vector.broadcast %select_n3A_2964 : i32 to vector<16xi32>
      %jit3A_2966 = arith.constant 128 : i32
      %eq3A_2967 = arith.constant 0 : i32
      %eq3A_2968 = arith.cmpi eq, %jit3A_2966, %eq3A_2967 : i32
      %jit3A_2969 = arith.constant 1 : i32
      %select_n3A_2970 = arith.select %eq3A_2968, %jit3A_2969, %jit3A_2966 : i32
      %rem3A_2971 = arith.remsi %squeeze3A_2870, %select_n3A_2970 : i32
      %ne3A_2972 = arith.constant 0 : i32
      %ne3A_2973 = arith.cmpi ne, %rem3A_2971, %ne3A_2972 : i32
      %lt3A_2974 = arith.constant 0 : i32
      %lt3A_2975 = arith.cmpi slt, %rem3A_2971, %lt3A_2974 : i32
      %lt3A_2976 = arith.constant 0 : i32
      %lt3A_2977 = arith.cmpi slt, %select_n3A_2970, %lt3A_2976 : i32
      %ne3A_2978 = arith.xori %lt3A_2975, %lt3A_2977 : i1
      %and3A_2979 = arith.andi %ne3A_2978, %ne3A_2973 : i1
      %add3A_2980 = arith.addi %rem3A_2971, %select_n3A_2970 : i32
      %select_n3A_2981 = arith.select %and3A_2979, %add3A_2980, %rem3A_2971 : i32
      %broadcast_in_dim3A_2982 = vector.broadcast %select_n3A_2981 : i32 to vector<16xi32>
      %dma_wait3A_2983 = arith.constant 0 : i32
      %dma_wait3A_2984 = arith.constant 0 : i32
      %dma_wait3A_2985 = arith.constant 0 : i32
      %dma_wait3A_2986 = tpu.memref_slice %arg9[%dma_wait3A_2983, %dma_wait3A_2984, %dma_wait3A_2985] : memref<4x64x128xf32, #tpu.memory_space<vmem>> -> memref<1x64x128xf32, #tpu.memory_space<vmem>>
      %dma_wait3A_2987 = tpu.memref_squeeze %dma_wait3A_2986 : memref<1x64x128xf32, #tpu.memory_space<vmem>> -> memref<64x128xf32, #tpu.memory_space<vmem>>
      %dma_wait3A_2988 = arith.constant 0 : i32
      %dma_wait3A_2989 = tpu.memref_slice %arg4[%dma_wait3A_2988, %mul3A_2362] : memref<64x1000001xf32, #tpu.memory_space<hbm>> -> memref<64x128xf32, #tpu.memory_space<hbm>>
      %dma_wait3A_2990 = arith.constant 0 : i32
      %dma_wait3A_2991 = arith.constant 0 : i32
      %dma_wait3A_2992 = tpu.memref_slice %arg9[%dma_wait3A_2983, %dma_wait3A_2990, %dma_wait3A_2991] : memref<4x64x128xf32, #tpu.memory_space<vmem>> -> memref<1x64x128xf32, #tpu.memory_space<vmem>>
      %dma_wait3A_2993 = tpu.memref_squeeze %dma_wait3A_2992 : memref<1x64x128xf32, #tpu.memory_space<vmem>> -> memref<64x128xf32, #tpu.memory_space<vmem>>
      %dma_wait3A_2994 = arith.constant 0 : i32
      %dma_wait3A_2995 = tpu.memref_slice %arg4[%dma_wait3A_2994, %mul3A_2362] : memref<64x1000001xf32, #tpu.memory_space<hbm>> -> memref<64x128xf32, #tpu.memory_space<hbm>>
      tpu.wait_dma2 semaphore(%arg12 : memref<!tpu.dma_semaphore, #tpu.memory_space<semaphore_mem>>) src(%dma_wait3A_2995 : memref<64x128xf32, #tpu.memory_space<hbm>>) dst(%dma_wait3A_2993 : memref<64x128xf32, #tpu.memory_space<vmem>>)
      %dma_wait3A_2996 = arith.constant 0 : i32
      %dma_wait3A_2997 = arith.constant 0 : i32
      %dma_wait3A_2998 = arith.constant 0 : i32
      %dma_wait3A_2999 = tpu.memref_slice %arg10[%dma_wait3A_2996, %dma_wait3A_2997, %dma_wait3A_2998] : memref<4x64x128xf32, #tpu.memory_space<vmem>> -> memref<1x64x128xf32, #tpu.memory_space<vmem>>
      %dma_wait3A_3000 = tpu.memref_squeeze %dma_wait3A_2999 : memref<1x64x128xf32, #tpu.memory_space<vmem>> -> memref<64x128xf32, #tpu.memory_space<vmem>>
      %dma_wait3A_3001 = arith.constant 0 : i32
      %dma_wait3A_3002 = tpu.memref_slice %arg5[%dma_wait3A_3001, %mul3A_2401] : memref<64x1000001xf32, #tpu.memory_space<hbm>> -> memref<64x128xf32, #tpu.memory_space<hbm>>
      %dma_wait3A_3003 = arith.constant 0 : i32
      %dma_wait3A_3004 = arith.constant 0 : i32
      %dma_wait3A_3005 = tpu.memref_slice %arg10[%dma_wait3A_2996, %dma_wait3A_3003, %dma_wait3A_3004] : memref<4x64x128xf32, #tpu.memory_space<vmem>> -> memref<1x64x128xf32, #tpu.memory_space<vmem>>
      %dma_wait3A_3006 = tpu.memref_squeeze %dma_wait3A_3005 : memref<1x64x128xf32, #tpu.memory_space<vmem>> -> memref<64x128xf32, #tpu.memory_space<vmem>>
      %dma_wait3A_3007 = arith.constant 0 : i32
      %dma_wait3A_3008 = tpu.memref_slice %arg5[%dma_wait3A_3007, %mul3A_2401] : memref<64x1000001xf32, #tpu.memory_space<hbm>> -> memref<64x128xf32, #tpu.memory_space<hbm>>
      tpu.wait_dma2 semaphore(%arg12 : memref<!tpu.dma_semaphore, #tpu.memory_space<semaphore_mem>>) src(%dma_wait3A_3008 : memref<64x128xf32, #tpu.memory_space<hbm>>) dst(%dma_wait3A_3006 : memref<64x128xf32, #tpu.memory_space<vmem>>)
      %dma_wait3A_3009 = arith.constant 1 : i32
      %dma_wait3A_3010 = arith.constant 0 : i32
      %dma_wait3A_3011 = arith.constant 0 : i32
      %dma_wait3A_3012 = tpu.memref_slice %arg9[%dma_wait3A_3009, %dma_wait3A_3010, %dma_wait3A_3011] : memref<4x64x128xf32, #tpu.memory_space<vmem>> -> memref<1x64x128xf32, #tpu.memory_space<vmem>>
      %dma_wait3A_3013 = tpu.memref_squeeze %dma_wait3A_3012 : memref<1x64x128xf32, #tpu.memory_space<vmem>> -> memref<64x128xf32, #tpu.memory_space<vmem>>
      %dma_wait3A_3014 = arith.constant 0 : i32
      %dma_wait3A_3015 = tpu.memref_slice %arg4[%dma_wait3A_3014, %mul3A_2478] : memref<64x1000001xf32, #tpu.memory_space<hbm>> -> memref<64x128xf32, #tpu.memory_space<hbm>>
      %dma_wait3A_3016 = arith.constant 0 : i32
      %dma_wait3A_3017 = arith.constant 0 : i32
      %dma_wait3A_3018 = tpu.memref_slice %arg9[%dma_wait3A_3009, %dma_wait3A_3016, %dma_wait3A_3017] : memref<4x64x128xf32, #tpu.memory_space<vmem>> -> memref<1x64x128xf32, #tpu.memory_space<vmem>>
      %dma_wait3A_3019 = tpu.memref_squeeze %dma_wait3A_3018 : memref<1x64x128xf32, #tpu.memory_space<vmem>> -> memref<64x128xf32, #tpu.memory_space<vmem>>
      %dma_wait3A_3020 = arith.constant 0 : i32
      %dma_wait3A_3021 = tpu.memref_slice %arg4[%dma_wait3A_3020, %mul3A_2478] : memref<64x1000001xf32, #tpu.memory_space<hbm>> -> memref<64x128xf32, #tpu.memory_space<hbm>>
      tpu.wait_dma2 semaphore(%arg12 : memref<!tpu.dma_semaphore, #tpu.memory_space<semaphore_mem>>) src(%dma_wait3A_3021 : memref<64x128xf32, #tpu.memory_space<hbm>>) dst(%dma_wait3A_3019 : memref<64x128xf32, #tpu.memory_space<vmem>>)
      %dma_wait3A_3022 = arith.constant 1 : i32
      %dma_wait3A_3023 = arith.constant 0 : i32
      %dma_wait3A_3024 = arith.constant 0 : i32
      %dma_wait3A_3025 = tpu.memref_slice %arg10[%dma_wait3A_3022, %dma_wait3A_3023, %dma_wait3A_3024] : memref<4x64x128xf32, #tpu.memory_space<vmem>> -> memref<1x64x128xf32, #tpu.memory_space<vmem>>
      %dma_wait3A_3026 = tpu.memref_squeeze %dma_wait3A_3025 : memref<1x64x128xf32, #tpu.memory_space<vmem>> -> memref<64x128xf32, #tpu.memory_space<vmem>>
      %dma_wait3A_3027 = arith.constant 0 : i32
      %dma_wait3A_3028 = tpu.memref_slice %arg5[%dma_wait3A_3027, %mul3A_2517] : memref<64x1000001xf32, #tpu.memory_space<hbm>> -> memref<64x128xf32, #tpu.memory_space<hbm>>
      %dma_wait3A_3029 = arith.constant 0 : i32
      %dma_wait3A_3030 = arith.constant 0 : i32
      %dma_wait3A_3031 = tpu.memref_slice %arg10[%dma_wait3A_3022, %dma_wait3A_3029, %dma_wait3A_3030] : memref<4x64x128xf32, #tpu.memory_space<vmem>> -> memref<1x64x128xf32, #tpu.memory_space<vmem>>
      %dma_wait3A_3032 = tpu.memref_squeeze %dma_wait3A_3031 : memref<1x64x128xf32, #tpu.memory_space<vmem>> -> memref<64x128xf32, #tpu.memory_space<vmem>>
      %dma_wait3A_3033 = arith.constant 0 : i32
      %dma_wait3A_3034 = tpu.memref_slice %arg5[%dma_wait3A_3033, %mul3A_2517] : memref<64x1000001xf32, #tpu.memory_space<hbm>> -> memref<64x128xf32, #tpu.memory_space<hbm>>
      tpu.wait_dma2 semaphore(%arg12 : memref<!tpu.dma_semaphore, #tpu.memory_space<semaphore_mem>>) src(%dma_wait3A_3034 : memref<64x128xf32, #tpu.memory_space<hbm>>) dst(%dma_wait3A_3032 : memref<64x128xf32, #tpu.memory_space<vmem>>)
      %broadcast_in_dim3A_3035 = arith.constant 0.000000e+00 : f32
      %broadcast_in_dim3A_3036 = vector.broadcast %broadcast_in_dim3A_3035 : f32 to vector<16xf32>
      %gather3A_3037 = arith.constant 0 : i32
      %gather3A_3038 = arith.constant 0 : i32
      %gather3A_3039 = arith.constant 0 : i32
      %gather3A_3040 = tpu.memref_slice %arg9[%gather3A_3037, %gather3A_3038, %gather3A_3039] : memref<4x64x128xf32, #tpu.memory_space<vmem>> -> memref<1x64x128xf32, #tpu.memory_space<vmem>>
      %gather3A_3041 = tpu.memref_squeeze %gather3A_3040 : memref<1x64x128xf32, #tpu.memory_space<vmem>> -> memref<64x128xf32, #tpu.memory_space<vmem>>
      %gather3A_3042 = tpu.vector_load_idx %gather3A_3041[%add3A_5, %broadcast_in_dim3A_2431] : memref<64x128xf32, #tpu.memory_space<vmem>>[vector<16xi32>, vector<16xi32>], vector<16xf32>,
      %gather3A_3043 = arith.constant 0 : i32
      %gather3A_3044 = arith.constant 0 : i32
      %gather3A_3045 = arith.constant 0 : i32
      %gather3A_3046 = tpu.memref_slice %arg10[%gather3A_3043, %gather3A_3044, %gather3A_3045] : memref<4x64x128xf32, #tpu.memory_space<vmem>> -> memref<1x64x128xf32, #tpu.memory_space<vmem>>
      %gather3A_3047 = tpu.memref_squeeze %gather3A_3046 : memref<1x64x128xf32, #tpu.memory_space<vmem>> -> memref<64x128xf32, #tpu.memory_space<vmem>>
      %gather3A_3048 = tpu.vector_load_idx %gather3A_3047[%add3A_5, %broadcast_in_dim3A_2448] : memref<64x128xf32, #tpu.memory_space<vmem>>[vector<16xi32>, vector<16xi32>], vector<16xf32>,
      %mul3A_3049 = arith.mulf %gather3A_3042, %gather3A_3048 : vector<16xf32>
      %add3A_3050 = arith.addf %broadcast_in_dim3A_3036, %mul3A_3049 : vector<16xf32>
      %gather3A_3051 = arith.constant 0 : i32
      %gather3A_3052 = arith.constant 0 : i32
      %gather3A_3053 = arith.constant 0 : i32
      %gather3A_3054 = tpu.memref_slice %arg9[%gather3A_3051, %gather3A_3052, %gather3A_3053] : memref<4x64x128xf32, #tpu.memory_space<vmem>> -> memref<1x64x128xf32, #tpu.memory_space<vmem>>
      %gather3A_3055 = tpu.memref_squeeze %gather3A_3054 : memref<1x64x128xf32, #tpu.memory_space<vmem>> -> memref<64x128xf32, #tpu.memory_space<vmem>>
      %gather3A_3056 = tpu.vector_load_idx %gather3A_3055[%add3A_8, %broadcast_in_dim3A_2431] : memref<64x128xf32, #tpu.memory_space<vmem>>[vector<16xi32>, vector<16xi32>], vector<16xf32>,
      %gather3A_3057 = arith.constant 0 : i32
      %gather3A_3058 = arith.constant 0 : i32
      %gather3A_3059 = arith.constant 0 : i32
      %gather3A_3060 = tpu.memref_slice %arg10[%gather3A_3057, %gather3A_3058, %gather3A_3059] : memref<4x64x128xf32, #tpu.memory_space<vmem>> -> memref<1x64x128xf32, #tpu.memory_space<vmem>>
      %gather3A_3061 = tpu.memref_squeeze %gather3A_3060 : memref<1x64x128xf32, #tpu.memory_space<vmem>> -> memref<64x128xf32, #tpu.memory_space<vmem>>
      %gather3A_3062 = tpu.vector_load_idx %gather3A_3061[%add3A_8, %broadcast_in_dim3A_2448] : memref<64x128xf32, #tpu.memory_space<vmem>>[vector<16xi32>, vector<16xi32>], vector<16xf32>,
      %mul3A_3063 = arith.mulf %gather3A_3056, %gather3A_3062 : vector<16xf32>
      %add3A_3064 = arith.addf %add3A_3050, %mul3A_3063 : vector<16xf32>
      %gather3A_3065 = arith.constant 0 : i32
      %gather3A_3066 = arith.constant 0 : i32
      %gather3A_3067 = arith.constant 0 : i32
      %gather3A_3068 = tpu.memref_slice %arg9[%gather3A_3065, %gather3A_3066, %gather3A_3067] : memref<4x64x128xf32, #tpu.memory_space<vmem>> -> memref<1x64x128xf32, #tpu.memory_space<vmem>>
      %gather3A_3069 = tpu.memref_squeeze %gather3A_3068 : memref<1x64x128xf32, #tpu.memory_space<vmem>> -> memref<64x128xf32, #tpu.memory_space<vmem>>
      %gather3A_3070 = tpu.vector_load_idx %gather3A_3069[%add3A_11, %broadcast_in_dim3A_2431] : memref<64x128xf32, #tpu.memory_space<vmem>>[vector<16xi32>, vector<16xi32>], vector<16xf32>,
      %gather3A_3071 = arith.constant 0 : i32
      %gather3A_3072 = arith.constant 0 : i32
      %gather3A_3073 = arith.constant 0 : i32
      %gather3A_3074 = tpu.memref_slice %arg10[%gather3A_3071, %gather3A_3072, %gather3A_3073] : memref<4x64x128xf32, #tpu.memory_space<vmem>> -> memref<1x64x128xf32, #tpu.memory_space<vmem>>
      %gather3A_3075 = tpu.memref_squeeze %gather3A_3074 : memref<1x64x128xf32, #tpu.memory_space<vmem>> -> memref<64x128xf32, #tpu.memory_space<vmem>>
      %gather3A_3076 = tpu.vector_load_idx %gather3A_3075[%add3A_11, %broadcast_in_dim3A_2448] : memref<64x128xf32, #tpu.memory_space<vmem>>[vector<16xi32>, vector<16xi32>], vector<16xf32>,
      %mul3A_3077 = arith.mulf %gather3A_3070, %gather3A_3076 : vector<16xf32>
      %add3A_3078 = arith.addf %add3A_3064, %mul3A_3077 : vector<16xf32>
      %gather3A_3079 = arith.constant 0 : i32
      %gather3A_3080 = arith.constant 0 : i32
      %gather3A_3081 = arith.constant 0 : i32
      %gather3A_3082 = tpu.memref_slice %arg9[%gather3A_3079, %gather3A_3080, %gather3A_3081] : memref<4x64x128xf32, #tpu.memory_space<vmem>> -> memref<1x64x128xf32, #tpu.memory_space<vmem>>
      %gather3A_3083 = tpu.memref_squeeze %gather3A_3082 : memref<1x64x128xf32, #tpu.memory_space<vmem>> -> memref<64x128xf32, #tpu.memory_space<vmem>>
      %gather3A_3084 = tpu.vector_load_idx %gather3A_3083[%add3A_14, %broadcast_in_dim3A_2431] : memref<64x128xf32, #tpu.memory_space<vmem>>[vector<16xi32>, vector<16xi32>], vector<16xf32>,
      %gather3A_3085 = arith.constant 0 : i32
      %gather3A_3086 = arith.constant 0 : i32
      %gather3A_3087 = arith.constant 0 : i32
      %gather3A_3088 = tpu.memref_slice %arg10[%gather3A_3085, %gather3A_3086, %gather3A_3087] : memref<4x64x128xf32, #tpu.memory_space<vmem>> -> memref<1x64x128xf32, #tpu.memory_space<vmem>>
      %gather3A_3089 = tpu.memref_squeeze %gather3A_3088 : memref<1x64x128xf32, #tpu.memory_space<vmem>> -> memref<64x128xf32, #tpu.memory_space<vmem>>
      %gather3A_3090 = tpu.vector_load_idx %gather3A_3089[%add3A_14, %broadcast_in_dim3A_2448] : memref<64x128xf32, #tpu.memory_space<vmem>>[vector<16xi32>, vector<16xi32>], vector<16xf32>,
      %mul3A_3091 = arith.mulf %gather3A_3084, %gather3A_3090 : vector<16xf32>
      %add3A_3092 = arith.addf %add3A_3078, %mul3A_3091 : vector<16xf32>
      %eq3A_3093 = arith.constant 12 : i32
      %eq3A_3094 = vector.broadcast %eq3A_3093 : i32 to vector<16xi32>
      %eq3A_3095 = arith.cmpi eq, %iota3A, %eq3A_3094 : vector<16xi32>
      %reduce_sum3A_3096 = arith.constant true
      %reduce_sum3A_3097 = vector.broadcast %reduce_sum3A_3096 : i1 to vector<16xi1>
      %reduce_sum3A_3098 = tpu.scan <sum>, %add3A_3092 masked %reduce_sum3A_3097 : vector<16xf32>, vector<16xi1> -> vector<16xf32>
      %reduce_sum3A_3099 = vector.extract %reduce_sum3A_3098[15] : f32 from vector<16xf32>
      %broadcast_in_dim3A_3100 = vector.broadcast %reduce_sum3A_3099 : f32 to vector<16xf32>
      %select_n3A_3101 = arith.select %eq3A_3095, %broadcast_in_dim3A_3100, %select_n3A_2750 : vector<16xi1>, vector<16xf32>
      %broadcast_in_dim3A_3102 = arith.constant 0.000000e+00 : f32
      %broadcast_in_dim3A_3103 = vector.broadcast %broadcast_in_dim3A_3102 : f32 to vector<16xf32>
      %gather3A_3104 = arith.constant 1 : i32
      %gather3A_3105 = arith.constant 0 : i32
      %gather3A_3106 = arith.constant 0 : i32
      %gather3A_3107 = tpu.memref_slice %arg9[%gather3A_3104, %gather3A_3105, %gather3A_3106] : memref<4x64x128xf32, #tpu.memory_space<vmem>> -> memref<1x64x128xf32, #tpu.memory_space<vmem>>
      %gather3A_3108 = tpu.memref_squeeze %gather3A_3107 : memref<1x64x128xf32, #tpu.memory_space<vmem>> -> memref<64x128xf32, #tpu.memory_space<vmem>>
      %gather3A_3109 = tpu.vector_load_idx %gather3A_3108[%add3A_5, %broadcast_in_dim3A_2547] : memref<64x128xf32, #tpu.memory_space<vmem>>[vector<16xi32>, vector<16xi32>], vector<16xf32>,
      %gather3A_3110 = arith.constant 1 : i32
      %gather3A_3111 = arith.constant 0 : i32
      %gather3A_3112 = arith.constant 0 : i32
      %gather3A_3113 = tpu.memref_slice %arg10[%gather3A_3110, %gather3A_3111, %gather3A_3112] : memref<4x64x128xf32, #tpu.memory_space<vmem>> -> memref<1x64x128xf32, #tpu.memory_space<vmem>>
      %gather3A_3114 = tpu.memref_squeeze %gather3A_3113 : memref<1x64x128xf32, #tpu.memory_space<vmem>> -> memref<64x128xf32, #tpu.memory_space<vmem>>
      %gather3A_3115 = tpu.vector_load_idx %gather3A_3114[%add3A_5, %broadcast_in_dim3A_2564] : memref<64x128xf32, #tpu.memory_space<vmem>>[vector<16xi32>, vector<16xi32>], vector<16xf32>,
      %mul3A_3116 = arith.mulf %gather3A_3109, %gather3A_3115 : vector<16xf32>
      %add3A_3117 = arith.addf %broadcast_in_dim3A_3103, %mul3A_3116 : vector<16xf32>
      %gather3A_3118 = arith.constant 1 : i32
      %gather3A_3119 = arith.constant 0 : i32
      %gather3A_3120 = arith.constant 0 : i32
      %gather3A_3121 = tpu.memref_slice %arg9[%gather3A_3118, %gather3A_3119, %gather3A_3120] : memref<4x64x128xf32, #tpu.memory_space<vmem>> -> memref<1x64x128xf32, #tpu.memory_space<vmem>>
      %gather3A_3122 = tpu.memref_squeeze %gather3A_3121 : memref<1x64x128xf32, #tpu.memory_space<vmem>> -> memref<64x128xf32, #tpu.memory_space<vmem>>
      %gather3A_3123 = tpu.vector_load_idx %gather3A_3122[%add3A_8, %broadcast_in_dim3A_2547] : memref<64x128xf32, #tpu.memory_space<vmem>>[vector<16xi32>, vector<16xi32>], vector<16xf32>,
      %gather3A_3124 = arith.constant 1 : i32
      %gather3A_3125 = arith.constant 0 : i32
      %gather3A_3126 = arith.constant 0 : i32
      %gather3A_3127 = tpu.memref_slice %arg10[%gather3A_3124, %gather3A_3125, %gather3A_3126] : memref<4x64x128xf32, #tpu.memory_space<vmem>> -> memref<1x64x128xf32, #tpu.memory_space<vmem>>
      %gather3A_3128 = tpu.memref_squeeze %gather3A_3127 : memref<1x64x128xf32, #tpu.memory_space<vmem>> -> memref<64x128xf32, #tpu.memory_space<vmem>>
      %gather3A_3129 = tpu.vector_load_idx %gather3A_3128[%add3A_8, %broadcast_in_dim3A_2564] : memref<64x128xf32, #tpu.memory_space<vmem>>[vector<16xi32>, vector<16xi32>], vector<16xf32>,
      %mul3A_3130 = arith.mulf %gather3A_3123, %gather3A_3129 : vector<16xf32>
      %add3A_3131 = arith.addf %add3A_3117, %mul3A_3130 : vector<16xf32>
      %gather3A_3132 = arith.constant 1 : i32
      %gather3A_3133 = arith.constant 0 : i32
      %gather3A_3134 = arith.constant 0 : i32
      %gather3A_3135 = tpu.memref_slice %arg9[%gather3A_3132, %gather3A_3133, %gather3A_3134] : memref<4x64x128xf32, #tpu.memory_space<vmem>> -> memref<1x64x128xf32, #tpu.memory_space<vmem>>
      %gather3A_3136 = tpu.memref_squeeze %gather3A_3135 : memref<1x64x128xf32, #tpu.memory_space<vmem>> -> memref<64x128xf32, #tpu.memory_space<vmem>>
      %gather3A_3137 = tpu.vector_load_idx %gather3A_3136[%add3A_11, %broadcast_in_dim3A_2547] : memref<64x128xf32, #tpu.memory_space<vmem>>[vector<16xi32>, vector<16xi32>], vector<16xf32>,
      %gather3A_3138 = arith.constant 1 : i32
      %gather3A_3139 = arith.constant 0 : i32
      %gather3A_3140 = arith.constant 0 : i32
      %gather3A_3141 = tpu.memref_slice %arg10[%gather3A_3138, %gather3A_3139, %gather3A_3140] : memref<4x64x128xf32, #tpu.memory_space<vmem>> -> memref<1x64x128xf32, #tpu.memory_space<vmem>>
      %gather3A_3142 = tpu.memref_squeeze %gather3A_3141 : memref<1x64x128xf32, #tpu.memory_space<vmem>> -> memref<64x128xf32, #tpu.memory_space<vmem>>
      %gather3A_3143 = tpu.vector_load_idx %gather3A_3142[%add3A_11, %broadcast_in_dim3A_2564] : memref<64x128xf32, #tpu.memory_space<vmem>>[vector<16xi32>, vector<16xi32>], vector<16xf32>,
      %mul3A_3144 = arith.mulf %gather3A_3137, %gather3A_3143 : vector<16xf32>
      %add3A_3145 = arith.addf %add3A_3131, %mul3A_3144 : vector<16xf32>
      %gather3A_3146 = arith.constant 1 : i32
      %gather3A_3147 = arith.constant 0 : i32
      %gather3A_3148 = arith.constant 0 : i32
      %gather3A_3149 = tpu.memref_slice %arg9[%gather3A_3146, %gather3A_3147, %gather3A_3148] : memref<4x64x128xf32, #tpu.memory_space<vmem>> -> memref<1x64x128xf32, #tpu.memory_space<vmem>>
      %gather3A_3150 = tpu.memref_squeeze %gather3A_3149 : memref<1x64x128xf32, #tpu.memory_space<vmem>> -> memref<64x128xf32, #tpu.memory_space<vmem>>
      %gather3A_3151 = tpu.vector_load_idx %gather3A_3150[%add3A_14, %broadcast_in_dim3A_2547] : memref<64x128xf32, #tpu.memory_space<vmem>>[vector<16xi32>, vector<16xi32>], vector<16xf32>,
      %gather3A_3152 = arith.constant 1 : i32
      %gather3A_3153 = arith.constant 0 : i32
      %gather3A_3154 = arith.constant 0 : i32
      %gather3A_3155 = tpu.memref_slice %arg10[%gather3A_3152, %gather3A_3153, %gather3A_3154] : memref<4x64x128xf32, #tpu.memory_space<vmem>> -> memref<1x64x128xf32, #tpu.memory_space<vmem>>
      %gather3A_3156 = tpu.memref_squeeze %gather3A_3155 : memref<1x64x128xf32, #tpu.memory_space<vmem>> -> memref<64x128xf32, #tpu.memory_space<vmem>>
      %gather3A_3157 = tpu.vector_load_idx %gather3A_3156[%add3A_14, %broadcast_in_dim3A_2564] : memref<64x128xf32, #tpu.memory_space<vmem>>[vector<16xi32>, vector<16xi32>], vector<16xf32>,
      %mul3A_3158 = arith.mulf %gather3A_3151, %gather3A_3157 : vector<16xf32>
      %add3A_3159 = arith.addf %add3A_3145, %mul3A_3158 : vector<16xf32>
      %eq3A_3160 = arith.constant 13 : i32
      %eq3A_3161 = vector.broadcast %eq3A_3160 : i32 to vector<16xi32>
      %eq3A_3162 = arith.cmpi eq, %iota3A, %eq3A_3161 : vector<16xi32>
      %reduce_sum3A_3163 = arith.constant true
      %reduce_sum3A_3164 = vector.broadcast %reduce_sum3A_3163 : i1 to vector<16xi1>
      %reduce_sum3A_3165 = tpu.scan <sum>, %add3A_3159 masked %reduce_sum3A_3164 : vector<16xf32>, vector<16xi1> -> vector<16xf32>
      %reduce_sum3A_3166 = vector.extract %reduce_sum3A_3165[15] : f32 from vector<16xf32>
      %broadcast_in_dim3A_3167 = vector.broadcast %reduce_sum3A_3166 : f32 to vector<16xf32>
      %select_n3A_3168 = arith.select %eq3A_3162, %broadcast_in_dim3A_3167, %select_n3A_3101 : vector<16xi1>, vector<16xf32>
      %dma_wait3A_3169 = arith.constant 2 : i32
      %dma_wait3A_3170 = arith.constant 0 : i32
      %dma_wait3A_3171 = arith.constant 0 : i32
      %dma_wait3A_3172 = tpu.memref_slice %arg9[%dma_wait3A_3169, %dma_wait3A_3170, %dma_wait3A_3171] : memref<4x64x128xf32, #tpu.memory_space<vmem>> -> memref<1x64x128xf32, #tpu.memory_space<vmem>>
      %dma_wait3A_3173 = tpu.memref_squeeze %dma_wait3A_3172 : memref<1x64x128xf32, #tpu.memory_space<vmem>> -> memref<64x128xf32, #tpu.memory_space<vmem>>
      %dma_wait3A_3174 = arith.constant 0 : i32
      %dma_wait3A_3175 = tpu.memref_slice %arg4[%dma_wait3A_3174, %mul3A_2780] : memref<64x1000001xf32, #tpu.memory_space<hbm>> -> memref<64x128xf32, #tpu.memory_space<hbm>>
      %dma_wait3A_3176 = arith.constant 0 : i32
      %dma_wait3A_3177 = arith.constant 0 : i32
      %dma_wait3A_3178 = tpu.memref_slice %arg9[%dma_wait3A_3169, %dma_wait3A_3176, %dma_wait3A_3177] : memref<4x64x128xf32, #tpu.memory_space<vmem>> -> memref<1x64x128xf32, #tpu.memory_space<vmem>>
      %dma_wait3A_3179 = tpu.memref_squeeze %dma_wait3A_3178 : memref<1x64x128xf32, #tpu.memory_space<vmem>> -> memref<64x128xf32, #tpu.memory_space<vmem>>
      %dma_wait3A_3180 = arith.constant 0 : i32
      %dma_wait3A_3181 = tpu.memref_slice %arg4[%dma_wait3A_3180, %mul3A_2780] : memref<64x1000001xf32, #tpu.memory_space<hbm>> -> memref<64x128xf32, #tpu.memory_space<hbm>>
      tpu.wait_dma2 semaphore(%arg12 : memref<!tpu.dma_semaphore, #tpu.memory_space<semaphore_mem>>) src(%dma_wait3A_3181 : memref<64x128xf32, #tpu.memory_space<hbm>>) dst(%dma_wait3A_3179 : memref<64x128xf32, #tpu.memory_space<vmem>>)
      %dma_wait3A_3182 = arith.constant 2 : i32
      %dma_wait3A_3183 = arith.constant 0 : i32
      %dma_wait3A_3184 = arith.constant 0 : i32
      %dma_wait3A_3185 = tpu.memref_slice %arg10[%dma_wait3A_3182, %dma_wait3A_3183, %dma_wait3A_3184] : memref<4x64x128xf32, #tpu.memory_space<vmem>> -> memref<1x64x128xf32, #tpu.memory_space<vmem>>
      %dma_wait3A_3186 = tpu.memref_squeeze %dma_wait3A_3185 : memref<1x64x128xf32, #tpu.memory_space<vmem>> -> memref<64x128xf32, #tpu.memory_space<vmem>>
      %dma_wait3A_3187 = arith.constant 0 : i32
      %dma_wait3A_3188 = tpu.memref_slice %arg5[%dma_wait3A_3187, %mul3A_2819] : memref<64x1000001xf32, #tpu.memory_space<hbm>> -> memref<64x128xf32, #tpu.memory_space<hbm>>
      %dma_wait3A_3189 = arith.constant 0 : i32
      %dma_wait3A_3190 = arith.constant 0 : i32
      %dma_wait3A_3191 = tpu.memref_slice %arg10[%dma_wait3A_3182, %dma_wait3A_3189, %dma_wait3A_3190] : memref<4x64x128xf32, #tpu.memory_space<vmem>> -> memref<1x64x128xf32, #tpu.memory_space<vmem>>
      %dma_wait3A_3192 = tpu.memref_squeeze %dma_wait3A_3191 : memref<1x64x128xf32, #tpu.memory_space<vmem>> -> memref<64x128xf32, #tpu.memory_space<vmem>>
      %dma_wait3A_3193 = arith.constant 0 : i32
      %dma_wait3A_3194 = tpu.memref_slice %arg5[%dma_wait3A_3193, %mul3A_2819] : memref<64x1000001xf32, #tpu.memory_space<hbm>> -> memref<64x128xf32, #tpu.memory_space<hbm>>
      tpu.wait_dma2 semaphore(%arg12 : memref<!tpu.dma_semaphore, #tpu.memory_space<semaphore_mem>>) src(%dma_wait3A_3194 : memref<64x128xf32, #tpu.memory_space<hbm>>) dst(%dma_wait3A_3192 : memref<64x128xf32, #tpu.memory_space<vmem>>)
      %dma_wait3A_3195 = arith.constant 3 : i32
      %dma_wait3A_3196 = arith.constant 0 : i32
      %dma_wait3A_3197 = arith.constant 0 : i32
      %dma_wait3A_3198 = tpu.memref_slice %arg9[%dma_wait3A_3195, %dma_wait3A_3196, %dma_wait3A_3197] : memref<4x64x128xf32, #tpu.memory_space<vmem>> -> memref<1x64x128xf32, #tpu.memory_space<vmem>>
      %dma_wait3A_3199 = tpu.memref_squeeze %dma_wait3A_3198 : memref<1x64x128xf32, #tpu.memory_space<vmem>> -> memref<64x128xf32, #tpu.memory_space<vmem>>
      %dma_wait3A_3200 = arith.constant 0 : i32
      %dma_wait3A_3201 = tpu.memref_slice %arg4[%dma_wait3A_3200, %mul3A_2896] : memref<64x1000001xf32, #tpu.memory_space<hbm>> -> memref<64x128xf32, #tpu.memory_space<hbm>>
      %dma_wait3A_3202 = arith.constant 0 : i32
      %dma_wait3A_3203 = arith.constant 0 : i32
      %dma_wait3A_3204 = tpu.memref_slice %arg9[%dma_wait3A_3195, %dma_wait3A_3202, %dma_wait3A_3203] : memref<4x64x128xf32, #tpu.memory_space<vmem>> -> memref<1x64x128xf32, #tpu.memory_space<vmem>>
      %dma_wait3A_3205 = tpu.memref_squeeze %dma_wait3A_3204 : memref<1x64x128xf32, #tpu.memory_space<vmem>> -> memref<64x128xf32, #tpu.memory_space<vmem>>
      %dma_wait3A_3206 = arith.constant 0 : i32
      %dma_wait3A_3207 = tpu.memref_slice %arg4[%dma_wait3A_3206, %mul3A_2896] : memref<64x1000001xf32, #tpu.memory_space<hbm>> -> memref<64x128xf32, #tpu.memory_space<hbm>>
      tpu.wait_dma2 semaphore(%arg12 : memref<!tpu.dma_semaphore, #tpu.memory_space<semaphore_mem>>) src(%dma_wait3A_3207 : memref<64x128xf32, #tpu.memory_space<hbm>>) dst(%dma_wait3A_3205 : memref<64x128xf32, #tpu.memory_space<vmem>>)
      %dma_wait3A_3208 = arith.constant 3 : i32
      %dma_wait3A_3209 = arith.constant 0 : i32
      %dma_wait3A_3210 = arith.constant 0 : i32
      %dma_wait3A_3211 = tpu.memref_slice %arg10[%dma_wait3A_3208, %dma_wait3A_3209, %dma_wait3A_3210] : memref<4x64x128xf32, #tpu.memory_space<vmem>> -> memref<1x64x128xf32, #tpu.memory_space<vmem>>
      %dma_wait3A_3212 = tpu.memref_squeeze %dma_wait3A_3211 : memref<1x64x128xf32, #tpu.memory_space<vmem>> -> memref<64x128xf32, #tpu.memory_space<vmem>>
      %dma_wait3A_3213 = arith.constant 0 : i32
      %dma_wait3A_3214 = tpu.memref_slice %arg5[%dma_wait3A_3213, %mul3A_2935] : memref<64x1000001xf32, #tpu.memory_space<hbm>> -> memref<64x128xf32, #tpu.memory_space<hbm>>
      %dma_wait3A_3215 = arith.constant 0 : i32
      %dma_wait3A_3216 = arith.constant 0 : i32
      %dma_wait3A_3217 = tpu.memref_slice %arg10[%dma_wait3A_3208, %dma_wait3A_3215, %dma_wait3A_3216] : memref<4x64x128xf32, #tpu.memory_space<vmem>> -> memref<1x64x128xf32, #tpu.memory_space<vmem>>
      %dma_wait3A_3218 = tpu.memref_squeeze %dma_wait3A_3217 : memref<1x64x128xf32, #tpu.memory_space<vmem>> -> memref<64x128xf32, #tpu.memory_space<vmem>>
      %dma_wait3A_3219 = arith.constant 0 : i32
      %dma_wait3A_3220 = tpu.memref_slice %arg5[%dma_wait3A_3219, %mul3A_2935] : memref<64x1000001xf32, #tpu.memory_space<hbm>> -> memref<64x128xf32, #tpu.memory_space<hbm>>
      tpu.wait_dma2 semaphore(%arg12 : memref<!tpu.dma_semaphore, #tpu.memory_space<semaphore_mem>>) src(%dma_wait3A_3220 : memref<64x128xf32, #tpu.memory_space<hbm>>) dst(%dma_wait3A_3218 : memref<64x128xf32, #tpu.memory_space<vmem>>)
      %broadcast_in_dim3A_3221 = arith.constant 0.000000e+00 : f32
      %broadcast_in_dim3A_3222 = vector.broadcast %broadcast_in_dim3A_3221 : f32 to vector<16xf32>
      %gather3A_3223 = arith.constant 2 : i32
      %gather3A_3224 = arith.constant 0 : i32
      %gather3A_3225 = arith.constant 0 : i32
      %gather3A_3226 = tpu.memref_slice %arg9[%gather3A_3223, %gather3A_3224, %gather3A_3225] : memref<4x64x128xf32, #tpu.memory_space<vmem>> -> memref<1x64x128xf32, #tpu.memory_space<vmem>>
      %gather3A_3227 = tpu.memref_squeeze %gather3A_3226 : memref<1x64x128xf32, #tpu.memory_space<vmem>> -> memref<64x128xf32, #tpu.memory_space<vmem>>
      %gather3A_3228 = tpu.vector_load_idx %gather3A_3227[%add3A_5, %broadcast_in_dim3A_2849] : memref<64x128xf32, #tpu.memory_space<vmem>>[vector<16xi32>, vector<16xi32>], vector<16xf32>,
      %gather3A_3229 = arith.constant 2 : i32
      %gather3A_3230 = arith.constant 0 : i32
      %gather3A_3231 = arith.constant 0 : i32
      %gather3A_3232 = tpu.memref_slice %arg10[%gather3A_3229, %gather3A_3230, %gather3A_3231] : memref<4x64x128xf32, #tpu.memory_space<vmem>> -> memref<1x64x128xf32, #tpu.memory_space<vmem>>
      %gather3A_3233 = tpu.memref_squeeze %gather3A_3232 : memref<1x64x128xf32, #tpu.memory_space<vmem>> -> memref<64x128xf32, #tpu.memory_space<vmem>>
      %gather3A_3234 = tpu.vector_load_idx %gather3A_3233[%add3A_5, %broadcast_in_dim3A_2866] : memref<64x128xf32, #tpu.memory_space<vmem>>[vector<16xi32>, vector<16xi32>], vector<16xf32>,
      %mul3A_3235 = arith.mulf %gather3A_3228, %gather3A_3234 : vector<16xf32>
      %add3A_3236 = arith.addf %broadcast_in_dim3A_3222, %mul3A_3235 : vector<16xf32>
      %gather3A_3237 = arith.constant 2 : i32
      %gather3A_3238 = arith.constant 0 : i32
      %gather3A_3239 = arith.constant 0 : i32
      %gather3A_3240 = tpu.memref_slice %arg9[%gather3A_3237, %gather3A_3238, %gather3A_3239] : memref<4x64x128xf32, #tpu.memory_space<vmem>> -> memref<1x64x128xf32, #tpu.memory_space<vmem>>
      %gather3A_3241 = tpu.memref_squeeze %gather3A_3240 : memref<1x64x128xf32, #tpu.memory_space<vmem>> -> memref<64x128xf32, #tpu.memory_space<vmem>>
      %gather3A_3242 = tpu.vector_load_idx %gather3A_3241[%add3A_8, %broadcast_in_dim3A_2849] : memref<64x128xf32, #tpu.memory_space<vmem>>[vector<16xi32>, vector<16xi32>], vector<16xf32>,
      %gather3A_3243 = arith.constant 2 : i32
      %gather3A_3244 = arith.constant 0 : i32
      %gather3A_3245 = arith.constant 0 : i32
      %gather3A_3246 = tpu.memref_slice %arg10[%gather3A_3243, %gather3A_3244, %gather3A_3245] : memref<4x64x128xf32, #tpu.memory_space<vmem>> -> memref<1x64x128xf32, #tpu.memory_space<vmem>>
      %gather3A_3247 = tpu.memref_squeeze %gather3A_3246 : memref<1x64x128xf32, #tpu.memory_space<vmem>> -> memref<64x128xf32, #tpu.memory_space<vmem>>
      %gather3A_3248 = tpu.vector_load_idx %gather3A_3247[%add3A_8, %broadcast_in_dim3A_2866] : memref<64x128xf32, #tpu.memory_space<vmem>>[vector<16xi32>, vector<16xi32>], vector<16xf32>,
      %mul3A_3249 = arith.mulf %gather3A_3242, %gather3A_3248 : vector<16xf32>
      %add3A_3250 = arith.addf %add3A_3236, %mul3A_3249 : vector<16xf32>
      %gather3A_3251 = arith.constant 2 : i32
      %gather3A_3252 = arith.constant 0 : i32
      %gather3A_3253 = arith.constant 0 : i32
      %gather3A_3254 = tpu.memref_slice %arg9[%gather3A_3251, %gather3A_3252, %gather3A_3253] : memref<4x64x128xf32, #tpu.memory_space<vmem>> -> memref<1x64x128xf32, #tpu.memory_space<vmem>>
      %gather3A_3255 = tpu.memref_squeeze %gather3A_3254 : memref<1x64x128xf32, #tpu.memory_space<vmem>> -> memref<64x128xf32, #tpu.memory_space<vmem>>
      %gather3A_3256 = tpu.vector_load_idx %gather3A_3255[%add3A_11, %broadcast_in_dim3A_2849] : memref<64x128xf32, #tpu.memory_space<vmem>>[vector<16xi32>, vector<16xi32>], vector<16xf32>,
      %gather3A_3257 = arith.constant 2 : i32
      %gather3A_3258 = arith.constant 0 : i32
      %gather3A_3259 = arith.constant 0 : i32
      %gather3A_3260 = tpu.memref_slice %arg10[%gather3A_3257, %gather3A_3258, %gather3A_3259] : memref<4x64x128xf32, #tpu.memory_space<vmem>> -> memref<1x64x128xf32, #tpu.memory_space<vmem>>
      %gather3A_3261 = tpu.memref_squeeze %gather3A_3260 : memref<1x64x128xf32, #tpu.memory_space<vmem>> -> memref<64x128xf32, #tpu.memory_space<vmem>>
      %gather3A_3262 = tpu.vector_load_idx %gather3A_3261[%add3A_11, %broadcast_in_dim3A_2866] : memref<64x128xf32, #tpu.memory_space<vmem>>[vector<16xi32>, vector<16xi32>], vector<16xf32>,
      %mul3A_3263 = arith.mulf %gather3A_3256, %gather3A_3262 : vector<16xf32>
      %add3A_3264 = arith.addf %add3A_3250, %mul3A_3263 : vector<16xf32>
      %gather3A_3265 = arith.constant 2 : i32
      %gather3A_3266 = arith.constant 0 : i32
      %gather3A_3267 = arith.constant 0 : i32
      %gather3A_3268 = tpu.memref_slice %arg9[%gather3A_3265, %gather3A_3266, %gather3A_3267] : memref<4x64x128xf32, #tpu.memory_space<vmem>> -> memref<1x64x128xf32, #tpu.memory_space<vmem>>
      %gather3A_3269 = tpu.memref_squeeze %gather3A_3268 : memref<1x64x128xf32, #tpu.memory_space<vmem>> -> memref<64x128xf32, #tpu.memory_space<vmem>>
      %gather3A_3270 = tpu.vector_load_idx %gather3A_3269[%add3A_14, %broadcast_in_dim3A_2849] : memref<64x128xf32, #tpu.memory_space<vmem>>[vector<16xi32>, vector<16xi32>], vector<16xf32>,
      %gather3A_3271 = arith.constant 2 : i32
      %gather3A_3272 = arith.constant 0 : i32
      %gather3A_3273 = arith.constant 0 : i32
      %gather3A_3274 = tpu.memref_slice %arg10[%gather3A_3271, %gather3A_3272, %gather3A_3273] : memref<4x64x128xf32, #tpu.memory_space<vmem>> -> memref<1x64x128xf32, #tpu.memory_space<vmem>>
      %gather3A_3275 = tpu.memref_squeeze %gather3A_3274 : memref<1x64x128xf32, #tpu.memory_space<vmem>> -> memref<64x128xf32, #tpu.memory_space<vmem>>
      %gather3A_3276 = tpu.vector_load_idx %gather3A_3275[%add3A_14, %broadcast_in_dim3A_2866] : memref<64x128xf32, #tpu.memory_space<vmem>>[vector<16xi32>, vector<16xi32>], vector<16xf32>,
      %mul3A_3277 = arith.mulf %gather3A_3270, %gather3A_3276 : vector<16xf32>
      %add3A_3278 = arith.addf %add3A_3264, %mul3A_3277 : vector<16xf32>
      %eq3A_3279 = arith.constant 14 : i32
      %eq3A_3280 = vector.broadcast %eq3A_3279 : i32 to vector<16xi32>
      %eq3A_3281 = arith.cmpi eq, %iota3A, %eq3A_3280 : vector<16xi32>
      %reduce_sum3A_3282 = arith.constant true
      %reduce_sum3A_3283 = vector.broadcast %reduce_sum3A_3282 : i1 to vector<16xi1>
      %reduce_sum3A_3284 = tpu.scan <sum>, %add3A_3278 masked %reduce_sum3A_3283 : vector<16xf32>, vector<16xi1> -> vector<16xf32>
      %reduce_sum3A_3285 = vector.extract %reduce_sum3A_3284[15] : f32 from vector<16xf32>
      %broadcast_in_dim3A_3286 = vector.broadcast %reduce_sum3A_3285 : f32 to vector<16xf32>
      %select_n3A_3287 = arith.select %eq3A_3281, %broadcast_in_dim3A_3286, %select_n3A_3168 : vector<16xi1>, vector<16xf32>
      %broadcast_in_dim3A_3288 = arith.constant 0.000000e+00 : f32
      %broadcast_in_dim3A_3289 = vector.broadcast %broadcast_in_dim3A_3288 : f32 to vector<16xf32>
      %gather3A_3290 = arith.constant 3 : i32
      %gather3A_3291 = arith.constant 0 : i32
      %gather3A_3292 = arith.constant 0 : i32
      %gather3A_3293 = tpu.memref_slice %arg9[%gather3A_3290, %gather3A_3291, %gather3A_3292] : memref<4x64x128xf32, #tpu.memory_space<vmem>> -> memref<1x64x128xf32, #tpu.memory_space<vmem>>
      %gather3A_3294 = tpu.memref_squeeze %gather3A_3293 : memref<1x64x128xf32, #tpu.memory_space<vmem>> -> memref<64x128xf32, #tpu.memory_space<vmem>>
      %gather3A_3295 = tpu.vector_load_idx %gather3A_3294[%add3A_5, %broadcast_in_dim3A_2965] : memref<64x128xf32, #tpu.memory_space<vmem>>[vector<16xi32>, vector<16xi32>], vector<16xf32>,
      %gather3A_3296 = arith.constant 3 : i32
      %gather3A_3297 = arith.constant 0 : i32
      %gather3A_3298 = arith.constant 0 : i32
      %gather3A_3299 = tpu.memref_slice %arg10[%gather3A_3296, %gather3A_3297, %gather3A_3298] : memref<4x64x128xf32, #tpu.memory_space<vmem>> -> memref<1x64x128xf32, #tpu.memory_space<vmem>>
      %gather3A_3300 = tpu.memref_squeeze %gather3A_3299 : memref<1x64x128xf32, #tpu.memory_space<vmem>> -> memref<64x128xf32, #tpu.memory_space<vmem>>
      %gather3A_3301 = tpu.vector_load_idx %gather3A_3300[%add3A_5, %broadcast_in_dim3A_2982] : memref<64x128xf32, #tpu.memory_space<vmem>>[vector<16xi32>, vector<16xi32>], vector<16xf32>,
      %mul3A_3302 = arith.mulf %gather3A_3295, %gather3A_3301 : vector<16xf32>
      %add3A_3303 = arith.addf %broadcast_in_dim3A_3289, %mul3A_3302 : vector<16xf32>
      %gather3A_3304 = arith.constant 3 : i32
      %gather3A_3305 = arith.constant 0 : i32
      %gather3A_3306 = arith.constant 0 : i32
      %gather3A_3307 = tpu.memref_slice %arg9[%gather3A_3304, %gather3A_3305, %gather3A_3306] : memref<4x64x128xf32, #tpu.memory_space<vmem>> -> memref<1x64x128xf32, #tpu.memory_space<vmem>>
      %gather3A_3308 = tpu.memref_squeeze %gather3A_3307 : memref<1x64x128xf32, #tpu.memory_space<vmem>> -> memref<64x128xf32, #tpu.memory_space<vmem>>
      %gather3A_3309 = tpu.vector_load_idx %gather3A_3308[%add3A_8, %broadcast_in_dim3A_2965] : memref<64x128xf32, #tpu.memory_space<vmem>>[vector<16xi32>, vector<16xi32>], vector<16xf32>,
      %gather3A_3310 = arith.constant 3 : i32
      %gather3A_3311 = arith.constant 0 : i32
      %gather3A_3312 = arith.constant 0 : i32
      %gather3A_3313 = tpu.memref_slice %arg10[%gather3A_3310, %gather3A_3311, %gather3A_3312] : memref<4x64x128xf32, #tpu.memory_space<vmem>> -> memref<1x64x128xf32, #tpu.memory_space<vmem>>
      %gather3A_3314 = tpu.memref_squeeze %gather3A_3313 : memref<1x64x128xf32, #tpu.memory_space<vmem>> -> memref<64x128xf32, #tpu.memory_space<vmem>>
      %gather3A_3315 = tpu.vector_load_idx %gather3A_3314[%add3A_8, %broadcast_in_dim3A_2982] : memref<64x128xf32, #tpu.memory_space<vmem>>[vector<16xi32>, vector<16xi32>], vector<16xf32>,
      %mul3A_3316 = arith.mulf %gather3A_3309, %gather3A_3315 : vector<16xf32>
      %add3A_3317 = arith.addf %add3A_3303, %mul3A_3316 : vector<16xf32>
      %gather3A_3318 = arith.constant 3 : i32
      %gather3A_3319 = arith.constant 0 : i32
      %gather3A_3320 = arith.constant 0 : i32
      %gather3A_3321 = tpu.memref_slice %arg9[%gather3A_3318, %gather3A_3319, %gather3A_3320] : memref<4x64x128xf32, #tpu.memory_space<vmem>> -> memref<1x64x128xf32, #tpu.memory_space<vmem>>
      %gather3A_3322 = tpu.memref_squeeze %gather3A_3321 : memref<1x64x128xf32, #tpu.memory_space<vmem>> -> memref<64x128xf32, #tpu.memory_space<vmem>>
      %gather3A_3323 = tpu.vector_load_idx %gather3A_3322[%add3A_11, %broadcast_in_dim3A_2965] : memref<64x128xf32, #tpu.memory_space<vmem>>[vector<16xi32>, vector<16xi32>], vector<16xf32>,
      %gather3A_3324 = arith.constant 3 : i32
      %gather3A_3325 = arith.constant 0 : i32
      %gather3A_3326 = arith.constant 0 : i32
      %gather3A_3327 = tpu.memref_slice %arg10[%gather3A_3324, %gather3A_3325, %gather3A_3326] : memref<4x64x128xf32, #tpu.memory_space<vmem>> -> memref<1x64x128xf32, #tpu.memory_space<vmem>>
      %gather3A_3328 = tpu.memref_squeeze %gather3A_3327 : memref<1x64x128xf32, #tpu.memory_space<vmem>> -> memref<64x128xf32, #tpu.memory_space<vmem>>
      %gather3A_3329 = tpu.vector_load_idx %gather3A_3328[%add3A_11, %broadcast_in_dim3A_2982] : memref<64x128xf32, #tpu.memory_space<vmem>>[vector<16xi32>, vector<16xi32>], vector<16xf32>,
      %mul3A_3330 = arith.mulf %gather3A_3323, %gather3A_3329 : vector<16xf32>
      %add3A_3331 = arith.addf %add3A_3317, %mul3A_3330 : vector<16xf32>
      %gather3A_3332 = arith.constant 3 : i32
      %gather3A_3333 = arith.constant 0 : i32
      %gather3A_3334 = arith.constant 0 : i32
      %gather3A_3335 = tpu.memref_slice %arg9[%gather3A_3332, %gather3A_3333, %gather3A_3334] : memref<4x64x128xf32, #tpu.memory_space<vmem>> -> memref<1x64x128xf32, #tpu.memory_space<vmem>>
      %gather3A_3336 = tpu.memref_squeeze %gather3A_3335 : memref<1x64x128xf32, #tpu.memory_space<vmem>> -> memref<64x128xf32, #tpu.memory_space<vmem>>
      %gather3A_3337 = tpu.vector_load_idx %gather3A_3336[%add3A_14, %broadcast_in_dim3A_2965] : memref<64x128xf32, #tpu.memory_space<vmem>>[vector<16xi32>, vector<16xi32>], vector<16xf32>,
      %gather3A_3338 = arith.constant 3 : i32
      %gather3A_3339 = arith.constant 0 : i32
      %gather3A_3340 = arith.constant 0 : i32
      %gather3A_3341 = tpu.memref_slice %arg10[%gather3A_3338, %gather3A_3339, %gather3A_3340] : memref<4x64x128xf32, #tpu.memory_space<vmem>> -> memref<1x64x128xf32, #tpu.memory_space<vmem>>
      %gather3A_3342 = tpu.memref_squeeze %gather3A_3341 : memref<1x64x128xf32, #tpu.memory_space<vmem>> -> memref<64x128xf32, #tpu.memory_space<vmem>>
      %gather3A_3343 = tpu.vector_load_idx %gather3A_3342[%add3A_14, %broadcast_in_dim3A_2982] : memref<64x128xf32, #tpu.memory_space<vmem>>[vector<16xi32>, vector<16xi32>], vector<16xf32>,
      %mul3A_3344 = arith.mulf %gather3A_3337, %gather3A_3343 : vector<16xf32>
      %add3A_3345 = arith.addf %add3A_3331, %mul3A_3344 : vector<16xf32>
      %eq3A_3346 = arith.constant 15 : i32
      %eq3A_3347 = vector.broadcast %eq3A_3346 : i32 to vector<16xi32>
      %eq3A_3348 = arith.cmpi eq, %iota3A, %eq3A_3347 : vector<16xi32>
      %reduce_sum3A_3349 = arith.constant true
      %reduce_sum3A_3350 = vector.broadcast %reduce_sum3A_3349 : i1 to vector<16xi1>
      %reduce_sum3A_3351 = tpu.scan <sum>, %add3A_3345 masked %reduce_sum3A_3350 : vector<16xf32>, vector<16xi1> -> vector<16xf32>
      %reduce_sum3A_3352 = vector.extract %reduce_sum3A_3351[15] : f32 from vector<16xf32>
      %broadcast_in_dim3A_3353 = vector.broadcast %reduce_sum3A_3352 : f32 to vector<16xf32>
      %select_n3A_3354 = arith.select %eq3A_3348, %broadcast_in_dim3A_3353, %select_n3A_3287 : vector<16xi1>, vector<16xf32>
      %neg3A = arith.constant 0.000000e+00 : f32
      %neg3A_3355 = vector.broadcast %neg3A : f32 to vector<16xf32>
      %neg3A_3356 = arith.subf %neg3A_3355, %select_n3A_3354 : vector<16xf32>
      %exp3A = math.exp %neg3A_3356 : vector<16xf32>
      %add3A_3357 = arith.constant 1.000000e+00 : f32
      %add3A_3358 = vector.broadcast %add3A_3357 : f32 to vector<16xf32>
      %add3A_3359 = arith.addf %add3A_3358, %exp3A : vector<16xf32>
      %div3A_3360 = arith.constant 1.000000e+00 : f32
      %div3A_3361 = vector.broadcast %div3A_3360 : f32 to vector<16xf32>
      %div3A_3362 = arith.divf %div3A_3361, %add3A_3359 : vector<16xf32>
      %swap3A = arith.index_cast %mul3A_22 : i32 to index
      %swap3A_3363 = tpu.vector_load %arg11[%swap3A] {strides = array<i32>} : memref<512xf32, #tpu.memory_space<vmem>>, vector<16xf32>,
      tpu.vector_store %arg11[%swap3A], %div3A_3362 {strides = array<i32>} : memref<512xf32, #tpu.memory_space<vmem>>, vector<16xf32>,
    }
    %scan3A_19 = arith.constant 32 : i32
    "tpu.region"() ({
      %run_scoped3A = tpu.sem_alloc : memref<!tpu.dma_semaphore, #tpu.memory_space<semaphore_mem>>
      %dma_start3A = tpu.memref_slice %arg6[%mul3A_2] : memref<16384xf32, #tpu.memory_space<hbm>> -> memref<512xf32, #tpu.memory_space<hbm>>
      %dma_start3A_20 = tpu.memref_slice %arg6[%mul3A_2] : memref<16384xf32, #tpu.memory_space<hbm>> -> memref<512xf32, #tpu.memory_space<hbm>>
      tpu.enqueue_dma source(%arg11 : memref<512xf32, #tpu.memory_space<vmem>>) target(%dma_start3A_20 : memref<512xf32, #tpu.memory_space<hbm>>) target_semaphore(%run_scoped3A : memref<!tpu.dma_semaphore, #tpu.memory_space<semaphore_mem>>)
      %dma_wait3A = tpu.memref_slice %arg6[%mul3A_2] : memref<16384xf32, #tpu.memory_space<hbm>> -> memref<512xf32, #tpu.memory_space<hbm>>
      %dma_wait3A_21 = tpu.memref_slice %arg6[%mul3A_2] : memref<16384xf32, #tpu.memory_space<hbm>> -> memref<512xf32, #tpu.memory_space<hbm>>
      tpu.wait_dma2 semaphore(%run_scoped3A : memref<!tpu.dma_semaphore, #tpu.memory_space<semaphore_mem>>) src(%arg11 : memref<512xf32, #tpu.memory_space<vmem>>) dst(%dma_wait3A_21 : memref<512xf32, #tpu.memory_space<hbm>>)
      tpu.yield
    }) : () -> ()
    return
  }
}

</mosaic_0001>

<sc_bundles>
// kernel: kernel.3.cloned.1.call-start
scs
__scs_entry_jumppad:
0x0: {  	(pc) =	sbr.rel $0x88, $3  }
0x1: {  	(tag) =	ssettag $0x0;
	lr =	simm.s32 $0x1  }
0x2: {  	[smem:$0x3F9D] =	sst lr;
	_ =	strace $0xD0000000  }
0x3: {  	_ = 	snop  }
0x4: {  	_ = 	snop  }
0x5: {  	_ = 	snop  }
0x6: {  	_ = 	snop  }
0x7: {  	_ = 	snop  }
__scs_overlays_trampoline_lowered:
0x8: {  	[smem:$0x3FAC] =	sst s0  }
0x9: {  	[smem:$0x3FAD] =	sst s1  }
0xa: {  	[smem:$0x3FAE] =	sst s2  }
0xb: {  	[smem:$0x3FAF] =	sst s3  }
0xc: {  	[smem:$0x3FB0] =	sst s4  }
0xd: {  	[smem:$0x3FB1] =	sst s5  }
0xe: {  	[smem:$0x3FB2] =	sst s6  }
0xf: {  	[smem:$0x3FB3] =	sst s7  }
0x10: {  	[smem:$0x3FB4] =	sst s8  }
0x11: {  	[smem:$0x3FB5] =	sst s9;
	s0 =	simm.s32 @!p0 $0x0  }
0x12: {  	s1 =	sld [smem:$0x3F9B];
	s0 =	simm.s32 @p0 $0x1  }
0x13: {  	[smem:$0x3FB6] =	sst s0;
	s0 =	simm.s32 @!p1 $0x0  }
0x14: {  	s2 =	sld [smem:$0x3F9A];
	s0 =	simm.s32 @p1 $0x1  }
0x15: {  	[smem:$0x3FB7] =	sst s0;
	s0 =	simm.s32 @!p2 $0x0  }
0x16: {  	s3 =	sld [smem:$0x3FDB];
	s0 =	simm.s32 @p2 $0x1  }
0x17: {  	s4 =	simm.s32 $0x1BF5;
	[smem:$0x3FB9] =	sst s0  }
0x18: {  	s0 =	sld [smem:$0x3F9C];
	_ =	swait.ge [sflag:s4], $0x0  }
0x19: {  	s7 =	sld [smem:$0x3F9D]  }
0x1a: {  	s8 =	sadd.s32 $0xFFFFE003, lr  }
0x1b: {  	s9 =	sadd.s32 $0xFFFFFEF7, lr;
	s5 =	simm.s32 $0xFFFFFFFF;
	p2 =	slt.u32 s8, $0xFFFFF086  }
0x1c: {  	p1 =	slt.u32 s9, $0xF7A;
	s5 =	simm.s32 @!p2 $0x0  }
0x1d: {  	s5 =	simm.s32 @p1 $0x1;
	p0 =	seq.s32 s7, s2  }
0x1e: {  	s7 =	smul.u32 @!p0 $0xF7A, s2;
	p2 =	seq.s32 @!p0 s5, $0x0  }
0x1f: {  	s9 =	smul.u32 $0xF7A, s1;
	s8 =	simm.s32 @!p0 $0x1BF5;
	p2 =	por !p2, p0  }
0x20: {  	[sflag:s8] =	ssyncset.s32 @!p0 $0xFFFFF086;
	s6 =	sadd.s32 @!p0 s3, s7;
	s7 =	simm.s32 @!p0 $0x108  }
0x21: {  	s3 =	sadd.s32 s3, s9;
	s6 =	sadd.s32 @!p0 $0x88, s6;
	s7 =	simm.s32 @p2 $0x1082  }
0x22: {  	[simem:s7], [sflag:s8] =	dma.local @!p0 [hbm:s6], $0xF7A  }
0x23: {  	s9 =	sor.u32 $0xD0000000, s2;
	s6 =	simm.s32 $0x108;
	_ =	swait.ge @!p0 [sflag:s8], $0x0  }
0x24: {  	s3 =	sadd.s32 $0x88, s3;
	s6 =	simm.s32 @!p1 $0x1082;
	[sflag:s4] =	ssyncset.s32 $0xFFFFF086  }
0x25: {  	[simem:s6], [sflag:s4] =	dma.local [hbm:s3], $0xF7A  }
0x26: {  	[smem:$0x3F9D] =	sst s1;
	(tag) =	ssettag s2;
	_ =	strace s9  }
0x27: {  	s1 =	sld [smem:$0x3FAD]  }
0x28: {  	s2 =	sld [smem:$0x3FAE]  }
0x29: {  	s4 =	sld [smem:$0x3FB0]  }
0x2a: {  	p0 =	seq.s32 s5, $0x0;
	s5 =	sld [smem:$0x3FB1]  }
0x2b: {  	s6 =	sld [smem:$0x3FB2]  }
0x2c: {  	s7 =	sld [smem:$0x3FB3]  }
0x2d: {  	s3 =	simm.s32 $0x108;
	s8 =	sld [smem:$0x3FB4]  }
0x2e: {  	s3 =	simm.s32 @!p0 $0x1082;
	s9 =	sld [smem:$0x3FB5]  }
0x2f: {  	lr =	sadd.s32 s0, s3;
	s0 =	sld [smem:$0x3FAC]  }
0x30: {  	s3 =	sld [smem:$0x3FAF]  }
0x31: {  	[smem:$0x3FB8] =	sst s10  }
0x32: {  	s10 =	sld [smem:$0x3FB6];
	_ =	sdelay $0x3  }
0x33: {  	p0 =	seq.s32 s10, $0x1;
	s10 =	sld [smem:$0x3FB8];
	_ =	sdelay $0x3  }
0x34: {  	[smem:$0x3FB8] =	sst s10  }
0x35: {  	s10 =	sld [smem:$0x3FB7];
	_ =	sdelay $0x3  }
0x36: {  	p1 =	seq.s32 s10, $0x1;
	s10 =	sld [smem:$0x3FB8];
	_ =	sdelay $0x3  }
0x37: {  	[smem:$0x3FB8] =	sst s10  }
0x38: {  	s10 =	sld [smem:$0x3FB9]  }
0x39: {  	_ = 	snop;
	(pc) =	sbr.ind lr, $3  }
0x3a: {  	_ = 	snop  }
0x3b: {  	_ = 	snop  }
0x3c: {  	p2 =	seq.s32 s10, $0x1;
	s10 =	sld [smem:$0x3FB8]  }
0x3d: {  	_ =	shalt  }
0x3e: {  	_ =	shalt  }
0x3f: {  	_ =	shalt  }
0x40: {  	_ =	shalt  }
0x41: {  	_ =	shalt  }
0x42: {  	_ =	shalt  }
0x43: {  	_ =	shalt  }
0x44: {  	_ =	shalt  }
0x45: {  	_ =	shalt  }
0x46: {  	_ =	shalt  }
0x47: {  	_ =	shalt  }
0x48: {  	_ =	shalt  }
0x49: {  	_ =	shalt  }
0x4a: {  	_ =	shalt  }
0x4b: {  	_ =	shalt  }
0x4c: {  	_ =	shalt  }
0x4d: {  	_ =	shalt  }
0x4e: {  	_ =	shalt  }
0x4f: {  	_ =	shalt  }
0x50: {  	_ =	shalt  }
0x51: {  	_ =	shalt  }
0x52: {  	_ =	shalt  }
0x53: {  	_ =	shalt  }
0x54: {  	_ =	shalt  }
0x55: {  	_ =	shalt  }
0x56: {  	_ =	shalt  }
0x57: {  	_ =	shalt  }
0x58: {  	_ =	shalt  }
0x59: {  	_ =	shalt  }
0x5a: {  	_ =	shalt  }
0x5b: {  	_ =	shalt  }
0x5c: {  	_ =	shalt  }
0x5d: {  	_ =	shalt  }
0x5e: {  	_ =	shalt  }
0x5f: {  	_ =	shalt  }
0x60: {  	_ =	shalt  }
0x61: {  	_ =	shalt  }
0x62: {  	_ =	shalt  }
0x63: {  	_ =	shalt  }
0x64: {  	_ =	shalt  }
0x65: {  	_ =	shalt  }
0x66: {  	_ =	shalt  }
0x67: {  	_ =	shalt  }
0x68: {  	_ =	shalt  }
0x69: {  	_ =	shalt  }
0x6a: {  	_ =	shalt  }
0x6b: {  	_ =	shalt  }
0x6c: {  	_ =	shalt  }
0x6d: {  	_ =	shalt  }
0x6e: {  	_ =	shalt  }
0x6f: {  	_ =	shalt  }
0x70: {  	_ =	shalt  }
0x71: {  	_ =	shalt  }
0x72: {  	_ =	shalt  }
0x73: {  	_ =	shalt  }
0x74: {  	_ =	shalt  }
0x75: {  	_ =	shalt  }
0x76: {  	_ =	shalt  }
0x77: {  	_ =	shalt  }
0x78: {  	_ =	shalt  }
0x79: {  	_ =	shalt  }
0x7a: {  	_ =	shalt  }
0x7b: {  	_ =	shalt  }
0x7c: {  	_ =	shalt  }
0x7d: {  	_ =	shalt  }
0x7e: {  	_ =	shalt  }
0x7f: {  	_ =	shalt  }
0x80: {  	_ =	shalt  }
0x81: {  	_ =	shalt  }
0x82: {  	_ =	shalt  }
0x83: {  	_ =	shalt  }
0x84: {  	_ =	shalt  }
0x85: {  	_ =	shalt  }
0x86: {  	_ =	shalt  }
0x87: {  	_ =	shalt  }
.Lfunc_end0:
.L_simem_size_0:
called_computation_lowered:
.L_overlay_start_0:
0x88: {  	s2 =	sld [smem:$0x3FD9]  }
0x89: {  	s3 =	sld [smem:$0x3FFE];
	_ =	sdelay $0x1  }
0x8a: {  	s1 =	srdreg.scid  }
0x8b: {  	s0 =	sand.u32 $0x1, s1  }
0x8c: {  	s18 =	sshll.u32 s0, $0xA;
	s2 =	sadd.s32 s3, s2  }
0x8d: {  	s2 =	sadd.s32 s2, s18  }
0x8e: {  	[smem:$0x3FC4] =	sst s2  }
0x8f: {  	_ = 	snop  }
0x90: {  	s2 =	sld [smem:$0x3FC9]  }
0x91: {  	s19 =	sld [smem:$0x3FC8]  }
0x92: {  	s4 =	sld [smem:$0x3FC7]  }
0x93: {  	s5 =	sld [smem:$0x3FC6]  }
0x94: {  	s6 =	sld [smem:$0x3FD0];
	(tm) =	ssettm $0x1  }
0x95: {  	s7 =	sld [smem:$0x3FFB];
	_ =	sdelay $0x3  }
0x96: {  	_ =	strace s7  }
0x97: {  	s7 =	sld [smem:$0x3FFC];
	_ =	sdelay $0x3  }
0x98: {  	_ =	strace s7  }
0x99: {  	s7 =	sld [smem:$0x3FFD];
	_ =	sdelay $0x3  }
0x9a: {  	_ =	strace s7  }
0x9b: {  	_ =	strace $0x8FFFFFFF  }
0x9c: {  	s20 =	sld [smem:$0x3FDB];
	_ =	sdelay $0x1  }
0x9d: {  	s8 =	simm.s32 $_scs_section_size  }
0x9e: {  	s9 =	simm.s32 $_size__tile_overlayer_lowered;
	s10 =	simm.s32 $_tile_overlayer_lowered  }
0x9f: {  	s23 =	simm.s32 $0x1BFF;
	s22 =	sshll.u32 s10, $0x1;
	s7 =	sadd.s32 s8, s20  }
0xa0: {  	s11 =	simm.s32 $0x0;
	s21 =	sshll.u32 s9, $0x1;
	s9 =	sadd.s32 s22, s7  }
0xa1: {  	[timem:s11], [sflag:s23] =	dma.local [hbm:s9], s21  }
0xa2: {  	_ =	swait.ge [sflag:s23], s21  }
0xa3: {  	s8 =	ssub.s32 $0x0, s21;
	[sflag:s23] =	ssyncset.done $0x0  }
0xa4: {  	[sflag:s23] =	ssyncadd.s32 s8;
	_ =	sdelay $0x1  }
0xa5: {  	s24 =	simm.s32 $0x1B8B  }
0xa6: {  	_ =	swait.ge [sflag:s24], $0x1  }
0xa7: {  	[sflag:s24] =	ssyncset.done $0x0  }
0xa8: {  	s25 =	simm.s32 $0x1B8E;
	[sflag:s24] =	ssyncadd.s32 $0xFFFFFFFF  }
0xa9: {  	s26 =	simm.s32 $execute0_lowered;
	[smem:$0x3FD2] =	sst s25  }
0xaa: {  	s8 =	sshll.u32 s26, $0x1;
	_ =	strace $0x80000046;
	[dreg:$0x1] =	wrdreg $0xFFFFFFFF  }
0xab: {  	s28 =	simm.s32 $_size_execute0_lowered;
	s7 =	sadd.s32 s7, s8;
	[dreg:$0x0] =	wrdreg $0x0  }
0xac: {  	s8 =	sshll.u32 s28, $0x1;
	[dreg:$0x2] =	wrdreg s7  }
0xad: {  	[dreg:$0x3] =	wrdreg s8  }
0xae: {  	[dreg:$0x4] =	wrdreg $0xC0  }
0xaf: {  	_ =	task [dreg:s11], $0x5FFFF  }
0xb0: {  	[dreg:$0x1] =	wrdreg $0xFFFFFFFF  }
0xb1: {  	[dreg:$0x0] =	wrdreg $0x60  }
0xb2: {  	[dreg:$0x2] =	wrdreg s2  }
0xb3: {  	[dreg:$0x3] =	wrdreg s19  }
0xb4: {  	[dreg:$0x4] =	wrdreg s4  }
0xb5: {  	[dreg:$0x5] =	wrdreg s5  }
0xb6: {  	[dreg:$0x6] =	wrdreg s6  }
0xb7: {  	[dreg:$0x7] =	wrdreg $0x9  }
0xb8: {  	_ =	task.clear_ibuf [dreg:s11], $0x8FFFF;
	_ =	strace $0x90000046  }
0xb9: {  	s29 =	simm.s32 $0x9;
	_ =	strace $0x80000048  }
0xba: {  	_ =	swait.ge [sflag:s29], $0x1  }
0xbb: {  	[sflag:s29] =	ssyncadd.s32 $0xFFFFFFFF  }
0xbc: {  	_ =	strace $0x90000048  }
0xbd: {  	_ =	sfence  }
0xbe: {  	s30 =	sld [smem:$0x0];
	_ =	sdelay $0x2  }
0xbf: {  	s31 =	sshll.u32 s1, $0xD;
	s1 =	sshrl.u32 s1, $0x2  }
0xc0: {  	s3 =	sand.u32 $0x4000, s31;
	s1 =	sadd.s32 s1, s30  }
0xc1: {  	s0 =	sor.u32 s3, s0;
	s1 =	sshll.u32 s1, $0x11  }
0xc2: {  	s0 =	sor.u32 s1, s0  }
0xc3: {  	s0 =	sadd.s32 $0x8F2B, s0  }
0xc4: {  	[sflag:s0] =	ssyncadd.remote.s32 $0x1  }
0xc5: {  	_ =	sfence.sel $0xFFFF  }
0xc6: {  	[dreg:$0x0] =	wrdreg $0xFFFFFFFF;
	(pc) =	sbr.abs _section_cstart, $3  }
0xc7: {  	[dreg:$0x1] =	wrdreg $0xFFFFFFFF  }
0xc8: {  	_ =	task.clear_ibuf [dreg:s11], $0x2FFFF;
	_ =	strace $0x9FFFFFFF  }
0xc9: {  	(tm) =	ssettm $0x7FFFFFFF  }
tec
execute0_lowered:
.L_overlay_start_1:
0x0: {  	(tag) =	ssettag $0x1  }
0x1: {  	s0 =	rddreg [dreg:$0x0]  }
0x2: {  	s3 =	rddreg [dreg:$0x1]  }
0x3: {  	s1 =	rddreg [dreg:$0x2]  }
0x4: {  	s2 =	rddreg [dreg:$0x3]  }
0x5: {  	s7 =	rddreg [dreg:$0x4];
	s5 =	srdreg.scid  }
0x6: {  	s4 =	simm.s32 $0x0;
	s9 =	stileid.u32;
	s11 =	simm.s32 $0x1  }
0x7: {  	s12 =	simm.s32 $0x7A1400;
	s13 =	simm.s32 $0x400;
	s14 =	simm.s32 $0x8400  }
0x8: {  	v0 =	vlaneseq.u32;
	vm0 =	vmmov $0x1;
	s15 =	simm.s32 $0x2400;
	s16 =	simm.s32 $0xA400;
	s17 =	simm.s32 $0x4400  }
0x9: {  	vm1 =	vmmov $0x3;
	vm2 =	vmmov $0x7;
	vm3 =	vmmov $0xf;
	s18 =	simm.s32 $0xC400;
	s19 =	simm.s32 $0x6400;
	s20 =	simm.s32 $0xE400  }
0xa: {  	vm4 =	vmmov $0x1f;
	vm5 =	vmmov $0x3f;
	vm6 =	vmmov $0x7f;
	s22 =	simm.s32 $0x0;
	s5 =	sand.u32 $0x1, s5;
	[smem:$0x7FF] =	sst s4  }
0xb: {  	vm7 =	vmmov $0xff;
	vm8 =	vmmov $0x1ff;
	vm9 =	vmmov $0x3ff;
	s9 =	sshll.u32 s9, $0x7;
	s6 =	ssub.s32 $0x2, s5;
	s5 =	sshll.u32 s5, $0x6  }
0xc: {  	vm10 =	vmmov $0x7ff;
	vm11 =	vmmov $0xfff;
	v0 =	vmul.u32 $0x80, v0;
	_ =	strace $0x80000047;
	s8 =	sshrl.u32 s6, $0x1;
	s9 =	sor.u32 s5, s9  }
0xd: {  	vm12 =	vmmov $0x1fff;
	vm13 =	vmmov $0x3fff;
	vm14 =	vmmov $0x7fff;
	s8 =	ssub.s32 s6, s8;
	s5 =	sadd.s32 s0, s9;
	s6 =	sadd.s32 s3, s9  }
0xe: {  	v1 =	vor.u32 $0x800, v0;
	v2 =	vor.u32 $0x1000, v0;
	v3 =	vor.u32 $0x1800, v0;
	s7 =	sadd.s32 s7, s9;
	s9 =	simm.s32 $0x2;
	s8 =	smax.u32 s8, $0x1  }
.LBB2_1:
0xf: {  	[tilespmem:s4], [sflag:$0x2] =	stream.linear.gather [hbm4b:s5+s4], $0x200, $0x38;
	[tilespmem:$0x10600] =	vst v63  }
0x10: {  	_ =	swait.ge [sflag:s9], $0x200  }
0x11: {  	[sflag:s9] =	ssyncset.done $0x0  }
0x12: {  	s0 =	simm.s32 $0x200;
	[sflag:s9] =	ssyncadd.s32 $0xFFFFFE00  }
0x13: {  	[tilespmem:s0], [sflag:$0x2] =	stream.linear.gather [hbm4b:s6+s4], $0x200, $0x38;
	[tilespmem:$0x10600] =	vst v63  }
0x14: {  	_ =	swait.ge [sflag:s9], $0x200  }
0x15: {  	[sflag:s9] =	ssyncset.done $0x0  }
0x16: {  	s23 =	simm.s32 $0x0;
	[sflag:s9] =	ssyncadd.s32 $0xFFFFFE00  }
.LBB2_2:
0x17: {  	s24 =	sshra.s32 s23, $0x2  }
0x18: {  	v5 =	vld [tilespmem:s24+$0x0];
	_ =	sdelay $0x4  }
0x19: {  	(v2sf) =	vpush v5, $0x0;
	_ =	sdelay $0x5  }
0x1a: {  	v4 =	vld [tilespmem:s24+$0x200];
	_ =	sdelay $0x4  }
0x1b: {  	(v2sf) =	vpush v4, $0x0;
	_ =	sdelay $0x3  }
0x1c: {  	s3 =	spop (v2sf)  }
0x1d: {  	s0 =	sshra.s32 s3, $0x1F  }
0x1e: {  	s0 =	sshrl.u32 s0, $0x19  }
0x1f: {  	s0 =	sadd.s32 s0, s3  }
0x20: {  	s10 =	sand.u32 $0xFFFFFF80, s0  }
0x21: {  	p0 =	slt.s32 s3, $0x1;
	p1 =	sne.s32 s3, s10  }
0x22: {  	p0 =	por !p0, !p1  }
0x23: {  	s10 =	simm.s32 $0x1;
	p0 =	por !p0, !p0  }
0x24: {  	(v2sf) =	vpush v5, $0x1;
	s0 =	sshrl.u32 s0, $0x7;
	s10 =	simm.s32 @!p0 $0x0  }
0x25: {  	s0 =	ssub.s32 s0, s10  }
0x26: {  	s0 =	sshll.u32 s0, $0x7  }
0x27: {  	s25 =	spop (v2sf);
	s0 =	sand.u32 $0x1FFFFF80, s0  }
0x28: {  	s30 =	sshra.s32 s25, $0x1F;
	s0 =	sadd.s32 s1, s0  }
0x29: {  	[tilespmem:s13], [sflag:$0x1] =	stream.strided.gather [hbm4b:s0+s13], $0x2000, s12, s13, $0x38;
	[tilespmem:$0x10600] =	vst v63  }
0x2a: {  	s0 =	sshrl.u32 s30, $0x19  }
0x2b: {  	s0 =	sadd.s32 s0, s25  }
0x2c: {  	s31 =	sand.u32 $0xFFFFFF80, s0  }
0x2d: {  	p5 =	slt.s32 s25, $0x1;
	p6 =	sne.s32 s25, s31  }
0x2e: {  	p0 =	por !p5, !p6  }
0x2f: {  	s10 =	simm.s32 $0x1;
	p0 =	por !p0, !p0  }
0x30: {  	(v2sf) =	vpush v4, $0x1;
	s0 =	sshrl.u32 s0, $0x7;
	s10 =	simm.s32 @!p0 $0x0  }
0x31: {  	s0 =	ssub.s32 s0, s10  }
0x32: {  	s0 =	sshll.u32 s0, $0x7  }
0x33: {  	s28 =	spop (v2sf);
	s0 =	sand.u32 $0x1FFFFF80, s0  }
0x34: {  	s21 =	sshra.s32 s28, $0x1F;
	s0 =	sadd.s32 s2, s0  }
0x35: {  	[tilespmem:s14], [sflag:$0x1] =	stream.strided.gather [hbm4b:s0+s13], $0x2000, s12, s13, $0x38;
	[tilespmem:$0x10600] =	vst v63  }
0x36: {  	s0 =	sshrl.u32 s21, $0x19  }
0x37: {  	s0 =	sadd.s32 s0, s28  }
0x38: {  	s26 =	sand.u32 $0xFFFFFF80, s0  }
0x39: {  	p1 =	slt.s32 s28, $0x1;
	p2 =	sne.s32 s28, s26  }
0x3a: {  	p0 =	por !p1, !p2  }
0x3b: {  	s10 =	simm.s32 $0x1;
	p0 =	por !p0, !p0  }
0x3c: {  	(v2sf) =	vpush v5, $0x2;
	s0 =	sshrl.u32 s0, $0x7;
	s10 =	simm.s32 @!p0 $0x0  }
0x3d: {  	s0 =	ssub.s32 s0, s10  }
0x3e: {  	s0 =	sshll.u32 s0, $0x7  }
0x3f: {  	s30 =	spop (v2sf);
	s0 =	sand.u32 $0x1FFFFF80, s0  }
0x40: {  	s29 =	sshra.s32 s30, $0x1F;
	s0 =	sadd.s32 s1, s0  }
0x41: {  	[tilespmem:s15], [sflag:$0x1] =	stream.strided.gather [hbm4b:s0+s13], $0x2000, s12, s13, $0x38;
	[tilespmem:$0x10600] =	vst v63  }
0x42: {  	s0 =	sshrl.u32 s29, $0x19  }
0x43: {  	s0 =	sadd.s32 s0, s30  }
0x44: {  	s31 =	sand.u32 $0xFFFFFF80, s0  }
0x45: {  	p3 =	slt.s32 s30, $0x1;
	p4 =	sne.s32 s30, s31  }
0x46: {  	p0 =	por !p3, !p4  }
0x47: {  	s10 =	simm.s32 $0x1;
	p0 =	por !p0, !p0  }
0x48: {  	s0 =	sshrl.u32 s0, $0x7;
	s10 =	simm.s32 @!p0 $0x0  }
0x49: {  	s0 =	ssub.s32 s0, s10  }
0x4a: {  	s0 =	sshll.u32 s0, $0x7  }
0x4b: {  	(v2sf) =	vpush v4, $0x2;
	s26 =	spop (v2sf);
	s0 =	sand.u32 $0x1FFFFF80, s0  }
0x4c: {  	s10 =	sshra.s32 s26, $0x1F;
	s0 =	sadd.s32 s2, s0  }
0x4d: {  	[tilespmem:s16], [sflag:$0x1] =	stream.strided.gather [hbm4b:s0+s13], $0x2000, s12, s13, $0x38;
	[tilespmem:$0x10600] =	vst v63  }
0x4e: {  	s0 =	sshrl.u32 s10, $0x19  }
0x4f: {  	s0 =	sadd.s32 s0, s26  }
0x50: {  	s21 =	sand.u32 $0xFFFFFF80, s0  }
0x51: {  	p5 =	slt.s32 s26, $0x1;
	p6 =	sne.s32 s26, s21  }
0x52: {  	p0 =	por !p5, !p6  }
0x53: {  	s10 =	simm.s32 $0x1;
	p0 =	por !p0, !p0  }
0x54: {  	s0 =	sshrl.u32 s0, $0x7;
	s10 =	simm.s32 @!p0 $0x0  }
0x55: {  	s0 =	ssub.s32 s0, s10  }
0x56: {  	(v2sf) =	vpush v5, $0x3;
	s0 =	sshll.u32 s0, $0x7  }
0x57: {  	s0 =	sand.u32 $0x1FFFFF80, s0  }
0x58: {  	s0 =	sadd.s32 s1, s0  }
0x59: {  	[tilespmem:s17], [sflag:$0x1] =	stream.strided.gather [hbm4b:s0+s13], $0x2000, s12, s13, $0x38;
	[tilespmem:$0x10600] =	vst v63  }
0x5a: {  	s0 =	spop (v2sf)  }
0x5b: {  	s29 =	sshra.s32 s0, $0x1F  }
0x5c: {  	s10 =	sshrl.u32 s29, $0x19  }
0x5d: {  	s10 =	sadd.s32 s10, s0  }
0x5e: {  	s29 =	sand.u32 $0xFFFFFF80, s10  }
0x5f: {  	p1 =	slt.s32 s0, $0x1;
	p2 =	sne.s32 s0, s29  }
0x60: {  	p0 =	por !p1, !p2  }
0x61: {  	s29 =	simm.s32 $0x1;
	p0 =	por !p0, !p0  }
0x62: {  	s10 =	sshrl.u32 s10, $0x7;
	s29 =	simm.s32 @!p0 $0x0  }
0x63: {  	s10 =	ssub.s32 s10, s29  }
0x64: {  	s10 =	sshll.u32 s10, $0x7  }
0x65: {  	(v2sf) =	vpush v4, $0x3;
	s29 =	spop (v2sf);
	s10 =	sand.u32 $0x1FFFFF80, s10  }
0x66: {  	s31 =	sshra.s32 s29, $0x1F;
	s10 =	sadd.s32 s2, s10  }
0x67: {  	[tilespmem:s18], [sflag:$0x1] =	stream.strided.gather [hbm4b:s10+s13], $0x2000, s12, s13, $0x38;
	[tilespmem:$0x10600] =	vst v63  }
0x68: {  	s10 =	sshrl.u32 s31, $0x19  }
0x69: {  	s10 =	sadd.s32 s10, s29  }
0x6a: {  	s31 =	sand.u32 $0xFFFFFF80, s10  }
0x6b: {  	p3 =	slt.s32 s29, $0x1;
	p4 =	sne.s32 s29, s31  }
0x6c: {  	p0 =	por !p3, !p4  }
0x6d: {  	s31 =	simm.s32 $0x1;
	p0 =	por !p0, !p0  }
0x6e: {  	s10 =	sshrl.u32 s10, $0x7;
	s31 =	simm.s32 @!p0 $0x0  }
0x6f: {  	s10 =	ssub.s32 s10, s31  }
0x70: {  	s10 =	sshll.u32 s10, $0x7  }
0x71: {  	s10 =	sand.u32 $0x1FFFFF80, s10  }
0x72: {  	s10 =	sadd.s32 s1, s10  }
0x73: {  	[tilespmem:s19], [sflag:$0x1] =	stream.strided.gather [hbm4b:s10+s13], $0x2000, s12, s13, $0x38;
	[tilespmem:$0x10600] =	vst v63  }
0x74: {  	s10 =	spop (v2sf)  }
0x75: {  	s21 =	sshra.s32 s10, $0x1F  }
0x76: {  	s31 =	sshrl.u32 s21, $0x19  }
0x77: {  	s31 =	sadd.s32 s31, s10  }
0x78: {  	s21 =	sand.u32 $0xFFFFFF80, s31  }
0x79: {  	p5 =	slt.s32 s10, $0x1;
	p6 =	sne.s32 s10, s21  }
0x7a: {  	p0 =	por !p5, !p6  }
0x7b: {  	s21 =	simm.s32 $0x1;
	p0 =	por !p0, !p0  }
0x7c: {  	s31 =	sshrl.u32 s31, $0x7;
	s21 =	simm.s32 @!p0 $0x0  }
0x7d: {  	s21 =	ssub.s32 s31, s21  }
0x7e: {  	s21 =	sshll.u32 s21, $0x7  }
0x7f: {  	s21 =	sand.u32 $0x1FFFFF80, s21  }
0x80: {  	s21 =	sadd.s32 s2, s21  }
0x81: {  	[tilespmem:s20], [sflag:$0x1] =	stream.strided.gather [hbm4b:s21+s13], $0x2000, s12, s13, $0x38;
	[tilespmem:$0x10600] =	vst v63  }
0x82: {  	_ =	swait.ge [sflag:s11], $0x2000  }
0x83: {  	[sflag:s11] =	ssyncset.done $0x0  }
0x84: {  	[sflag:s11] =	ssyncadd.s32 $0xFFFFE000  }
0x85: {  	_ =	swait.ge [sflag:s11], $0x2000  }
0x86: {  	[sflag:s11] =	ssyncset.done $0x0  }
0x87: {  	[sflag:s11] =	ssyncadd.s32 $0xFFFFE000  }
0x88: {  	_ =	swait.ge [sflag:s11], $0x2000  }
0x89: {  	[sflag:s11] =	ssyncset.done $0x0  }
0x8a: {  	[sflag:s11] =	ssyncadd.s32 $0xFFFFE000  }
0x8b: {  	_ =	swait.ge [sflag:s11], $0x2000  }
0x8c: {  	(v2sf) =	vpush v5, $0x4;
	_ =	sdelay $0x6  }
0x8d: {  	s3 =	sand.u32 $0x7F, s3  }
0x8e: {  	v6 =	vor.u32 s3, v0;
	s25 =	sand.u32 $0x7F, s25  }
0x8f: {  	v7 =	vor.u32 s25, v0  }
0x90: {  	v8 =	vor.u32 s3, v1  }
0x91: {  	v9 =	vor.u32 s25, v1;
	[sflag:s11] =	ssyncset.done $0x0;
	(v2sf) =	vpush v4, $0x4  }
0x92: {  	v10 =	vor.u32 s3, v2;
	[sflag:s11] =	ssyncadd.s32 $0xFFFFE000  }
0x93: {  	v11 =	vor.u32 s25, v2;
	v6 =	vld.idx.msk [tilespmem:v6+s13+$0x0], $0xffff  }
0x94: {  	v12 =	vor.u32 s3, v3;
	v7 =	vld.idx.msk [tilespmem:v7+s14+$0x0], $0xffff  }
0x95: {  	s3 =	sand.u32 $0x7F, s28;
	v13 =	vor.u32 s25, v3;
	v8 =	vld.idx.msk [tilespmem:v8+s13+$0x0], $0xffff;
	s25 =	spop (v2sf)  }
0x96: {  	v14 =	vor.u32 s3, v0;
	s21 =	sand.u32 $0x7F, s30;
	v9 =	vld.idx.msk [tilespmem:v9+s14+$0x0], $0xffff;
	s30 =	sshra.s32 s25, $0x1F  }
0x97: {  	v15 =	vor.u32 s21, v0;
	v10 =	vld.idx.msk [tilespmem:v10+s13+$0x0], $0xffff;
	s28 =	sshrl.u32 s30, $0x19  }
0x98: {  	v16 =	vor.u32 s3, v1;
	v11 =	vld.idx.msk [tilespmem:v11+s14+$0x0], $0xffff;
	s28 =	sadd.s32 s28, s25  }
0x99: {  	v17 =	vor.u32 s21, v1;
	v12 =	vld.idx.msk [tilespmem:v12+s13+$0x0], $0xffff;
	s31 =	sand.u32 $0xFFFFFF80, s28  }
0x9a: {  	v18 =	vor.u32 s3, v2;
	v13 =	vld.idx.msk [tilespmem:v13+s14+$0x0], $0xffff;
	p1 =	slt.s32 s25, $0x1;
	p2 =	sne.s32 s25, s31  }
0x9b: {  	v19 =	vor.u32 s21, v2;
	v14 =	vld.idx.msk [tilespmem:v14+s15+$0x0], $0xffff;
	p0 =	por !p1, !p2  }
0x9c: {  	v20 =	vor.u32 s3, v3;
	s3 =	simm.s32 $0x1;
	v15 =	vld.idx.msk [tilespmem:v15+s16+$0x0], $0xffff;
	p0 =	por !p0, !p0  }
0x9d: {  	v21 =	vor.u32 s21, v3;
	v16 =	vld.idx.msk [tilespmem:v16+s15+$0x0], $0xffff;
	(v2sf) =	vpush v5, $0x5;
	s28 =	sshrl.u32 s28, $0x7;
	s3 =	simm.s32 @!p0 $0x0  }
0x9e: {  	v17 =	vld.idx.msk [tilespmem:v17+s16+$0x0], $0xffff;
	s3 =	ssub.s32 s28, s3  }
0x9f: {  	v18 =	vld.idx.msk [tilespmem:v18+s15+$0x0], $0xffff;
	s3 =	sshll.u32 s3, $0x7  }
0xa0: {  	v19 =	vld.idx.msk [tilespmem:v19+s16+$0x0], $0xffff;
	s28 =	spop (v2sf);
	s3 =	sand.u32 $0x1FFFFF80, s3  }
0xa1: {  	v20 =	vld.idx.msk [tilespmem:v20+s15+$0x0], $0xffff;
	s30 =	sshra.s32 s28, $0x1F;
	s3 =	sadd.s32 s1, s3  }
0xa2: {  	v21 =	vld.idx.msk [tilespmem:v21+s16+$0x0], $0xffff;
	[tilespmem:s13], [sflag:$0x1] =	stream.strided.gather [hbm4b:s3+s13], $0x2000, s12, s13, $0x38  }
0xa3: {  	s3 =	sshrl.u32 s30, $0x19  }
0xa4: {  	s3 =	sadd.s32 s3, s28  }
0xa5: {  	s31 =	sand.u32 $0xFFFFFF80, s3  }
0xa6: {  	p3 =	slt.s32 s28, $0x1;
	p4 =	sne.s32 s28, s31  }
0xa7: {  	p0 =	por !p3, !p4  }
0xa8: {  	s21 =	simm.s32 $0x1;
	p0 =	por !p0, !p0  }
0xa9: {  	s3 =	sshrl.u32 s3, $0x7;
	s21 =	simm.s32 @!p0 $0x0  }
0xaa: {  	s3 =	ssub.s32 s3, s21  }
0xab: {  	s3 =	sshll.u32 s3, $0x7  }
0xac: {  	(v2sf) =	vpush v4, $0x5;
	s30 =	spop (v2sf);
	s3 =	sand.u32 $0x1FFFFF80, s3  }
0xad: {  	s21 =	sshra.s32 s30, $0x1F;
	s3 =	sadd.s32 s2, s3  }
0xae: {  	[tilespmem:s14], [sflag:$0x1] =	stream.strided.gather [hbm4b:s3+s13], $0x2000, s12, s13, $0x38;
	[tilespmem:$0x10600] =	vst v63  }
0xaf: {  	s3 =	sshrl.u32 s21, $0x19  }
0xb0: {  	s3 =	sadd.s32 s3, s30  }
0xb1: {  	s31 =	sand.u32 $0xFFFFFF80, s3  }
0xb2: {  	p5 =	slt.s32 s30, $0x1;
	p6 =	sne.s32 s30, s31  }
0xb3: {  	v6 =	vmul.f32 v7, v6;
	p0 =	por !p5, !p6  }
0xb4: {  	v44 =	vmul.f32 v15, v14;
	s21 =	simm.s32 $0x1;
	p0 =	por !p0, !p0  }
0xb5: {  	v8 =	vmul.f32 v9, v8;
	v6 =	vadd.f32 $0.0e+00, v6;
	s3 =	sshrl.u32 s3, $0x7;
	s21 =	simm.s32 @!p0 $0x0  }
0xb6: {  	v45 =	vmul.f32 v17, v16;
	v7 =	vadd.f32 $0.0e+00, v44;
	s3 =	ssub.s32 s3, s21  }
0xb7: {  	v46 =	vmul.f32 v11, v10;
	v6 =	vadd.f32 v8, v6;
	s3 =	sshll.u32 s3, $0x7  }
0xb8: {  	v47 =	vmul.f32 v19, v18;
	v7 =	vadd.f32 v45, v7;
	s3 =	sand.u32 $0x1FFFFF80, s3  }
0xb9: {  	v48 =	vmul.f32 v13, v12;
	v6 =	vadd.f32 v46, v6;
	s3 =	sadd.s32 s1, s3  }
0xba: {  	v49 =	vmul.f32 v21, v20;
	v7 =	vadd.f32 v47, v7;
	[tilespmem:s15], [sflag:$0x1] =	stream.strided.gather [hbm4b:s3+s13], $0x2000, s12, s13, $0x38;
	[tilespmem:$0x10600] =	vst v63  }
0xbb: {  	v6 =	vadd.f32 v48, v6;
	s3 =	spop (v2sf)  }
0xbc: {  	v7 =	vadd.f32 v49, v7;
	s31 =	sshra.s32 s3, $0x1F  }
0xbd: {  	(xrf2) =	vadd.scan.msk.f32 $0xffff, v6;
	s21 =	sshrl.u32 s31, $0x19  }
0xbe: {  	(xrf2) =	vadd.scan.msk.f32 $0xffff, v7;
	s21 =	sadd.s32 s21, s3  }
0xbf: {  	s31 =	sand.u32 $0xFFFFFF80, s21  }
0xc0: {  	p1 =	slt.s32 s3, $0x1;
	p2 =	sne.s32 s3, s31  }
0xc1: {  	p0 =	por !p1, !p2  }
0xc2: {  	s31 =	simm.s32 $0x1;
	p0 =	por !p0, !p0  }
0xc3: {  	s21 =	sshrl.u32 s21, $0x7;
	s31 =	simm.s32 @!p0 $0x0  }
0xc4: {  	s21 =	ssub.s32 s21, s31  }
0xc5: {  	s21 =	sshll.u32 s21, $0x7  }
0xc6: {  	s21 =	sand.u32 $0x1FFFFF80, s21  }
0xc7: {  	v6, _, _ =	vpop (xrf2);
	s21 =	sadd.s32 s2, s21  }
0xc8: {  	v7, _, _ =	vpop (xrf2);
	[tilespmem:s16], [sflag:$0x1] =	stream.strided.gather [hbm4b:s21+s13], $0x2000, s12, s13, $0x38;
	[tilespmem:$0x10600] =	vst v63  }
0xc9: {  	_ =	swait.ge [sflag:s11], $0x2000  }
0xca: {  	[sflag:s11] =	ssyncset.done $0x0  }
0xcb: {  	[sflag:s11] =	ssyncadd.s32 $0xFFFFE000  }
0xcc: {  	_ =	swait.ge [sflag:s11], $0x2000  }
0xcd: {  	[sflag:s11] =	ssyncset.done $0x0  }
0xce: {  	[sflag:s11] =	ssyncadd.s32 $0xFFFFE000  }
0xcf: {  	_ =	swait.ge [sflag:s11], $0x2000  }
0xd0: {  	[sflag:s11] =	ssyncset.done $0x0  }
0xd1: {  	[sflag:s11] =	ssyncadd.s32 $0xFFFFE000  }
0xd2: {  	_ =	swait.ge [sflag:s11], $0x2000  }
0xd3: {  	(v2sf) =	vpush v5, $0x6;
	_ =	sdelay $0x6  }
0xd4: {  	s26 =	sand.u32 $0x7F, s26  }
0xd5: {  	v50 =	vor.u32 s26, v0;
	s0 =	sand.u32 $0x7F, s0  }
0xd6: {  	v51 =	vor.u32 s0, v0  }
0xd7: {  	v52 =	vor.u32 s26, v1  }
0xd8: {  	v53 =	vor.u32 s0, v1;
	[sflag:s11] =	ssyncset.done $0x0;
	(v2sf) =	vpush v4, $0x6  }
0xd9: {  	v54 =	vor.u32 s26, v2;
	[sflag:s11] =	ssyncadd.s32 $0xFFFFE000  }
0xda: {  	v55 =	vor.u32 s0, v2;
	v8 =	vld.idx.msk [tilespmem:v50+s17+$0x0], $0xffff  }
0xdb: {  	v56 =	vor.u32 s26, v3;
	v9 =	vld.idx.msk [tilespmem:v51+s18+$0x0], $0xffff  }
0xdc: {  	v57 =	vor.u32 s0, v3;
	s21 =	sand.u32 $0x7F, s29;
	v10 =	vld.idx.msk [tilespmem:v52+s17+$0x0], $0xffff;
	s26 =	spop (v2sf)  }
0xdd: {  	s0 =	sand.u32 $0x7F, s10;
	v58 =	vor.u32 s21, v0;
	v11 =	vld.idx.msk [tilespmem:v53+s18+$0x0], $0xffff;
	s29 =	sshra.s32 s26, $0x1F  }
0xde: {  	v59 =	vor.u32 s0, v0;
	v12 =	vld.idx.msk [tilespmem:v54+s17+$0x0], $0xffff;
	s10 =	sshrl.u32 s29, $0x19  }
0xdf: {  	v60 =	vor.u32 s21, v1;
	v13 =	vld.idx.msk [tilespmem:v55+s18+$0x0], $0xffff;
	s10 =	sadd.s32 s10, s26  }
0xe0: {  	v61 =	vor.u32 s0, v1;
	v14 =	vld.idx.msk [tilespmem:v56+s17+$0x0], $0xffff;
	s31 =	sand.u32 $0xFFFFFF80, s10  }
0xe1: {  	v62 =	vor.u32 s21, v2;
	v15 =	vld.idx.msk [tilespmem:v57+s18+$0x0], $0xffff;
	p3 =	slt.s32 s26, $0x1;
	p4 =	sne.s32 s26, s31  }
0xe2: {  	v63 =	vor.u32 s0, v2;
	v16 =	vld.idx.msk [tilespmem:v58+s19+$0x0], $0xffff;
	p0 =	por !p3, !p4  }
0xe3: {  	v23 =	vor.u32 s0, v3;
	s0 =	simm.s32 $0x1;
	v22 =	vor.u32 s21, v3;
	v17 =	vld.idx.msk [tilespmem:v59+s20+$0x0], $0xffff;
	p0 =	por !p0, !p0  }
0xe4: {  	v18 =	vld.idx.msk [tilespmem:v60+s19+$0x0], $0xffff;
	(v2sf) =	vpush v5, $0x7;
	s10 =	sshrl.u32 s10, $0x7;
	s0 =	simm.s32 @!p0 $0x0  }
0xe5: {  	v19 =	vld.idx.msk [tilespmem:v61+s20+$0x0], $0xffff;
	s0 =	ssub.s32 s10, s0  }
0xe6: {  	v20 =	vld.idx.msk [tilespmem:v62+s19+$0x0], $0xffff;
	s0 =	sshll.u32 s0, $0x7  }
0xe7: {  	v21 =	vld.idx.msk [tilespmem:v63+s20+$0x0], $0xffff;
	s29 =	spop (v2sf);
	s0 =	sand.u32 $0x1FFFFF80, s0  }
0xe8: {  	v22 =	vld.idx.msk [tilespmem:v22+s19+$0x0], $0xffff;
	s21 =	sshra.s32 s29, $0x1F;
	s0 =	sadd.s32 s1, s0  }
0xe9: {  	v23 =	vld.idx.msk [tilespmem:v23+s20+$0x0], $0xffff;
	[tilespmem:s17], [sflag:$0x1] =	stream.strided.gather [hbm4b:s0+s13], $0x2000, s12, s13, $0x38  }
0xea: {  	s0 =	sshrl.u32 s21, $0x19  }
0xeb: {  	s0 =	sadd.s32 s0, s29  }
0xec: {  	s31 =	sand.u32 $0xFFFFFF80, s0  }
0xed: {  	p5 =	slt.s32 s29, $0x1;
	p6 =	sne.s32 s29, s31  }
0xee: {  	p0 =	por !p5, !p6  }
0xef: {  	s10 =	simm.s32 $0x1;
	p0 =	por !p0, !p0  }
0xf0: {  	(v2sf) =	vpush v4, $0x7;
	s0 =	sshrl.u32 s0, $0x7;
	s10 =	simm.s32 @!p0 $0x0  }
0xf1: {  	s0 =	ssub.s32 s0, s10  }
0xf2: {  	s0 =	sshll.u32 s0, $0x7  }
0xf3: {  	s31 =	spop (v2sf);
	s0 =	sand.u32 $0x1FFFFF80, s0  }
0xf4: {  	s10 =	sshra.s32 s31, $0x1F;
	s0 =	sadd.s32 s2, s0  }
0xf5: {  	[tilespmem:s18], [sflag:$0x1] =	stream.strided.gather [hbm4b:s0+s13], $0x2000, s12, s13, $0x38;
	[tilespmem:$0x10600] =	vst v63  }
0xf6: {  	s0 =	sshrl.u32 s10, $0x19  }
0xf7: {  	s0 =	sadd.s32 s0, s31  }
0xf8: {  	v8 =	vmul.f32 v9, v8;
	s21 =	sand.u32 $0xFFFFFF80, s0  }
0xf9: {  	v24 =	vmul.f32 v17, v16;
	p1 =	slt.s32 s31, $0x1;
	p2 =	sne.s32 s31, s21  }
0xfa: {  	v10 =	vmul.f32 v11, v10;
	v8 =	vadd.f32 $0.0e+00, v8;
	p0 =	por !p1, !p2  }
0xfb: {  	v25 =	vmul.f32 v19, v18;
	v9 =	vadd.f32 $0.0e+00, v24;
	s10 =	simm.s32 $0x1;
	p0 =	por !p0, !p0  }
0xfc: {  	v26 =	vmul.f32 v13, v12;
	v8 =	vadd.f32 v10, v8;
	s0 =	sshrl.u32 s0, $0x7;
	s10 =	simm.s32 @!p0 $0x0  }
0xfd: {  	v27 =	vmul.f32 v21, v20;
	v9 =	vadd.f32 v25, v9;
	s0 =	ssub.s32 s0, s10  }
0xfe: {  	v28 =	vmul.f32 v15, v14;
	v8 =	vadd.f32 v26, v8;
	s0 =	sshll.u32 s0, $0x7  }
0xff: {  	v29 =	vmul.f32 v23, v22;
	v9 =	vadd.f32 v27, v9;
	s10 =	spop (v2sf);
	s0 =	sand.u32 $0x1FFFFF80, s0  }
0x100: {  	v8 =	vadd.f32 v28, v8;
	s21 =	sshra.s32 s10, $0x1F;
	s0 =	sadd.s32 s1, s0  }
0x101: {  	v9 =	vadd.f32 v29, v9;
	[tilespmem:s19], [sflag:$0x1] =	stream.strided.gather [hbm4b:s0+s13], $0x2000, s12, s13, $0x38;
	[tilespmem:$0x10600] =	vst v63  }
0x102: {  	(xrf2) =	vadd.scan.msk.f32 $0xffff, v8;
	s0 =	sshrl.u32 s21, $0x19  }
0x103: {  	(xrf2) =	vadd.scan.msk.f32 $0xffff, v9;
	s0 =	sadd.s32 s0, s10  }
0x104: {  	s21 =	sand.u32 $0xFFFFFF80, s0  }
0x105: {  	p3 =	slt.s32 s10, $0x1;
	p4 =	sne.s32 s10, s21  }
0x106: {  	p0 =	por !p3, !p4  }
0x107: {  	s21 =	simm.s32 $0x1;
	p0 =	por !p0, !p0  }
0x108: {  	s0 =	sshrl.u32 s0, $0x7;
	s21 =	simm.s32 @!p0 $0x0  }
0x109: {  	s0 =	ssub.s32 s0, s21  }
0x10a: {  	s0 =	sshll.u32 s0, $0x7  }
0x10b: {  	s0 =	sand.u32 $0x1FFFFF80, s0  }
0x10c: {  	v9, _, _ =	vpop (xrf2);
	s0 =	sadd.s32 s2, s0  }
0x10d: {  	v8, _, _ =	vpop (xrf2);
	[tilespmem:s20], [sflag:$0x1] =	stream.strided.gather [hbm4b:s0+s13], $0x2000, s12, s13, $0x38;
	[tilespmem:$0x10600] =	vst v63  }
0x10e: {  	_ =	swait.ge [sflag:s11], $0x2000  }
0x10f: {  	[sflag:s11] =	ssyncset.done $0x0  }
0x110: {  	[sflag:s11] =	ssyncadd.s32 $0xFFFFE000  }
0x111: {  	_ =	swait.ge [sflag:s11], $0x2000  }
0x112: {  	[sflag:s11] =	ssyncset.done $0x0  }
0x113: {  	[sflag:s11] =	ssyncadd.s32 $0xFFFFE000  }
0x114: {  	_ =	swait.ge [sflag:s11], $0x2000  }
0x115: {  	[sflag:s11] =	ssyncset.done $0x0  }
0x116: {  	[sflag:s11] =	ssyncadd.s32 $0xFFFFE000  }
0x117: {  	_ =	swait.ge [sflag:s11], $0x2000  }
0x118: {  	(v2sf) =	vpush v5, $0x8;
	_ =	sdelay $0x6  }
0x119: {  	s21 =	sand.u32 $0x7F, s25  }
0x11a: {  	s25 =	sand.u32 $0x7F, s28;
	v30 =	vor.u32 s21, v0  }
0x11b: {  	v31 =	vor.u32 s25, v0  }
0x11c: {  	v32 =	vor.u32 s21, v1  }
0x11d: {  	v33 =	vor.u32 s25, v1;
	[sflag:s11] =	ssyncset.done $0x0;
	(v2sf) =	vpush v4, $0x8  }
0x11e: {  	v34 =	vor.u32 s21, v2;
	[sflag:s11] =	ssyncadd.s32 $0xFFFFE000  }
0x11f: {  	v35 =	vor.u32 s25, v2;
	v10 =	vld.idx.msk [tilespmem:v30+s13+$0x0], $0xffff  }
0x120: {  	v36 =	vor.u32 s21, v3;
	v11 =	vld.idx.msk [tilespmem:v31+s14+$0x0], $0xffff  }
0x121: {  	v37 =	vor.u32 s25, v3;
	s0 =	sand.u32 $0x7F, s30;
	v12 =	vld.idx.msk [tilespmem:v32+s13+$0x0], $0xffff;
	s25 =	spop (v2sf)  }
0x122: {  	s3 =	sand.u32 $0x7F, s3;
	v38 =	vor.u32 s0, v0;
	v13 =	vld.idx.msk [tilespmem:v33+s14+$0x0], $0xffff;
	s28 =	sshra.s32 s25, $0x1F  }
0x123: {  	v39 =	vor.u32 s3, v0;
	v14 =	vld.idx.msk [tilespmem:v34+s13+$0x0], $0xffff;
	s21 =	sshrl.u32 s28, $0x19  }
0x124: {  	v40 =	vor.u32 s0, v1;
	v15 =	vld.idx.msk [tilespmem:v35+s14+$0x0], $0xffff;
	s21 =	sadd.s32 s21, s25  }
0x125: {  	v41 =	vor.u32 s3, v1;
	v16 =	vld.idx.msk [tilespmem:v36+s13+$0x0], $0xffff;
	s30 =	sand.u32 $0xFFFFFF80, s21  }
0x126: {  	v42 =	vor.u32 s0, v2;
	v17 =	vld.idx.msk [tilespmem:v37+s14+$0x0], $0xffff;
	p5 =	slt.s32 s25, $0x1;
	p6 =	sne.s32 s25, s30  }
0x127: {  	v43 =	vor.u32 s3, v2;
	v18 =	vld.idx.msk [tilespmem:v38+s15+$0x0], $0xffff;
	p0 =	por !p5, !p6  }
0x128: {  	v24 =	vor.u32 s0, v3;
	s0 =	simm.s32 $0x1;
	v19 =	vld.idx.msk [tilespmem:v39+s16+$0x0], $0xffff;
	p0 =	por !p0, !p0  }
0x129: {  	v25 =	vor.u32 s3, v3;
	v20 =	vld.idx.msk [tilespmem:v40+s15+$0x0], $0xffff;
	s30 =	sshrl.u32 s21, $0x7;
	s0 =	simm.s32 @!p0 $0x0  }
0x12a: {  	v21 =	vld.idx.msk [tilespmem:v41+s16+$0x0], $0xffff;
	s0 =	ssub.s32 s30, s0  }
0x12b: {  	v22 =	vld.idx.msk [tilespmem:v42+s15+$0x0], $0xffff;
	s0 =	sshll.u32 s0, $0x7  }
0x12c: {  	v23 =	vld.idx.msk [tilespmem:v43+s16+$0x0], $0xffff;
	(v2sf) =	vpush v5, $0x9;
	s28 =	spop (v2sf);
	s0 =	sand.u32 $0x1FFFFF80, s0  }
0x12d: {  	v24 =	vld.idx.msk [tilespmem:v24+s15+$0x0], $0xffff;
	s21 =	sshra.s32 s28, $0x1F;
	s0 =	sadd.s32 s1, s0  }
0x12e: {  	v25 =	vld.idx.msk [tilespmem:v25+s16+$0x0], $0xffff;
	[tilespmem:s13], [sflag:$0x1] =	stream.strided.gather [hbm4b:s0+s13], $0x2000, s12, s13, $0x38  }
0x12f: {  	s0 =	sshrl.u32 s21, $0x19  }
0x130: {  	s0 =	sadd.s32 s0, s28  }
0x131: {  	s30 =	sand.u32 $0xFFFFFF80, s0  }
0x132: {  	p1 =	slt.s32 s28, $0x1;
	p2 =	sne.s32 s28, s30  }
0x133: {  	p0 =	por !p1, !p2  }
0x134: {  	s3 =	simm.s32 $0x1;
	p0 =	por !p0, !p0  }
0x135: {  	s0 =	sshrl.u32 s0, $0x7;
	s3 =	simm.s32 @!p0 $0x0  }
0x136: {  	s0 =	ssub.s32 s0, s3  }
0x137: {  	s0 =	sshll.u32 s0, $0x7  }
0x138: {  	s0 =	sand.u32 $0x1FFFFF80, s0  }
0x139: {  	s0 =	sadd.s32 s2, s0  }
0x13a: {  	(v2sf) =	vpush v4, $0x9;
	[tilespmem:s14], [sflag:$0x1] =	stream.strided.gather [hbm4b:s0+s13], $0x2000, s12, s13, $0x38;
	[tilespmem:$0x10600] =	vst v63  }
0x13b: {  	s0 =	spop (v2sf)  }
0x13c: {  	s21 =	sshra.s32 s0, $0x1F  }
0x13d: {  	s3 =	sshrl.u32 s21, $0x19  }
0x13e: {  	s3 =	sadd.s32 s3, s0  }
0x13f: {  	s30 =	sand.u32 $0xFFFFFF80, s3  }
0x140: {  	p3 =	slt.s32 s0, $0x1;
	p4 =	sne.s32 s0, s30  }
0x141: {  	v10 =	vmul.f32 v11, v10;
	p0 =	por !p3, !p4  }
0x142: {  	v44 =	vmul.f32 v19, v18;
	s21 =	simm.s32 $0x1;
	p0 =	por !p0, !p0  }
0x143: {  	v12 =	vmul.f32 v13, v12;
	v10 =	vadd.f32 $0.0e+00, v10;
	s3 =	sshrl.u32 s3, $0x7;
	s21 =	simm.s32 @!p0 $0x0  }
0x144: {  	v45 =	vmul.f32 v21, v20;
	v11 =	vadd.f32 $0.0e+00, v44;
	s3 =	ssub.s32 s3, s21  }
0x145: {  	v46 =	vmul.f32 v15, v14;
	v10 =	vadd.f32 v12, v10;
	s3 =	sshll.u32 s3, $0x7  }
0x146: {  	v47 =	vmul.f32 v23, v22;
	v11 =	vadd.f32 v45, v11;
	s3 =	sand.u32 $0x1FFFFF80, s3  }
0x147: {  	v48 =	vmul.f32 v17, v16;
	v10 =	vadd.f32 v46, v10;
	s3 =	sadd.s32 s1, s3  }
0x148: {  	v49 =	vmul.f32 v25, v24;
	v11 =	vadd.f32 v47, v11;
	[tilespmem:s15], [sflag:$0x1] =	stream.strided.gather [hbm4b:s3+s13], $0x2000, s12, s13, $0x38;
	[tilespmem:$0x10600] =	vst v63  }
0x149: {  	v10 =	vadd.f32 v48, v10;
	s3 =	spop (v2sf)  }
0x14a: {  	v11 =	vadd.f32 v49, v11;
	s30 =	sshra.s32 s3, $0x1F  }
0x14b: {  	(xrf2) =	vadd.scan.msk.f32 $0xffff, v10;
	s21 =	sshrl.u32 s30, $0x19  }
0x14c: {  	(xrf2) =	vadd.scan.msk.f32 $0xffff, v11;
	s21 =	sadd.s32 s21, s3  }
0x14d: {  	s30 =	sand.u32 $0xFFFFFF80, s21  }
0x14e: {  	p5 =	slt.s32 s3, $0x1;
	p6 =	sne.s32 s3, s30  }
0x14f: {  	p0 =	por !p5, !p6  }
0x150: {  	s30 =	simm.s32 $0x1;
	p0 =	por !p0, !p0  }
0x151: {  	s21 =	sshrl.u32 s21, $0x7;
	s30 =	simm.s32 @!p0 $0x0  }
0x152: {  	s21 =	ssub.s32 s21, s30  }
0x153: {  	s21 =	sshll.u32 s21, $0x7  }
0x154: {  	s21 =	sand.u32 $0x1FFFFF80, s21  }
0x155: {  	v10, _, _ =	vpop (xrf2);
	s21 =	sadd.s32 s2, s21  }
0x156: {  	v11, _, _ =	vpop (xrf2);
	[tilespmem:s16], [sflag:$0x1] =	stream.strided.gather [hbm4b:s21+s13], $0x2000, s12, s13, $0x38;
	[tilespmem:$0x10600] =	vst v63  }
0x157: {  	_ =	swait.ge [sflag:s11], $0x2000  }
0x158: {  	[sflag:s11] =	ssyncset.done $0x0  }
0x159: {  	[sflag:s11] =	ssyncadd.s32 $0xFFFFE000  }
0x15a: {  	_ =	swait.ge [sflag:s11], $0x2000  }
0x15b: {  	[sflag:s11] =	ssyncset.done $0x0  }
0x15c: {  	[sflag:s11] =	ssyncadd.s32 $0xFFFFE000  }
0x15d: {  	_ =	swait.ge [sflag:s11], $0x2000  }
0x15e: {  	[sflag:s11] =	ssyncset.done $0x0  }
0x15f: {  	[sflag:s11] =	ssyncadd.s32 $0xFFFFE000  }
0x160: {  	_ =	swait.ge [sflag:s11], $0x2000  }
0x161: {  	(v2sf) =	vpush v5, $0xA;
	_ =	sdelay $0x6  }
0x162: {  	s26 =	sand.u32 $0x7F, s26  }
0x163: {  	v50 =	vor.u32 s26, v0;
	s29 =	sand.u32 $0x7F, s29  }
0x164: {  	v51 =	vor.u32 s29, v0  }
0x165: {  	v52 =	vor.u32 s26, v1  }
0x166: {  	v53 =	vor.u32 s29, v1;
	[sflag:s11] =	ssyncset.done $0x0;
	(v2sf) =	vpush v4, $0xA  }
0x167: {  	v54 =	vor.u32 s26, v2;
	[sflag:s11] =	ssyncadd.s32 $0xFFFFE000  }
0x168: {  	v55 =	vor.u32 s29, v2;
	v12 =	vld.idx.msk [tilespmem:v50+s17+$0x0], $0xffff  }
0x169: {  	v56 =	vor.u32 s26, v3;
	v13 =	vld.idx.msk [tilespmem:v51+s18+$0x0], $0xffff  }
0x16a: {  	v57 =	vor.u32 s29, v3;
	s21 =	sand.u32 $0x7F, s31;
	v14 =	vld.idx.msk [tilespmem:v52+s17+$0x0], $0xffff;
	s26 =	spop (v2sf)  }
0x16b: {  	s10 =	sand.u32 $0x7F, s10;
	v58 =	vor.u32 s21, v0;
	v15 =	vld.idx.msk [tilespmem:v53+s18+$0x0], $0xffff;
	s30 =	sshra.s32 s26, $0x1F  }
0x16c: {  	v59 =	vor.u32 s10, v0;
	v16 =	vld.idx.msk [tilespmem:v54+s17+$0x0], $0xffff;
	s29 =	sshrl.u32 s30, $0x19  }
0x16d: {  	v60 =	vor.u32 s21, v1;
	v17 =	vld.idx.msk [tilespmem:v55+s18+$0x0], $0xffff;
	s29 =	sadd.s32 s29, s26  }
0x16e: {  	v61 =	vor.u32 s10, v1;
	v18 =	vld.idx.msk [tilespmem:v56+s17+$0x0], $0xffff;
	s31 =	sand.u32 $0xFFFFFF80, s29  }
0x16f: {  	v62 =	vor.u32 s21, v2;
	v19 =	vld.idx.msk [tilespmem:v57+s18+$0x0], $0xffff;
	p1 =	slt.s32 s26, $0x1;
	p2 =	sne.s32 s26, s31  }
0x170: {  	v63 =	vor.u32 s10, v2;
	v20 =	vld.idx.msk [tilespmem:v58+s19+$0x0], $0xffff;
	p0 =	por !p1, !p2  }
0x171: {  	v27 =	vor.u32 s10, v3;
	s10 =	simm.s32 $0x1;
	v26 =	vor.u32 s21, v3;
	v21 =	vld.idx.msk [tilespmem:v59+s20+$0x0], $0xffff;
	p0 =	por !p0, !p0  }
0x172: {  	v22 =	vld.idx.msk [tilespmem:v60+s19+$0x0], $0xffff;
	(v2sf) =	vpush v5, $0xB;
	s29 =	sshrl.u32 s29, $0x7;
	s10 =	simm.s32 @!p0 $0x0  }
0x173: {  	v23 =	vld.idx.msk [tilespmem:v61+s20+$0x0], $0xffff;
	s10 =	ssub.s32 s29, s10  }
0x174: {  	v24 =	vld.idx.msk [tilespmem:v62+s19+$0x0], $0xffff;
	s10 =	sshll.u32 s10, $0x7  }
0x175: {  	v25 =	vld.idx.msk [tilespmem:v63+s20+$0x0], $0xffff;
	s29 =	spop (v2sf);
	s10 =	sand.u32 $0x1FFFFF80, s10  }
0x176: {  	v26 =	vld.idx.msk [tilespmem:v26+s19+$0x0], $0xffff;
	s30 =	sshra.s32 s29, $0x1F;
	s10 =	sadd.s32 s1, s10  }
0x177: {  	v27 =	vld.idx.msk [tilespmem:v27+s20+$0x0], $0xffff;
	[tilespmem:s17], [sflag:$0x1] =	stream.strided.gather [hbm4b:s10+s13], $0x2000, s12, s13, $0x38  }
0x178: {  	s10 =	sshrl.u32 s30, $0x19  }
0x179: {  	s10 =	sadd.s32 s10, s29  }
0x17a: {  	s31 =	sand.u32 $0xFFFFFF80, s10  }
0x17b: {  	p3 =	slt.s32 s29, $0x1;
	p4 =	sne.s32 s29, s31  }
0x17c: {  	p0 =	por !p3, !p4  }
0x17d: {  	s21 =	simm.s32 $0x1;
	p0 =	por !p0, !p0  }
0x17e: {  	s10 =	sshrl.u32 s10, $0x7;
	s21 =	simm.s32 @!p0 $0x0  }
0x17f: {  	s10 =	ssub.s32 s10, s21  }
0x180: {  	s10 =	sshll.u32 s10, $0x7  }
0x181: {  	(v2sf) =	vpush v4, $0xB;
	s30 =	spop (v2sf);
	s10 =	sand.u32 $0x1FFFFF80, s10  }
0x182: {  	s21 =	sshra.s32 s30, $0x1F;
	s10 =	sadd.s32 s2, s10  }
0x183: {  	[tilespmem:s18], [sflag:$0x1] =	stream.strided.gather [hbm4b:s10+s13], $0x2000, s12, s13, $0x38;
	[tilespmem:$0x10600] =	vst v63  }
0x184: {  	s10 =	sshrl.u32 s21, $0x19  }
0x185: {  	s10 =	sadd.s32 s10, s30  }
0x186: {  	s31 =	sand.u32 $0xFFFFFF80, s10  }
0x187: {  	p5 =	slt.s32 s30, $0x1;
	p6 =	sne.s32 s30, s31  }
0x188: {  	v12 =	vmul.f32 v13, v12;
	p0 =	por !p5, !p6  }
0x189: {  	v29 =	vmul.f32 v21, v20;
	s21 =	simm.s32 $0x1;
	p0 =	por !p0, !p0  }
0x18a: {  	v14 =	vmul.f32 v15, v14;
	v12 =	vadd.f32 $0.0e+00, v12;
	s10 =	sshrl.u32 s10, $0x7;
	s21 =	simm.s32 @!p0 $0x0  }
0x18b: {  	v30 =	vmul.f32 v23, v22;
	v13 =	vadd.f32 $0.0e+00, v29;
	s10 =	ssub.s32 s10, s21  }
0x18c: {  	v31 =	vmul.f32 v17, v16;
	v12 =	vadd.f32 v14, v12;
	s10 =	sshll.u32 s10, $0x7  }
0x18d: {  	v32 =	vmul.f32 v25, v24;
	v13 =	vadd.f32 v30, v13;
	s10 =	sand.u32 $0x1FFFFF80, s10  }
0x18e: {  	v33 =	vmul.f32 v19, v18;
	v12 =	vadd.f32 v31, v12;
	s10 =	sadd.s32 s1, s10  }
0x18f: {  	v34 =	vmul.f32 v27, v26;
	v13 =	vadd.f32 v32, v13;
	[tilespmem:s19], [sflag:$0x1] =	stream.strided.gather [hbm4b:s10+s13], $0x2000, s12, s13, $0x38;
	[tilespmem:$0x10600] =	vst v63  }
0x190: {  	v12 =	vadd.f32 v33, v12;
	s10 =	spop (v2sf)  }
0x191: {  	v13 =	vadd.f32 v34, v13;
	s31 =	sshra.s32 s10, $0x1F  }
0x192: {  	(xrf2) =	vadd.scan.msk.f32 $0xffff, v12;
	s21 =	sshrl.u32 s31, $0x19  }
0x193: {  	(xrf2) =	vadd.scan.msk.f32 $0xffff, v13;
	s21 =	sadd.s32 s21, s10  }
0x194: {  	s31 =	sand.u32 $0xFFFFFF80, s21  }
0x195: {  	p1 =	slt.s32 s10, $0x1;
	p2 =	sne.s32 s10, s31  }
0x196: {  	p0 =	por !p1, !p2  }
0x197: {  	s31 =	simm.s32 $0x1;
	p0 =	por !p0, !p0  }
0x198: {  	s21 =	sshrl.u32 s21, $0x7;
	s31 =	simm.s32 @!p0 $0x0  }
0x199: {  	s21 =	ssub.s32 s21, s31  }
0x19a: {  	s21 =	sshll.u32 s21, $0x7  }
0x19b: {  	s21 =	sand.u32 $0x1FFFFF80, s21  }
0x19c: {  	v12, _, _ =	vpop (xrf2);
	s21 =	sadd.s32 s2, s21  }
0x19d: {  	v13, _, _ =	vpop (xrf2);
	[tilespmem:s20], [sflag:$0x1] =	stream.strided.gather [hbm4b:s21+s13], $0x2000, s12, s13, $0x38;
	[tilespmem:$0x10600] =	vst v63  }
0x19e: {  	_ =	swait.ge [sflag:s11], $0x2000  }
0x19f: {  	[sflag:s11] =	ssyncset.done $0x0  }
0x1a0: {  	[sflag:s11] =	ssyncadd.s32 $0xFFFFE000  }
0x1a1: {  	_ =	swait.ge [sflag:s11], $0x2000  }
0x1a2: {  	[sflag:s11] =	ssyncset.done $0x0  }
0x1a3: {  	[sflag:s11] =	ssyncadd.s32 $0xFFFFE000  }
0x1a4: {  	_ =	swait.ge [sflag:s11], $0x2000  }
0x1a5: {  	[sflag:s11] =	ssyncset.done $0x0  }
0x1a6: {  	[sflag:s11] =	ssyncadd.s32 $0xFFFFE000  }
0x1a7: {  	_ =	swait.ge [sflag:s11], $0x2000  }
0x1a8: {  	(v2sf) =	vpush v5, $0xC;
	_ =	sdelay $0x6  }
0x1a9: {  	s25 =	sand.u32 $0x7F, s25  }
0x1aa: {  	v35 =	vor.u32 s25, v0;
	s31 =	sand.u32 $0x7F, s28  }
0x1ab: {  	v36 =	vor.u32 s31, v0  }
0x1ac: {  	v37 =	vor.u32 s25, v1  }
0x1ad: {  	v38 =	vor.u32 s31, v1;
	[sflag:s11] =	ssyncset.done $0x0;
	(v2sf) =	vpush v4, $0xC  }
0x1ae: {  	v39 =	vor.u32 s25, v2;
	[sflag:s11] =	ssyncadd.s32 $0xFFFFE000  }
0x1af: {  	v40 =	vor.u32 s31, v2;
	v14 =	vld.idx.msk [tilespmem:v35+s13+$0x0], $0xffff  }
0x1b0: {  	v41 =	vor.u32 s25, v3;
	v15 =	vld.idx.msk [tilespmem:v36+s14+$0x0], $0xffff  }
0x1b1: {  	s0 =	sand.u32 $0x7F, s0;
	v42 =	vor.u32 s31, v3;
	v16 =	vld.idx.msk [tilespmem:v37+s13+$0x0], $0xffff;
	s25 =	spop (v2sf)  }
0x1b2: {  	v43 =	vor.u32 s0, v0;
	s3 =	sand.u32 $0x7F, s3;
	v17 =	vld.idx.msk [tilespmem:v38+s14+$0x0], $0xffff;
	s28 =	sshra.s32 s25, $0x1F  }
0x1b3: {  	v44 =	vor.u32 s3, v0;
	v18 =	vld.idx.msk [tilespmem:v39+s13+$0x0], $0xffff;
	s21 =	sshrl.u32 s28, $0x19  }
0x1b4: {  	v45 =	vor.u32 s0, v1;
	v19 =	vld.idx.msk [tilespmem:v40+s14+$0x0], $0xffff;
	s21 =	sadd.s32 s21, s25  }
0x1b5: {  	v46 =	vor.u32 s3, v1;
	v20 =	vld.idx.msk [tilespmem:v41+s13+$0x0], $0xffff;
	s31 =	sand.u32 $0xFFFFFF80, s21  }
0x1b6: {  	v47 =	vor.u32 s0, v2;
	v21 =	vld.idx.msk [tilespmem:v42+s14+$0x0], $0xffff;
	p3 =	slt.s32 s25, $0x1;
	p4 =	sne.s32 s25, s31  }
0x1b7: {  	v48 =	vor.u32 s3, v2;
	v22 =	vld.idx.msk [tilespmem:v43+s15+$0x0], $0xffff;
	p0 =	por !p3, !p4  }
0x1b8: {  	v28 =	vor.u32 s0, v3;
	s0 =	simm.s32 $0x1;
	v23 =	vld.idx.msk [tilespmem:v44+s16+$0x0], $0xffff;
	p0 =	por !p0, !p0  }
0x1b9: {  	v29 =	vor.u32 s3, v3;
	v24 =	vld.idx.msk [tilespmem:v45+s15+$0x0], $0xffff;
	s31 =	sshrl.u32 s21, $0x7;
	s0 =	simm.s32 @!p0 $0x0  }
0x1ba: {  	v25 =	vld.idx.msk [tilespmem:v46+s16+$0x0], $0xffff;
	s0 =	ssub.s32 s31, s0  }
0x1bb: {  	v26 =	vld.idx.msk [tilespmem:v47+s15+$0x0], $0xffff;
	s0 =	sshll.u32 s0, $0x7  }
0x1bc: {  	v27 =	vld.idx.msk [tilespmem:v48+s16+$0x0], $0xffff;
	(v2sf) =	vpush v5, $0xD;
	s28 =	spop (v2sf);
	s0 =	sand.u32 $0x1FFFFF80, s0  }
0x1bd: {  	v28 =	vld.idx.msk [tilespmem:v28+s15+$0x0], $0xffff;
	s21 =	sshra.s32 s28, $0x1F;
	s0 =	sadd.s32 s1, s0  }
0x1be: {  	v29 =	vld.idx.msk [tilespmem:v29+s16+$0x0], $0xffff;
	[tilespmem:s13], [sflag:$0x1] =	stream.strided.gather [hbm4b:s0+s13], $0x2000, s12, s13, $0x38  }
0x1bf: {  	s0 =	sshrl.u32 s21, $0x19  }
0x1c0: {  	s0 =	sadd.s32 s0, s28  }
0x1c1: {  	s31 =	sand.u32 $0xFFFFFF80, s0  }
0x1c2: {  	p5 =	slt.s32 s28, $0x1;
	p6 =	sne.s32 s28, s31  }
0x1c3: {  	p0 =	por !p5, !p6  }
0x1c4: {  	s3 =	simm.s32 $0x1;
	p0 =	por !p0, !p0  }
0x1c5: {  	s0 =	sshrl.u32 s0, $0x7;
	s3 =	simm.s32 @!p0 $0x0  }
0x1c6: {  	s0 =	ssub.s32 s0, s3  }
0x1c7: {  	s0 =	sshll.u32 s0, $0x7  }
0x1c8: {  	s0 =	sand.u32 $0x1FFFFF80, s0  }
0x1c9: {  	s0 =	sadd.s32 s2, s0  }
0x1ca: {  	(v2sf) =	vpush v4, $0xD;
	[tilespmem:s14], [sflag:$0x1] =	stream.strided.gather [hbm4b:s0+s13], $0x2000, s12, s13, $0x38;
	[tilespmem:$0x10600] =	vst v63  }
0x1cb: {  	s0 =	spop (v2sf)  }
0x1cc: {  	s21 =	sshra.s32 s0, $0x1F  }
0x1cd: {  	s3 =	sshrl.u32 s21, $0x19  }
0x1ce: {  	s3 =	sadd.s32 s3, s0  }
0x1cf: {  	s31 =	sand.u32 $0xFFFFFF80, s3  }
0x1d0: {  	p1 =	slt.s32 s0, $0x1;
	p2 =	sne.s32 s0, s31  }
0x1d1: {  	v14 =	vmul.f32 v15, v14;
	p0 =	por !p1, !p2  }
0x1d2: {  	v49 =	vmul.f32 v23, v22;
	s21 =	simm.s32 $0x1;
	p0 =	por !p0, !p0  }
0x1d3: {  	v16 =	vmul.f32 v17, v16;
	v14 =	vadd.f32 $0.0e+00, v14;
	s3 =	sshrl.u32 s3, $0x7;
	s21 =	simm.s32 @!p0 $0x0  }
0x1d4: {  	v50 =	vmul.f32 v25, v24;
	v15 =	vadd.f32 $0.0e+00, v49;
	s3 =	ssub.s32 s3, s21  }
0x1d5: {  	v51 =	vmul.f32 v19, v18;
	v14 =	vadd.f32 v16, v14;
	s3 =	sshll.u32 s3, $0x7  }
0x1d6: {  	v52 =	vmul.f32 v27, v26;
	v15 =	vadd.f32 v50, v15;
	s3 =	sand.u32 $0x1FFFFF80, s3  }
0x1d7: {  	v53 =	vmul.f32 v21, v20;
	v14 =	vadd.f32 v51, v14;
	s3 =	sadd.s32 s1, s3  }
0x1d8: {  	v54 =	vmul.f32 v29, v28;
	v15 =	vadd.f32 v52, v15;
	[tilespmem:s15], [sflag:$0x1] =	stream.strided.gather [hbm4b:s3+s13], $0x2000, s12, s13, $0x38;
	[tilespmem:$0x10600] =	vst v63  }
0x1d9: {  	v14 =	vadd.f32 v53, v14;
	s3 =	spop (v2sf)  }
0x1da: {  	v15 =	vadd.f32 v54, v15;
	s31 =	sshra.s32 s3, $0x1F  }
0x1db: {  	(xrf2) =	vadd.scan.msk.f32 $0xffff, v14;
	s21 =	sshrl.u32 s31, $0x19  }
0x1dc: {  	(xrf2) =	vadd.scan.msk.f32 $0xffff, v15;
	s21 =	sadd.s32 s21, s3  }
0x1dd: {  	s31 =	sand.u32 $0xFFFFFF80, s21  }
0x1de: {  	p3 =	slt.s32 s3, $0x1;
	p4 =	sne.s32 s3, s31  }
0x1df: {  	p0 =	por !p3, !p4  }
0x1e0: {  	s31 =	simm.s32 $0x1;
	p0 =	por !p0, !p0  }
0x1e1: {  	s21 =	sshrl.u32 s21, $0x7;
	s31 =	simm.s32 @!p0 $0x0  }
0x1e2: {  	s21 =	ssub.s32 s21, s31  }
0x1e3: {  	s21 =	sshll.u32 s21, $0x7  }
0x1e4: {  	s21 =	sand.u32 $0x1FFFFF80, s21  }
0x1e5: {  	v14, _, _ =	vpop (xrf2);
	s21 =	sadd.s32 s2, s21  }
0x1e6: {  	v15, _, _ =	vpop (xrf2);
	[tilespmem:s16], [sflag:$0x1] =	stream.strided.gather [hbm4b:s21+s13], $0x2000, s12, s13, $0x38;
	[tilespmem:$0x10600] =	vst v63  }
0x1e7: {  	_ =	swait.ge [sflag:s11], $0x2000  }
0x1e8: {  	[sflag:s11] =	ssyncset.done $0x0  }
0x1e9: {  	[sflag:s11] =	ssyncadd.s32 $0xFFFFE000  }
0x1ea: {  	_ =	swait.ge [sflag:s11], $0x2000  }
0x1eb: {  	[sflag:s11] =	ssyncset.done $0x0  }
0x1ec: {  	[sflag:s11] =	ssyncadd.s32 $0xFFFFE000  }
0x1ed: {  	_ =	swait.ge [sflag:s11], $0x2000  }
0x1ee: {  	[sflag:s11] =	ssyncset.done $0x0  }
0x1ef: {  	[sflag:s11] =	ssyncadd.s32 $0xFFFFE000  }
0x1f0: {  	_ =	swait.ge [sflag:s11], $0x2000  }
0x1f1: {  	(v2sf) =	vpush v5, $0xE;
	_ =	sdelay $0x6  }
0x1f2: {  	s26 =	sand.u32 $0x7F, s26  }
0x1f3: {  	v55 =	vor.u32 s26, v0;
	s29 =	sand.u32 $0x7F, s29  }
0x1f4: {  	v56 =	vor.u32 s29, v0  }
0x1f5: {  	v57 =	vor.u32 s26, v1  }
0x1f6: {  	v58 =	vor.u32 s29, v1;
	[sflag:s11] =	ssyncset.done $0x0;
	(v2sf) =	vpush v4, $0xE  }
0x1f7: {  	v59 =	vor.u32 s26, v2;
	[sflag:s11] =	ssyncadd.s32 $0xFFFFE000  }
0x1f8: {  	v60 =	vor.u32 s29, v2;
	v16 =	vld.idx.msk [tilespmem:v55+s17+$0x0], $0xffff  }
0x1f9: {  	v61 =	vor.u32 s26, v3;
	v17 =	vld.idx.msk [tilespmem:v56+s18+$0x0], $0xffff  }
0x1fa: {  	v62 =	vor.u32 s29, v3;
	s26 =	sand.u32 $0x7F, s10;
	s21 =	sand.u32 $0x7F, s30;
	v18 =	vld.idx.msk [tilespmem:v57+s17+$0x0], $0xffff;
	s10 =	spop (v2sf)  }
0x1fb: {  	v63 =	vor.u32 s21, v0;
	v19 =	vld.idx.msk [tilespmem:v58+s18+$0x0], $0xffff;
	s30 =	sshra.s32 s10, $0x1F  }
0x1fc: {  	v32 =	vor.u32 s26, v0;
	v20 =	vld.idx.msk [tilespmem:v59+s17+$0x0], $0xffff;
	s29 =	sshrl.u32 s30, $0x19  }
0x1fd: {  	v33 =	vor.u32 s21, v1;
	v21 =	vld.idx.msk [tilespmem:v60+s18+$0x0], $0xffff;
	s29 =	sadd.s32 s29, s10  }
0x1fe: {  	v34 =	vor.u32 s26, v1;
	v22 =	vld.idx.msk [tilespmem:v61+s17+$0x0], $0xffff;
	s31 =	sand.u32 $0xFFFFFF80, s29  }
0x1ff: {  	v35 =	vor.u32 s21, v2;
	v23 =	vld.idx.msk [tilespmem:v62+s18+$0x0], $0xffff;
	p5 =	slt.s32 s10, $0x1;
	p6 =	sne.s32 s10, s31  }
0x200: {  	v36 =	vor.u32 s26, v2;
	v24 =	vld.idx.msk [tilespmem:v63+s19+$0x0], $0xffff;
	p0 =	por !p5, !p6  }
0x201: {  	v31 =	vor.u32 s26, v3;
	v30 =	vor.u32 s21, v3;
	s21 =	simm.s32 $0x1;
	v25 =	vld.idx.msk [tilespmem:v32+s20+$0x0], $0xffff;
	p0 =	por !p0, !p0  }
0x202: {  	v26 =	vld.idx.msk [tilespmem:v33+s19+$0x0], $0xffff;
	(v2sf) =	vpush v5, $0xF;
	s29 =	sshrl.u32 s29, $0x7;
	s21 =	simm.s32 @!p0 $0x0  }
0x203: {  	v27 =	vld.idx.msk [tilespmem:v34+s20+$0x0], $0xffff;
	s21 =	ssub.s32 s29, s21  }
0x204: {  	v28 =	vld.idx.msk [tilespmem:v35+s19+$0x0], $0xffff;
	s21 =	sshll.u32 s21, $0x7  }
0x205: {  	v29 =	vld.idx.msk [tilespmem:v36+s20+$0x0], $0xffff;
	s26 =	spop (v2sf);
	s21 =	sand.u32 $0x1FFFFF80, s21  }
0x206: {  	v37 =	vld.idx.msk [tilespmem:v31+s20+$0x0], $0xffff;
	s30 =	sshra.s32 s26, $0x1F;
	s21 =	sadd.s32 s1, s21  }
0x207: {  	v5 =	vld.idx.msk [tilespmem:v30+s19+$0x0], $0xffff;
	[tilespmem:s17], [sflag:$0x1] =	stream.strided.gather [hbm4b:s21+s13], $0x2000, s12, s13, $0x38  }
0x208: {  	s21 =	sshrl.u32 s30, $0x19  }
0x209: {  	s21 =	sadd.s32 s21, s26  }
0x20a: {  	s31 =	sand.u32 $0xFFFFFF80, s21  }
0x20b: {  	p1 =	slt.s32 s26, $0x1;
	p2 =	sne.s32 s26, s31  }
0x20c: {  	p0 =	por !p1, !p2  }
0x20d: {  	s29 =	simm.s32 $0x1;
	p0 =	por !p0, !p0  }
0x20e: {  	s21 =	sshrl.u32 s21, $0x7;
	s29 =	simm.s32 @!p0 $0x0  }
0x20f: {  	s21 =	ssub.s32 s21, s29  }
0x210: {  	s21 =	sshll.u32 s21, $0x7  }
0x211: {  	s29 =	spop (v2sf);
	(v2sf) =	vpush v4, $0xF;
	s21 =	sand.u32 $0x1FFFFF80, s21  }
0x212: {  	s30 =	sshra.s32 s29, $0x1F;
	s21 =	sadd.s32 s2, s21  }
0x213: {  	[tilespmem:s18], [sflag:$0x1] =	stream.strided.gather [hbm4b:s21+s13], $0x2000, s12, s13, $0x38;
	[tilespmem:$0x10600] =	vst v63  }
0x214: {  	s21 =	sshrl.u32 s30, $0x19  }
0x215: {  	s21 =	sadd.s32 s21, s29  }
0x216: {  	s31 =	sand.u32 $0xFFFFFF80, s21  }
0x217: {  	p3 =	slt.s32 s29, $0x1;
	p4 =	sne.s32 s29, s31  }
0x218: {  	v4 =	vmul.f32 v17, v16;
	p0 =	por !p3, !p4  }
0x219: {  	v38 =	vmul.f32 v25, v24;
	s30 =	simm.s32 $0x1;
	p0 =	por !p0, !p0  }
0x21a: {  	v39 =	vmul.f32 v19, v18;
	v4 =	vadd.f32 $0.0e+00, v4;
	s21 =	sshrl.u32 s21, $0x7;
	s30 =	simm.s32 @!p0 $0x0  }
0x21b: {  	v40 =	vmul.f32 v27, v26;
	v16 =	vadd.f32 $0.0e+00, v38;
	s21 =	ssub.s32 s21, s30  }
0x21c: {  	v41 =	vmul.f32 v21, v20;
	v4 =	vadd.f32 v39, v4;
	s21 =	sshll.u32 s21, $0x7  }
0x21d: {  	v42 =	vmul.f32 v29, v28;
	v16 =	vadd.f32 v40, v16;
	s21 =	sand.u32 $0x1FFFFF80, s21  }
0x21e: {  	v43 =	vmul.f32 v23, v22;
	v4 =	vadd.f32 v41, v4;
	s21 =	sadd.s32 s1, s21  }
0x21f: {  	v5 =	vmul.f32 v37, v5;
	v16 =	vadd.f32 v42, v16;
	[tilespmem:s19], [sflag:$0x1] =	stream.strided.gather [hbm4b:s21+s13], $0x2000, s12, s13, $0x38;
	[tilespmem:$0x10600] =	vst v63  }
0x220: {  	v4 =	vadd.f32 v43, v4;
	s30 =	spop (v2sf)  }
0x221: {  	v5 =	vadd.f32 v5, v16;
	s31 =	sshra.s32 s30, $0x1F  }
0x222: {  	(xrf2) =	vadd.scan.msk.f32 $0xffff, v4;
	s21 =	sshrl.u32 s31, $0x19  }
0x223: {  	(xrf2) =	vadd.scan.msk.f32 $0xffff, v5;
	s21 =	sadd.s32 s21, s30  }
0x224: {  	s31 =	sand.u32 $0xFFFFFF80, s21  }
0x225: {  	p5 =	slt.s32 s30, $0x1;
	p6 =	sne.s32 s30, s31  }
0x226: {  	p0 =	por !p5, !p6  }
0x227: {  	s31 =	simm.s32 $0x1;
	p0 =	por !p0, !p0  }
0x228: {  	s21 =	sshrl.u32 s21, $0x7;
	s31 =	simm.s32 @!p0 $0x0  }
0x229: {  	s21 =	ssub.s32 s21, s31  }
0x22a: {  	s21 =	sshll.u32 s21, $0x7  }
0x22b: {  	s21 =	sand.u32 $0x1FFFFF80, s21  }
0x22c: {  	v4, _, _ =	vpop (xrf2);
	s21 =	sadd.s32 s2, s21  }
0x22d: {  	v5, _, _ =	vpop (xrf2);
	[tilespmem:s20], [sflag:$0x1] =	stream.strided.gather [hbm4b:s21+s13], $0x2000, s12, s13, $0x38;
	[tilespmem:$0x10600] =	vst v63  }
0x22e: {  	_ =	swait.ge [sflag:s11], $0x2000  }
0x22f: {  	[sflag:s11] =	ssyncset.done $0x0  }
0x230: {  	[sflag:s11] =	ssyncadd.s32 $0xFFFFE000  }
0x231: {  	_ =	swait.ge [sflag:s11], $0x2000  }
0x232: {  	[sflag:s11] =	ssyncset.done $0x0  }
0x233: {  	[sflag:s11] =	ssyncadd.s32 $0xFFFFE000  }
0x234: {  	s25 =	sand.u32 $0x7F, s25;
	_ =	swait.ge [sflag:s11], $0x2000  }
0x235: {  	v44 =	vor.u32 s25, v0;
	s31 =	sand.u32 $0x7F, s28;
	[sflag:s11] =	ssyncset.done $0x0  }
0x236: {  	v45 =	vor.u32 s31, v0;
	[sflag:s11] =	ssyncadd.s32 $0xFFFFE000  }
0x237: {  	v46 =	vor.u32 s25, v1;
	_ =	swait.ge [sflag:s11], $0x2000  }
0x238: {  	v47 =	vor.u32 s31, v1;
	[sflag:s11] =	ssyncset.done $0x0  }
0x239: {  	v48 =	vor.u32 s25, v2;
	[sflag:s11] =	ssyncadd.s32 $0xFFFFE000  }
0x23a: {  	v49 =	vor.u32 s31, v2;
	v16 =	vld.idx.msk [tilespmem:v44+s13+$0x0], $0xffff  }
0x23b: {  	v50 =	vor.u32 s25, v3;
	v17 =	vld.idx.msk [tilespmem:v45+s14+$0x0], $0xffff  }
0x23c: {  	s0 =	sand.u32 $0x7F, s0;
	v51 =	vor.u32 s31, v3;
	v18 =	vld.idx.msk [tilespmem:v46+s13+$0x0], $0xffff  }
0x23d: {  	v52 =	vor.u32 s0, v0;
	s3 =	sand.u32 $0x7F, s3;
	v19 =	vld.idx.msk [tilespmem:v47+s14+$0x0], $0xffff  }
0x23e: {  	v53 =	vor.u32 s3, v0;
	v20 =	vld.idx.msk [tilespmem:v48+s13+$0x0], $0xffff  }
0x23f: {  	v54 =	vor.u32 s0, v1;
	v21 =	vld.idx.msk [tilespmem:v49+s14+$0x0], $0xffff  }
0x240: {  	v55 =	vor.u32 s3, v1;
	v22 =	vld.idx.msk [tilespmem:v50+s13+$0x0], $0xffff  }
0x241: {  	v56 =	vor.u32 s0, v2;
	v23 =	vld.idx.msk [tilespmem:v51+s14+$0x0], $0xffff  }
0x242: {  	v57 =	vor.u32 s3, v2;
	v24 =	vld.idx.msk [tilespmem:v52+s15+$0x0], $0xffff  }
0x243: {  	v58 =	vor.u32 s0, v3;
	v25 =	vld.idx.msk [tilespmem:v53+s16+$0x0], $0xffff  }
0x244: {  	v59 =	vor.u32 s3, v3;
	v26 =	vld.idx.msk [tilespmem:v54+s15+$0x0], $0xffff  }
0x245: {  	v27 =	vld.idx.msk [tilespmem:v55+s16+$0x0], $0xffff  }
0x246: {  	v28 =	vld.idx.msk [tilespmem:v56+s15+$0x0], $0xffff  }
0x247: {  	v60 =	vld.idx.msk [tilespmem:v57+s16+$0x0], $0xffff;
	v16 =	vmul.f32 v17, v16  }
0x248: {  	v61 =	vld.idx.msk [tilespmem:v58+s15+$0x0], $0xffff;
	v24 =	vmul.f32 v25, v24  }
0x249: {  	v62 =	vld.idx.msk [tilespmem:v59+s16+$0x0], $0xffff;
	v18 =	vmul.f32 v19, v18;
	v16 =	vadd.f32 $0.0e+00, v16  }
0x24a: {  	v26 =	vmul.f32 v27, v26;
	v24 =	vadd.f32 $0.0e+00, v24  }
0x24b: {  	v63 =	vmul.f32 v21, v20;
	v16 =	vadd.f32 v18, v16  }
0x24c: {  	v17 =	vmul.f32 v60, v28;
	v27 =	vadd.f32 v26, v24  }
0x24d: {  	v29 =	vmul.f32 v23, v22;
	v16 =	vadd.f32 v63, v16  }
0x24e: {  	v19 =	vmul.f32 v62, v61;
	v17 =	vadd.f32 v17, v27  }
0x24f: {  	v16 =	vadd.f32 v29, v16  }
0x250: {  	v17 =	vadd.f32 v19, v17  }
0x251: {  	(xrf2) =	vadd.scan.msk.f32 $0xffff, v16  }
0x252: {  	(xrf2) =	vadd.scan.msk.f32 $0xffff, v17;
	_ =	sdelay $0x8  }
0x253: {  	v16, _, _ =	vpop (xrf2)  }
0x254: {  	v17, _, _ =	vpop (xrf2)  }
0x255: {  	_ =	swait.ge [sflag:s11], $0x2000  }
0x256: {  	[sflag:s11] =	ssyncset.done $0x0  }
0x257: {  	[sflag:s11] =	ssyncadd.s32 $0xFFFFE000  }
0x258: {  	_ =	swait.ge [sflag:s11], $0x2000  }
0x259: {  	[sflag:s11] =	ssyncset.done $0x0  }
0x25a: {  	[sflag:s11] =	ssyncadd.s32 $0xFFFFE000  }
0x25b: {  	s25 =	sand.u32 $0x7F, s10;
	_ =	swait.ge [sflag:s11], $0x2000  }
0x25c: {  	v30 =	vor.u32 s25, v0;
	s28 =	sand.u32 $0x7F, s26;
	[sflag:s11] =	ssyncset.done $0x0  }
0x25d: {  	v31 =	vor.u32 s28, v0;
	[sflag:s11] =	ssyncadd.s32 $0xFFFFE000  }
0x25e: {  	v32 =	vor.u32 s25, v1;
	_ =	swait.ge [sflag:s11], $0x2000  }
0x25f: {  	v33 =	vor.u32 s28, v1;
	[sflag:s11] =	ssyncset.done $0x0  }
0x260: {  	v34 =	vor.u32 s25, v2;
	[sflag:s11] =	ssyncadd.s32 $0xFFFFE000  }
0x261: {  	v35 =	vor.u32 s28, v2;
	v18 =	vld.idx.msk [tilespmem:v30+s17+$0x0], $0xffff  }
0x262: {  	v36 =	vor.u32 s25, v3;
	v19 =	vld.idx.msk [tilespmem:v31+s18+$0x0], $0xffff  }
0x263: {  	s29 =	sand.u32 $0x7F, s29;
	v37 =	vor.u32 s28, v3;
	v20 =	vld.idx.msk [tilespmem:v32+s17+$0x0], $0xffff  }
0x264: {  	v38 =	vor.u32 s29, v0;
	s31 =	sand.u32 $0x7F, s30;
	v21 =	vld.idx.msk [tilespmem:v33+s18+$0x0], $0xffff  }
0x265: {  	v39 =	vor.u32 s31, v0;
	v22 =	vld.idx.msk [tilespmem:v34+s17+$0x0], $0xffff  }
0x266: {  	v40 =	vor.u32 s29, v1;
	v23 =	vld.idx.msk [tilespmem:v35+s18+$0x0], $0xffff  }
0x267: {  	v41 =	vor.u32 s31, v1;
	v24 =	vld.idx.msk [tilespmem:v36+s17+$0x0], $0xffff  }
0x268: {  	v42 =	vor.u32 s29, v2;
	v25 =	vld.idx.msk [tilespmem:v37+s18+$0x0], $0xffff  }
0x269: {  	v43 =	vor.u32 s31, v2;
	v26 =	vld.idx.msk [tilespmem:v38+s19+$0x0], $0xffff  }
0x26a: {  	v27 =	vld.idx.msk [tilespmem:v39+s20+$0x0], $0xffff;
	v32 =	vor.u32 s29, v3  }
0x26b: {  	v28 =	vld.idx.msk [tilespmem:v40+s19+$0x0], $0xffff;
	v33 =	vor.u32 s31, v3  }
0x26c: {  	v44 =	vld.idx.msk [tilespmem:v41+s20+$0x0], $0xffff;
	v18 =	vmul.f32 v19, v18  }
0x26d: {  	v45 =	vld.idx.msk [tilespmem:v42+s19+$0x0], $0xffff  }
0x26e: {  	v46 =	vld.idx.msk [tilespmem:v43+s20+$0x0], $0xffff;
	v20 =	vmul.f32 v21, v20;
	v18 =	vadd.f32 $0.0e+00, v18  }
0x26f: {  	v26 =	vmul.f32 v27, v26;
	v47 =	vld.idx.msk [tilespmem:v32+s19+$0x0], $0xffff  }
0x270: {  	v48 =	vmul.f32 v23, v22;
	v49 =	vld.idx.msk [tilespmem:v33+s20+$0x0], $0xffff;
	v18 =	vadd.f32 v20, v18  }
0x271: {  	v6 =	vbroadcast v6, $0xF;
	v19 =	vmul.f32 v44, v28;
	v50 =	vadd.f32 $0.0e+00, v26  }
0x272: {  	v7 =	vbroadcast v7, $0xF;
	v51 =	vmul.f32 v25, v24;
	v18 =	vadd.f32 v48, v18  }
0x273: {  	v21 =	vmul.f32 v46, v45;
	v19 =	vadd.f32 v19, v50  }
0x274: {  	v6 =	vsel vm0, v6, v7;
	v9 =	vbroadcast v9, $0xF;
	v18 =	vadd.f32 v51, v18  }
0x275: {  	v53 =	vbroadcast v8, $0xF;
	v52 =	vmul.f32 v49, v47;
	v19 =	vadd.f32 v21, v19  }
0x276: {  	v6 =	vsel vm1, v6, v9;
	v55 =	vbroadcast v10, $0xF;
	(xrf2) =	vadd.scan.msk.f32 $0xffff, v18  }
0x277: {  	v56 =	vbroadcast v11, $0xF;
	v6 =	vsel vm2, v6, v53;
	v54 =	vadd.f32 v52, v19  }
0x278: {  	v57 =	vbroadcast v12, $0xF;
	v6 =	vsel vm3, v6, v55  }
0x279: {  	v58 =	vbroadcast v13, $0xF;
	v6 =	vsel vm4, v6, v56;
	(xrf2) =	vadd.scan.msk.f32 $0xffff, v54  }
0x27a: {  	v59 =	vbroadcast v14, $0xF;
	v6 =	vsel vm5, v6, v57  }
0x27b: {  	v60 =	vbroadcast v15, $0xF;
	v6 =	vsel vm6, v6, v58  }
0x27c: {  	v4 =	vbroadcast v4, $0xF;
	v6 =	vsel vm7, v6, v59  }
0x27d: {  	v5 =	vbroadcast v5, $0xF;
	v6 =	vsel vm8, v6, v60  }
0x27e: {  	v4 =	vsel vm9, v6, v4  }
0x27f: {  	v4 =	vsel vm10, v4, v5;
	v61 =	vbroadcast v16, $0xF;
	v5 =	vbroadcast v17, $0xF  }
0x280: {  	v62, _, _ =	vpop (xrf2)  }
0x281: {  	v4 =	vsel vm11, v4, v61;
	v63 =	vbroadcast v62, $0xF  }
0x282: {  	v4 =	vsel vm12, v4, v5  }
0x283: {  	v5, _, _ =	vpop (xrf2);
	v4 =	vsel vm13, v4, v63  }
0x284: {  	v4 =	vsel vm14, v4, v5  }
0x285: {  	v4 =	vsub.f32 $0.0e+00, v4;
	_ =	sdelay $0x1  }
0x286: {  	v4 =	vmul.f32 $1.442695020e+00, v4;
	_ =	sdelay $0x1  }
0x287: {  	(erf) = vpow2.f32 v4;
	_ =	sdelay $0x8  }
0x288: {  	v4 =	vpop (erf)  }
0x289: {  	v4 =	vadd.f32 $1.000000000e+00, v4;
	_ =	sdelay $0x1  }
0x28a: {  	(erf) = vrcp.f32 v4;
	_ =	sdelay $0x4  }
0x28b: {  	p0 =	sne.s32 s23, $0x7C0  }
.Ltmp0:
0x28c: {  	_ = 	snop;
	(pc) =	sbr.rel @p0 .LBB2_2-.Ltmp0, $3  }
0x28d: {  	_ =	sdelay $0x1  }
0x28e: {  	v4 =	vpop (erf)  }
0x28f: {  	s23 =	sadd.s32 $0x40, s23;
	[tilespmem:s24+$0x10400] =	vst v4  }
0x290: {  	s22 =	sadd.s32 $0x1, s22  }
0x291: {  	p0 =	sne.s32 s22, s8  }
.Ltmp1:
0x292: {  	s0 =	simm.s32 $0x10400;
	(pc) =	sbr.rel @p0 .LBB2_1-.Ltmp1, $4  }
0x293: {  	[hbm4b:s7+s4] =	stream.linear.scatter [tilespmem:s0], [sflag:$0x2], $0x200, $0x38;
	[tilespmem:$0x10600] =	vst v63  }
0x294: {  	_ =	swait.ge [sflag:s9], $0x200  }
0x295: {  	[sflag:s9] =	ssyncset.done $0x0  }
0x296: {  	[sflag:s9] =	ssyncadd.s32 $0xFFFFFE00  }
0x297: {  	_ =	sfence.sel $0x180000  }
0x298: {  	[bflag:$0x0] =	sbarrier.arrive $0xFFFF  }
0x299: {  	_ =	strace $0x90000047  }
0x29a: {  	s0 =	stileid.u32;
	[bflag:$0x2] =	sbarrier.arrive $0xFFFF  }
0x29b: {  	p0 =	sne.s32 s0, $0x0;
	s0 =	rddreg [dreg:$0x5]  }
0x29c: {  	s0 =	sadd.s32 @!p0 $0x100000, s0  }
0x29d: {  	[sflag:s0] =	ssyncadd.tile.s32 @!p0 $0x1;
	_ =	shalt  }
.Lfunc_end2:
_tile_overlayer_lowered:
.L_overlay_start_2:
0x29e: {  	(tag) =	ssettag $0x2  }
0x29f: {  	s0 =	rddreg [dreg:$0x0];
	s2 =	stileid.u32  }
0x2a0: {  	s1 =	rddreg [dreg:$0x1];
	p0 =	sne.s32 s2, $0x0  }
0x2a1: {  	s3 =	rddreg [dreg:$0x2];
	[bflag:$0x3] =	sbarrier.arrive $0xFFFF;
	s2 =	simm.s32 @!p0 $0x1C02  }
0x2a2: {  	[timem:s3], [sflag:s2] =	dma.local @!p0 [hbm:s0], s1  }
0x2a3: {  	s0 =	simm.s32 @!p0 $0x2  }
0x2a4: {  	_ =	swait.ge @!p0 [sflag:s0], s1  }
0x2a5: {  	s1 =	ssub.s32 @!p0 $0x0, s1;
	[sflag:s0] =	ssyncset.done @!p0 $0x0  }
0x2a6: {  	[sflag:s0] =	ssyncadd.s32 @!p0 s1  }
0x2a7: {  	[bflag:$0x3] =	sbarrier.arrive $0xFFFF  }
0x2a8: {  	_ =	shalt  }

</sc_bundles>
